<compile_context>
chip_gen: v7x
topology: tpu7x:2x2x1
jax: 0.10.2.dev20260603
libtpu: 0.0.44.dev20260713+nightly
codegen_flags: <defaults>
</compile_context>

<pallas_src>
import dataclasses
import functools

import jax
import jax.numpy as jnp
from jax import lax
from jax.experimental import pallas as pl
from jax.experimental.pallas import tpu as pltpu
from jax.experimental.pallas import tpu_sc as plsc

_NC = 2
_NS = 16
_NW = _NC * _NS
_L = 16
_CH = 128
_CHM = 64
_D = 128


def _sc_mesh():
    return plsc.VectorSubcoreMesh(core_axis_name="c", subcore_axis_name="s")


def _sc_params():
    cp = pltpu.CompilerParams()
    if "needs_layout_passes" in pltpu.CompilerParams.__dataclass_fields__:
        cp = dataclasses.replace(cp, needs_layout_passes=False)
    return cp




def _sc_degree(dE, wE, n_acc, n_chunks):
    m_pad = dE.shape[0]
    per_w = m_pad // _NW
    rows_per_tile = n_acc // _NS
    zsteps = rows_per_tile // _CH

    assert n_chunks % 4 == 0 and n_chunks >= 8

    @functools.partial(
        pl.kernel,
        out_type=jax.ShapeDtypeStruct((_NC, n_acc), jnp.float32),
        mesh=_sc_mesh(),
        scratch_types=(
            [pltpu.VMEM((_CH,), jnp.int32) for _ in range(4)]
            + [pltpu.VMEM((_CH,), jnp.float32) for _ in range(4)]
            + [pltpu.VMEM((_CH,), jnp.int32) for _ in range(2)]
            + [pltpu.VMEM((_CH,), jnp.float32) for _ in range(2)]
            + [pltpu.VMEM_SHARED((n_acc,), jnp.float32)]
            + [pltpu.SemaphoreType.DMA for _ in range(6)]
        ),
        compiler_params=_sc_params(),
    )
    def k(d_hbm, w_hbm, out_hbm, *sc):
        dvs, wvs = sc[0:4], sc[4:8]
        dss, wss = sc[8:10], sc[10:12]
        acc = sc[12]
        isems, ssems = sc[13:17], sc[17:19]

        cid = lax.axis_index("c")
        sid = lax.axis_index("s")
        wid = cid * _NS + sid
        zero16 = jnp.zeros((_L,), jnp.float32)
        row0 = sid * rows_per_tile
        base = wid * per_w

        @pl.loop(0, _CH, step=_L)
        def _(r):
            wss[0][pl.ds(r, _L)] = zero16

        @pl.loop(0, zsteps)
        def _(i):
            pltpu.sync_copy(wss[0], acc.at[pl.ds(row0 + i * _CH, _CH)])

        plsc.subcore_barrier()

        def idx_start(i, q):
            off = base + i * _CH
            pltpu.async_copy(d_hbm.at[pl.ds(off, _CH)], dvs[q], isems[q])
            pltpu.async_copy(w_hbm.at[pl.ds(off, _CH)], wvs[q], isems[q])

        def idx_wait(i, q):
            off = base + i * _CH
            pltpu.make_async_copy(d_hbm.at[pl.ds(off, _CH)], dvs[q],
                                  isems[q]).wait()
            pltpu.make_async_copy(w_hbm.at[pl.ds(off, _CH)], wvs[q],
                                  isems[q]).wait()

        for j in range(4):
            idx_start(j, j)

        @pl.loop(0, n_chunks, step=4)
        def _(g):
            for j in range(4):
                q, r = j, j & 1
                i = g + j
                idx_wait(i, q)

                @pl.when(i >= 2)
                def _():
                    pltpu.make_async_copy(wss[r], acc.at[dss[r]],
                                          ssems[r]).wait()

                @plsc.parallel_loop(0, _CH, step=_L, unroll=2)
                def _(kk):
                    dss[r][pl.ds(kk, _L)] = dvs[q][pl.ds(kk, _L)]
                    wss[r][pl.ds(kk, _L)] = wvs[q][pl.ds(kk, _L)]

                pltpu.async_copy(wss[r], acc.at[dss[r]], ssems[r], add=True)

                @pl.when(i + 4 < n_chunks)
                def _():
                    idx_start(i + 4, q)

        pltpu.make_async_copy(wss[0], acc.at[dss[0]], ssems[0]).wait()
        pltpu.make_async_copy(wss[1], acc.at[dss[1]], ssems[1]).wait()

        plsc.subcore_barrier()

        @pl.loop(0, zsteps)
        def _(i):
            r0 = row0 + i * _CH
            pltpu.sync_copy(acc.at[pl.ds(r0, _CH)],
                            out_hbm.at[cid, pl.ds(r0, _CH)])

    return k(dE, wE)


def _sc_gather_rows(t, idx, n_acc):
    rows_per_tile = n_acc // _NS

    @functools.partial(
        pl.kernel,
        out_type=jax.ShapeDtypeStruct((n_acc, _D), jnp.float32),
        mesh=_sc_mesh(),
        scratch_types=[
            pltpu.VMEM((_CHM,), jnp.int32),
            pltpu.VMEM((_CHM, _D), jnp.float32),
            pltpu.SemaphoreType.DMA,
        ],
        compiler_params=_sc_params(),
    )
    def k(t_hbm, i_hbm, out_hbm, i_v, r_v, sem):
        cid = lax.axis_index("c")
        sid = lax.axis_index("s")
        half = rows_per_tile // 2
        base = sid * rows_per_tile + cid * half

        @pl.loop(0, half, step=_CHM)
        def _(z):
            off = base + z
            pltpu.sync_copy(i_hbm.at[pl.ds(off, _CHM)], i_v)
            pltpu.async_copy(t_hbm.at[i_v], r_v, sem).wait()
            pltpu.sync_copy(r_v, out_hbm.at[pl.ds(off, _CHM)])

    return k(t, idx)


def _sc_msg_pass_pre(t, sE, dE, wE, n_acc, n_chunks):
    m_pad = sE.shape[0]
    per_w = m_pad // _NW
    rows_per_tile = n_acc // _NS
    assert n_chunks % 4 == 0 and n_chunks >= 8

    @functools.partial(
        pl.kernel,
        out_type=jax.ShapeDtypeStruct((_NC, n_acc, _D), jnp.float32),
        mesh=_sc_mesh(),
        scratch_types=(
            [pltpu.VMEM((_CH,), jnp.int32) for _ in range(4)]
            + [pltpu.VMEM((_CH,), jnp.int32) for _ in range(4)]
            + [pltpu.VMEM((_CH,), jnp.float32) for _ in range(4)]
            + [pltpu.VMEM((_CH, _D), jnp.float32) for _ in range(2)]
            + [pltpu.VMEM_SHARED((n_acc, _D), jnp.float32)]
            + [pltpu.SemaphoreType.DMA for _ in range(8)]
        ),
        compiler_params=_sc_params(),
    )
    def k(t_hbm, s_hbm, d_hbm, w_hbm, out_hbm, *sc):
        svs, dvs, wvs = sc[0:4], sc[4:8], sc[8:12]
        rows = sc[12:14]
        acc = sc[14]
        isems, gsems, ssems = sc[15:19], sc[19:21], sc[21:23]

        cid = lax.axis_index("c")
        sid = lax.axis_index("s")
        wid = cid * _NS + sid
        base = wid * per_w
        row0 = sid * rows_per_tile

        zero16 = jnp.zeros((_L,), jnp.float32)

        @pl.loop(0, _CH)
        def _(r):
            @pl.loop(0, _D, step=_L)
            def _(cc):
                rows[0][r, pl.ds(cc, _L)] = zero16

        @pl.loop(0, rows_per_tile, step=_CH)
        def _(z):
            pltpu.sync_copy(rows[0], acc.at[pl.ds(row0 + z, _CH)])

        plsc.subcore_barrier()

        def idx_start(i, q):
            off = base + i * _CH
            pltpu.async_copy(s_hbm.at[pl.ds(off, _CH)], svs[q], isems[q])
            pltpu.async_copy(d_hbm.at[pl.ds(off, _CH)], dvs[q], isems[q])
            pltpu.async_copy(w_hbm.at[pl.ds(off, _CH)], wvs[q], isems[q])

        def idx_wait(i, q):
            off = base + i * _CH
            pltpu.make_async_copy(s_hbm.at[pl.ds(off, _CH)], svs[q],
                                  isems[q]).wait()
            pltpu.make_async_copy(d_hbm.at[pl.ds(off, _CH)], dvs[q],
                                  isems[q]).wait()
            pltpu.make_async_copy(w_hbm.at[pl.ds(off, _CH)], wvs[q],
                                  isems[q]).wait()

        def gather_start(q, b):
            pltpu.async_copy(t_hbm.at[svs[q]], rows[b], gsems[b])

        def gather_wait(q, b):
            pltpu.make_async_copy(t_hbm.at[svs[q]], rows[b], gsems[b]).wait()

        def scatter_start(q, b):
            pltpu.async_copy(rows[b], acc.at[dvs[q]], ssems[b], add=True)

        def scatter_wait(q, b):
            pltpu.make_async_copy(rows[b], acc.at[dvs[q]], ssems[b]).wait()

        idx_start(0, 0)
        idx_start(1, 1)
        idx_start(2, 2)
        idx_wait(0, 0)
        gather_start(0, 0)

        @pl.loop(0, n_chunks, step=4)
        def _(g):
            for j in range(4):
                q, b = j, j & 1
                q2, b2 = (j + 1) & 3, 1 - (j & 1)
                i = g + j

                gather_wait(q, b)

                @pl.when(i + 1 < n_chunks)
                def _():
                    @pl.when(i >= 1)
                    def _():
                        scatter_wait((j + 3) & 3, b2)

                    idx_wait(i + 1, q2)
                    gather_start(q2, b2)

                    @pl.when(i + 3 < n_chunks)
                    def _():
                        idx_start(i + 3, (j + 3) & 3)

                @plsc.parallel_loop(0, _CH, unroll=4)
                def _(e):
                    cb = plsc.load_gather(
                        wvs[q], [jnp.full((_L,), 0, jnp.int32) + e])
                    for jj in range(_D // _L):
                        sl = pl.ds(jj * _L, _L)
                        rows[b][e, sl] = rows[b][e, sl] * cb

                scatter_start(q, b)

        scatter_wait(2, 0)
        scatter_wait(3, 1)

        plsc.subcore_barrier()

        @pl.loop(0, rows_per_tile, step=_CH)
        def _(z):
            r0 = row0 + z
            pltpu.sync_copy(acc.at[pl.ds(r0, _CH)],
                            out_hbm.at[cid, pl.ds(r0, _CH)])

    return k(t, sE, dE, wE)




def _tc_matmul(x, w):
    m, kdim = x.shape
    blk = 2000

    def body(x_ref, w_ref, o_ref):
        o_ref[...] = jnp.dot(x_ref[...], w_ref[...],
                             preferred_element_type=jnp.float32)

    return pl.pallas_call(
        body,
        grid=(m // blk,),
        in_specs=[
            pl.BlockSpec((blk, kdim), lambda i: (i, 0)),
            pl.BlockSpec((kdim, w.shape[1]), lambda i: (0, 0)),
        ],
        out_specs=pl.BlockSpec((blk, w.shape[1]), lambda i: (i, 0)),
        out_shape=jax.ShapeDtypeStruct((m, w.shape[1]), jnp.float32),
    )(x, w)


def _tc_dinv(degp):
    n = degp.shape[1]

    def body(p_ref, o_ref):
        deg = p_ref[0:1, :] + p_ref[1:2, :]
        o_ref[...] = jnp.where(deg > 0.0, lax.rsqrt(jnp.maximum(deg, 1e-30)),
                               0.0)

    return pl.pallas_call(
        body,
        out_shape=jax.ShapeDtypeStruct((1, n), jnp.float32),
    )(degp)


def _tc_scale_rows(x, dinv2d):
    n = x.shape[0]
    blk = 2048

    def body(x_ref, dinv_ref, o_ref):
        o_ref[...] = dinv_ref[...] * x_ref[...]

    return pl.pallas_call(
        body,
        grid=(n // blk,),
        in_specs=[
            pl.BlockSpec((blk, _D), lambda i: (i, 0)),
            pl.BlockSpec((blk, 1), lambda i: (i, 0)),
        ],
        out_specs=pl.BlockSpec((blk, _D), lambda i: (i, 0)),
        out_shape=jax.ShapeDtypeStruct((n, _D), jnp.float32),
    )(x, dinv2d)


def _tc_hidden(p, dinv2d, b1, w2):
    n = p.shape[1]
    blk = 2048

    def body(p_ref, dinv_ref, b_ref, w_ref, o_ref):
        h = jnp.maximum(dinv_ref[...] * (p_ref[0] + p_ref[1]) + b_ref[...],
                        0.0)
        o_ref[...] = dinv_ref[...] * jnp.dot(
            h, w_ref[...], preferred_element_type=jnp.float32)

    return pl.pallas_call(
        body,
        grid=(n // blk,),
        in_specs=[
            pl.BlockSpec((_NC, blk, _D), lambda i: (0, i, 0)),
            pl.BlockSpec((blk, 1), lambda i: (i, 0)),
            pl.BlockSpec((1, _D), lambda i: (0, 0)),
            pl.BlockSpec((_D, _D), lambda i: (0, 0)),
        ],
        out_specs=pl.BlockSpec((blk, _D), lambda i: (i, 0)),
        out_shape=jax.ShapeDtypeStruct((n, _D), jnp.float32),
    )(p, dinv2d, b1, w2)


def _tc_final(q, dinv2d, b2):
    n = q.shape[1]
    blk = 2048

    def body(q_ref, dinv_ref, b_ref, o_ref):
        o_ref[...] = dinv_ref[...] * (q_ref[0] + q_ref[1]) + b_ref[...]

    return pl.pallas_call(
        body,
        grid=(n // blk,),
        in_specs=[
            pl.BlockSpec((_NC, blk, _D), lambda i: (0, i, 0)),
            pl.BlockSpec((blk, 1), lambda i: (i, 0)),
            pl.BlockSpec((1, _D), lambda i: (0, 0)),
        ],
        out_specs=pl.BlockSpec((blk, _D), lambda i: (i, 0)),
        out_shape=jax.ShapeDtypeStruct((n, _D), jnp.float32),
    )(q, dinv2d, b2)




def kernel(label, edge_index, weight, table, W1, b1, W2, b2):
    n = label.shape[0]
    e = weight.shape[0]
    m = e + n
    n_acc = -(-n // (_NS * _CH)) * (_NS * _CH)

    align = _NW * _CH * 4
    m_pad = -(-m // align) * align
    pad = m_pad - m
    n_chunks_big = m_pad // (_NW * _CH)

    src = edge_index[0].astype(jnp.int32)
    dst = edge_index[1].astype(jnp.int32)
    loop = jnp.arange(n, dtype=jnp.int32)
    padr = jnp.arange(pad, dtype=jnp.int32) % n
    sE = jnp.concatenate([src, loop, padr])
    dE = jnp.concatenate([dst, loop, padr])
    wE = jnp.concatenate([weight.astype(jnp.float32),
                          jnp.ones((n,), jnp.float32),
                          jnp.zeros((pad,), jnp.float32)])

    degp = _sc_degree(dE, wE, n_acc, n_chunks_big)
    t1 = _tc_matmul(table, W1)
    dinv_row = _tc_dinv(degp)
    dinv2d_pad = dinv_row.reshape((n_acc, 1))

    label_pad = jnp.concatenate([label.astype(jnp.int32),
                                 jnp.zeros((n_acc - n,), jnp.int32)])
    xw1 = _sc_gather_rows(t1, label_pad, n_acc)
    y1 = _tc_scale_rows(xw1, dinv2d_pad)
    p = _sc_msg_pass_pre(y1, sE, dE, wE, n_acc, n_chunks_big)
    t2 = _tc_hidden(p, dinv2d_pad, b1.reshape((1, _D)), W2)
    q = _sc_msg_pass_pre(t2, sE, dE, wE, n_acc, n_chunks_big)
    return _tc_final(q, dinv2d_pad, b2.reshape((1, _D)))[:n]

# --- scband reference (transcript-rebuilt; emitter-appended) ---
"""Pipeline reference for scband-gnnencoder-8693013807597 (READ-ONLY COPY).

The authoritative reference and input builder live on the scoring server;
editing this copy changes nothing except your own understanding.
"""

import jax, jax.numpy as jnp
import numpy as np

N = 10000
E = 320000
INPUT_DIM = 10000
EMB = 128
HID = 128
OUT = 128


def setup_inputs(seed: int = 0) -> dict:
    key = jax.random.key(seed)
    ks = jax.random.split(key, 8)
    label = jax.random.randint(ks[0], (N,), 0, INPUT_DIM, dtype=jnp.int64 if jax.config.jax_enable_x64 else jnp.int32)
    edge_index = jax.random.randint(ks[1], (2, E), 0, N, dtype=jnp.int64 if jax.config.jax_enable_x64 else jnp.int32)
    weight = jax.random.uniform(ks[2], (E,), dtype=jnp.float32)
    table = jax.random.normal(ks[3], (INPUT_DIM, EMB), dtype=jnp.float32)
    W1 = jax.random.normal(ks[4], (EMB, HID), dtype=jnp.float32) * (1.0 / np.sqrt(EMB))
    b1 = jnp.zeros((HID,), dtype=jnp.float32)
    W2 = jax.random.normal(ks[5], (HID, OUT), dtype=jnp.float32) * (1.0 / np.sqrt(HID))
    b2 = jnp.zeros((OUT,), dtype=jnp.float32)
    return {"label": label, "edge_index": edge_index, "weight": weight,
            "table": table, "W1": W1, "b1": b1, "W2": W2, "b2": b2}


def _gcn_conv(x, src, dst, w, W, b, num_nodes):
    # PyG GCNConv with edge weights: add self-loops (fill value 1.0),
    # symmetric normalization, linear transform, scatter-add aggregate, bias.
    loop = jnp.arange(num_nodes)
    s = jnp.concatenate([src, loop])
    d = jnp.concatenate([dst, loop])
    ww = jnp.concatenate([w, jnp.ones((num_nodes,), dtype=w.dtype)])
    deg = jnp.zeros((num_nodes,), dtype=w.dtype).at[d].add(ww)
    dinv = jnp.where(deg > 0, deg ** -0.5, 0.0)
    norm = dinv[s] * ww * dinv[d]
    xw = x @ W
    msg = norm[:, None] * jnp.take(xw, s, axis=0)
    out = jnp.zeros((num_nodes, W.shape[1]), dtype=x.dtype).at[d].add(msg)
    return out + b


def reference(label, edge_index, weight, table, W1, b1, W2, b2):
    src = edge_index[0]
    dst = edge_index[1]
    w = weight.astype(jnp.float32)
    x = jnp.take(table, label, axis=0)          # embedding lookup
    x = _gcn_conv(x, src, dst, w, W1, b1, N)     # conv1
    x = jax.nn.relu(x)
    x = _gcn_conv(x, src, dst, w, W2, b2, N)     # conv2
    return x

if __name__ == "__main__":
    import jax
    _d = setup_inputs()
    print(jax.jit(kernel)(*tuple(_d.values())))

</pallas_src>

<mosaic_0001>
#map = affine_map<(d0, d1) -> (0, 0)>
#map1 = affine_map<(d0, d1) -> (0)>
module attributes {stable_mosaic.version = 14 : i64} {
  func.func @k(%arg0: i32, %arg1: i32, %arg2: memref<10000x128xf32, #tpu.memory_space<hbm>>, %arg3: memref<10240xi32, #tpu.memory_space<hbm>>, %arg4: memref<10240x128xf32, #tpu.memory_space<hbm>>, %arg5: memref<64xi32, #tpu.memory_space<vmem>>, %arg6: memref<64x128xf32, #tpu.memory_space<vmem>>, %arg7: memref<!tpu.dma_semaphore, #tpu.memory_space<semaphore_mem>>) attributes {dimension_semantics = [#tpu.dimension_semantics<core_parallel>, #tpu.dimension_semantics<subcore_parallel>], iteration_bounds = array<i64: 2, 16>, scalar_prefetch = 0 : i64, scratch_operands = 3 : i64, tpu.core_type = #tpu.core_type<sc_vector_subcore>, window_params = [{transform_indices = #map}, {transform_indices = #map1}, {transform_indices = #map}]} {
    %mul3A = arith.constant 640 : i32
    %mul3A_0 = arith.muli %arg1, %mul3A : i32
    %mul3A_1 = arith.constant 320 : i32
    %mul3A_2 = arith.muli %arg0, %mul3A_1 : i32
    %add3A = arith.addi %mul3A_0, %mul3A_2 : i32
    %scan3A = arith.constant 0 : i32
    %scan3A_3 = arith.constant 5 : i32
    %scan3A_4 = arith.addi %scan3A, %scan3A_3 : i32
    %scan3A_5 = arith.constant 1 : i32
    scf.for %scan3A_7 = %scan3A to %scan3A_4 step %scan3A_5  : i32 {
      %mul3A_8 = arith.constant 64 : i32
      %mul3A_9 = arith.muli %scan3A_7, %mul3A_8 : i32
      %add3A_10 = arith.constant 0 : i32
      %add3A_11 = arith.addi %add3A_10, %mul3A_9 : i32
      %add3A_12 = arith.addi %add3A, %add3A_11 : i32
      "tpu.region"() ({
        %run_scoped3A = tpu.sem_alloc : memref<!tpu.dma_semaphore, #tpu.memory_space<semaphore_mem>>
        %dma_start3A_17 = tpu.memref_slice %arg3[%add3A_12] : memref<10240xi32, #tpu.memory_space<hbm>> -> memref<64xi32, #tpu.memory_space<hbm>>
        %dma_start3A_18 = tpu.memref_slice %arg3[%add3A_12] : memref<10240xi32, #tpu.memory_space<hbm>> -> memref<64xi32, #tpu.memory_space<hbm>>
        tpu.enqueue_dma source(%dma_start3A_18 : memref<64xi32, #tpu.memory_space<hbm>>) target(%arg5 : memref<64xi32, #tpu.memory_space<vmem>>) target_semaphore(%run_scoped3A : memref<!tpu.dma_semaphore, #tpu.memory_space<semaphore_mem>>)
        %dma_wait3A_19 = tpu.memref_slice %arg3[%add3A_12] : memref<10240xi32, #tpu.memory_space<hbm>> -> memref<64xi32, #tpu.memory_space<hbm>>
        %dma_wait3A_20 = tpu.memref_slice %arg3[%add3A_12] : memref<10240xi32, #tpu.memory_space<hbm>> -> memref<64xi32, #tpu.memory_space<hbm>>
        tpu.wait_dma2 semaphore(%run_scoped3A : memref<!tpu.dma_semaphore, #tpu.memory_space<semaphore_mem>>) src(%dma_wait3A_20 : memref<64xi32, #tpu.memory_space<hbm>>) dst(%arg5 : memref<64xi32, #tpu.memory_space<vmem>>)
        tpu.yield
      }) : () -> ()
      %dma_start3A = arith.constant 0 : i32
      %dma_start3A_13 = arith.constant 0 : i32
      %dma_start3A_14 = tpu.memref_slice %arg2[%dma_start3A, %dma_start3A_13] : memref<10000x128xf32, #tpu.memory_space<hbm>> -> memref<10000x128xf32, #tpu.memory_space<hbm>>
      tpu.enqueue_indirect_dma source(%dma_start3A_14 : memref<10000x128xf32, #tpu.memory_space<hbm>>) target(%arg6 : memref<64x128xf32, #tpu.memory_space<vmem>>) offsets(%arg5 : memref<64xi32, #tpu.memory_space<vmem>>) semaphore(%arg7 : memref<!tpu.dma_semaphore, #tpu.memory_space<semaphore_mem>>)
      %dma_wait3A = arith.constant 0 : i32
      %dma_wait3A_15 = arith.constant 0 : i32
      %dma_wait3A_16 = tpu.memref_slice %arg2[%dma_wait3A, %dma_wait3A_15] : memref<10000x128xf32, #tpu.memory_space<hbm>> -> memref<10000x128xf32, #tpu.memory_space<hbm>>
      tpu.wait_indirect_dma semaphore(%arg7 : memref<!tpu.dma_semaphore, #tpu.memory_space<semaphore_mem>>) src(%dma_wait3A_16 : memref<10000x128xf32, #tpu.memory_space<hbm>>) dst(%arg6 : memref<64x128xf32, #tpu.memory_space<vmem>>)
      "tpu.region"() ({
        %run_scoped3A = tpu.sem_alloc : memref<!tpu.dma_semaphore, #tpu.memory_space<semaphore_mem>>
        %dma_start3A_17 = arith.constant 0 : i32
        %dma_start3A_18 = tpu.memref_slice %arg4[%add3A_12, %dma_start3A_17] : memref<10240x128xf32, #tpu.memory_space<hbm>> -> memref<64x128xf32, #tpu.memory_space<hbm>>
        %dma_start3A_19 = arith.constant 0 : i32
        %dma_start3A_20 = tpu.memref_slice %arg4[%add3A_12, %dma_start3A_19] : memref<10240x128xf32, #tpu.memory_space<hbm>> -> memref<64x128xf32, #tpu.memory_space<hbm>>
        tpu.enqueue_dma source(%arg6 : memref<64x128xf32, #tpu.memory_space<vmem>>) target(%dma_start3A_20 : memref<64x128xf32, #tpu.memory_space<hbm>>) target_semaphore(%run_scoped3A : memref<!tpu.dma_semaphore, #tpu.memory_space<semaphore_mem>>)
        %dma_wait3A_21 = arith.constant 0 : i32
        %dma_wait3A_22 = tpu.memref_slice %arg4[%add3A_12, %dma_wait3A_21] : memref<10240x128xf32, #tpu.memory_space<hbm>> -> memref<64x128xf32, #tpu.memory_space<hbm>>
        %dma_wait3A_23 = arith.constant 0 : i32
        %dma_wait3A_24 = tpu.memref_slice %arg4[%add3A_12, %dma_wait3A_23] : memref<10240x128xf32, #tpu.memory_space<hbm>> -> memref<64x128xf32, #tpu.memory_space<hbm>>
        tpu.wait_dma2 semaphore(%run_scoped3A : memref<!tpu.dma_semaphore, #tpu.memory_space<semaphore_mem>>) src(%arg6 : memref<64x128xf32, #tpu.memory_space<vmem>>) dst(%dma_wait3A_24 : memref<64x128xf32, #tpu.memory_space<hbm>>)
        tpu.yield
      }) : () -> ()
    }
    %scan3A_6 = arith.constant 5 : i32
    return
  }
}

#map = affine_map<(d0, d1) -> (0)>
#map1 = affine_map<(d0, d1) -> (0, 0)>
module attributes {stable_mosaic.version = 14 : i64} {
  func.func @k(%arg0: i32, %arg1: i32, %arg2: memref<344064xi32, #tpu.memory_space<hbm>>, %arg3: memref<344064xf32, #tpu.memory_space<hbm>>, %arg4: memref<2x10240xf32, #tpu.memory_space<hbm>>, %arg5: memref<128xi32, #tpu.memory_space<vmem>>, %arg6: memref<128xi32, #tpu.memory_space<vmem>>, %arg7: memref<128xi32, #tpu.memory_space<vmem>>, %arg8: memref<128xi32, #tpu.memory_space<vmem>>, %arg9: memref<128xf32, #tpu.memory_space<vmem>>, %arg10: memref<128xf32, #tpu.memory_space<vmem>>, %arg11: memref<128xf32, #tpu.memory_space<vmem>>, %arg12: memref<128xf32, #tpu.memory_space<vmem>>, %arg13: memref<128xi32, #tpu.memory_space<vmem>>, %arg14: memref<128xi32, #tpu.memory_space<vmem>>, %arg15: memref<128xf32, #tpu.memory_space<vmem>>, %arg16: memref<128xf32, #tpu.memory_space<vmem>>, %arg17: memref<10240xf32, #tpu.memory_space<vmem_shared>>, %arg18: memref<!tpu.dma_semaphore, #tpu.memory_space<semaphore_mem>>, %arg19: memref<!tpu.dma_semaphore, #tpu.memory_space<semaphore_mem>>, %arg20: memref<!tpu.dma_semaphore, #tpu.memory_space<semaphore_mem>>, %arg21: memref<!tpu.dma_semaphore, #tpu.memory_space<semaphore_mem>>, %arg22: memref<!tpu.dma_semaphore, #tpu.memory_space<semaphore_mem>>, %arg23: memref<!tpu.dma_semaphore, #tpu.memory_space<semaphore_mem>>) attributes {dimension_semantics = [#tpu.dimension_semantics<core_parallel>, #tpu.dimension_semantics<subcore_parallel>], iteration_bounds = array<i64: 2, 16>, scalar_prefetch = 0 : i64, scratch_operands = 19 : i64, tpu.core_type = #tpu.core_type<sc_vector_subcore>, window_params = [{transform_indices = #map}, {transform_indices = #map}, {transform_indices = #map1}]} {
    %mul3A = arith.constant 16 : i32
    %mul3A_0 = arith.muli %arg0, %mul3A : i32
    %add3A = arith.addi %mul3A_0, %arg1 : i32
    %broadcast_in_dim3A = arith.constant 0.000000e+00 : f32
    %broadcast_in_dim3A_1 = vector.broadcast %broadcast_in_dim3A : f32 to vector<16xf32>
    %mul3A_2 = arith.constant 640 : i32
    %mul3A_3 = arith.muli %arg1, %mul3A_2 : i32
    %mul3A_4 = arith.constant 10752 : i32
    %mul3A_5 = arith.muli %add3A, %mul3A_4 : i32
    %scan3A = arith.constant 0 : i32
    %scan3A_6 = arith.constant 8 : i32
    %scan3A_7 = arith.addi %scan3A, %scan3A_6 : i32
    %scan3A_8 = arith.constant 1 : i32
    scf.for %scan3A_52 = %scan3A to %scan3A_7 step %scan3A_8  : i32 {
      %mul3A_53 = arith.constant 16 : i32
      %mul3A_54 = arith.muli %scan3A_52, %mul3A_53 : i32
      %add3A_55 = arith.constant 0 : i32
      %add3A_56 = arith.addi %add3A_55, %mul3A_54 : i32
      %swap3A = arith.index_cast %add3A_56 : i32 to index
      %swap3A_57 = tpu.vector_load %arg15[%swap3A] {strides = array<i32>} : memref<128xf32, #tpu.memory_space<vmem>>, vector<16xf32>,
      tpu.vector_store %arg15[%swap3A], %broadcast_in_dim3A_1 {strides = array<i32>} : memref<128xf32, #tpu.memory_space<vmem>>, vector<16xf32>,
    }
    %scan3A_9 = arith.constant 8 : i32
    %scan3A_10 = arith.constant 0 : i32
    %scan3A_11 = arith.constant 5 : i32
    %scan3A_12 = arith.addi %scan3A_10, %scan3A_11 : i32
    %scan3A_13 = arith.constant 1 : i32
    scf.for %scan3A_52 = %scan3A_10 to %scan3A_12 step %scan3A_13  : i32 {
      %mul3A_53 = arith.constant 1 : i32
      %mul3A_54 = arith.muli %scan3A_52, %mul3A_53 : i32
      %add3A_55 = arith.constant 0 : i32
      %add3A_56 = arith.addi %add3A_55, %mul3A_54 : i32
      %mul3A_57 = arith.constant 128 : i32
      %mul3A_58 = arith.muli %add3A_56, %mul3A_57 : i32
      %add3A_59 = arith.addi %mul3A_3, %mul3A_58 : i32
      "tpu.region"() ({
        %run_scoped3A = tpu.sem_alloc : memref<!tpu.dma_semaphore, #tpu.memory_space<semaphore_mem>>
        %dma_start3A_60 = tpu.memref_slice %arg17[%add3A_59] : memref<10240xf32, #tpu.memory_space<vmem_shared>> -> memref<128xf32, #tpu.memory_space<vmem_shared>>
        %dma_start3A_61 = tpu.memref_slice %arg17[%add3A_59] : memref<10240xf32, #tpu.memory_space<vmem_shared>> -> memref<128xf32, #tpu.memory_space<vmem_shared>>
        tpu.enqueue_dma source(%arg15 : memref<128xf32, #tpu.memory_space<vmem>>) target(%dma_start3A_61 : memref<128xf32, #tpu.memory_space<vmem_shared>>) target_semaphore(%run_scoped3A : memref<!tpu.dma_semaphore, #tpu.memory_space<semaphore_mem>>)
        %dma_wait3A_62 = tpu.memref_slice %arg17[%add3A_59] : memref<10240xf32, #tpu.memory_space<vmem_shared>> -> memref<128xf32, #tpu.memory_space<vmem_shared>>
        %dma_wait3A_63 = tpu.memref_slice %arg17[%add3A_59] : memref<10240xf32, #tpu.memory_space<vmem_shared>> -> memref<128xf32, #tpu.memory_space<vmem_shared>>
        tpu.wait_dma2 semaphore(%run_scoped3A : memref<!tpu.dma_semaphore, #tpu.memory_space<semaphore_mem>>) src(%arg15 : memref<128xf32, #tpu.memory_space<vmem>>) dst(%dma_wait3A_63 : memref<128xf32, #tpu.memory_space<vmem_shared>>)
        tpu.yield
      }) : () -> ()
    }
    %scan3A_14 = arith.constant 5 : i32
    %barrier3A = arith.constant 0 : index
    tpu.barrier barrier_id(%barrier3A)
    %add3A_15 = arith.constant 0 : i32
    %add3A_16 = arith.addi %mul3A_5, %add3A_15 : i32
    %dma_start3A = tpu.memref_slice %arg2[%add3A_16] : memref<344064xi32, #tpu.memory_space<hbm>> -> memref<128xi32, #tpu.memory_space<hbm>>
    %dma_start3A_17 = tpu.memref_slice %arg2[%add3A_16] : memref<344064xi32, #tpu.memory_space<hbm>> -> memref<128xi32, #tpu.memory_space<hbm>>
    tpu.enqueue_dma source(%dma_start3A_17 : memref<128xi32, #tpu.memory_space<hbm>>) target(%arg5 : memref<128xi32, #tpu.memory_space<vmem>>) target_semaphore(%arg18 : memref<!tpu.dma_semaphore, #tpu.memory_space<semaphore_mem>>)
    %dma_start3A_18 = tpu.memref_slice %arg3[%add3A_16] : memref<344064xf32, #tpu.memory_space<hbm>> -> memref<128xf32, #tpu.memory_space<hbm>>
    %dma_start3A_19 = tpu.memref_slice %arg3[%add3A_16] : memref<344064xf32, #tpu.memory_space<hbm>> -> memref<128xf32, #tpu.memory_space<hbm>>
    tpu.enqueue_dma source(%dma_start3A_19 : memref<128xf32, #tpu.memory_space<hbm>>) target(%arg9 : memref<128xf32, #tpu.memory_space<vmem>>) target_semaphore(%arg18 : memref<!tpu.dma_semaphore, #tpu.memory_space<semaphore_mem>>)
    %add3A_20 = arith.constant 128 : i32
    %add3A_21 = arith.addi %mul3A_5, %add3A_20 : i32
    %dma_start3A_22 = tpu.memref_slice %arg2[%add3A_21] : memref<344064xi32, #tpu.memory_space<hbm>> -> memref<128xi32, #tpu.memory_space<hbm>>
    %dma_start3A_23 = tpu.memref_slice %arg2[%add3A_21] : memref<344064xi32, #tpu.memory_space<hbm>> -> memref<128xi32, #tpu.memory_space<hbm>>
    tpu.enqueue_dma source(%dma_start3A_23 : memref<128xi32, #tpu.memory_space<hbm>>) target(%arg6 : memref<128xi32, #tpu.memory_space<vmem>>) target_semaphore(%arg19 : memref<!tpu.dma_semaphore, #tpu.memory_space<semaphore_mem>>)
    %dma_start3A_24 = tpu.memref_slice %arg3[%add3A_21] : memref<344064xf32, #tpu.memory_space<hbm>> -> memref<128xf32, #tpu.memory_space<hbm>>
    %dma_start3A_25 = tpu.memref_slice %arg3[%add3A_21] : memref<344064xf32, #tpu.memory_space<hbm>> -> memref<128xf32, #tpu.memory_space<hbm>>
    tpu.enqueue_dma source(%dma_start3A_25 : memref<128xf32, #tpu.memory_space<hbm>>) target(%arg10 : memref<128xf32, #tpu.memory_space<vmem>>) target_semaphore(%arg19 : memref<!tpu.dma_semaphore, #tpu.memory_space<semaphore_mem>>)
    %add3A_26 = arith.constant 256 : i32
    %add3A_27 = arith.addi %mul3A_5, %add3A_26 : i32
    %dma_start3A_28 = tpu.memref_slice %arg2[%add3A_27] : memref<344064xi32, #tpu.memory_space<hbm>> -> memref<128xi32, #tpu.memory_space<hbm>>
    %dma_start3A_29 = tpu.memref_slice %arg2[%add3A_27] : memref<344064xi32, #tpu.memory_space<hbm>> -> memref<128xi32, #tpu.memory_space<hbm>>
    tpu.enqueue_dma source(%dma_start3A_29 : memref<128xi32, #tpu.memory_space<hbm>>) target(%arg7 : memref<128xi32, #tpu.memory_space<vmem>>) target_semaphore(%arg20 : memref<!tpu.dma_semaphore, #tpu.memory_space<semaphore_mem>>)
    %dma_start3A_30 = tpu.memref_slice %arg3[%add3A_27] : memref<344064xf32, #tpu.memory_space<hbm>> -> memref<128xf32, #tpu.memory_space<hbm>>
    %dma_start3A_31 = tpu.memref_slice %arg3[%add3A_27] : memref<344064xf32, #tpu.memory_space<hbm>> -> memref<128xf32, #tpu.memory_space<hbm>>
    tpu.enqueue_dma source(%dma_start3A_31 : memref<128xf32, #tpu.memory_space<hbm>>) target(%arg11 : memref<128xf32, #tpu.memory_space<vmem>>) target_semaphore(%arg20 : memref<!tpu.dma_semaphore, #tpu.memory_space<semaphore_mem>>)
    %add3A_32 = arith.constant 384 : i32
    %add3A_33 = arith.addi %mul3A_5, %add3A_32 : i32
    %dma_start3A_34 = tpu.memref_slice %arg2[%add3A_33] : memref<344064xi32, #tpu.memory_space<hbm>> -> memref<128xi32, #tpu.memory_space<hbm>>
    %dma_start3A_35 = tpu.memref_slice %arg2[%add3A_33] : memref<344064xi32, #tpu.memory_space<hbm>> -> memref<128xi32, #tpu.memory_space<hbm>>
    tpu.enqueue_dma source(%dma_start3A_35 : memref<128xi32, #tpu.memory_space<hbm>>) target(%arg8 : memref<128xi32, #tpu.memory_space<vmem>>) target_semaphore(%arg21 : memref<!tpu.dma_semaphore, #tpu.memory_space<semaphore_mem>>)
    %dma_start3A_36 = tpu.memref_slice %arg3[%add3A_33] : memref<344064xf32, #tpu.memory_space<hbm>> -> memref<128xf32, #tpu.memory_space<hbm>>
    %dma_start3A_37 = tpu.memref_slice %arg3[%add3A_33] : memref<344064xf32, #tpu.memory_space<hbm>> -> memref<128xf32, #tpu.memory_space<hbm>>
    tpu.enqueue_dma source(%dma_start3A_37 : memref<128xf32, #tpu.memory_space<hbm>>) target(%arg12 : memref<128xf32, #tpu.memory_space<vmem>>) target_semaphore(%arg21 : memref<!tpu.dma_semaphore, #tpu.memory_space<semaphore_mem>>)
    %scan3A_38 = arith.constant 0 : i32
    %scan3A_39 = arith.constant 21 : i32
    %scan3A_40 = arith.addi %scan3A_38, %scan3A_39 : i32
    %scan3A_41 = arith.constant 1 : i32
    scf.for %scan3A_52 = %scan3A_38 to %scan3A_40 step %scan3A_41  : i32 {
      %mul3A_53 = arith.constant 4 : i32
      %mul3A_54 = arith.muli %scan3A_52, %mul3A_53 : i32
      %add3A_55 = arith.constant 0 : i32
      %add3A_56 = arith.addi %add3A_55, %mul3A_54 : i32
      %add3A_57 = arith.constant 0 : i32
      %add3A_58 = arith.addi %add3A_56, %add3A_57 : i32
      %mul3A_59 = arith.constant 128 : i32
      %mul3A_60 = arith.muli %add3A_58, %mul3A_59 : i32
      %add3A_61 = arith.addi %mul3A_5, %mul3A_60 : i32
      %dma_wait3A_62 = tpu.memref_slice %arg2[%add3A_61] : memref<344064xi32, #tpu.memory_space<hbm>> -> memref<128xi32, #tpu.memory_space<hbm>>
      %dma_wait3A_63 = tpu.memref_slice %arg2[%add3A_61] : memref<344064xi32, #tpu.memory_space<hbm>> -> memref<128xi32, #tpu.memory_space<hbm>>
      tpu.wait_dma2 semaphore(%arg18 : memref<!tpu.dma_semaphore, #tpu.memory_space<semaphore_mem>>) src(%dma_wait3A_63 : memref<128xi32, #tpu.memory_space<hbm>>) dst(%arg5 : memref<128xi32, #tpu.memory_space<vmem>>)
      %dma_wait3A_64 = tpu.memref_slice %arg3[%add3A_61] : memref<344064xf32, #tpu.memory_space<hbm>> -> memref<128xf32, #tpu.memory_space<hbm>>
      %dma_wait3A_65 = tpu.memref_slice %arg3[%add3A_61] : memref<344064xf32, #tpu.memory_space<hbm>> -> memref<128xf32, #tpu.memory_space<hbm>>
      tpu.wait_dma2 semaphore(%arg18 : memref<!tpu.dma_semaphore, #tpu.memory_space<semaphore_mem>>) src(%dma_wait3A_65 : memref<128xf32, #tpu.memory_space<hbm>>) dst(%arg9 : memref<128xf32, #tpu.memory_space<vmem>>)
      %ge3A = arith.constant 2 : i32
      %ge3A_66 = arith.cmpi sge, %add3A_58, %ge3A : i32
      %convert_element_type3A = arith.extui %ge3A_66 : i1 to i32
      %cond3A = arith.constant 0 : i32
      %cond3A_67 = arith.cmpi ne, %convert_element_type3A, %cond3A : i32
      scf.if %cond3A_67 {
        %dma_wait3A_156 = arith.constant 0 : i32
        %dma_wait3A_157 = tpu.memref_slice %arg17[%dma_wait3A_156] : memref<10240xf32, #tpu.memory_space<vmem_shared>> -> memref<10240xf32, #tpu.memory_space<vmem_shared>>
        tpu.wait_indirect_dma semaphore(%arg22 : memref<!tpu.dma_semaphore, #tpu.memory_space<semaphore_mem>>) src(%arg15 : memref<128xf32, #tpu.memory_space<vmem>>) dst(%dma_wait3A_157 : memref<10240xf32, #tpu.memory_space<vmem_shared>>)
      } else {
      }
      %parallel_loop3A = arith.constant 0 : i32
      %parallel_loop3A_68 = arith.constant 128 : i32
      %parallel_loop3A_69 = arith.constant 16 : i32
      scf.for %parallel_loop3A_156 = %parallel_loop3A to %parallel_loop3A_68 step %parallel_loop3A_69  : i32 {
        %parallel_loop3A_157 = arith.index_cast %parallel_loop3A_156 : i32 to index
        %parallel_loop3A_158 = tpu.vector_load %arg5[%parallel_loop3A_157] {strides = array<i32>} : memref<128xi32, #tpu.memory_space<vmem>>, vector<16xi32>,
        %parallel_loop3A_159 = arith.index_cast %parallel_loop3A_156 : i32 to index
        %parallel_loop3A_160 = tpu.vector_load %arg13[%parallel_loop3A_159] {strides = array<i32>} : memref<128xi32, #tpu.memory_space<vmem>>, vector<16xi32>,
        tpu.vector_store %arg13[%parallel_loop3A_159], %parallel_loop3A_158 {strides = array<i32>} : memref<128xi32, #tpu.memory_space<vmem>>, vector<16xi32>,
        %parallel_loop3A_161 = arith.index_cast %parallel_loop3A_156 : i32 to index
        %parallel_loop3A_162 = tpu.vector_load %arg9[%parallel_loop3A_161] {strides = array<i32>} : memref<128xf32, #tpu.memory_space<vmem>>, vector<16xf32>,
        %parallel_loop3A_163 = arith.index_cast %parallel_loop3A_156 : i32 to index
        %parallel_loop3A_164 = tpu.vector_load %arg15[%parallel_loop3A_163] {strides = array<i32>} : memref<128xf32, #tpu.memory_space<vmem>>, vector<16xf32>,
        tpu.vector_store %arg15[%parallel_loop3A_163], %parallel_loop3A_162 {strides = array<i32>} : memref<128xf32, #tpu.memory_space<vmem>>, vector<16xf32>,
      } {sc.loop_unroll_factor = 2 : i64, sc.parallel_access}
      %dma_start3A_70 = arith.constant 0 : i32
      %dma_start3A_71 = tpu.memref_slice %arg17[%dma_start3A_70] : memref<10240xf32, #tpu.memory_space<vmem_shared>> -> memref<10240xf32, #tpu.memory_space<vmem_shared>>
      tpu.enqueue_indirect_dma source(%arg15 : memref<128xf32, #tpu.memory_space<vmem>>) target(%dma_start3A_71 : memref<10240xf32, #tpu.memory_space<vmem_shared>>) offsets(%arg13 : memref<128xi32, #tpu.memory_space<vmem>>) semaphore(%arg22 : memref<!tpu.dma_semaphore, #tpu.memory_space<semaphore_mem>>) {add = true}
      %add3A_72 = arith.constant 4 : i32
      %add3A_73 = arith.addi %add3A_58, %add3A_72 : i32
      %lt3A = arith.constant 84 : i32
      %lt3A_74 = arith.cmpi slt, %add3A_73, %lt3A : i32
      %convert_element_type3A_75 = arith.extui %lt3A_74 : i1 to i32
      %cond3A_76 = arith.constant 0 : i32
      %cond3A_77 = arith.cmpi ne, %convert_element_type3A_75, %cond3A_76 : i32
      scf.if %cond3A_77 {
        %add3A_156 = arith.constant 4 : i32
        %add3A_157 = arith.addi %add3A_58, %add3A_156 : i32
        %mul3A_158 = arith.constant 128 : i32
        %mul3A_159 = arith.muli %add3A_157, %mul3A_158 : i32
        %add3A_160 = arith.addi %mul3A_5, %mul3A_159 : i32
        %dma_start3A_161 = tpu.memref_slice %arg2[%add3A_160] : memref<344064xi32, #tpu.memory_space<hbm>> -> memref<128xi32, #tpu.memory_space<hbm>>
        %dma_start3A_162 = tpu.memref_slice %arg2[%add3A_160] : memref<344064xi32, #tpu.memory_space<hbm>> -> memref<128xi32, #tpu.memory_space<hbm>>
        tpu.enqueue_dma source(%dma_start3A_162 : memref<128xi32, #tpu.memory_space<hbm>>) target(%arg5 : memref<128xi32, #tpu.memory_space<vmem>>) target_semaphore(%arg18 : memref<!tpu.dma_semaphore, #tpu.memory_space<semaphore_mem>>)
        %dma_start3A_163 = tpu.memref_slice %arg3[%add3A_160] : memref<344064xf32, #tpu.memory_space<hbm>> -> memref<128xf32, #tpu.memory_space<hbm>>
        %dma_start3A_164 = tpu.memref_slice %arg3[%add3A_160] : memref<344064xf32, #tpu.memory_space<hbm>> -> memref<128xf32, #tpu.memory_space<hbm>>
        tpu.enqueue_dma source(%dma_start3A_164 : memref<128xf32, #tpu.memory_space<hbm>>) target(%arg9 : memref<128xf32, #tpu.memory_space<vmem>>) target_semaphore(%arg18 : memref<!tpu.dma_semaphore, #tpu.memory_space<semaphore_mem>>)
      } else {
      }
      %add3A_78 = arith.constant 1 : i32
      %add3A_79 = arith.addi %add3A_56, %add3A_78 : i32
      %mul3A_80 = arith.constant 128 : i32
      %mul3A_81 = arith.muli %add3A_79, %mul3A_80 : i32
      %add3A_82 = arith.addi %mul3A_5, %mul3A_81 : i32
      %dma_wait3A_83 = tpu.memref_slice %arg2[%add3A_82] : memref<344064xi32, #tpu.memory_space<hbm>> -> memref<128xi32, #tpu.memory_space<hbm>>
      %dma_wait3A_84 = tpu.memref_slice %arg2[%add3A_82] : memref<344064xi32, #tpu.memory_space<hbm>> -> memref<128xi32, #tpu.memory_space<hbm>>
      tpu.wait_dma2 semaphore(%arg19 : memref<!tpu.dma_semaphore, #tpu.memory_space<semaphore_mem>>) src(%dma_wait3A_84 : memref<128xi32, #tpu.memory_space<hbm>>) dst(%arg6 : memref<128xi32, #tpu.memory_space<vmem>>)
      %dma_wait3A_85 = tpu.memref_slice %arg3[%add3A_82] : memref<344064xf32, #tpu.memory_space<hbm>> -> memref<128xf32, #tpu.memory_space<hbm>>
      %dma_wait3A_86 = tpu.memref_slice %arg3[%add3A_82] : memref<344064xf32, #tpu.memory_space<hbm>> -> memref<128xf32, #tpu.memory_space<hbm>>
      tpu.wait_dma2 semaphore(%arg19 : memref<!tpu.dma_semaphore, #tpu.memory_space<semaphore_mem>>) src(%dma_wait3A_86 : memref<128xf32, #tpu.memory_space<hbm>>) dst(%arg10 : memref<128xf32, #tpu.memory_space<vmem>>)
      %ge3A_87 = arith.constant 2 : i32
      %ge3A_88 = arith.cmpi sge, %add3A_79, %ge3A_87 : i32
      %convert_element_type3A_89 = arith.extui %ge3A_88 : i1 to i32
      %cond3A_90 = arith.constant 0 : i32
      %cond3A_91 = arith.cmpi ne, %convert_element_type3A_89, %cond3A_90 : i32
      scf.if %cond3A_91 {
        %dma_wait3A_156 = arith.constant 0 : i32
        %dma_wait3A_157 = tpu.memref_slice %arg17[%dma_wait3A_156] : memref<10240xf32, #tpu.memory_space<vmem_shared>> -> memref<10240xf32, #tpu.memory_space<vmem_shared>>
        tpu.wait_indirect_dma semaphore(%arg23 : memref<!tpu.dma_semaphore, #tpu.memory_space<semaphore_mem>>) src(%arg16 : memref<128xf32, #tpu.memory_space<vmem>>) dst(%dma_wait3A_157 : memref<10240xf32, #tpu.memory_space<vmem_shared>>)
      } else {
      }
      %parallel_loop3A_92 = arith.constant 0 : i32
      %parallel_loop3A_93 = arith.constant 128 : i32
      %parallel_loop3A_94 = arith.constant 16 : i32
      scf.for %parallel_loop3A_156 = %parallel_loop3A_92 to %parallel_loop3A_93 step %parallel_loop3A_94  : i32 {
        %parallel_loop3A_157 = arith.index_cast %parallel_loop3A_156 : i32 to index
        %parallel_loop3A_158 = tpu.vector_load %arg6[%parallel_loop3A_157] {strides = array<i32>} : memref<128xi32, #tpu.memory_space<vmem>>, vector<16xi32>,
        %parallel_loop3A_159 = arith.index_cast %parallel_loop3A_156 : i32 to index
        %parallel_loop3A_160 = tpu.vector_load %arg14[%parallel_loop3A_159] {strides = array<i32>} : memref<128xi32, #tpu.memory_space<vmem>>, vector<16xi32>,
        tpu.vector_store %arg14[%parallel_loop3A_159], %parallel_loop3A_158 {strides = array<i32>} : memref<128xi32, #tpu.memory_space<vmem>>, vector<16xi32>,
        %parallel_loop3A_161 = arith.index_cast %parallel_loop3A_156 : i32 to index
        %parallel_loop3A_162 = tpu.vector_load %arg10[%parallel_loop3A_161] {strides = array<i32>} : memref<128xf32, #tpu.memory_space<vmem>>, vector<16xf32>,
        %parallel_loop3A_163 = arith.index_cast %parallel_loop3A_156 : i32 to index
        %parallel_loop3A_164 = tpu.vector_load %arg16[%parallel_loop3A_163] {strides = array<i32>} : memref<128xf32, #tpu.memory_space<vmem>>, vector<16xf32>,
        tpu.vector_store %arg16[%parallel_loop3A_163], %parallel_loop3A_162 {strides = array<i32>} : memref<128xf32, #tpu.memory_space<vmem>>, vector<16xf32>,
      } {sc.loop_unroll_factor = 2 : i64, sc.parallel_access}
      %dma_start3A_95 = arith.constant 0 : i32
      %dma_start3A_96 = tpu.memref_slice %arg17[%dma_start3A_95] : memref<10240xf32, #tpu.memory_space<vmem_shared>> -> memref<10240xf32, #tpu.memory_space<vmem_shared>>
      tpu.enqueue_indirect_dma source(%arg16 : memref<128xf32, #tpu.memory_space<vmem>>) target(%dma_start3A_96 : memref<10240xf32, #tpu.memory_space<vmem_shared>>) offsets(%arg14 : memref<128xi32, #tpu.memory_space<vmem>>) semaphore(%arg23 : memref<!tpu.dma_semaphore, #tpu.memory_space<semaphore_mem>>) {add = true}
      %add3A_97 = arith.constant 4 : i32
      %add3A_98 = arith.addi %add3A_79, %add3A_97 : i32
      %lt3A_99 = arith.constant 84 : i32
      %lt3A_100 = arith.cmpi slt, %add3A_98, %lt3A_99 : i32
      %convert_element_type3A_101 = arith.extui %lt3A_100 : i1 to i32
      %cond3A_102 = arith.constant 0 : i32
      %cond3A_103 = arith.cmpi ne, %convert_element_type3A_101, %cond3A_102 : i32
      scf.if %cond3A_103 {
        %add3A_156 = arith.constant 4 : i32
        %add3A_157 = arith.addi %add3A_79, %add3A_156 : i32
        %mul3A_158 = arith.constant 128 : i32
        %mul3A_159 = arith.muli %add3A_157, %mul3A_158 : i32
        %add3A_160 = arith.addi %mul3A_5, %mul3A_159 : i32
        %dma_start3A_161 = tpu.memref_slice %arg2[%add3A_160] : memref<344064xi32, #tpu.memory_space<hbm>> -> memref<128xi32, #tpu.memory_space<hbm>>
        %dma_start3A_162 = tpu.memref_slice %arg2[%add3A_160] : memref<344064xi32, #tpu.memory_space<hbm>> -> memref<128xi32, #tpu.memory_space<hbm>>
        tpu.enqueue_dma source(%dma_start3A_162 : memref<128xi32, #tpu.memory_space<hbm>>) target(%arg6 : memref<128xi32, #tpu.memory_space<vmem>>) target_semaphore(%arg19 : memref<!tpu.dma_semaphore, #tpu.memory_space<semaphore_mem>>)
        %dma_start3A_163 = tpu.memref_slice %arg3[%add3A_160] : memref<344064xf32, #tpu.memory_space<hbm>> -> memref<128xf32, #tpu.memory_space<hbm>>
        %dma_start3A_164 = tpu.memref_slice %arg3[%add3A_160] : memref<344064xf32, #tpu.memory_space<hbm>> -> memref<128xf32, #tpu.memory_space<hbm>>
        tpu.enqueue_dma source(%dma_start3A_164 : memref<128xf32, #tpu.memory_space<hbm>>) target(%arg10 : memref<128xf32, #tpu.memory_space<vmem>>) target_semaphore(%arg19 : memref<!tpu.dma_semaphore, #tpu.memory_space<semaphore_mem>>)
      } else {
      }
      %add3A_104 = arith.constant 2 : i32
      %add3A_105 = arith.addi %add3A_56, %add3A_104 : i32
      %mul3A_106 = arith.constant 128 : i32
      %mul3A_107 = arith.muli %add3A_105, %mul3A_106 : i32
      %add3A_108 = arith.addi %mul3A_5, %mul3A_107 : i32
      %dma_wait3A_109 = tpu.memref_slice %arg2[%add3A_108] : memref<344064xi32, #tpu.memory_space<hbm>> -> memref<128xi32, #tpu.memory_space<hbm>>
      %dma_wait3A_110 = tpu.memref_slice %arg2[%add3A_108] : memref<344064xi32, #tpu.memory_space<hbm>> -> memref<128xi32, #tpu.memory_space<hbm>>
      tpu.wait_dma2 semaphore(%arg20 : memref<!tpu.dma_semaphore, #tpu.memory_space<semaphore_mem>>) src(%dma_wait3A_110 : memref<128xi32, #tpu.memory_space<hbm>>) dst(%arg7 : memref<128xi32, #tpu.memory_space<vmem>>)
      %dma_wait3A_111 = tpu.memref_slice %arg3[%add3A_108] : memref<344064xf32, #tpu.memory_space<hbm>> -> memref<128xf32, #tpu.memory_space<hbm>>
      %dma_wait3A_112 = tpu.memref_slice %arg3[%add3A_108] : memref<344064xf32, #tpu.memory_space<hbm>> -> memref<128xf32, #tpu.memory_space<hbm>>
      tpu.wait_dma2 semaphore(%arg20 : memref<!tpu.dma_semaphore, #tpu.memory_space<semaphore_mem>>) src(%dma_wait3A_112 : memref<128xf32, #tpu.memory_space<hbm>>) dst(%arg11 : memref<128xf32, #tpu.memory_space<vmem>>)
      %ge3A_113 = arith.constant 2 : i32
      %ge3A_114 = arith.cmpi sge, %add3A_105, %ge3A_113 : i32
      %convert_element_type3A_115 = arith.extui %ge3A_114 : i1 to i32
      %cond3A_116 = arith.constant 0 : i32
      %cond3A_117 = arith.cmpi ne, %convert_element_type3A_115, %cond3A_116 : i32
      scf.if %cond3A_117 {
        %dma_wait3A_156 = arith.constant 0 : i32
        %dma_wait3A_157 = tpu.memref_slice %arg17[%dma_wait3A_156] : memref<10240xf32, #tpu.memory_space<vmem_shared>> -> memref<10240xf32, #tpu.memory_space<vmem_shared>>
        tpu.wait_indirect_dma semaphore(%arg22 : memref<!tpu.dma_semaphore, #tpu.memory_space<semaphore_mem>>) src(%arg15 : memref<128xf32, #tpu.memory_space<vmem>>) dst(%dma_wait3A_157 : memref<10240xf32, #tpu.memory_space<vmem_shared>>)
      } else {
      }
      %parallel_loop3A_118 = arith.constant 0 : i32
      %parallel_loop3A_119 = arith.constant 128 : i32
      %parallel_loop3A_120 = arith.constant 16 : i32
      scf.for %parallel_loop3A_156 = %parallel_loop3A_118 to %parallel_loop3A_119 step %parallel_loop3A_120  : i32 {
        %parallel_loop3A_157 = arith.index_cast %parallel_loop3A_156 : i32 to index
        %parallel_loop3A_158 = tpu.vector_load %arg7[%parallel_loop3A_157] {strides = array<i32>} : memref<128xi32, #tpu.memory_space<vmem>>, vector<16xi32>,
        %parallel_loop3A_159 = arith.index_cast %parallel_loop3A_156 : i32 to index
        %parallel_loop3A_160 = tpu.vector_load %arg13[%parallel_loop3A_159] {strides = array<i32>} : memref<128xi32, #tpu.memory_space<vmem>>, vector<16xi32>,
        tpu.vector_store %arg13[%parallel_loop3A_159], %parallel_loop3A_158 {strides = array<i32>} : memref<128xi32, #tpu.memory_space<vmem>>, vector<16xi32>,
        %parallel_loop3A_161 = arith.index_cast %parallel_loop3A_156 : i32 to index
        %parallel_loop3A_162 = tpu.vector_load %arg11[%parallel_loop3A_161] {strides = array<i32>} : memref<128xf32, #tpu.memory_space<vmem>>, vector<16xf32>,
        %parallel_loop3A_163 = arith.index_cast %parallel_loop3A_156 : i32 to index
        %parallel_loop3A_164 = tpu.vector_load %arg15[%parallel_loop3A_163] {strides = array<i32>} : memref<128xf32, #tpu.memory_space<vmem>>, vector<16xf32>,
        tpu.vector_store %arg15[%parallel_loop3A_163], %parallel_loop3A_162 {strides = array<i32>} : memref<128xf32, #tpu.memory_space<vmem>>, vector<16xf32>,
      } {sc.loop_unroll_factor = 2 : i64, sc.parallel_access}
      %dma_start3A_121 = arith.constant 0 : i32
      %dma_start3A_122 = tpu.memref_slice %arg17[%dma_start3A_121] : memref<10240xf32, #tpu.memory_space<vmem_shared>> -> memref<10240xf32, #tpu.memory_space<vmem_shared>>
      tpu.enqueue_indirect_dma source(%arg15 : memref<128xf32, #tpu.memory_space<vmem>>) target(%dma_start3A_122 : memref<10240xf32, #tpu.memory_space<vmem_shared>>) offsets(%arg13 : memref<128xi32, #tpu.memory_space<vmem>>) semaphore(%arg22 : memref<!tpu.dma_semaphore, #tpu.memory_space<semaphore_mem>>) {add = true}
      %add3A_123 = arith.constant 4 : i32
      %add3A_124 = arith.addi %add3A_105, %add3A_123 : i32
      %lt3A_125 = arith.constant 84 : i32
      %lt3A_126 = arith.cmpi slt, %add3A_124, %lt3A_125 : i32
      %convert_element_type3A_127 = arith.extui %lt3A_126 : i1 to i32
      %cond3A_128 = arith.constant 0 : i32
      %cond3A_129 = arith.cmpi ne, %convert_element_type3A_127, %cond3A_128 : i32
      scf.if %cond3A_129 {
        %add3A_156 = arith.constant 4 : i32
        %add3A_157 = arith.addi %add3A_105, %add3A_156 : i32
        %mul3A_158 = arith.constant 128 : i32
        %mul3A_159 = arith.muli %add3A_157, %mul3A_158 : i32
        %add3A_160 = arith.addi %mul3A_5, %mul3A_159 : i32
        %dma_start3A_161 = tpu.memref_slice %arg2[%add3A_160] : memref<344064xi32, #tpu.memory_space<hbm>> -> memref<128xi32, #tpu.memory_space<hbm>>
        %dma_start3A_162 = tpu.memref_slice %arg2[%add3A_160] : memref<344064xi32, #tpu.memory_space<hbm>> -> memref<128xi32, #tpu.memory_space<hbm>>
        tpu.enqueue_dma source(%dma_start3A_162 : memref<128xi32, #tpu.memory_space<hbm>>) target(%arg7 : memref<128xi32, #tpu.memory_space<vmem>>) target_semaphore(%arg20 : memref<!tpu.dma_semaphore, #tpu.memory_space<semaphore_mem>>)
        %dma_start3A_163 = tpu.memref_slice %arg3[%add3A_160] : memref<344064xf32, #tpu.memory_space<hbm>> -> memref<128xf32, #tpu.memory_space<hbm>>
        %dma_start3A_164 = tpu.memref_slice %arg3[%add3A_160] : memref<344064xf32, #tpu.memory_space<hbm>> -> memref<128xf32, #tpu.memory_space<hbm>>
        tpu.enqueue_dma source(%dma_start3A_164 : memref<128xf32, #tpu.memory_space<hbm>>) target(%arg11 : memref<128xf32, #tpu.memory_space<vmem>>) target_semaphore(%arg20 : memref<!tpu.dma_semaphore, #tpu.memory_space<semaphore_mem>>)
      } else {
      }
      %add3A_130 = arith.constant 3 : i32
      %add3A_131 = arith.addi %add3A_56, %add3A_130 : i32
      %mul3A_132 = arith.constant 128 : i32
      %mul3A_133 = arith.muli %add3A_131, %mul3A_132 : i32
      %add3A_134 = arith.addi %mul3A_5, %mul3A_133 : i32
      %dma_wait3A_135 = tpu.memref_slice %arg2[%add3A_134] : memref<344064xi32, #tpu.memory_space<hbm>> -> memref<128xi32, #tpu.memory_space<hbm>>
      %dma_wait3A_136 = tpu.memref_slice %arg2[%add3A_134] : memref<344064xi32, #tpu.memory_space<hbm>> -> memref<128xi32, #tpu.memory_space<hbm>>
      tpu.wait_dma2 semaphore(%arg21 : memref<!tpu.dma_semaphore, #tpu.memory_space<semaphore_mem>>) src(%dma_wait3A_136 : memref<128xi32, #tpu.memory_space<hbm>>) dst(%arg8 : memref<128xi32, #tpu.memory_space<vmem>>)
      %dma_wait3A_137 = tpu.memref_slice %arg3[%add3A_134] : memref<344064xf32, #tpu.memory_space<hbm>> -> memref<128xf32, #tpu.memory_space<hbm>>
      %dma_wait3A_138 = tpu.memref_slice %arg3[%add3A_134] : memref<344064xf32, #tpu.memory_space<hbm>> -> memref<128xf32, #tpu.memory_space<hbm>>
      tpu.wait_dma2 semaphore(%arg21 : memref<!tpu.dma_semaphore, #tpu.memory_space<semaphore_mem>>) src(%dma_wait3A_138 : memref<128xf32, #tpu.memory_space<hbm>>) dst(%arg12 : memref<128xf32, #tpu.memory_space<vmem>>)
      %ge3A_139 = arith.constant 2 : i32
      %ge3A_140 = arith.cmpi sge, %add3A_131, %ge3A_139 : i32
      %convert_element_type3A_141 = arith.extui %ge3A_140 : i1 to i32
      %cond3A_142 = arith.constant 0 : i32
      %cond3A_143 = arith.cmpi ne, %convert_element_type3A_141, %cond3A_142 : i32
      scf.if %cond3A_143 {
        %dma_wait3A_156 = arith.constant 0 : i32
        %dma_wait3A_157 = tpu.memref_slice %arg17[%dma_wait3A_156] : memref<10240xf32, #tpu.memory_space<vmem_shared>> -> memref<10240xf32, #tpu.memory_space<vmem_shared>>
        tpu.wait_indirect_dma semaphore(%arg23 : memref<!tpu.dma_semaphore, #tpu.memory_space<semaphore_mem>>) src(%arg16 : memref<128xf32, #tpu.memory_space<vmem>>) dst(%dma_wait3A_157 : memref<10240xf32, #tpu.memory_space<vmem_shared>>)
      } else {
      }
      %parallel_loop3A_144 = arith.constant 0 : i32
      %parallel_loop3A_145 = arith.constant 128 : i32
      %parallel_loop3A_146 = arith.constant 16 : i32
      scf.for %parallel_loop3A_156 = %parallel_loop3A_144 to %parallel_loop3A_145 step %parallel_loop3A_146  : i32 {
        %parallel_loop3A_157 = arith.index_cast %parallel_loop3A_156 : i32 to index
        %parallel_loop3A_158 = tpu.vector_load %arg8[%parallel_loop3A_157] {strides = array<i32>} : memref<128xi32, #tpu.memory_space<vmem>>, vector<16xi32>,
        %parallel_loop3A_159 = arith.index_cast %parallel_loop3A_156 : i32 to index
        %parallel_loop3A_160 = tpu.vector_load %arg14[%parallel_loop3A_159] {strides = array<i32>} : memref<128xi32, #tpu.memory_space<vmem>>, vector<16xi32>,
        tpu.vector_store %arg14[%parallel_loop3A_159], %parallel_loop3A_158 {strides = array<i32>} : memref<128xi32, #tpu.memory_space<vmem>>, vector<16xi32>,
        %parallel_loop3A_161 = arith.index_cast %parallel_loop3A_156 : i32 to index
        %parallel_loop3A_162 = tpu.vector_load %arg12[%parallel_loop3A_161] {strides = array<i32>} : memref<128xf32, #tpu.memory_space<vmem>>, vector<16xf32>,
        %parallel_loop3A_163 = arith.index_cast %parallel_loop3A_156 : i32 to index
        %parallel_loop3A_164 = tpu.vector_load %arg16[%parallel_loop3A_163] {strides = array<i32>} : memref<128xf32, #tpu.memory_space<vmem>>, vector<16xf32>,
        tpu.vector_store %arg16[%parallel_loop3A_163], %parallel_loop3A_162 {strides = array<i32>} : memref<128xf32, #tpu.memory_space<vmem>>, vector<16xf32>,
      } {sc.loop_unroll_factor = 2 : i64, sc.parallel_access}
      %dma_start3A_147 = arith.constant 0 : i32
      %dma_start3A_148 = tpu.memref_slice %arg17[%dma_start3A_147] : memref<10240xf32, #tpu.memory_space<vmem_shared>> -> memref<10240xf32, #tpu.memory_space<vmem_shared>>
      tpu.enqueue_indirect_dma source(%arg16 : memref<128xf32, #tpu.memory_space<vmem>>) target(%dma_start3A_148 : memref<10240xf32, #tpu.memory_space<vmem_shared>>) offsets(%arg14 : memref<128xi32, #tpu.memory_space<vmem>>) semaphore(%arg23 : memref<!tpu.dma_semaphore, #tpu.memory_space<semaphore_mem>>) {add = true}
      %add3A_149 = arith.constant 4 : i32
      %add3A_150 = arith.addi %add3A_131, %add3A_149 : i32
      %lt3A_151 = arith.constant 84 : i32
      %lt3A_152 = arith.cmpi slt, %add3A_150, %lt3A_151 : i32
      %convert_element_type3A_153 = arith.extui %lt3A_152 : i1 to i32
      %cond3A_154 = arith.constant 0 : i32
      %cond3A_155 = arith.cmpi ne, %convert_element_type3A_153, %cond3A_154 : i32
      scf.if %cond3A_155 {
        %add3A_156 = arith.constant 4 : i32
        %add3A_157 = arith.addi %add3A_131, %add3A_156 : i32
        %mul3A_158 = arith.constant 128 : i32
        %mul3A_159 = arith.muli %add3A_157, %mul3A_158 : i32
        %add3A_160 = arith.addi %mul3A_5, %mul3A_159 : i32
        %dma_start3A_161 = tpu.memref_slice %arg2[%add3A_160] : memref<344064xi32, #tpu.memory_space<hbm>> -> memref<128xi32, #tpu.memory_space<hbm>>
        %dma_start3A_162 = tpu.memref_slice %arg2[%add3A_160] : memref<344064xi32, #tpu.memory_space<hbm>> -> memref<128xi32, #tpu.memory_space<hbm>>
        tpu.enqueue_dma source(%dma_start3A_162 : memref<128xi32, #tpu.memory_space<hbm>>) target(%arg8 : memref<128xi32, #tpu.memory_space<vmem>>) target_semaphore(%arg21 : memref<!tpu.dma_semaphore, #tpu.memory_space<semaphore_mem>>)
        %dma_start3A_163 = tpu.memref_slice %arg3[%add3A_160] : memref<344064xf32, #tpu.memory_space<hbm>> -> memref<128xf32, #tpu.memory_space<hbm>>
        %dma_start3A_164 = tpu.memref_slice %arg3[%add3A_160] : memref<344064xf32, #tpu.memory_space<hbm>> -> memref<128xf32, #tpu.memory_space<hbm>>
        tpu.enqueue_dma source(%dma_start3A_164 : memref<128xf32, #tpu.memory_space<hbm>>) target(%arg12 : memref<128xf32, #tpu.memory_space<vmem>>) target_semaphore(%arg21 : memref<!tpu.dma_semaphore, #tpu.memory_space<semaphore_mem>>)
      } else {
      }
    }
    %scan3A_42 = arith.constant 21 : i32
    %dma_wait3A = arith.constant 0 : i32
    %dma_wait3A_43 = tpu.memref_slice %arg17[%dma_wait3A] : memref<10240xf32, #tpu.memory_space<vmem_shared>> -> memref<10240xf32, #tpu.memory_space<vmem_shared>>
    tpu.wait_indirect_dma semaphore(%arg22 : memref<!tpu.dma_semaphore, #tpu.memory_space<semaphore_mem>>) src(%arg15 : memref<128xf32, #tpu.memory_space<vmem>>) dst(%dma_wait3A_43 : memref<10240xf32, #tpu.memory_space<vmem_shared>>)
    %dma_wait3A_44 = arith.constant 0 : i32
    %dma_wait3A_45 = tpu.memref_slice %arg17[%dma_wait3A_44] : memref<10240xf32, #tpu.memory_space<vmem_shared>> -> memref<10240xf32, #tpu.memory_space<vmem_shared>>
    tpu.wait_indirect_dma semaphore(%arg23 : memref<!tpu.dma_semaphore, #tpu.memory_space<semaphore_mem>>) src(%arg16 : memref<128xf32, #tpu.memory_space<vmem>>) dst(%dma_wait3A_45 : memref<10240xf32, #tpu.memory_space<vmem_shared>>)
    %barrier3A_46 = arith.constant 0 : index
    tpu.barrier barrier_id(%barrier3A_46)
    %scan3A_47 = arith.constant 0 : i32
    %scan3A_48 = arith.constant 5 : i32
    %scan3A_49 = arith.addi %scan3A_47, %scan3A_48 : i32
    %scan3A_50 = arith.constant 1 : i32
    scf.for %scan3A_52 = %scan3A_47 to %scan3A_49 step %scan3A_50  : i32 {
      %mul3A_53 = arith.constant 1 : i32
      %mul3A_54 = arith.muli %scan3A_52, %mul3A_53 : i32
      %add3A_55 = arith.constant 0 : i32
      %add3A_56 = arith.addi %add3A_55, %mul3A_54 : i32
      %mul3A_57 = arith.constant 128 : i32
      %mul3A_58 = arith.muli %add3A_56, %mul3A_57 : i32
      %add3A_59 = arith.addi %mul3A_3, %mul3A_58 : i32
      "tpu.region"() ({
        %run_scoped3A = tpu.sem_alloc : memref<!tpu.dma_semaphore, #tpu.memory_space<semaphore_mem>>
        %dma_start3A_60 = tpu.memref_slice %arg4[%arg0, %add3A_59] : memref<2x10240xf32, #tpu.memory_space<hbm>> -> memref<1x128xf32, #tpu.memory_space<hbm>>
        %dma_start3A_61 = tpu.memref_squeeze %dma_start3A_60 : memref<1x128xf32, #tpu.memory_space<hbm>> -> memref<128xf32, #tpu.memory_space<hbm>>
        %dma_start3A_62 = tpu.memref_slice %arg17[%add3A_59] : memref<10240xf32, #tpu.memory_space<vmem_shared>> -> memref<128xf32, #tpu.memory_space<vmem_shared>>
        tpu.enqueue_dma source(%dma_start3A_62 : memref<128xf32, #tpu.memory_space<vmem_shared>>) target(%dma_start3A_61 : memref<128xf32, #tpu.memory_space<hbm>>) target_semaphore(%run_scoped3A : memref<!tpu.dma_semaphore, #tpu.memory_space<semaphore_mem>>)
        %dma_wait3A_63 = tpu.memref_slice %arg4[%arg0, %add3A_59] : memref<2x10240xf32, #tpu.memory_space<hbm>> -> memref<1x128xf32, #tpu.memory_space<hbm>>
        %dma_wait3A_64 = tpu.memref_squeeze %dma_wait3A_63 : memref<1x128xf32, #tpu.memory_space<hbm>> -> memref<128xf32, #tpu.memory_space<hbm>>
        %dma_wait3A_65 = tpu.memref_slice %arg17[%add3A_59] : memref<10240xf32, #tpu.memory_space<vmem_shared>> -> memref<128xf32, #tpu.memory_space<vmem_shared>>
        tpu.wait_dma2 semaphore(%run_scoped3A : memref<!tpu.dma_semaphore, #tpu.memory_space<semaphore_mem>>) src(%dma_wait3A_65 : memref<128xf32, #tpu.memory_space<vmem_shared>>) dst(%dma_wait3A_64 : memref<128xf32, #tpu.memory_space<hbm>>)
        tpu.yield
      }) : () -> ()
    }
    %scan3A_51 = arith.constant 5 : i32
    return
  }
}

#map = affine_map<(d0, d1) -> (0, 0)>
#map1 = affine_map<(d0, d1) -> (0)>
#map2 = affine_map<(d0, d1) -> (0, 0, 0)>
module attributes {stable_mosaic.version = 14 : i64} {
  func.func @k(%arg0: i32, %arg1: i32, %arg2: memref<10240x128xf32, #tpu.memory_space<hbm>>, %arg3: memref<344064xi32, #tpu.memory_space<hbm>>, %arg4: memref<344064xi32, #tpu.memory_space<hbm>>, %arg5: memref<344064xf32, #tpu.memory_space<hbm>>, %arg6: memref<2x10240x128xf32, #tpu.memory_space<hbm>>, %arg7: memref<128xi32, #tpu.memory_space<vmem>>, %arg8: memref<128xi32, #tpu.memory_space<vmem>>, %arg9: memref<128xi32, #tpu.memory_space<vmem>>, %arg10: memref<128xi32, #tpu.memory_space<vmem>>, %arg11: memref<128xi32, #tpu.memory_space<vmem>>, %arg12: memref<128xi32, #tpu.memory_space<vmem>>, %arg13: memref<128xi32, #tpu.memory_space<vmem>>, %arg14: memref<128xi32, #tpu.memory_space<vmem>>, %arg15: memref<128xf32, #tpu.memory_space<vmem>>, %arg16: memref<128xf32, #tpu.memory_space<vmem>>, %arg17: memref<128xf32, #tpu.memory_space<vmem>>, %arg18: memref<128xf32, #tpu.memory_space<vmem>>, %arg19: memref<128x128xf32, #tpu.memory_space<vmem>>, %arg20: memref<128x128xf32, #tpu.memory_space<vmem>>, %arg21: memref<10240x128xf32, #tpu.memory_space<vmem_shared>>, %arg22: memref<!tpu.dma_semaphore, #tpu.memory_space<semaphore_mem>>, %arg23: memref<!tpu.dma_semaphore, #tpu.memory_space<semaphore_mem>>, %arg24: memref<!tpu.dma_semaphore, #tpu.memory_space<semaphore_mem>>, %arg25: memref<!tpu.dma_semaphore, #tpu.memory_space<semaphore_mem>>, %arg26: memref<!tpu.dma_semaphore, #tpu.memory_space<semaphore_mem>>, %arg27: memref<!tpu.dma_semaphore, #tpu.memory_space<semaphore_mem>>, %arg28: memref<!tpu.dma_semaphore, #tpu.memory_space<semaphore_mem>>, %arg29: memref<!tpu.dma_semaphore, #tpu.memory_space<semaphore_mem>>) attributes {dimension_semantics = [#tpu.dimension_semantics<core_parallel>, #tpu.dimension_semantics<subcore_parallel>], iteration_bounds = array<i64: 2, 16>, scalar_prefetch = 0 : i64, scratch_operands = 23 : i64, tpu.core_type = #tpu.core_type<sc_vector_subcore>, window_params = [{transform_indices = #map}, {transform_indices = #map1}, {transform_indices = #map1}, {transform_indices = #map1}, {transform_indices = #map2}]} {
    %mul3A = arith.constant 16 : i32
    %mul3A_0 = arith.muli %arg0, %mul3A : i32
    %add3A = arith.addi %mul3A_0, %arg1 : i32
    %mul3A_1 = arith.constant 10752 : i32
    %mul3A_2 = arith.muli %add3A, %mul3A_1 : i32
    %mul3A_3 = arith.constant 640 : i32
    %mul3A_4 = arith.muli %arg1, %mul3A_3 : i32
    %broadcast_in_dim3A = arith.constant 0.000000e+00 : f32
    %broadcast_in_dim3A_5 = vector.broadcast %broadcast_in_dim3A : f32 to vector<16xf32>
    %scan3A = arith.constant 0 : i32
    %scan3A_6 = arith.constant 128 : i32
    %scan3A_7 = arith.addi %scan3A, %scan3A_6 : i32
    %scan3A_8 = arith.constant 1 : i32
    scf.for %scan3A_65 = %scan3A to %scan3A_7 step %scan3A_8  : i32 {
      %mul3A_66 = arith.constant 1 : i32
      %mul3A_67 = arith.muli %scan3A_65, %mul3A_66 : i32
      %add3A_68 = arith.constant 0 : i32
      %add3A_69 = arith.addi %add3A_68, %mul3A_67 : i32
      %scan3A_70 = arith.constant 0 : i32
      %scan3A_71 = arith.constant 8 : i32
      %scan3A_72 = arith.addi %scan3A_70, %scan3A_71 : i32
      %scan3A_73 = arith.constant 1 : i32
      scf.for %scan3A_75 = %scan3A_70 to %scan3A_72 step %scan3A_73  : i32 {
        %mul3A_76 = arith.constant 16 : i32
        %mul3A_77 = arith.muli %scan3A_75, %mul3A_76 : i32
        %add3A_78 = arith.constant 0 : i32
        %add3A_79 = arith.addi %add3A_78, %mul3A_77 : i32
        %swap3A = arith.index_cast %add3A_69 : i32 to index
        %swap3A_80 = arith.index_cast %add3A_79 : i32 to index
        %swap3A_81 = tpu.vector_load %arg19[%swap3A, %swap3A_80] {strides = array<i32>} : memref<128x128xf32, #tpu.memory_space<vmem>>, vector<16xf32>,
        tpu.vector_store %arg19[%swap3A, %swap3A_80], %broadcast_in_dim3A_5 {strides = array<i32>} : memref<128x128xf32, #tpu.memory_space<vmem>>, vector<16xf32>,
      }
      %scan3A_74 = arith.constant 8 : i32
    }
    %scan3A_9 = arith.constant 128 : i32
    %scan3A_10 = arith.constant 0 : i32
    %scan3A_11 = arith.constant 5 : i32
    %scan3A_12 = arith.addi %scan3A_10, %scan3A_11 : i32
    %scan3A_13 = arith.constant 1 : i32
    scf.for %scan3A_65 = %scan3A_10 to %scan3A_12 step %scan3A_13  : i32 {
      %mul3A_66 = arith.constant 128 : i32
      %mul3A_67 = arith.muli %scan3A_65, %mul3A_66 : i32
      %add3A_68 = arith.constant 0 : i32
      %add3A_69 = arith.addi %add3A_68, %mul3A_67 : i32
      %add3A_70 = arith.addi %mul3A_4, %add3A_69 : i32
      "tpu.region"() ({
        %run_scoped3A = tpu.sem_alloc : memref<!tpu.dma_semaphore, #tpu.memory_space<semaphore_mem>>
        %dma_start3A_71 = arith.constant 0 : i32
        %dma_start3A_72 = tpu.memref_slice %arg21[%add3A_70, %dma_start3A_71] : memref<10240x128xf32, #tpu.memory_space<vmem_shared>> -> memref<128x128xf32, #tpu.memory_space<vmem_shared>>
        %dma_start3A_73 = arith.constant 0 : i32
        %dma_start3A_74 = tpu.memref_slice %arg21[%add3A_70, %dma_start3A_73] : memref<10240x128xf32, #tpu.memory_space<vmem_shared>> -> memref<128x128xf32, #tpu.memory_space<vmem_shared>>
        tpu.enqueue_dma source(%arg19 : memref<128x128xf32, #tpu.memory_space<vmem>>) target(%dma_start3A_74 : memref<128x128xf32, #tpu.memory_space<vmem_shared>>) target_semaphore(%run_scoped3A : memref<!tpu.dma_semaphore, #tpu.memory_space<semaphore_mem>>)
        %dma_wait3A_75 = arith.constant 0 : i32
        %dma_wait3A_76 = tpu.memref_slice %arg21[%add3A_70, %dma_wait3A_75] : memref<10240x128xf32, #tpu.memory_space<vmem_shared>> -> memref<128x128xf32, #tpu.memory_space<vmem_shared>>
        %dma_wait3A_77 = arith.constant 0 : i32
        %dma_wait3A_78 = tpu.memref_slice %arg21[%add3A_70, %dma_wait3A_77] : memref<10240x128xf32, #tpu.memory_space<vmem_shared>> -> memref<128x128xf32, #tpu.memory_space<vmem_shared>>
        tpu.wait_dma2 semaphore(%run_scoped3A : memref<!tpu.dma_semaphore, #tpu.memory_space<semaphore_mem>>) src(%arg19 : memref<128x128xf32, #tpu.memory_space<vmem>>) dst(%dma_wait3A_78 : memref<128x128xf32, #tpu.memory_space<vmem_shared>>)
        tpu.yield
      }) : () -> ()
    }
    %scan3A_14 = arith.constant 5 : i32
    %barrier3A = arith.constant 0 : index
    tpu.barrier barrier_id(%barrier3A)
    %add3A_15 = arith.constant 0 : i32
    %add3A_16 = arith.addi %mul3A_2, %add3A_15 : i32
    %dma_start3A = tpu.memref_slice %arg3[%add3A_16] : memref<344064xi32, #tpu.memory_space<hbm>> -> memref<128xi32, #tpu.memory_space<hbm>>
    %dma_start3A_17 = tpu.memref_slice %arg3[%add3A_16] : memref<344064xi32, #tpu.memory_space<hbm>> -> memref<128xi32, #tpu.memory_space<hbm>>
    tpu.enqueue_dma source(%dma_start3A_17 : memref<128xi32, #tpu.memory_space<hbm>>) target(%arg7 : memref<128xi32, #tpu.memory_space<vmem>>) target_semaphore(%arg22 : memref<!tpu.dma_semaphore, #tpu.memory_space<semaphore_mem>>)
    %dma_start3A_18 = tpu.memref_slice %arg4[%add3A_16] : memref<344064xi32, #tpu.memory_space<hbm>> -> memref<128xi32, #tpu.memory_space<hbm>>
    %dma_start3A_19 = tpu.memref_slice %arg4[%add3A_16] : memref<344064xi32, #tpu.memory_space<hbm>> -> memref<128xi32, #tpu.memory_space<hbm>>
    tpu.enqueue_dma source(%dma_start3A_19 : memref<128xi32, #tpu.memory_space<hbm>>) target(%arg11 : memref<128xi32, #tpu.memory_space<vmem>>) target_semaphore(%arg22 : memref<!tpu.dma_semaphore, #tpu.memory_space<semaphore_mem>>)
    %dma_start3A_20 = tpu.memref_slice %arg5[%add3A_16] : memref<344064xf32, #tpu.memory_space<hbm>> -> memref<128xf32, #tpu.memory_space<hbm>>
    %dma_start3A_21 = tpu.memref_slice %arg5[%add3A_16] : memref<344064xf32, #tpu.memory_space<hbm>> -> memref<128xf32, #tpu.memory_space<hbm>>
    tpu.enqueue_dma source(%dma_start3A_21 : memref<128xf32, #tpu.memory_space<hbm>>) target(%arg15 : memref<128xf32, #tpu.memory_space<vmem>>) target_semaphore(%arg22 : memref<!tpu.dma_semaphore, #tpu.memory_space<semaphore_mem>>)
    %add3A_22 = arith.constant 128 : i32
    %add3A_23 = arith.addi %mul3A_2, %add3A_22 : i32
    %dma_start3A_24 = tpu.memref_slice %arg3[%add3A_23] : memref<344064xi32, #tpu.memory_space<hbm>> -> memref<128xi32, #tpu.memory_space<hbm>>
    %dma_start3A_25 = tpu.memref_slice %arg3[%add3A_23] : memref<344064xi32, #tpu.memory_space<hbm>> -> memref<128xi32, #tpu.memory_space<hbm>>
    tpu.enqueue_dma source(%dma_start3A_25 : memref<128xi32, #tpu.memory_space<hbm>>) target(%arg8 : memref<128xi32, #tpu.memory_space<vmem>>) target_semaphore(%arg23 : memref<!tpu.dma_semaphore, #tpu.memory_space<semaphore_mem>>)
    %dma_start3A_26 = tpu.memref_slice %arg4[%add3A_23] : memref<344064xi32, #tpu.memory_space<hbm>> -> memref<128xi32, #tpu.memory_space<hbm>>
    %dma_start3A_27 = tpu.memref_slice %arg4[%add3A_23] : memref<344064xi32, #tpu.memory_space<hbm>> -> memref<128xi32, #tpu.memory_space<hbm>>
    tpu.enqueue_dma source(%dma_start3A_27 : memref<128xi32, #tpu.memory_space<hbm>>) target(%arg12 : memref<128xi32, #tpu.memory_space<vmem>>) target_semaphore(%arg23 : memref<!tpu.dma_semaphore, #tpu.memory_space<semaphore_mem>>)
    %dma_start3A_28 = tpu.memref_slice %arg5[%add3A_23] : memref<344064xf32, #tpu.memory_space<hbm>> -> memref<128xf32, #tpu.memory_space<hbm>>
    %dma_start3A_29 = tpu.memref_slice %arg5[%add3A_23] : memref<344064xf32, #tpu.memory_space<hbm>> -> memref<128xf32, #tpu.memory_space<hbm>>
    tpu.enqueue_dma source(%dma_start3A_29 : memref<128xf32, #tpu.memory_space<hbm>>) target(%arg16 : memref<128xf32, #tpu.memory_space<vmem>>) target_semaphore(%arg23 : memref<!tpu.dma_semaphore, #tpu.memory_space<semaphore_mem>>)
    %add3A_30 = arith.constant 256 : i32
    %add3A_31 = arith.addi %mul3A_2, %add3A_30 : i32
    %dma_start3A_32 = tpu.memref_slice %arg3[%add3A_31] : memref<344064xi32, #tpu.memory_space<hbm>> -> memref<128xi32, #tpu.memory_space<hbm>>
    %dma_start3A_33 = tpu.memref_slice %arg3[%add3A_31] : memref<344064xi32, #tpu.memory_space<hbm>> -> memref<128xi32, #tpu.memory_space<hbm>>
    tpu.enqueue_dma source(%dma_start3A_33 : memref<128xi32, #tpu.memory_space<hbm>>) target(%arg9 : memref<128xi32, #tpu.memory_space<vmem>>) target_semaphore(%arg24 : memref<!tpu.dma_semaphore, #tpu.memory_space<semaphore_mem>>)
    %dma_start3A_34 = tpu.memref_slice %arg4[%add3A_31] : memref<344064xi32, #tpu.memory_space<hbm>> -> memref<128xi32, #tpu.memory_space<hbm>>
    %dma_start3A_35 = tpu.memref_slice %arg4[%add3A_31] : memref<344064xi32, #tpu.memory_space<hbm>> -> memref<128xi32, #tpu.memory_space<hbm>>
    tpu.enqueue_dma source(%dma_start3A_35 : memref<128xi32, #tpu.memory_space<hbm>>) target(%arg13 : memref<128xi32, #tpu.memory_space<vmem>>) target_semaphore(%arg24 : memref<!tpu.dma_semaphore, #tpu.memory_space<semaphore_mem>>)
    %dma_start3A_36 = tpu.memref_slice %arg5[%add3A_31] : memref<344064xf32, #tpu.memory_space<hbm>> -> memref<128xf32, #tpu.memory_space<hbm>>
    %dma_start3A_37 = tpu.memref_slice %arg5[%add3A_31] : memref<344064xf32, #tpu.memory_space<hbm>> -> memref<128xf32, #tpu.memory_space<hbm>>
    tpu.enqueue_dma source(%dma_start3A_37 : memref<128xf32, #tpu.memory_space<hbm>>) target(%arg17 : memref<128xf32, #tpu.memory_space<vmem>>) target_semaphore(%arg24 : memref<!tpu.dma_semaphore, #tpu.memory_space<semaphore_mem>>)
    %add3A_38 = arith.constant 0 : i32
    %add3A_39 = arith.addi %mul3A_2, %add3A_38 : i32
    %dma_wait3A = tpu.memref_slice %arg3[%add3A_39] : memref<344064xi32, #tpu.memory_space<hbm>> -> memref<128xi32, #tpu.memory_space<hbm>>
    %dma_wait3A_40 = tpu.memref_slice %arg3[%add3A_39] : memref<344064xi32, #tpu.memory_space<hbm>> -> memref<128xi32, #tpu.memory_space<hbm>>
    tpu.wait_dma2 semaphore(%arg22 : memref<!tpu.dma_semaphore, #tpu.memory_space<semaphore_mem>>) src(%dma_wait3A_40 : memref<128xi32, #tpu.memory_space<hbm>>) dst(%arg7 : memref<128xi32, #tpu.memory_space<vmem>>)
    %dma_wait3A_41 = tpu.memref_slice %arg4[%add3A_39] : memref<344064xi32, #tpu.memory_space<hbm>> -> memref<128xi32, #tpu.memory_space<hbm>>
    %dma_wait3A_42 = tpu.memref_slice %arg4[%add3A_39] : memref<344064xi32, #tpu.memory_space<hbm>> -> memref<128xi32, #tpu.memory_space<hbm>>
    tpu.wait_dma2 semaphore(%arg22 : memref<!tpu.dma_semaphore, #tpu.memory_space<semaphore_mem>>) src(%dma_wait3A_42 : memref<128xi32, #tpu.memory_space<hbm>>) dst(%arg11 : memref<128xi32, #tpu.memory_space<vmem>>)
    %dma_wait3A_43 = tpu.memref_slice %arg5[%add3A_39] : memref<344064xf32, #tpu.memory_space<hbm>> -> memref<128xf32, #tpu.memory_space<hbm>>
    %dma_wait3A_44 = tpu.memref_slice %arg5[%add3A_39] : memref<344064xf32, #tpu.memory_space<hbm>> -> memref<128xf32, #tpu.memory_space<hbm>>
    tpu.wait_dma2 semaphore(%arg22 : memref<!tpu.dma_semaphore, #tpu.memory_space<semaphore_mem>>) src(%dma_wait3A_44 : memref<128xf32, #tpu.memory_space<hbm>>) dst(%arg15 : memref<128xf32, #tpu.memory_space<vmem>>)
    %dma_start3A_45 = arith.constant 0 : i32
    %dma_start3A_46 = arith.constant 0 : i32
    %dma_start3A_47 = tpu.memref_slice %arg2[%dma_start3A_45, %dma_start3A_46] : memref<10240x128xf32, #tpu.memory_space<hbm>> -> memref<10240x128xf32, #tpu.memory_space<hbm>>
    tpu.enqueue_indirect_dma source(%dma_start3A_47 : memref<10240x128xf32, #tpu.memory_space<hbm>>) target(%arg19 : memref<128x128xf32, #tpu.memory_space<vmem>>) offsets(%arg7 : memref<128xi32, #tpu.memory_space<vmem>>) semaphore(%arg26 : memref<!tpu.dma_semaphore, #tpu.memory_space<semaphore_mem>>)
    %scan3A_48 = arith.constant 0 : i32
    %scan3A_49 = arith.constant 21 : i32
    %scan3A_50 = arith.addi %scan3A_48, %scan3A_49 : i32
    %scan3A_51 = arith.constant 1 : i32
    scf.for %scan3A_65 = %scan3A_48 to %scan3A_50 step %scan3A_51  : i32 {
      %mul3A_66 = arith.constant 4 : i32
      %mul3A_67 = arith.muli %scan3A_65, %mul3A_66 : i32
      %add3A_68 = arith.constant 0 : i32
      %add3A_69 = arith.addi %add3A_68, %mul3A_67 : i32
      %add3A_70 = arith.constant 0 : i32
      %add3A_71 = arith.addi %add3A_69, %add3A_70 : i32
      %dma_wait3A_72 = arith.constant 0 : i32
      %dma_wait3A_73 = arith.constant 0 : i32
      %dma_wait3A_74 = tpu.memref_slice %arg2[%dma_wait3A_72, %dma_wait3A_73] : memref<10240x128xf32, #tpu.memory_space<hbm>> -> memref<10240x128xf32, #tpu.memory_space<hbm>>
      tpu.wait_indirect_dma semaphore(%arg26 : memref<!tpu.dma_semaphore, #tpu.memory_space<semaphore_mem>>) src(%dma_wait3A_74 : memref<10240x128xf32, #tpu.memory_space<hbm>>) dst(%arg19 : memref<128x128xf32, #tpu.memory_space<vmem>>)
      %add3A_75 = arith.constant 1 : i32
      %add3A_76 = arith.addi %add3A_71, %add3A_75 : i32
      %lt3A = arith.constant 84 : i32
      %lt3A_77 = arith.cmpi slt, %add3A_76, %lt3A : i32
      %convert_element_type3A = arith.extui %lt3A_77 : i1 to i32
      %cond3A = arith.constant 0 : i32
      %cond3A_78 = arith.cmpi ne, %convert_element_type3A, %cond3A : i32
      scf.if %cond3A_78 {
        %ge3A = arith.constant 1 : i32
        %ge3A_138 = arith.cmpi sge, %add3A_71, %ge3A : i32
        %convert_element_type3A_139 = arith.extui %ge3A_138 : i1 to i32
        %cond3A_140 = arith.constant 0 : i32
        %cond3A_141 = arith.cmpi ne, %convert_element_type3A_139, %cond3A_140 : i32
        scf.if %cond3A_141 {
          %dma_wait3A_163 = arith.constant 0 : i32
          %dma_wait3A_164 = arith.constant 0 : i32
          %dma_wait3A_165 = tpu.memref_slice %arg21[%dma_wait3A_163, %dma_wait3A_164] : memref<10240x128xf32, #tpu.memory_space<vmem_shared>> -> memref<10240x128xf32, #tpu.memory_space<vmem_shared>>
          tpu.wait_indirect_dma semaphore(%arg29 : memref<!tpu.dma_semaphore, #tpu.memory_space<semaphore_mem>>) src(%arg20 : memref<128x128xf32, #tpu.memory_space<vmem>>) dst(%dma_wait3A_165 : memref<10240x128xf32, #tpu.memory_space<vmem_shared>>)
        } else {
        }
        %add3A_142 = arith.constant 1 : i32
        %add3A_143 = arith.addi %add3A_71, %add3A_142 : i32
        %mul3A_144 = arith.constant 128 : i32
        %mul3A_145 = arith.muli %add3A_143, %mul3A_144 : i32
        %add3A_146 = arith.addi %mul3A_2, %mul3A_145 : i32
        %dma_wait3A_147 = tpu.memref_slice %arg3[%add3A_146] : memref<344064xi32, #tpu.memory_space<hbm>> -> memref<128xi32, #tpu.memory_space<hbm>>
        %dma_wait3A_148 = tpu.memref_slice %arg3[%add3A_146] : memref<344064xi32, #tpu.memory_space<hbm>> -> memref<128xi32, #tpu.memory_space<hbm>>
        tpu.wait_dma2 semaphore(%arg23 : memref<!tpu.dma_semaphore, #tpu.memory_space<semaphore_mem>>) src(%dma_wait3A_148 : memref<128xi32, #tpu.memory_space<hbm>>) dst(%arg8 : memref<128xi32, #tpu.memory_space<vmem>>)
        %dma_wait3A_149 = tpu.memref_slice %arg4[%add3A_146] : memref<344064xi32, #tpu.memory_space<hbm>> -> memref<128xi32, #tpu.memory_space<hbm>>
        %dma_wait3A_150 = tpu.memref_slice %arg4[%add3A_146] : memref<344064xi32, #tpu.memory_space<hbm>> -> memref<128xi32, #tpu.memory_space<hbm>>
        tpu.wait_dma2 semaphore(%arg23 : memref<!tpu.dma_semaphore, #tpu.memory_space<semaphore_mem>>) src(%dma_wait3A_150 : memref<128xi32, #tpu.memory_space<hbm>>) dst(%arg12 : memref<128xi32, #tpu.memory_space<vmem>>)
        %dma_wait3A_151 = tpu.memref_slice %arg5[%add3A_146] : memref<344064xf32, #tpu.memory_space<hbm>> -> memref<128xf32, #tpu.memory_space<hbm>>
        %dma_wait3A_152 = tpu.memref_slice %arg5[%add3A_146] : memref<344064xf32, #tpu.memory_space<hbm>> -> memref<128xf32, #tpu.memory_space<hbm>>
        tpu.wait_dma2 semaphore(%arg23 : memref<!tpu.dma_semaphore, #tpu.memory_space<semaphore_mem>>) src(%dma_wait3A_152 : memref<128xf32, #tpu.memory_space<hbm>>) dst(%arg16 : memref<128xf32, #tpu.memory_space<vmem>>)
        %dma_start3A_153 = arith.constant 0 : i32
        %dma_start3A_154 = arith.constant 0 : i32
        %dma_start3A_155 = tpu.memref_slice %arg2[%dma_start3A_153, %dma_start3A_154] : memref<10240x128xf32, #tpu.memory_space<hbm>> -> memref<10240x128xf32, #tpu.memory_space<hbm>>
        tpu.enqueue_indirect_dma source(%dma_start3A_155 : memref<10240x128xf32, #tpu.memory_space<hbm>>) target(%arg20 : memref<128x128xf32, #tpu.memory_space<vmem>>) offsets(%arg8 : memref<128xi32, #tpu.memory_space<vmem>>) semaphore(%arg27 : memref<!tpu.dma_semaphore, #tpu.memory_space<semaphore_mem>>)
        %add3A_156 = arith.constant 3 : i32
        %add3A_157 = arith.addi %add3A_71, %add3A_156 : i32
        %lt3A_158 = arith.constant 84 : i32
        %lt3A_159 = arith.cmpi slt, %add3A_157, %lt3A_158 : i32
        %convert_element_type3A_160 = arith.extui %lt3A_159 : i1 to i32
        %cond3A_161 = arith.constant 0 : i32
        %cond3A_162 = arith.cmpi ne, %convert_element_type3A_160, %cond3A_161 : i32
        scf.if %cond3A_162 {
          %add3A_163 = arith.constant 3 : i32
          %add3A_164 = arith.addi %add3A_71, %add3A_163 : i32
          %mul3A_165 = arith.constant 128 : i32
          %mul3A_166 = arith.muli %add3A_164, %mul3A_165 : i32
          %add3A_167 = arith.addi %mul3A_2, %mul3A_166 : i32
          %dma_start3A_168 = tpu.memref_slice %arg3[%add3A_167] : memref<344064xi32, #tpu.memory_space<hbm>> -> memref<128xi32, #tpu.memory_space<hbm>>
          %dma_start3A_169 = tpu.memref_slice %arg3[%add3A_167] : memref<344064xi32, #tpu.memory_space<hbm>> -> memref<128xi32, #tpu.memory_space<hbm>>
          tpu.enqueue_dma source(%dma_start3A_169 : memref<128xi32, #tpu.memory_space<hbm>>) target(%arg10 : memref<128xi32, #tpu.memory_space<vmem>>) target_semaphore(%arg25 : memref<!tpu.dma_semaphore, #tpu.memory_space<semaphore_mem>>)
          %dma_start3A_170 = tpu.memref_slice %arg4[%add3A_167] : memref<344064xi32, #tpu.memory_space<hbm>> -> memref<128xi32, #tpu.memory_space<hbm>>
          %dma_start3A_171 = tpu.memref_slice %arg4[%add3A_167] : memref<344064xi32, #tpu.memory_space<hbm>> -> memref<128xi32, #tpu.memory_space<hbm>>
          tpu.enqueue_dma source(%dma_start3A_171 : memref<128xi32, #tpu.memory_space<hbm>>) target(%arg14 : memref<128xi32, #tpu.memory_space<vmem>>) target_semaphore(%arg25 : memref<!tpu.dma_semaphore, #tpu.memory_space<semaphore_mem>>)
          %dma_start3A_172 = tpu.memref_slice %arg5[%add3A_167] : memref<344064xf32, #tpu.memory_space<hbm>> -> memref<128xf32, #tpu.memory_space<hbm>>
          %dma_start3A_173 = tpu.memref_slice %arg5[%add3A_167] : memref<344064xf32, #tpu.memory_space<hbm>> -> memref<128xf32, #tpu.memory_space<hbm>>
          tpu.enqueue_dma source(%dma_start3A_173 : memref<128xf32, #tpu.memory_space<hbm>>) target(%arg18 : memref<128xf32, #tpu.memory_space<vmem>>) target_semaphore(%arg25 : memref<!tpu.dma_semaphore, #tpu.memory_space<semaphore_mem>>)
        } else {
        }
      } else {
      }
      %parallel_loop3A = arith.constant 0 : i32
      %parallel_loop3A_79 = arith.constant 128 : i32
      %parallel_loop3A_80 = arith.constant 1 : i32
      scf.for %parallel_loop3A_138 = %parallel_loop3A to %parallel_loop3A_79 step %parallel_loop3A_80  : i32 {
        %parallel_loop3A_139 = arith.constant 0 : i32
        %parallel_loop3A_140 = vector.broadcast %parallel_loop3A_139 : i32 to vector<16xi32>
        %parallel_loop3A_141 = vector.broadcast %parallel_loop3A_138 : i32 to vector<16xi32>
        %parallel_loop3A_142 = arith.addi %parallel_loop3A_140, %parallel_loop3A_141 : vector<16xi32>
        %parallel_loop3A_143 = tpu.vector_load_idx %arg15[%parallel_loop3A_142] : memref<128xf32, #tpu.memory_space<vmem>>[vector<16xi32>], vector<16xf32>,
        %parallel_loop3A_144 = arith.index_cast %parallel_loop3A_138 : i32 to index
        %parallel_loop3A_145 = arith.constant 0 : index
        %parallel_loop3A_146 = tpu.vector_load %arg19[%parallel_loop3A_144, %parallel_loop3A_145] {strides = array<i32>} : memref<128x128xf32, #tpu.memory_space<vmem>>, vector<16xf32>,
        %parallel_loop3A_147 = arith.mulf %parallel_loop3A_146, %parallel_loop3A_143 : vector<16xf32>
        %parallel_loop3A_148 = arith.index_cast %parallel_loop3A_138 : i32 to index
        %parallel_loop3A_149 = arith.constant 0 : index
        %parallel_loop3A_150 = tpu.vector_load %arg19[%parallel_loop3A_148, %parallel_loop3A_149] {strides = array<i32>} : memref<128x128xf32, #tpu.memory_space<vmem>>, vector<16xf32>,
        tpu.vector_store %arg19[%parallel_loop3A_148, %parallel_loop3A_149], %parallel_loop3A_147 {strides = array<i32>} : memref<128x128xf32, #tpu.memory_space<vmem>>, vector<16xf32>,
        %parallel_loop3A_151 = arith.index_cast %parallel_loop3A_138 : i32 to index
        %parallel_loop3A_152 = arith.constant 16 : index
        %parallel_loop3A_153 = tpu.vector_load %arg19[%parallel_loop3A_151, %parallel_loop3A_152] {strides = array<i32>} : memref<128x128xf32, #tpu.memory_space<vmem>>, vector<16xf32>,
        %parallel_loop3A_154 = arith.mulf %parallel_loop3A_153, %parallel_loop3A_143 : vector<16xf32>
        %parallel_loop3A_155 = arith.index_cast %parallel_loop3A_138 : i32 to index
        %parallel_loop3A_156 = arith.constant 16 : index
        %parallel_loop3A_157 = tpu.vector_load %arg19[%parallel_loop3A_155, %parallel_loop3A_156] {strides = array<i32>} : memref<128x128xf32, #tpu.memory_space<vmem>>, vector<16xf32>,
        tpu.vector_store %arg19[%parallel_loop3A_155, %parallel_loop3A_156], %parallel_loop3A_154 {strides = array<i32>} : memref<128x128xf32, #tpu.memory_space<vmem>>, vector<16xf32>,
        %parallel_loop3A_158 = arith.index_cast %parallel_loop3A_138 : i32 to index
        %parallel_loop3A_159 = arith.constant 32 : index
        %parallel_loop3A_160 = tpu.vector_load %arg19[%parallel_loop3A_158, %parallel_loop3A_159] {strides = array<i32>} : memref<128x128xf32, #tpu.memory_space<vmem>>, vector<16xf32>,
        %parallel_loop3A_161 = arith.mulf %parallel_loop3A_160, %parallel_loop3A_143 : vector<16xf32>
        %parallel_loop3A_162 = arith.index_cast %parallel_loop3A_138 : i32 to index
        %parallel_loop3A_163 = arith.constant 32 : index
        %parallel_loop3A_164 = tpu.vector_load %arg19[%parallel_loop3A_162, %parallel_loop3A_163] {strides = array<i32>} : memref<128x128xf32, #tpu.memory_space<vmem>>, vector<16xf32>,
        tpu.vector_store %arg19[%parallel_loop3A_162, %parallel_loop3A_163], %parallel_loop3A_161 {strides = array<i32>} : memref<128x128xf32, #tpu.memory_space<vmem>>, vector<16xf32>,
        %parallel_loop3A_165 = arith.index_cast %parallel_loop3A_138 : i32 to index
        %parallel_loop3A_166 = arith.constant 48 : index
        %parallel_loop3A_167 = tpu.vector_load %arg19[%parallel_loop3A_165, %parallel_loop3A_166] {strides = array<i32>} : memref<128x128xf32, #tpu.memory_space<vmem>>, vector<16xf32>,
        %parallel_loop3A_168 = arith.mulf %parallel_loop3A_167, %parallel_loop3A_143 : vector<16xf32>
        %parallel_loop3A_169 = arith.index_cast %parallel_loop3A_138 : i32 to index
        %parallel_loop3A_170 = arith.constant 48 : index
        %parallel_loop3A_171 = tpu.vector_load %arg19[%parallel_loop3A_169, %parallel_loop3A_170] {strides = array<i32>} : memref<128x128xf32, #tpu.memory_space<vmem>>, vector<16xf32>,
        tpu.vector_store %arg19[%parallel_loop3A_169, %parallel_loop3A_170], %parallel_loop3A_168 {strides = array<i32>} : memref<128x128xf32, #tpu.memory_space<vmem>>, vector<16xf32>,
        %parallel_loop3A_172 = arith.index_cast %parallel_loop3A_138 : i32 to index
        %parallel_loop3A_173 = arith.constant 64 : index
        %parallel_loop3A_174 = tpu.vector_load %arg19[%parallel_loop3A_172, %parallel_loop3A_173] {strides = array<i32>} : memref<128x128xf32, #tpu.memory_space<vmem>>, vector<16xf32>,
        %parallel_loop3A_175 = arith.mulf %parallel_loop3A_174, %parallel_loop3A_143 : vector<16xf32>
        %parallel_loop3A_176 = arith.index_cast %parallel_loop3A_138 : i32 to index
        %parallel_loop3A_177 = arith.constant 64 : index
        %parallel_loop3A_178 = tpu.vector_load %arg19[%parallel_loop3A_176, %parallel_loop3A_177] {strides = array<i32>} : memref<128x128xf32, #tpu.memory_space<vmem>>, vector<16xf32>,
        tpu.vector_store %arg19[%parallel_loop3A_176, %parallel_loop3A_177], %parallel_loop3A_175 {strides = array<i32>} : memref<128x128xf32, #tpu.memory_space<vmem>>, vector<16xf32>,
        %parallel_loop3A_179 = arith.index_cast %parallel_loop3A_138 : i32 to index
        %parallel_loop3A_180 = arith.constant 80 : index
        %parallel_loop3A_181 = tpu.vector_load %arg19[%parallel_loop3A_179, %parallel_loop3A_180] {strides = array<i32>} : memref<128x128xf32, #tpu.memory_space<vmem>>, vector<16xf32>,
        %parallel_loop3A_182 = arith.mulf %parallel_loop3A_181, %parallel_loop3A_143 : vector<16xf32>
        %parallel_loop3A_183 = arith.index_cast %parallel_loop3A_138 : i32 to index
        %parallel_loop3A_184 = arith.constant 80 : index
        %parallel_loop3A_185 = tpu.vector_load %arg19[%parallel_loop3A_183, %parallel_loop3A_184] {strides = array<i32>} : memref<128x128xf32, #tpu.memory_space<vmem>>, vector<16xf32>,
        tpu.vector_store %arg19[%parallel_loop3A_183, %parallel_loop3A_184], %parallel_loop3A_182 {strides = array<i32>} : memref<128x128xf32, #tpu.memory_space<vmem>>, vector<16xf32>,
        %parallel_loop3A_186 = arith.index_cast %parallel_loop3A_138 : i32 to index
        %parallel_loop3A_187 = arith.constant 96 : index
        %parallel_loop3A_188 = tpu.vector_load %arg19[%parallel_loop3A_186, %parallel_loop3A_187] {strides = array<i32>} : memref<128x128xf32, #tpu.memory_space<vmem>>, vector<16xf32>,
        %parallel_loop3A_189 = arith.mulf %parallel_loop3A_188, %parallel_loop3A_143 : vector<16xf32>
        %parallel_loop3A_190 = arith.index_cast %parallel_loop3A_138 : i32 to index
        %parallel_loop3A_191 = arith.constant 96 : index
        %parallel_loop3A_192 = tpu.vector_load %arg19[%parallel_loop3A_190, %parallel_loop3A_191] {strides = array<i32>} : memref<128x128xf32, #tpu.memory_space<vmem>>, vector<16xf32>,
        tpu.vector_store %arg19[%parallel_loop3A_190, %parallel_loop3A_191], %parallel_loop3A_189 {strides = array<i32>} : memref<128x128xf32, #tpu.memory_space<vmem>>, vector<16xf32>,
        %parallel_loop3A_193 = arith.index_cast %parallel_loop3A_138 : i32 to index
        %parallel_loop3A_194 = arith.constant 112 : index
        %parallel_loop3A_195 = tpu.vector_load %arg19[%parallel_loop3A_193, %parallel_loop3A_194] {strides = array<i32>} : memref<128x128xf32, #tpu.memory_space<vmem>>, vector<16xf32>,
        %parallel_loop3A_196 = arith.mulf %parallel_loop3A_195, %parallel_loop3A_143 : vector<16xf32>
        %parallel_loop3A_197 = arith.index_cast %parallel_loop3A_138 : i32 to index
        %parallel_loop3A_198 = arith.constant 112 : index
        %parallel_loop3A_199 = tpu.vector_load %arg19[%parallel_loop3A_197, %parallel_loop3A_198] {strides = array<i32>} : memref<128x128xf32, #tpu.memory_space<vmem>>, vector<16xf32>,
        tpu.vector_store %arg19[%parallel_loop3A_197, %parallel_loop3A_198], %parallel_loop3A_196 {strides = array<i32>} : memref<128x128xf32, #tpu.memory_space<vmem>>, vector<16xf32>,
      } {sc.loop_unroll_factor = 4 : i64, sc.parallel_access}
      %dma_start3A_81 = arith.constant 0 : i32
      %dma_start3A_82 = arith.constant 0 : i32
      %dma_start3A_83 = tpu.memref_slice %arg21[%dma_start3A_81, %dma_start3A_82] : memref<10240x128xf32, #tpu.memory_space<vmem_shared>> -> memref<10240x128xf32, #tpu.memory_space<vmem_shared>>
      tpu.enqueue_indirect_dma source(%arg19 : memref<128x128xf32, #tpu.memory_space<vmem>>) target(%dma_start3A_83 : memref<10240x128xf32, #tpu.memory_space<vmem_shared>>) offsets(%arg11 : memref<128xi32, #tpu.memory_space<vmem>>) semaphore(%arg28 : memref<!tpu.dma_semaphore, #tpu.memory_space<semaphore_mem>>) {add = true}
      %add3A_84 = arith.constant 1 : i32
      %add3A_85 = arith.addi %add3A_69, %add3A_84 : i32
      %dma_wait3A_86 = arith.constant 0 : i32
      %dma_wait3A_87 = arith.constant 0 : i32
      %dma_wait3A_88 = tpu.memref_slice %arg2[%dma_wait3A_86, %dma_wait3A_87] : memref<10240x128xf32, #tpu.memory_space<hbm>> -> memref<10240x128xf32, #tpu.memory_space<hbm>>
      tpu.wait_indirect_dma semaphore(%arg27 : memref<!tpu.dma_semaphore, #tpu.memory_space<semaphore_mem>>) src(%dma_wait3A_88 : memref<10240x128xf32, #tpu.memory_space<hbm>>) dst(%arg20 : memref<128x128xf32, #tpu.memory_space<vmem>>)
      %add3A_89 = arith.constant 1 : i32
      %add3A_90 = arith.addi %add3A_85, %add3A_89 : i32
      %lt3A_91 = arith.constant 84 : i32
      %lt3A_92 = arith.cmpi slt, %add3A_90, %lt3A_91 : i32
      %convert_element_type3A_93 = arith.extui %lt3A_92 : i1 to i32
      %cond3A_94 = arith.constant 0 : i32
      %cond3A_95 = arith.cmpi ne, %convert_element_type3A_93, %cond3A_94 : i32
      scf.if %cond3A_95 {
        %ge3A = arith.constant 1 : i32
        %ge3A_138 = arith.cmpi sge, %add3A_85, %ge3A : i32
        %convert_element_type3A_139 = arith.extui %ge3A_138 : i1 to i32
        %cond3A_140 = arith.constant 0 : i32
        %cond3A_141 = arith.cmpi ne, %convert_element_type3A_139, %cond3A_140 : i32
        scf.if %cond3A_141 {
          %dma_wait3A_163 = arith.constant 0 : i32
          %dma_wait3A_164 = arith.constant 0 : i32
          %dma_wait3A_165 = tpu.memref_slice %arg21[%dma_wait3A_163, %dma_wait3A_164] : memref<10240x128xf32, #tpu.memory_space<vmem_shared>> -> memref<10240x128xf32, #tpu.memory_space<vmem_shared>>
          tpu.wait_indirect_dma semaphore(%arg28 : memref<!tpu.dma_semaphore, #tpu.memory_space<semaphore_mem>>) src(%arg19 : memref<128x128xf32, #tpu.memory_space<vmem>>) dst(%dma_wait3A_165 : memref<10240x128xf32, #tpu.memory_space<vmem_shared>>)
        } else {
        }
        %add3A_142 = arith.constant 1 : i32
        %add3A_143 = arith.addi %add3A_85, %add3A_142 : i32
        %mul3A_144 = arith.constant 128 : i32
        %mul3A_145 = arith.muli %add3A_143, %mul3A_144 : i32
        %add3A_146 = arith.addi %mul3A_2, %mul3A_145 : i32
        %dma_wait3A_147 = tpu.memref_slice %arg3[%add3A_146] : memref<344064xi32, #tpu.memory_space<hbm>> -> memref<128xi32, #tpu.memory_space<hbm>>
        %dma_wait3A_148 = tpu.memref_slice %arg3[%add3A_146] : memref<344064xi32, #tpu.memory_space<hbm>> -> memref<128xi32, #tpu.memory_space<hbm>>
        tpu.wait_dma2 semaphore(%arg24 : memref<!tpu.dma_semaphore, #tpu.memory_space<semaphore_mem>>) src(%dma_wait3A_148 : memref<128xi32, #tpu.memory_space<hbm>>) dst(%arg9 : memref<128xi32, #tpu.memory_space<vmem>>)
        %dma_wait3A_149 = tpu.memref_slice %arg4[%add3A_146] : memref<344064xi32, #tpu.memory_space<hbm>> -> memref<128xi32, #tpu.memory_space<hbm>>
        %dma_wait3A_150 = tpu.memref_slice %arg4[%add3A_146] : memref<344064xi32, #tpu.memory_space<hbm>> -> memref<128xi32, #tpu.memory_space<hbm>>
        tpu.wait_dma2 semaphore(%arg24 : memref<!tpu.dma_semaphore, #tpu.memory_space<semaphore_mem>>) src(%dma_wait3A_150 : memref<128xi32, #tpu.memory_space<hbm>>) dst(%arg13 : memref<128xi32, #tpu.memory_space<vmem>>)
        %dma_wait3A_151 = tpu.memref_slice %arg5[%add3A_146] : memref<344064xf32, #tpu.memory_space<hbm>> -> memref<128xf32, #tpu.memory_space<hbm>>
        %dma_wait3A_152 = tpu.memref_slice %arg5[%add3A_146] : memref<344064xf32, #tpu.memory_space<hbm>> -> memref<128xf32, #tpu.memory_space<hbm>>
        tpu.wait_dma2 semaphore(%arg24 : memref<!tpu.dma_semaphore, #tpu.memory_space<semaphore_mem>>) src(%dma_wait3A_152 : memref<128xf32, #tpu.memory_space<hbm>>) dst(%arg17 : memref<128xf32, #tpu.memory_space<vmem>>)
        %dma_start3A_153 = arith.constant 0 : i32
        %dma_start3A_154 = arith.constant 0 : i32
        %dma_start3A_155 = tpu.memref_slice %arg2[%dma_start3A_153, %dma_start3A_154] : memref<10240x128xf32, #tpu.memory_space<hbm>> -> memref<10240x128xf32, #tpu.memory_space<hbm>>
        tpu.enqueue_indirect_dma source(%dma_start3A_155 : memref<10240x128xf32, #tpu.memory_space<hbm>>) target(%arg19 : memref<128x128xf32, #tpu.memory_space<vmem>>) offsets(%arg9 : memref<128xi32, #tpu.memory_space<vmem>>) semaphore(%arg26 : memref<!tpu.dma_semaphore, #tpu.memory_space<semaphore_mem>>)
        %add3A_156 = arith.constant 3 : i32
        %add3A_157 = arith.addi %add3A_85, %add3A_156 : i32
        %lt3A_158 = arith.constant 84 : i32
        %lt3A_159 = arith.cmpi slt, %add3A_157, %lt3A_158 : i32
        %convert_element_type3A_160 = arith.extui %lt3A_159 : i1 to i32
        %cond3A_161 = arith.constant 0 : i32
        %cond3A_162 = arith.cmpi ne, %convert_element_type3A_160, %cond3A_161 : i32
        scf.if %cond3A_162 {
          %add3A_163 = arith.constant 3 : i32
          %add3A_164 = arith.addi %add3A_85, %add3A_163 : i32
          %mul3A_165 = arith.constant 128 : i32
          %mul3A_166 = arith.muli %add3A_164, %mul3A_165 : i32
          %add3A_167 = arith.addi %mul3A_2, %mul3A_166 : i32
          %dma_start3A_168 = tpu.memref_slice %arg3[%add3A_167] : memref<344064xi32, #tpu.memory_space<hbm>> -> memref<128xi32, #tpu.memory_space<hbm>>
          %dma_start3A_169 = tpu.memref_slice %arg3[%add3A_167] : memref<344064xi32, #tpu.memory_space<hbm>> -> memref<128xi32, #tpu.memory_space<hbm>>
          tpu.enqueue_dma source(%dma_start3A_169 : memref<128xi32, #tpu.memory_space<hbm>>) target(%arg7 : memref<128xi32, #tpu.memory_space<vmem>>) target_semaphore(%arg22 : memref<!tpu.dma_semaphore, #tpu.memory_space<semaphore_mem>>)
          %dma_start3A_170 = tpu.memref_slice %arg4[%add3A_167] : memref<344064xi32, #tpu.memory_space<hbm>> -> memref<128xi32, #tpu.memory_space<hbm>>
          %dma_start3A_171 = tpu.memref_slice %arg4[%add3A_167] : memref<344064xi32, #tpu.memory_space<hbm>> -> memref<128xi32, #tpu.memory_space<hbm>>
          tpu.enqueue_dma source(%dma_start3A_171 : memref<128xi32, #tpu.memory_space<hbm>>) target(%arg11 : memref<128xi32, #tpu.memory_space<vmem>>) target_semaphore(%arg22 : memref<!tpu.dma_semaphore, #tpu.memory_space<semaphore_mem>>)
          %dma_start3A_172 = tpu.memref_slice %arg5[%add3A_167] : memref<344064xf32, #tpu.memory_space<hbm>> -> memref<128xf32, #tpu.memory_space<hbm>>
          %dma_start3A_173 = tpu.memref_slice %arg5[%add3A_167] : memref<344064xf32, #tpu.memory_space<hbm>> -> memref<128xf32, #tpu.memory_space<hbm>>
          tpu.enqueue_dma source(%dma_start3A_173 : memref<128xf32, #tpu.memory_space<hbm>>) target(%arg15 : memref<128xf32, #tpu.memory_space<vmem>>) target_semaphore(%arg22 : memref<!tpu.dma_semaphore, #tpu.memory_space<semaphore_mem>>)
        } else {
        }
      } else {
      }
      %parallel_loop3A_96 = arith.constant 0 : i32
      %parallel_loop3A_97 = arith.constant 128 : i32
      %parallel_loop3A_98 = arith.constant 1 : i32
      scf.for %parallel_loop3A_138 = %parallel_loop3A_96 to %parallel_loop3A_97 step %parallel_loop3A_98  : i32 {
        %parallel_loop3A_139 = arith.constant 0 : i32
        %parallel_loop3A_140 = vector.broadcast %parallel_loop3A_139 : i32 to vector<16xi32>
        %parallel_loop3A_141 = vector.broadcast %parallel_loop3A_138 : i32 to vector<16xi32>
        %parallel_loop3A_142 = arith.addi %parallel_loop3A_140, %parallel_loop3A_141 : vector<16xi32>
        %parallel_loop3A_143 = tpu.vector_load_idx %arg16[%parallel_loop3A_142] : memref<128xf32, #tpu.memory_space<vmem>>[vector<16xi32>], vector<16xf32>,
        %parallel_loop3A_144 = arith.index_cast %parallel_loop3A_138 : i32 to index
        %parallel_loop3A_145 = arith.constant 0 : index
        %parallel_loop3A_146 = tpu.vector_load %arg20[%parallel_loop3A_144, %parallel_loop3A_145] {strides = array<i32>} : memref<128x128xf32, #tpu.memory_space<vmem>>, vector<16xf32>,
        %parallel_loop3A_147 = arith.mulf %parallel_loop3A_146, %parallel_loop3A_143 : vector<16xf32>
        %parallel_loop3A_148 = arith.index_cast %parallel_loop3A_138 : i32 to index
        %parallel_loop3A_149 = arith.constant 0 : index
        %parallel_loop3A_150 = tpu.vector_load %arg20[%parallel_loop3A_148, %parallel_loop3A_149] {strides = array<i32>} : memref<128x128xf32, #tpu.memory_space<vmem>>, vector<16xf32>,
        tpu.vector_store %arg20[%parallel_loop3A_148, %parallel_loop3A_149], %parallel_loop3A_147 {strides = array<i32>} : memref<128x128xf32, #tpu.memory_space<vmem>>, vector<16xf32>,
        %parallel_loop3A_151 = arith.index_cast %parallel_loop3A_138 : i32 to index
        %parallel_loop3A_152 = arith.constant 16 : index
        %parallel_loop3A_153 = tpu.vector_load %arg20[%parallel_loop3A_151, %parallel_loop3A_152] {strides = array<i32>} : memref<128x128xf32, #tpu.memory_space<vmem>>, vector<16xf32>,
        %parallel_loop3A_154 = arith.mulf %parallel_loop3A_153, %parallel_loop3A_143 : vector<16xf32>
        %parallel_loop3A_155 = arith.index_cast %parallel_loop3A_138 : i32 to index
        %parallel_loop3A_156 = arith.constant 16 : index
        %parallel_loop3A_157 = tpu.vector_load %arg20[%parallel_loop3A_155, %parallel_loop3A_156] {strides = array<i32>} : memref<128x128xf32, #tpu.memory_space<vmem>>, vector<16xf32>,
        tpu.vector_store %arg20[%parallel_loop3A_155, %parallel_loop3A_156], %parallel_loop3A_154 {strides = array<i32>} : memref<128x128xf32, #tpu.memory_space<vmem>>, vector<16xf32>,
        %parallel_loop3A_158 = arith.index_cast %parallel_loop3A_138 : i32 to index
        %parallel_loop3A_159 = arith.constant 32 : index
        %parallel_loop3A_160 = tpu.vector_load %arg20[%parallel_loop3A_158, %parallel_loop3A_159] {strides = array<i32>} : memref<128x128xf32, #tpu.memory_space<vmem>>, vector<16xf32>,
        %parallel_loop3A_161 = arith.mulf %parallel_loop3A_160, %parallel_loop3A_143 : vector<16xf32>
        %parallel_loop3A_162 = arith.index_cast %parallel_loop3A_138 : i32 to index
        %parallel_loop3A_163 = arith.constant 32 : index
        %parallel_loop3A_164 = tpu.vector_load %arg20[%parallel_loop3A_162, %parallel_loop3A_163] {strides = array<i32>} : memref<128x128xf32, #tpu.memory_space<vmem>>, vector<16xf32>,
        tpu.vector_store %arg20[%parallel_loop3A_162, %parallel_loop3A_163], %parallel_loop3A_161 {strides = array<i32>} : memref<128x128xf32, #tpu.memory_space<vmem>>, vector<16xf32>,
        %parallel_loop3A_165 = arith.index_cast %parallel_loop3A_138 : i32 to index
        %parallel_loop3A_166 = arith.constant 48 : index
        %parallel_loop3A_167 = tpu.vector_load %arg20[%parallel_loop3A_165, %parallel_loop3A_166] {strides = array<i32>} : memref<128x128xf32, #tpu.memory_space<vmem>>, vector<16xf32>,
        %parallel_loop3A_168 = arith.mulf %parallel_loop3A_167, %parallel_loop3A_143 : vector<16xf32>
        %parallel_loop3A_169 = arith.index_cast %parallel_loop3A_138 : i32 to index
        %parallel_loop3A_170 = arith.constant 48 : index
        %parallel_loop3A_171 = tpu.vector_load %arg20[%parallel_loop3A_169, %parallel_loop3A_170] {strides = array<i32>} : memref<128x128xf32, #tpu.memory_space<vmem>>, vector<16xf32>,
        tpu.vector_store %arg20[%parallel_loop3A_169, %parallel_loop3A_170], %parallel_loop3A_168 {strides = array<i32>} : memref<128x128xf32, #tpu.memory_space<vmem>>, vector<16xf32>,
        %parallel_loop3A_172 = arith.index_cast %parallel_loop3A_138 : i32 to index
        %parallel_loop3A_173 = arith.constant 64 : index
        %parallel_loop3A_174 = tpu.vector_load %arg20[%parallel_loop3A_172, %parallel_loop3A_173] {strides = array<i32>} : memref<128x128xf32, #tpu.memory_space<vmem>>, vector<16xf32>,
        %parallel_loop3A_175 = arith.mulf %parallel_loop3A_174, %parallel_loop3A_143 : vector<16xf32>
        %parallel_loop3A_176 = arith.index_cast %parallel_loop3A_138 : i32 to index
        %parallel_loop3A_177 = arith.constant 64 : index
        %parallel_loop3A_178 = tpu.vector_load %arg20[%parallel_loop3A_176, %parallel_loop3A_177] {strides = array<i32>} : memref<128x128xf32, #tpu.memory_space<vmem>>, vector<16xf32>,
        tpu.vector_store %arg20[%parallel_loop3A_176, %parallel_loop3A_177], %parallel_loop3A_175 {strides = array<i32>} : memref<128x128xf32, #tpu.memory_space<vmem>>, vector<16xf32>,
        %parallel_loop3A_179 = arith.index_cast %parallel_loop3A_138 : i32 to index
        %parallel_loop3A_180 = arith.constant 80 : index
        %parallel_loop3A_181 = tpu.vector_load %arg20[%parallel_loop3A_179, %parallel_loop3A_180] {strides = array<i32>} : memref<128x128xf32, #tpu.memory_space<vmem>>, vector<16xf32>,
        %parallel_loop3A_182 = arith.mulf %parallel_loop3A_181, %parallel_loop3A_143 : vector<16xf32>
        %parallel_loop3A_183 = arith.index_cast %parallel_loop3A_138 : i32 to index
        %parallel_loop3A_184 = arith.constant 80 : index
        %parallel_loop3A_185 = tpu.vector_load %arg20[%parallel_loop3A_183, %parallel_loop3A_184] {strides = array<i32>} : memref<128x128xf32, #tpu.memory_space<vmem>>, vector<16xf32>,
        tpu.vector_store %arg20[%parallel_loop3A_183, %parallel_loop3A_184], %parallel_loop3A_182 {strides = array<i32>} : memref<128x128xf32, #tpu.memory_space<vmem>>, vector<16xf32>,
        %parallel_loop3A_186 = arith.index_cast %parallel_loop3A_138 : i32 to index
        %parallel_loop3A_187 = arith.constant 96 : index
        %parallel_loop3A_188 = tpu.vector_load %arg20[%parallel_loop3A_186, %parallel_loop3A_187] {strides = array<i32>} : memref<128x128xf32, #tpu.memory_space<vmem>>, vector<16xf32>,
        %parallel_loop3A_189 = arith.mulf %parallel_loop3A_188, %parallel_loop3A_143 : vector<16xf32>
        %parallel_loop3A_190 = arith.index_cast %parallel_loop3A_138 : i32 to index
        %parallel_loop3A_191 = arith.constant 96 : index
        %parallel_loop3A_192 = tpu.vector_load %arg20[%parallel_loop3A_190, %parallel_loop3A_191] {strides = array<i32>} : memref<128x128xf32, #tpu.memory_space<vmem>>, vector<16xf32>,
        tpu.vector_store %arg20[%parallel_loop3A_190, %parallel_loop3A_191], %parallel_loop3A_189 {strides = array<i32>} : memref<128x128xf32, #tpu.memory_space<vmem>>, vector<16xf32>,
        %parallel_loop3A_193 = arith.index_cast %parallel_loop3A_138 : i32 to index
        %parallel_loop3A_194 = arith.constant 112 : index
        %parallel_loop3A_195 = tpu.vector_load %arg20[%parallel_loop3A_193, %parallel_loop3A_194] {strides = array<i32>} : memref<128x128xf32, #tpu.memory_space<vmem>>, vector<16xf32>,
        %parallel_loop3A_196 = arith.mulf %parallel_loop3A_195, %parallel_loop3A_143 : vector<16xf32>
        %parallel_loop3A_197 = arith.index_cast %parallel_loop3A_138 : i32 to index
        %parallel_loop3A_198 = arith.constant 112 : index
        %parallel_loop3A_199 = tpu.vector_load %arg20[%parallel_loop3A_197, %parallel_loop3A_198] {strides = array<i32>} : memref<128x128xf32, #tpu.memory_space<vmem>>, vector<16xf32>,
        tpu.vector_store %arg20[%parallel_loop3A_197, %parallel_loop3A_198], %parallel_loop3A_196 {strides = array<i32>} : memref<128x128xf32, #tpu.memory_space<vmem>>, vector<16xf32>,
      } {sc.loop_unroll_factor = 4 : i64, sc.parallel_access}
      %dma_start3A_99 = arith.constant 0 : i32
      %dma_start3A_100 = arith.constant 0 : i32
      %dma_start3A_101 = tpu.memref_slice %arg21[%dma_start3A_99, %dma_start3A_100] : memref<10240x128xf32, #tpu.memory_space<vmem_shared>> -> memref<10240x128xf32, #tpu.memory_space<vmem_shared>>
      tpu.enqueue_indirect_dma source(%arg20 : memref<128x128xf32, #tpu.memory_space<vmem>>) target(%dma_start3A_101 : memref<10240x128xf32, #tpu.memory_space<vmem_shared>>) offsets(%arg12 : memref<128xi32, #tpu.memory_space<vmem>>) semaphore(%arg29 : memref<!tpu.dma_semaphore, #tpu.memory_space<semaphore_mem>>) {add = true}
      %add3A_102 = arith.constant 2 : i32
      %add3A_103 = arith.addi %add3A_69, %add3A_102 : i32
      %dma_wait3A_104 = arith.constant 0 : i32
      %dma_wait3A_105 = arith.constant 0 : i32
      %dma_wait3A_106 = tpu.memref_slice %arg2[%dma_wait3A_104, %dma_wait3A_105] : memref<10240x128xf32, #tpu.memory_space<hbm>> -> memref<10240x128xf32, #tpu.memory_space<hbm>>
      tpu.wait_indirect_dma semaphore(%arg26 : memref<!tpu.dma_semaphore, #tpu.memory_space<semaphore_mem>>) src(%dma_wait3A_106 : memref<10240x128xf32, #tpu.memory_space<hbm>>) dst(%arg19 : memref<128x128xf32, #tpu.memory_space<vmem>>)
      %add3A_107 = arith.constant 1 : i32
      %add3A_108 = arith.addi %add3A_103, %add3A_107 : i32
      %lt3A_109 = arith.constant 84 : i32
      %lt3A_110 = arith.cmpi slt, %add3A_108, %lt3A_109 : i32
      %convert_element_type3A_111 = arith.extui %lt3A_110 : i1 to i32
      %cond3A_112 = arith.constant 0 : i32
      %cond3A_113 = arith.cmpi ne, %convert_element_type3A_111, %cond3A_112 : i32
      scf.if %cond3A_113 {
        %ge3A = arith.constant 1 : i32
        %ge3A_138 = arith.cmpi sge, %add3A_103, %ge3A : i32
        %convert_element_type3A_139 = arith.extui %ge3A_138 : i1 to i32
        %cond3A_140 = arith.constant 0 : i32
        %cond3A_141 = arith.cmpi ne, %convert_element_type3A_139, %cond3A_140 : i32
        scf.if %cond3A_141 {
          %dma_wait3A_163 = arith.constant 0 : i32
          %dma_wait3A_164 = arith.constant 0 : i32
          %dma_wait3A_165 = tpu.memref_slice %arg21[%dma_wait3A_163, %dma_wait3A_164] : memref<10240x128xf32, #tpu.memory_space<vmem_shared>> -> memref<10240x128xf32, #tpu.memory_space<vmem_shared>>
          tpu.wait_indirect_dma semaphore(%arg29 : memref<!tpu.dma_semaphore, #tpu.memory_space<semaphore_mem>>) src(%arg20 : memref<128x128xf32, #tpu.memory_space<vmem>>) dst(%dma_wait3A_165 : memref<10240x128xf32, #tpu.memory_space<vmem_shared>>)
        } else {
        }
        %add3A_142 = arith.constant 1 : i32
        %add3A_143 = arith.addi %add3A_103, %add3A_142 : i32
        %mul3A_144 = arith.constant 128 : i32
        %mul3A_145 = arith.muli %add3A_143, %mul3A_144 : i32
        %add3A_146 = arith.addi %mul3A_2, %mul3A_145 : i32
        %dma_wait3A_147 = tpu.memref_slice %arg3[%add3A_146] : memref<344064xi32, #tpu.memory_space<hbm>> -> memref<128xi32, #tpu.memory_space<hbm>>
        %dma_wait3A_148 = tpu.memref_slice %arg3[%add3A_146] : memref<344064xi32, #tpu.memory_space<hbm>> -> memref<128xi32, #tpu.memory_space<hbm>>
        tpu.wait_dma2 semaphore(%arg25 : memref<!tpu.dma_semaphore, #tpu.memory_space<semaphore_mem>>) src(%dma_wait3A_148 : memref<128xi32, #tpu.memory_space<hbm>>) dst(%arg10 : memref<128xi32, #tpu.memory_space<vmem>>)
        %dma_wait3A_149 = tpu.memref_slice %arg4[%add3A_146] : memref<344064xi32, #tpu.memory_space<hbm>> -> memref<128xi32, #tpu.memory_space<hbm>>
        %dma_wait3A_150 = tpu.memref_slice %arg4[%add3A_146] : memref<344064xi32, #tpu.memory_space<hbm>> -> memref<128xi32, #tpu.memory_space<hbm>>
        tpu.wait_dma2 semaphore(%arg25 : memref<!tpu.dma_semaphore, #tpu.memory_space<semaphore_mem>>) src(%dma_wait3A_150 : memref<128xi32, #tpu.memory_space<hbm>>) dst(%arg14 : memref<128xi32, #tpu.memory_space<vmem>>)
        %dma_wait3A_151 = tpu.memref_slice %arg5[%add3A_146] : memref<344064xf32, #tpu.memory_space<hbm>> -> memref<128xf32, #tpu.memory_space<hbm>>
        %dma_wait3A_152 = tpu.memref_slice %arg5[%add3A_146] : memref<344064xf32, #tpu.memory_space<hbm>> -> memref<128xf32, #tpu.memory_space<hbm>>
        tpu.wait_dma2 semaphore(%arg25 : memref<!tpu.dma_semaphore, #tpu.memory_space<semaphore_mem>>) src(%dma_wait3A_152 : memref<128xf32, #tpu.memory_space<hbm>>) dst(%arg18 : memref<128xf32, #tpu.memory_space<vmem>>)
        %dma_start3A_153 = arith.constant 0 : i32
        %dma_start3A_154 = arith.constant 0 : i32
        %dma_start3A_155 = tpu.memref_slice %arg2[%dma_start3A_153, %dma_start3A_154] : memref<10240x128xf32, #tpu.memory_space<hbm>> -> memref<10240x128xf32, #tpu.memory_space<hbm>>
        tpu.enqueue_indirect_dma source(%dma_start3A_155 : memref<10240x128xf32, #tpu.memory_space<hbm>>) target(%arg20 : memref<128x128xf32, #tpu.memory_space<vmem>>) offsets(%arg10 : memref<128xi32, #tpu.memory_space<vmem>>) semaphore(%arg27 : memref<!tpu.dma_semaphore, #tpu.memory_space<semaphore_mem>>)
        %add3A_156 = arith.constant 3 : i32
        %add3A_157 = arith.addi %add3A_103, %add3A_156 : i32
        %lt3A_158 = arith.constant 84 : i32
        %lt3A_159 = arith.cmpi slt, %add3A_157, %lt3A_158 : i32
        %convert_element_type3A_160 = arith.extui %lt3A_159 : i1 to i32
        %cond3A_161 = arith.constant 0 : i32
        %cond3A_162 = arith.cmpi ne, %convert_element_type3A_160, %cond3A_161 : i32
        scf.if %cond3A_162 {
          %add3A_163 = arith.constant 3 : i32
          %add3A_164 = arith.addi %add3A_103, %add3A_163 : i32
          %mul3A_165 = arith.constant 128 : i32
          %mul3A_166 = arith.muli %add3A_164, %mul3A_165 : i32
          %add3A_167 = arith.addi %mul3A_2, %mul3A_166 : i32
          %dma_start3A_168 = tpu.memref_slice %arg3[%add3A_167] : memref<344064xi32, #tpu.memory_space<hbm>> -> memref<128xi32, #tpu.memory_space<hbm>>
          %dma_start3A_169 = tpu.memref_slice %arg3[%add3A_167] : memref<344064xi32, #tpu.memory_space<hbm>> -> memref<128xi32, #tpu.memory_space<hbm>>
          tpu.enqueue_dma source(%dma_start3A_169 : memref<128xi32, #tpu.memory_space<hbm>>) target(%arg8 : memref<128xi32, #tpu.memory_space<vmem>>) target_semaphore(%arg23 : memref<!tpu.dma_semaphore, #tpu.memory_space<semaphore_mem>>)
          %dma_start3A_170 = tpu.memref_slice %arg4[%add3A_167] : memref<344064xi32, #tpu.memory_space<hbm>> -> memref<128xi32, #tpu.memory_space<hbm>>
          %dma_start3A_171 = tpu.memref_slice %arg4[%add3A_167] : memref<344064xi32, #tpu.memory_space<hbm>> -> memref<128xi32, #tpu.memory_space<hbm>>
          tpu.enqueue_dma source(%dma_start3A_171 : memref<128xi32, #tpu.memory_space<hbm>>) target(%arg12 : memref<128xi32, #tpu.memory_space<vmem>>) target_semaphore(%arg23 : memref<!tpu.dma_semaphore, #tpu.memory_space<semaphore_mem>>)
          %dma_start3A_172 = tpu.memref_slice %arg5[%add3A_167] : memref<344064xf32, #tpu.memory_space<hbm>> -> memref<128xf32, #tpu.memory_space<hbm>>
          %dma_start3A_173 = tpu.memref_slice %arg5[%add3A_167] : memref<344064xf32, #tpu.memory_space<hbm>> -> memref<128xf32, #tpu.memory_space<hbm>>
          tpu.enqueue_dma source(%dma_start3A_173 : memref<128xf32, #tpu.memory_space<hbm>>) target(%arg16 : memref<128xf32, #tpu.memory_space<vmem>>) target_semaphore(%arg23 : memref<!tpu.dma_semaphore, #tpu.memory_space<semaphore_mem>>)
        } else {
        }
      } else {
      }
      %parallel_loop3A_114 = arith.constant 0 : i32
      %parallel_loop3A_115 = arith.constant 128 : i32
      %parallel_loop3A_116 = arith.constant 1 : i32
      scf.for %parallel_loop3A_138 = %parallel_loop3A_114 to %parallel_loop3A_115 step %parallel_loop3A_116  : i32 {
        %parallel_loop3A_139 = arith.constant 0 : i32
        %parallel_loop3A_140 = vector.broadcast %parallel_loop3A_139 : i32 to vector<16xi32>
        %parallel_loop3A_141 = vector.broadcast %parallel_loop3A_138 : i32 to vector<16xi32>
        %parallel_loop3A_142 = arith.addi %parallel_loop3A_140, %parallel_loop3A_141 : vector<16xi32>
        %parallel_loop3A_143 = tpu.vector_load_idx %arg17[%parallel_loop3A_142] : memref<128xf32, #tpu.memory_space<vmem>>[vector<16xi32>], vector<16xf32>,
        %parallel_loop3A_144 = arith.index_cast %parallel_loop3A_138 : i32 to index
        %parallel_loop3A_145 = arith.constant 0 : index
        %parallel_loop3A_146 = tpu.vector_load %arg19[%parallel_loop3A_144, %parallel_loop3A_145] {strides = array<i32>} : memref<128x128xf32, #tpu.memory_space<vmem>>, vector<16xf32>,
        %parallel_loop3A_147 = arith.mulf %parallel_loop3A_146, %parallel_loop3A_143 : vector<16xf32>
        %parallel_loop3A_148 = arith.index_cast %parallel_loop3A_138 : i32 to index
        %parallel_loop3A_149 = arith.constant 0 : index
        %parallel_loop3A_150 = tpu.vector_load %arg19[%parallel_loop3A_148, %parallel_loop3A_149] {strides = array<i32>} : memref<128x128xf32, #tpu.memory_space<vmem>>, vector<16xf32>,
        tpu.vector_store %arg19[%parallel_loop3A_148, %parallel_loop3A_149], %parallel_loop3A_147 {strides = array<i32>} : memref<128x128xf32, #tpu.memory_space<vmem>>, vector<16xf32>,
        %parallel_loop3A_151 = arith.index_cast %parallel_loop3A_138 : i32 to index
        %parallel_loop3A_152 = arith.constant 16 : index
        %parallel_loop3A_153 = tpu.vector_load %arg19[%parallel_loop3A_151, %parallel_loop3A_152] {strides = array<i32>} : memref<128x128xf32, #tpu.memory_space<vmem>>, vector<16xf32>,
        %parallel_loop3A_154 = arith.mulf %parallel_loop3A_153, %parallel_loop3A_143 : vector<16xf32>
        %parallel_loop3A_155 = arith.index_cast %parallel_loop3A_138 : i32 to index
        %parallel_loop3A_156 = arith.constant 16 : index
        %parallel_loop3A_157 = tpu.vector_load %arg19[%parallel_loop3A_155, %parallel_loop3A_156] {strides = array<i32>} : memref<128x128xf32, #tpu.memory_space<vmem>>, vector<16xf32>,
        tpu.vector_store %arg19[%parallel_loop3A_155, %parallel_loop3A_156], %parallel_loop3A_154 {strides = array<i32>} : memref<128x128xf32, #tpu.memory_space<vmem>>, vector<16xf32>,
        %parallel_loop3A_158 = arith.index_cast %parallel_loop3A_138 : i32 to index
        %parallel_loop3A_159 = arith.constant 32 : index
        %parallel_loop3A_160 = tpu.vector_load %arg19[%parallel_loop3A_158, %parallel_loop3A_159] {strides = array<i32>} : memref<128x128xf32, #tpu.memory_space<vmem>>, vector<16xf32>,
        %parallel_loop3A_161 = arith.mulf %parallel_loop3A_160, %parallel_loop3A_143 : vector<16xf32>
        %parallel_loop3A_162 = arith.index_cast %parallel_loop3A_138 : i32 to index
        %parallel_loop3A_163 = arith.constant 32 : index
        %parallel_loop3A_164 = tpu.vector_load %arg19[%parallel_loop3A_162, %parallel_loop3A_163] {strides = array<i32>} : memref<128x128xf32, #tpu.memory_space<vmem>>, vector<16xf32>,
        tpu.vector_store %arg19[%parallel_loop3A_162, %parallel_loop3A_163], %parallel_loop3A_161 {strides = array<i32>} : memref<128x128xf32, #tpu.memory_space<vmem>>, vector<16xf32>,
        %parallel_loop3A_165 = arith.index_cast %parallel_loop3A_138 : i32 to index
        %parallel_loop3A_166 = arith.constant 48 : index
        %parallel_loop3A_167 = tpu.vector_load %arg19[%parallel_loop3A_165, %parallel_loop3A_166] {strides = array<i32>} : memref<128x128xf32, #tpu.memory_space<vmem>>, vector<16xf32>,
        %parallel_loop3A_168 = arith.mulf %parallel_loop3A_167, %parallel_loop3A_143 : vector<16xf32>
        %parallel_loop3A_169 = arith.index_cast %parallel_loop3A_138 : i32 to index
        %parallel_loop3A_170 = arith.constant 48 : index
        %parallel_loop3A_171 = tpu.vector_load %arg19[%parallel_loop3A_169, %parallel_loop3A_170] {strides = array<i32>} : memref<128x128xf32, #tpu.memory_space<vmem>>, vector<16xf32>,
        tpu.vector_store %arg19[%parallel_loop3A_169, %parallel_loop3A_170], %parallel_loop3A_168 {strides = array<i32>} : memref<128x128xf32, #tpu.memory_space<vmem>>, vector<16xf32>,
        %parallel_loop3A_172 = arith.index_cast %parallel_loop3A_138 : i32 to index
        %parallel_loop3A_173 = arith.constant 64 : index
        %parallel_loop3A_174 = tpu.vector_load %arg19[%parallel_loop3A_172, %parallel_loop3A_173] {strides = array<i32>} : memref<128x128xf32, #tpu.memory_space<vmem>>, vector<16xf32>,
        %parallel_loop3A_175 = arith.mulf %parallel_loop3A_174, %parallel_loop3A_143 : vector<16xf32>
        %parallel_loop3A_176 = arith.index_cast %parallel_loop3A_138 : i32 to index
        %parallel_loop3A_177 = arith.constant 64 : index
        %parallel_loop3A_178 = tpu.vector_load %arg19[%parallel_loop3A_176, %parallel_loop3A_177] {strides = array<i32>} : memref<128x128xf32, #tpu.memory_space<vmem>>, vector<16xf32>,
        tpu.vector_store %arg19[%parallel_loop3A_176, %parallel_loop3A_177], %parallel_loop3A_175 {strides = array<i32>} : memref<128x128xf32, #tpu.memory_space<vmem>>, vector<16xf32>,
        %parallel_loop3A_179 = arith.index_cast %parallel_loop3A_138 : i32 to index
        %parallel_loop3A_180 = arith.constant 80 : index
        %parallel_loop3A_181 = tpu.vector_load %arg19[%parallel_loop3A_179, %parallel_loop3A_180] {strides = array<i32>} : memref<128x128xf32, #tpu.memory_space<vmem>>, vector<16xf32>,
        %parallel_loop3A_182 = arith.mulf %parallel_loop3A_181, %parallel_loop3A_143 : vector<16xf32>
        %parallel_loop3A_183 = arith.index_cast %parallel_loop3A_138 : i32 to index
        %parallel_loop3A_184 = arith.constant 80 : index
        %parallel_loop3A_185 = tpu.vector_load %arg19[%parallel_loop3A_183, %parallel_loop3A_184] {strides = array<i32>} : memref<128x128xf32, #tpu.memory_space<vmem>>, vector<16xf32>,
        tpu.vector_store %arg19[%parallel_loop3A_183, %parallel_loop3A_184], %parallel_loop3A_182 {strides = array<i32>} : memref<128x128xf32, #tpu.memory_space<vmem>>, vector<16xf32>,
        %parallel_loop3A_186 = arith.index_cast %parallel_loop3A_138 : i32 to index
        %parallel_loop3A_187 = arith.constant 96 : index
        %parallel_loop3A_188 = tpu.vector_load %arg19[%parallel_loop3A_186, %parallel_loop3A_187] {strides = array<i32>} : memref<128x128xf32, #tpu.memory_space<vmem>>, vector<16xf32>,
        %parallel_loop3A_189 = arith.mulf %parallel_loop3A_188, %parallel_loop3A_143 : vector<16xf32>
        %parallel_loop3A_190 = arith.index_cast %parallel_loop3A_138 : i32 to index
        %parallel_loop3A_191 = arith.constant 96 : index
        %parallel_loop3A_192 = tpu.vector_load %arg19[%parallel_loop3A_190, %parallel_loop3A_191] {strides = array<i32>} : memref<128x128xf32, #tpu.memory_space<vmem>>, vector<16xf32>,
        tpu.vector_store %arg19[%parallel_loop3A_190, %parallel_loop3A_191], %parallel_loop3A_189 {strides = array<i32>} : memref<128x128xf32, #tpu.memory_space<vmem>>, vector<16xf32>,
        %parallel_loop3A_193 = arith.index_cast %parallel_loop3A_138 : i32 to index
        %parallel_loop3A_194 = arith.constant 112 : index
        %parallel_loop3A_195 = tpu.vector_load %arg19[%parallel_loop3A_193, %parallel_loop3A_194] {strides = array<i32>} : memref<128x128xf32, #tpu.memory_space<vmem>>, vector<16xf32>,
        %parallel_loop3A_196 = arith.mulf %parallel_loop3A_195, %parallel_loop3A_143 : vector<16xf32>
        %parallel_loop3A_197 = arith.index_cast %parallel_loop3A_138 : i32 to index
        %parallel_loop3A_198 = arith.constant 112 : index
        %parallel_loop3A_199 = tpu.vector_load %arg19[%parallel_loop3A_197, %parallel_loop3A_198] {strides = array<i32>} : memref<128x128xf32, #tpu.memory_space<vmem>>, vector<16xf32>,
        tpu.vector_store %arg19[%parallel_loop3A_197, %parallel_loop3A_198], %parallel_loop3A_196 {strides = array<i32>} : memref<128x128xf32, #tpu.memory_space<vmem>>, vector<16xf32>,
      } {sc.loop_unroll_factor = 4 : i64, sc.parallel_access}
      %dma_start3A_117 = arith.constant 0 : i32
      %dma_start3A_118 = arith.constant 0 : i32
      %dma_start3A_119 = tpu.memref_slice %arg21[%dma_start3A_117, %dma_start3A_118] : memref<10240x128xf32, #tpu.memory_space<vmem_shared>> -> memref<10240x128xf32, #tpu.memory_space<vmem_shared>>
      tpu.enqueue_indirect_dma source(%arg19 : memref<128x128xf32, #tpu.memory_space<vmem>>) target(%dma_start3A_119 : memref<10240x128xf32, #tpu.memory_space<vmem_shared>>) offsets(%arg13 : memref<128xi32, #tpu.memory_space<vmem>>) semaphore(%arg28 : memref<!tpu.dma_semaphore, #tpu.memory_space<semaphore_mem>>) {add = true}
      %add3A_120 = arith.constant 3 : i32
      %add3A_121 = arith.addi %add3A_69, %add3A_120 : i32
      %dma_wait3A_122 = arith.constant 0 : i32
      %dma_wait3A_123 = arith.constant 0 : i32
      %dma_wait3A_124 = tpu.memref_slice %arg2[%dma_wait3A_122, %dma_wait3A_123] : memref<10240x128xf32, #tpu.memory_space<hbm>> -> memref<10240x128xf32, #tpu.memory_space<hbm>>
      tpu.wait_indirect_dma semaphore(%arg27 : memref<!tpu.dma_semaphore, #tpu.memory_space<semaphore_mem>>) src(%dma_wait3A_124 : memref<10240x128xf32, #tpu.memory_space<hbm>>) dst(%arg20 : memref<128x128xf32, #tpu.memory_space<vmem>>)
      %add3A_125 = arith.constant 1 : i32
      %add3A_126 = arith.addi %add3A_121, %add3A_125 : i32
      %lt3A_127 = arith.constant 84 : i32
      %lt3A_128 = arith.cmpi slt, %add3A_126, %lt3A_127 : i32
      %convert_element_type3A_129 = arith.extui %lt3A_128 : i1 to i32
      %cond3A_130 = arith.constant 0 : i32
      %cond3A_131 = arith.cmpi ne, %convert_element_type3A_129, %cond3A_130 : i32
      scf.if %cond3A_131 {
        %ge3A = arith.constant 1 : i32
        %ge3A_138 = arith.cmpi sge, %add3A_121, %ge3A : i32
        %convert_element_type3A_139 = arith.extui %ge3A_138 : i1 to i32
        %cond3A_140 = arith.constant 0 : i32
        %cond3A_141 = arith.cmpi ne, %convert_element_type3A_139, %cond3A_140 : i32
        scf.if %cond3A_141 {
          %dma_wait3A_163 = arith.constant 0 : i32
          %dma_wait3A_164 = arith.constant 0 : i32
          %dma_wait3A_165 = tpu.memref_slice %arg21[%dma_wait3A_163, %dma_wait3A_164] : memref<10240x128xf32, #tpu.memory_space<vmem_shared>> -> memref<10240x128xf32, #tpu.memory_space<vmem_shared>>
          tpu.wait_indirect_dma semaphore(%arg28 : memref<!tpu.dma_semaphore, #tpu.memory_space<semaphore_mem>>) src(%arg19 : memref<128x128xf32, #tpu.memory_space<vmem>>) dst(%dma_wait3A_165 : memref<10240x128xf32, #tpu.memory_space<vmem_shared>>)
        } else {
        }
        %add3A_142 = arith.constant 1 : i32
        %add3A_143 = arith.addi %add3A_121, %add3A_142 : i32
        %mul3A_144 = arith.constant 128 : i32
        %mul3A_145 = arith.muli %add3A_143, %mul3A_144 : i32
        %add3A_146 = arith.addi %mul3A_2, %mul3A_145 : i32
        %dma_wait3A_147 = tpu.memref_slice %arg3[%add3A_146] : memref<344064xi32, #tpu.memory_space<hbm>> -> memref<128xi32, #tpu.memory_space<hbm>>
        %dma_wait3A_148 = tpu.memref_slice %arg3[%add3A_146] : memref<344064xi32, #tpu.memory_space<hbm>> -> memref<128xi32, #tpu.memory_space<hbm>>
        tpu.wait_dma2 semaphore(%arg22 : memref<!tpu.dma_semaphore, #tpu.memory_space<semaphore_mem>>) src(%dma_wait3A_148 : memref<128xi32, #tpu.memory_space<hbm>>) dst(%arg7 : memref<128xi32, #tpu.memory_space<vmem>>)
        %dma_wait3A_149 = tpu.memref_slice %arg4[%add3A_146] : memref<344064xi32, #tpu.memory_space<hbm>> -> memref<128xi32, #tpu.memory_space<hbm>>
        %dma_wait3A_150 = tpu.memref_slice %arg4[%add3A_146] : memref<344064xi32, #tpu.memory_space<hbm>> -> memref<128xi32, #tpu.memory_space<hbm>>
        tpu.wait_dma2 semaphore(%arg22 : memref<!tpu.dma_semaphore, #tpu.memory_space<semaphore_mem>>) src(%dma_wait3A_150 : memref<128xi32, #tpu.memory_space<hbm>>) dst(%arg11 : memref<128xi32, #tpu.memory_space<vmem>>)
        %dma_wait3A_151 = tpu.memref_slice %arg5[%add3A_146] : memref<344064xf32, #tpu.memory_space<hbm>> -> memref<128xf32, #tpu.memory_space<hbm>>
        %dma_wait3A_152 = tpu.memref_slice %arg5[%add3A_146] : memref<344064xf32, #tpu.memory_space<hbm>> -> memref<128xf32, #tpu.memory_space<hbm>>
        tpu.wait_dma2 semaphore(%arg22 : memref<!tpu.dma_semaphore, #tpu.memory_space<semaphore_mem>>) src(%dma_wait3A_152 : memref<128xf32, #tpu.memory_space<hbm>>) dst(%arg15 : memref<128xf32, #tpu.memory_space<vmem>>)
        %dma_start3A_153 = arith.constant 0 : i32
        %dma_start3A_154 = arith.constant 0 : i32
        %dma_start3A_155 = tpu.memref_slice %arg2[%dma_start3A_153, %dma_start3A_154] : memref<10240x128xf32, #tpu.memory_space<hbm>> -> memref<10240x128xf32, #tpu.memory_space<hbm>>
        tpu.enqueue_indirect_dma source(%dma_start3A_155 : memref<10240x128xf32, #tpu.memory_space<hbm>>) target(%arg19 : memref<128x128xf32, #tpu.memory_space<vmem>>) offsets(%arg7 : memref<128xi32, #tpu.memory_space<vmem>>) semaphore(%arg26 : memref<!tpu.dma_semaphore, #tpu.memory_space<semaphore_mem>>)
        %add3A_156 = arith.constant 3 : i32
        %add3A_157 = arith.addi %add3A_121, %add3A_156 : i32
        %lt3A_158 = arith.constant 84 : i32
        %lt3A_159 = arith.cmpi slt, %add3A_157, %lt3A_158 : i32
        %convert_element_type3A_160 = arith.extui %lt3A_159 : i1 to i32
        %cond3A_161 = arith.constant 0 : i32
        %cond3A_162 = arith.cmpi ne, %convert_element_type3A_160, %cond3A_161 : i32
        scf.if %cond3A_162 {
          %add3A_163 = arith.constant 3 : i32
          %add3A_164 = arith.addi %add3A_121, %add3A_163 : i32
          %mul3A_165 = arith.constant 128 : i32
          %mul3A_166 = arith.muli %add3A_164, %mul3A_165 : i32
          %add3A_167 = arith.addi %mul3A_2, %mul3A_166 : i32
          %dma_start3A_168 = tpu.memref_slice %arg3[%add3A_167] : memref<344064xi32, #tpu.memory_space<hbm>> -> memref<128xi32, #tpu.memory_space<hbm>>
          %dma_start3A_169 = tpu.memref_slice %arg3[%add3A_167] : memref<344064xi32, #tpu.memory_space<hbm>> -> memref<128xi32, #tpu.memory_space<hbm>>
          tpu.enqueue_dma source(%dma_start3A_169 : memref<128xi32, #tpu.memory_space<hbm>>) target(%arg9 : memref<128xi32, #tpu.memory_space<vmem>>) target_semaphore(%arg24 : memref<!tpu.dma_semaphore, #tpu.memory_space<semaphore_mem>>)
          %dma_start3A_170 = tpu.memref_slice %arg4[%add3A_167] : memref<344064xi32, #tpu.memory_space<hbm>> -> memref<128xi32, #tpu.memory_space<hbm>>
          %dma_start3A_171 = tpu.memref_slice %arg4[%add3A_167] : memref<344064xi32, #tpu.memory_space<hbm>> -> memref<128xi32, #tpu.memory_space<hbm>>
          tpu.enqueue_dma source(%dma_start3A_171 : memref<128xi32, #tpu.memory_space<hbm>>) target(%arg13 : memref<128xi32, #tpu.memory_space<vmem>>) target_semaphore(%arg24 : memref<!tpu.dma_semaphore, #tpu.memory_space<semaphore_mem>>)
          %dma_start3A_172 = tpu.memref_slice %arg5[%add3A_167] : memref<344064xf32, #tpu.memory_space<hbm>> -> memref<128xf32, #tpu.memory_space<hbm>>
          %dma_start3A_173 = tpu.memref_slice %arg5[%add3A_167] : memref<344064xf32, #tpu.memory_space<hbm>> -> memref<128xf32, #tpu.memory_space<hbm>>
          tpu.enqueue_dma source(%dma_start3A_173 : memref<128xf32, #tpu.memory_space<hbm>>) target(%arg17 : memref<128xf32, #tpu.memory_space<vmem>>) target_semaphore(%arg24 : memref<!tpu.dma_semaphore, #tpu.memory_space<semaphore_mem>>)
        } else {
        }
      } else {
      }
      %parallel_loop3A_132 = arith.constant 0 : i32
      %parallel_loop3A_133 = arith.constant 128 : i32
      %parallel_loop3A_134 = arith.constant 1 : i32
      scf.for %parallel_loop3A_138 = %parallel_loop3A_132 to %parallel_loop3A_133 step %parallel_loop3A_134  : i32 {
        %parallel_loop3A_139 = arith.constant 0 : i32
        %parallel_loop3A_140 = vector.broadcast %parallel_loop3A_139 : i32 to vector<16xi32>
        %parallel_loop3A_141 = vector.broadcast %parallel_loop3A_138 : i32 to vector<16xi32>
        %parallel_loop3A_142 = arith.addi %parallel_loop3A_140, %parallel_loop3A_141 : vector<16xi32>
        %parallel_loop3A_143 = tpu.vector_load_idx %arg18[%parallel_loop3A_142] : memref<128xf32, #tpu.memory_space<vmem>>[vector<16xi32>], vector<16xf32>,
        %parallel_loop3A_144 = arith.index_cast %parallel_loop3A_138 : i32 to index
        %parallel_loop3A_145 = arith.constant 0 : index
        %parallel_loop3A_146 = tpu.vector_load %arg20[%parallel_loop3A_144, %parallel_loop3A_145] {strides = array<i32>} : memref<128x128xf32, #tpu.memory_space<vmem>>, vector<16xf32>,
        %parallel_loop3A_147 = arith.mulf %parallel_loop3A_146, %parallel_loop3A_143 : vector<16xf32>
        %parallel_loop3A_148 = arith.index_cast %parallel_loop3A_138 : i32 to index
        %parallel_loop3A_149 = arith.constant 0 : index
        %parallel_loop3A_150 = tpu.vector_load %arg20[%parallel_loop3A_148, %parallel_loop3A_149] {strides = array<i32>} : memref<128x128xf32, #tpu.memory_space<vmem>>, vector<16xf32>,
        tpu.vector_store %arg20[%parallel_loop3A_148, %parallel_loop3A_149], %parallel_loop3A_147 {strides = array<i32>} : memref<128x128xf32, #tpu.memory_space<vmem>>, vector<16xf32>,
        %parallel_loop3A_151 = arith.index_cast %parallel_loop3A_138 : i32 to index
        %parallel_loop3A_152 = arith.constant 16 : index
        %parallel_loop3A_153 = tpu.vector_load %arg20[%parallel_loop3A_151, %parallel_loop3A_152] {strides = array<i32>} : memref<128x128xf32, #tpu.memory_space<vmem>>, vector<16xf32>,
        %parallel_loop3A_154 = arith.mulf %parallel_loop3A_153, %parallel_loop3A_143 : vector<16xf32>
        %parallel_loop3A_155 = arith.index_cast %parallel_loop3A_138 : i32 to index
        %parallel_loop3A_156 = arith.constant 16 : index
        %parallel_loop3A_157 = tpu.vector_load %arg20[%parallel_loop3A_155, %parallel_loop3A_156] {strides = array<i32>} : memref<128x128xf32, #tpu.memory_space<vmem>>, vector<16xf32>,
        tpu.vector_store %arg20[%parallel_loop3A_155, %parallel_loop3A_156], %parallel_loop3A_154 {strides = array<i32>} : memref<128x128xf32, #tpu.memory_space<vmem>>, vector<16xf32>,
        %parallel_loop3A_158 = arith.index_cast %parallel_loop3A_138 : i32 to index
        %parallel_loop3A_159 = arith.constant 32 : index
        %parallel_loop3A_160 = tpu.vector_load %arg20[%parallel_loop3A_158, %parallel_loop3A_159] {strides = array<i32>} : memref<128x128xf32, #tpu.memory_space<vmem>>, vector<16xf32>,
        %parallel_loop3A_161 = arith.mulf %parallel_loop3A_160, %parallel_loop3A_143 : vector<16xf32>
        %parallel_loop3A_162 = arith.index_cast %parallel_loop3A_138 : i32 to index
        %parallel_loop3A_163 = arith.constant 32 : index
        %parallel_loop3A_164 = tpu.vector_load %arg20[%parallel_loop3A_162, %parallel_loop3A_163] {strides = array<i32>} : memref<128x128xf32, #tpu.memory_space<vmem>>, vector<16xf32>,
        tpu.vector_store %arg20[%parallel_loop3A_162, %parallel_loop3A_163], %parallel_loop3A_161 {strides = array<i32>} : memref<128x128xf32, #tpu.memory_space<vmem>>, vector<16xf32>,
        %parallel_loop3A_165 = arith.index_cast %parallel_loop3A_138 : i32 to index
        %parallel_loop3A_166 = arith.constant 48 : index
        %parallel_loop3A_167 = tpu.vector_load %arg20[%parallel_loop3A_165, %parallel_loop3A_166] {strides = array<i32>} : memref<128x128xf32, #tpu.memory_space<vmem>>, vector<16xf32>,
        %parallel_loop3A_168 = arith.mulf %parallel_loop3A_167, %parallel_loop3A_143 : vector<16xf32>
        %parallel_loop3A_169 = arith.index_cast %parallel_loop3A_138 : i32 to index
        %parallel_loop3A_170 = arith.constant 48 : index
        %parallel_loop3A_171 = tpu.vector_load %arg20[%parallel_loop3A_169, %parallel_loop3A_170] {strides = array<i32>} : memref<128x128xf32, #tpu.memory_space<vmem>>, vector<16xf32>,
        tpu.vector_store %arg20[%parallel_loop3A_169, %parallel_loop3A_170], %parallel_loop3A_168 {strides = array<i32>} : memref<128x128xf32, #tpu.memory_space<vmem>>, vector<16xf32>,
        %parallel_loop3A_172 = arith.index_cast %parallel_loop3A_138 : i32 to index
        %parallel_loop3A_173 = arith.constant 64 : index
        %parallel_loop3A_174 = tpu.vector_load %arg20[%parallel_loop3A_172, %parallel_loop3A_173] {strides = array<i32>} : memref<128x128xf32, #tpu.memory_space<vmem>>, vector<16xf32>,
        %parallel_loop3A_175 = arith.mulf %parallel_loop3A_174, %parallel_loop3A_143 : vector<16xf32>
        %parallel_loop3A_176 = arith.index_cast %parallel_loop3A_138 : i32 to index
        %parallel_loop3A_177 = arith.constant 64 : index
        %parallel_loop3A_178 = tpu.vector_load %arg20[%parallel_loop3A_176, %parallel_loop3A_177] {strides = array<i32>} : memref<128x128xf32, #tpu.memory_space<vmem>>, vector<16xf32>,
        tpu.vector_store %arg20[%parallel_loop3A_176, %parallel_loop3A_177], %parallel_loop3A_175 {strides = array<i32>} : memref<128x128xf32, #tpu.memory_space<vmem>>, vector<16xf32>,
        %parallel_loop3A_179 = arith.index_cast %parallel_loop3A_138 : i32 to index
        %parallel_loop3A_180 = arith.constant 80 : index
        %parallel_loop3A_181 = tpu.vector_load %arg20[%parallel_loop3A_179, %parallel_loop3A_180] {strides = array<i32>} : memref<128x128xf32, #tpu.memory_space<vmem>>, vector<16xf32>,
        %parallel_loop3A_182 = arith.mulf %parallel_loop3A_181, %parallel_loop3A_143 : vector<16xf32>
        %parallel_loop3A_183 = arith.index_cast %parallel_loop3A_138 : i32 to index
        %parallel_loop3A_184 = arith.constant 80 : index
        %parallel_loop3A_185 = tpu.vector_load %arg20[%parallel_loop3A_183, %parallel_loop3A_184] {strides = array<i32>} : memref<128x128xf32, #tpu.memory_space<vmem>>, vector<16xf32>,
        tpu.vector_store %arg20[%parallel_loop3A_183, %parallel_loop3A_184], %parallel_loop3A_182 {strides = array<i32>} : memref<128x128xf32, #tpu.memory_space<vmem>>, vector<16xf32>,
        %parallel_loop3A_186 = arith.index_cast %parallel_loop3A_138 : i32 to index
        %parallel_loop3A_187 = arith.constant 96 : index
        %parallel_loop3A_188 = tpu.vector_load %arg20[%parallel_loop3A_186, %parallel_loop3A_187] {strides = array<i32>} : memref<128x128xf32, #tpu.memory_space<vmem>>, vector<16xf32>,
        %parallel_loop3A_189 = arith.mulf %parallel_loop3A_188, %parallel_loop3A_143 : vector<16xf32>
        %parallel_loop3A_190 = arith.index_cast %parallel_loop3A_138 : i32 to index
        %parallel_loop3A_191 = arith.constant 96 : index
        %parallel_loop3A_192 = tpu.vector_load %arg20[%parallel_loop3A_190, %parallel_loop3A_191] {strides = array<i32>} : memref<128x128xf32, #tpu.memory_space<vmem>>, vector<16xf32>,
        tpu.vector_store %arg20[%parallel_loop3A_190, %parallel_loop3A_191], %parallel_loop3A_189 {strides = array<i32>} : memref<128x128xf32, #tpu.memory_space<vmem>>, vector<16xf32>,
        %parallel_loop3A_193 = arith.index_cast %parallel_loop3A_138 : i32 to index
        %parallel_loop3A_194 = arith.constant 112 : index
        %parallel_loop3A_195 = tpu.vector_load %arg20[%parallel_loop3A_193, %parallel_loop3A_194] {strides = array<i32>} : memref<128x128xf32, #tpu.memory_space<vmem>>, vector<16xf32>,
        %parallel_loop3A_196 = arith.mulf %parallel_loop3A_195, %parallel_loop3A_143 : vector<16xf32>
        %parallel_loop3A_197 = arith.index_cast %parallel_loop3A_138 : i32 to index
        %parallel_loop3A_198 = arith.constant 112 : index
        %parallel_loop3A_199 = tpu.vector_load %arg20[%parallel_loop3A_197, %parallel_loop3A_198] {strides = array<i32>} : memref<128x128xf32, #tpu.memory_space<vmem>>, vector<16xf32>,
        tpu.vector_store %arg20[%parallel_loop3A_197, %parallel_loop3A_198], %parallel_loop3A_196 {strides = array<i32>} : memref<128x128xf32, #tpu.memory_space<vmem>>, vector<16xf32>,
      } {sc.loop_unroll_factor = 4 : i64, sc.parallel_access}
      %dma_start3A_135 = arith.constant 0 : i32
      %dma_start3A_136 = arith.constant 0 : i32
      %dma_start3A_137 = tpu.memref_slice %arg21[%dma_start3A_135, %dma_start3A_136] : memref<10240x128xf32, #tpu.memory_space<vmem_shared>> -> memref<10240x128xf32, #tpu.memory_space<vmem_shared>>
      tpu.enqueue_indirect_dma source(%arg20 : memref<128x128xf32, #tpu.memory_space<vmem>>) target(%dma_start3A_137 : memref<10240x128xf32, #tpu.memory_space<vmem_shared>>) offsets(%arg14 : memref<128xi32, #tpu.memory_space<vmem>>) semaphore(%arg29 : memref<!tpu.dma_semaphore, #tpu.memory_space<semaphore_mem>>) {add = true}
    }
    %scan3A_52 = arith.constant 21 : i32
    %dma_wait3A_53 = arith.constant 0 : i32
    %dma_wait3A_54 = arith.constant 0 : i32
    %dma_wait3A_55 = tpu.memref_slice %arg21[%dma_wait3A_53, %dma_wait3A_54] : memref<10240x128xf32, #tpu.memory_space<vmem_shared>> -> memref<10240x128xf32, #tpu.memory_space<vmem_shared>>
    tpu.wait_indirect_dma semaphore(%arg28 : memref<!tpu.dma_semaphore, #tpu.memory_space<semaphore_mem>>) src(%arg19 : memref<128x128xf32, #tpu.memory_space<vmem>>) dst(%dma_wait3A_55 : memref<10240x128xf32, #tpu.memory_space<vmem_shared>>)
    %dma_wait3A_56 = arith.constant 0 : i32
    %dma_wait3A_57 = arith.constant 0 : i32
    %dma_wait3A_58 = tpu.memref_slice %arg21[%dma_wait3A_56, %dma_wait3A_57] : memref<10240x128xf32, #tpu.memory_space<vmem_shared>> -> memref<10240x128xf32, #tpu.memory_space<vmem_shared>>
    tpu.wait_indirect_dma semaphore(%arg29 : memref<!tpu.dma_semaphore, #tpu.memory_space<semaphore_mem>>) src(%arg20 : memref<128x128xf32, #tpu.memory_space<vmem>>) dst(%dma_wait3A_58 : memref<10240x128xf32, #tpu.memory_space<vmem_shared>>)
    %barrier3A_59 = arith.constant 0 : index
    tpu.barrier barrier_id(%barrier3A_59)
    %scan3A_60 = arith.constant 0 : i32
    %scan3A_61 = arith.constant 5 : i32
    %scan3A_62 = arith.addi %scan3A_60, %scan3A_61 : i32
    %scan3A_63 = arith.constant 1 : i32
    scf.for %scan3A_65 = %scan3A_60 to %scan3A_62 step %scan3A_63  : i32 {
      %mul3A_66 = arith.constant 128 : i32
      %mul3A_67 = arith.muli %scan3A_65, %mul3A_66 : i32
      %add3A_68 = arith.constant 0 : i32
      %add3A_69 = arith.addi %add3A_68, %mul3A_67 : i32
      %add3A_70 = arith.addi %mul3A_4, %add3A_69 : i32
      "tpu.region"() ({
        %run_scoped3A = tpu.sem_alloc : memref<!tpu.dma_semaphore, #tpu.memory_space<semaphore_mem>>
        %dma_start3A_71 = arith.constant 0 : i32
        %dma_start3A_72 = tpu.memref_slice %arg6[%arg0, %add3A_70, %dma_start3A_71] : memref<2x10240x128xf32, #tpu.memory_space<hbm>> -> memref<1x128x128xf32, #tpu.memory_space<hbm>>
        %dma_start3A_73 = tpu.memref_squeeze %dma_start3A_72 : memref<1x128x128xf32, #tpu.memory_space<hbm>> -> memref<128x128xf32, #tpu.memory_space<hbm>>
        %dma_start3A_74 = arith.constant 0 : i32
        %dma_start3A_75 = tpu.memref_slice %arg21[%add3A_70, %dma_start3A_74] : memref<10240x128xf32, #tpu.memory_space<vmem_shared>> -> memref<128x128xf32, #tpu.memory_space<vmem_shared>>
        tpu.enqueue_dma source(%dma_start3A_75 : memref<128x128xf32, #tpu.memory_space<vmem_shared>>) target(%dma_start3A_73 : memref<128x128xf32, #tpu.memory_space<hbm>>) target_semaphore(%run_scoped3A : memref<!tpu.dma_semaphore, #tpu.memory_space<semaphore_mem>>)
        %dma_wait3A_76 = arith.constant 0 : i32
        %dma_wait3A_77 = tpu.memref_slice %arg6[%arg0, %add3A_70, %dma_wait3A_76] : memref<2x10240x128xf32, #tpu.memory_space<hbm>> -> memref<1x128x128xf32, #tpu.memory_space<hbm>>
        %dma_wait3A_78 = tpu.memref_squeeze %dma_wait3A_77 : memref<1x128x128xf32, #tpu.memory_space<hbm>> -> memref<128x128xf32, #tpu.memory_space<hbm>>
        %dma_wait3A_79 = arith.constant 0 : i32
        %dma_wait3A_80 = tpu.memref_slice %arg21[%add3A_70, %dma_wait3A_79] : memref<10240x128xf32, #tpu.memory_space<vmem_shared>> -> memref<128x128xf32, #tpu.memory_space<vmem_shared>>
        tpu.wait_dma2 semaphore(%run_scoped3A : memref<!tpu.dma_semaphore, #tpu.memory_space<semaphore_mem>>) src(%dma_wait3A_80 : memref<128x128xf32, #tpu.memory_space<vmem_shared>>) dst(%dma_wait3A_78 : memref<128x128xf32, #tpu.memory_space<hbm>>)
        tpu.yield
      }) : () -> ()
    }
    %scan3A_64 = arith.constant 5 : i32
    return
  }
}

#map = affine_map<(d0, d1) -> (0, 0)>
#map1 = affine_map<(d0, d1) -> (0)>
#map2 = affine_map<(d0, d1) -> (0, 0, 0)>
module attributes {stable_mosaic.version = 14 : i64} {
  func.func @k(%arg0: i32, %arg1: i32, %arg2: memref<10240x128xf32, #tpu.memory_space<hbm>>, %arg3: memref<344064xi32, #tpu.memory_space<hbm>>, %arg4: memref<344064xi32, #tpu.memory_space<hbm>>, %arg5: memref<344064xf32, #tpu.memory_space<hbm>>, %arg6: memref<2x10240x128xf32, #tpu.memory_space<hbm>>, %arg7: memref<128xi32, #tpu.memory_space<vmem>>, %arg8: memref<128xi32, #tpu.memory_space<vmem>>, %arg9: memref<128xi32, #tpu.memory_space<vmem>>, %arg10: memref<128xi32, #tpu.memory_space<vmem>>, %arg11: memref<128xi32, #tpu.memory_space<vmem>>, %arg12: memref<128xi32, #tpu.memory_space<vmem>>, %arg13: memref<128xi32, #tpu.memory_space<vmem>>, %arg14: memref<128xi32, #tpu.memory_space<vmem>>, %arg15: memref<128xf32, #tpu.memory_space<vmem>>, %arg16: memref<128xf32, #tpu.memory_space<vmem>>, %arg17: memref<128xf32, #tpu.memory_space<vmem>>, %arg18: memref<128xf32, #tpu.memory_space<vmem>>, %arg19: memref<128x128xf32, #tpu.memory_space<vmem>>, %arg20: memref<128x128xf32, #tpu.memory_space<vmem>>, %arg21: memref<10240x128xf32, #tpu.memory_space<vmem_shared>>, %arg22: memref<!tpu.dma_semaphore, #tpu.memory_space<semaphore_mem>>, %arg23: memref<!tpu.dma_semaphore, #tpu.memory_space<semaphore_mem>>, %arg24: memref<!tpu.dma_semaphore, #tpu.memory_space<semaphore_mem>>, %arg25: memref<!tpu.dma_semaphore, #tpu.memory_space<semaphore_mem>>, %arg26: memref<!tpu.dma_semaphore, #tpu.memory_space<semaphore_mem>>, %arg27: memref<!tpu.dma_semaphore, #tpu.memory_space<semaphore_mem>>, %arg28: memref<!tpu.dma_semaphore, #tpu.memory_space<semaphore_mem>>, %arg29: memref<!tpu.dma_semaphore, #tpu.memory_space<semaphore_mem>>) attributes {dimension_semantics = [#tpu.dimension_semantics<core_parallel>, #tpu.dimension_semantics<subcore_parallel>], iteration_bounds = array<i64: 2, 16>, scalar_prefetch = 0 : i64, scratch_operands = 23 : i64, tpu.core_type = #tpu.core_type<sc_vector_subcore>, window_params = [{transform_indices = #map}, {transform_indices = #map1}, {transform_indices = #map1}, {transform_indices = #map1}, {transform_indices = #map2}]} {
    %mul3A = arith.constant 16 : i32
    %mul3A_0 = arith.muli %arg0, %mul3A : i32
    %add3A = arith.addi %mul3A_0, %arg1 : i32
    %mul3A_1 = arith.constant 10752 : i32
    %mul3A_2 = arith.muli %add3A, %mul3A_1 : i32
    %mul3A_3 = arith.constant 640 : i32
    %mul3A_4 = arith.muli %arg1, %mul3A_3 : i32
    %broadcast_in_dim3A = arith.constant 0.000000e+00 : f32
    %broadcast_in_dim3A_5 = vector.broadcast %broadcast_in_dim3A : f32 to vector<16xf32>
    %scan3A = arith.constant 0 : i32
    %scan3A_6 = arith.constant 128 : i32
    %scan3A_7 = arith.addi %scan3A, %scan3A_6 : i32
    %scan3A_8 = arith.constant 1 : i32
    scf.for %scan3A_65 = %scan3A to %scan3A_7 step %scan3A_8  : i32 {
      %mul3A_66 = arith.constant 1 : i32
      %mul3A_67 = arith.muli %scan3A_65, %mul3A_66 : i32
      %add3A_68 = arith.constant 0 : i32
      %add3A_69 = arith.addi %add3A_68, %mul3A_67 : i32
      %scan3A_70 = arith.constant 0 : i32
      %scan3A_71 = arith.constant 8 : i32
      %scan3A_72 = arith.addi %scan3A_70, %scan3A_71 : i32
      %scan3A_73 = arith.constant 1 : i32
      scf.for %scan3A_75 = %scan3A_70 to %scan3A_72 step %scan3A_73  : i32 {
        %mul3A_76 = arith.constant 16 : i32
        %mul3A_77 = arith.muli %scan3A_75, %mul3A_76 : i32
        %add3A_78 = arith.constant 0 : i32
        %add3A_79 = arith.addi %add3A_78, %mul3A_77 : i32
        %swap3A = arith.index_cast %add3A_69 : i32 to index
        %swap3A_80 = arith.index_cast %add3A_79 : i32 to index
        %swap3A_81 = tpu.vector_load %arg19[%swap3A, %swap3A_80] {strides = array<i32>} : memref<128x128xf32, #tpu.memory_space<vmem>>, vector<16xf32>,
        tpu.vector_store %arg19[%swap3A, %swap3A_80], %broadcast_in_dim3A_5 {strides = array<i32>} : memref<128x128xf32, #tpu.memory_space<vmem>>, vector<16xf32>,
      }
      %scan3A_74 = arith.constant 8 : i32
    }
    %scan3A_9 = arith.constant 128 : i32
    %scan3A_10 = arith.constant 0 : i32
    %scan3A_11 = arith.constant 5 : i32
    %scan3A_12 = arith.addi %scan3A_10, %scan3A_11 : i32
    %scan3A_13 = arith.constant 1 : i32
    scf.for %scan3A_65 = %scan3A_10 to %scan3A_12 step %scan3A_13  : i32 {
      %mul3A_66 = arith.constant 128 : i32
      %mul3A_67 = arith.muli %scan3A_65, %mul3A_66 : i32
      %add3A_68 = arith.constant 0 : i32
      %add3A_69 = arith.addi %add3A_68, %mul3A_67 : i32
      %add3A_70 = arith.addi %mul3A_4, %add3A_69 : i32
      "tpu.region"() ({
        %run_scoped3A = tpu.sem_alloc : memref<!tpu.dma_semaphore, #tpu.memory_space<semaphore_mem>>
        %dma_start3A_71 = arith.constant 0 : i32
        %dma_start3A_72 = tpu.memref_slice %arg21[%add3A_70, %dma_start3A_71] : memref<10240x128xf32, #tpu.memory_space<vmem_shared>> -> memref<128x128xf32, #tpu.memory_space<vmem_shared>>
        %dma_start3A_73 = arith.constant 0 : i32
        %dma_start3A_74 = tpu.memref_slice %arg21[%add3A_70, %dma_start3A_73] : memref<10240x128xf32, #tpu.memory_space<vmem_shared>> -> memref<128x128xf32, #tpu.memory_space<vmem_shared>>
        tpu.enqueue_dma source(%arg19 : memref<128x128xf32, #tpu.memory_space<vmem>>) target(%dma_start3A_74 : memref<128x128xf32, #tpu.memory_space<vmem_shared>>) target_semaphore(%run_scoped3A : memref<!tpu.dma_semaphore, #tpu.memory_space<semaphore_mem>>)
        %dma_wait3A_75 = arith.constant 0 : i32
        %dma_wait3A_76 = tpu.memref_slice %arg21[%add3A_70, %dma_wait3A_75] : memref<10240x128xf32, #tpu.memory_space<vmem_shared>> -> memref<128x128xf32, #tpu.memory_space<vmem_shared>>
        %dma_wait3A_77 = arith.constant 0 : i32
        %dma_wait3A_78 = tpu.memref_slice %arg21[%add3A_70, %dma_wait3A_77] : memref<10240x128xf32, #tpu.memory_space<vmem_shared>> -> memref<128x128xf32, #tpu.memory_space<vmem_shared>>
        tpu.wait_dma2 semaphore(%run_scoped3A : memref<!tpu.dma_semaphore, #tpu.memory_space<semaphore_mem>>) src(%arg19 : memref<128x128xf32, #tpu.memory_space<vmem>>) dst(%dma_wait3A_78 : memref<128x128xf32, #tpu.memory_space<vmem_shared>>)
        tpu.yield
      }) : () -> ()
    }
    %scan3A_14 = arith.constant 5 : i32
    %barrier3A = arith.constant 0 : index
    tpu.barrier barrier_id(%barrier3A)
    %add3A_15 = arith.constant 0 : i32
    %add3A_16 = arith.addi %mul3A_2, %add3A_15 : i32
    %dma_start3A = tpu.memref_slice %arg3[%add3A_16] : memref<344064xi32, #tpu.memory_space<hbm>> -> memref<128xi32, #tpu.memory_space<hbm>>
    %dma_start3A_17 = tpu.memref_slice %arg3[%add3A_16] : memref<344064xi32, #tpu.memory_space<hbm>> -> memref<128xi32, #tpu.memory_space<hbm>>
    tpu.enqueue_dma source(%dma_start3A_17 : memref<128xi32, #tpu.memory_space<hbm>>) target(%arg7 : memref<128xi32, #tpu.memory_space<vmem>>) target_semaphore(%arg22 : memref<!tpu.dma_semaphore, #tpu.memory_space<semaphore_mem>>)
    %dma_start3A_18 = tpu.memref_slice %arg4[%add3A_16] : memref<344064xi32, #tpu.memory_space<hbm>> -> memref<128xi32, #tpu.memory_space<hbm>>
    %dma_start3A_19 = tpu.memref_slice %arg4[%add3A_16] : memref<344064xi32, #tpu.memory_space<hbm>> -> memref<128xi32, #tpu.memory_space<hbm>>
    tpu.enqueue_dma source(%dma_start3A_19 : memref<128xi32, #tpu.memory_space<hbm>>) target(%arg11 : memref<128xi32, #tpu.memory_space<vmem>>) target_semaphore(%arg22 : memref<!tpu.dma_semaphore, #tpu.memory_space<semaphore_mem>>)
    %dma_start3A_20 = tpu.memref_slice %arg5[%add3A_16] : memref<344064xf32, #tpu.memory_space<hbm>> -> memref<128xf32, #tpu.memory_space<hbm>>
    %dma_start3A_21 = tpu.memref_slice %arg5[%add3A_16] : memref<344064xf32, #tpu.memory_space<hbm>> -> memref<128xf32, #tpu.memory_space<hbm>>
    tpu.enqueue_dma source(%dma_start3A_21 : memref<128xf32, #tpu.memory_space<hbm>>) target(%arg15 : memref<128xf32, #tpu.memory_space<vmem>>) target_semaphore(%arg22 : memref<!tpu.dma_semaphore, #tpu.memory_space<semaphore_mem>>)
    %add3A_22 = arith.constant 128 : i32
    %add3A_23 = arith.addi %mul3A_2, %add3A_22 : i32
    %dma_start3A_24 = tpu.memref_slice %arg3[%add3A_23] : memref<344064xi32, #tpu.memory_space<hbm>> -> memref<128xi32, #tpu.memory_space<hbm>>
    %dma_start3A_25 = tpu.memref_slice %arg3[%add3A_23] : memref<344064xi32, #tpu.memory_space<hbm>> -> memref<128xi32, #tpu.memory_space<hbm>>
    tpu.enqueue_dma source(%dma_start3A_25 : memref<128xi32, #tpu.memory_space<hbm>>) target(%arg8 : memref<128xi32, #tpu.memory_space<vmem>>) target_semaphore(%arg23 : memref<!tpu.dma_semaphore, #tpu.memory_space<semaphore_mem>>)
    %dma_start3A_26 = tpu.memref_slice %arg4[%add3A_23] : memref<344064xi32, #tpu.memory_space<hbm>> -> memref<128xi32, #tpu.memory_space<hbm>>
    %dma_start3A_27 = tpu.memref_slice %arg4[%add3A_23] : memref<344064xi32, #tpu.memory_space<hbm>> -> memref<128xi32, #tpu.memory_space<hbm>>
    tpu.enqueue_dma source(%dma_start3A_27 : memref<128xi32, #tpu.memory_space<hbm>>) target(%arg12 : memref<128xi32, #tpu.memory_space<vmem>>) target_semaphore(%arg23 : memref<!tpu.dma_semaphore, #tpu.memory_space<semaphore_mem>>)
    %dma_start3A_28 = tpu.memref_slice %arg5[%add3A_23] : memref<344064xf32, #tpu.memory_space<hbm>> -> memref<128xf32, #tpu.memory_space<hbm>>
    %dma_start3A_29 = tpu.memref_slice %arg5[%add3A_23] : memref<344064xf32, #tpu.memory_space<hbm>> -> memref<128xf32, #tpu.memory_space<hbm>>
    tpu.enqueue_dma source(%dma_start3A_29 : memref<128xf32, #tpu.memory_space<hbm>>) target(%arg16 : memref<128xf32, #tpu.memory_space<vmem>>) target_semaphore(%arg23 : memref<!tpu.dma_semaphore, #tpu.memory_space<semaphore_mem>>)
    %add3A_30 = arith.constant 256 : i32
    %add3A_31 = arith.addi %mul3A_2, %add3A_30 : i32
    %dma_start3A_32 = tpu.memref_slice %arg3[%add3A_31] : memref<344064xi32, #tpu.memory_space<hbm>> -> memref<128xi32, #tpu.memory_space<hbm>>
    %dma_start3A_33 = tpu.memref_slice %arg3[%add3A_31] : memref<344064xi32, #tpu.memory_space<hbm>> -> memref<128xi32, #tpu.memory_space<hbm>>
    tpu.enqueue_dma source(%dma_start3A_33 : memref<128xi32, #tpu.memory_space<hbm>>) target(%arg9 : memref<128xi32, #tpu.memory_space<vmem>>) target_semaphore(%arg24 : memref<!tpu.dma_semaphore, #tpu.memory_space<semaphore_mem>>)
    %dma_start3A_34 = tpu.memref_slice %arg4[%add3A_31] : memref<344064xi32, #tpu.memory_space<hbm>> -> memref<128xi32, #tpu.memory_space<hbm>>
    %dma_start3A_35 = tpu.memref_slice %arg4[%add3A_31] : memref<344064xi32, #tpu.memory_space<hbm>> -> memref<128xi32, #tpu.memory_space<hbm>>
    tpu.enqueue_dma source(%dma_start3A_35 : memref<128xi32, #tpu.memory_space<hbm>>) target(%arg13 : memref<128xi32, #tpu.memory_space<vmem>>) target_semaphore(%arg24 : memref<!tpu.dma_semaphore, #tpu.memory_space<semaphore_mem>>)
    %dma_start3A_36 = tpu.memref_slice %arg5[%add3A_31] : memref<344064xf32, #tpu.memory_space<hbm>> -> memref<128xf32, #tpu.memory_space<hbm>>
    %dma_start3A_37 = tpu.memref_slice %arg5[%add3A_31] : memref<344064xf32, #tpu.memory_space<hbm>> -> memref<128xf32, #tpu.memory_space<hbm>>
    tpu.enqueue_dma source(%dma_start3A_37 : memref<128xf32, #tpu.memory_space<hbm>>) target(%arg17 : memref<128xf32, #tpu.memory_space<vmem>>) target_semaphore(%arg24 : memref<!tpu.dma_semaphore, #tpu.memory_space<semaphore_mem>>)
    %add3A_38 = arith.constant 0 : i32
    %add3A_39 = arith.addi %mul3A_2, %add3A_38 : i32
    %dma_wait3A = tpu.memref_slice %arg3[%add3A_39] : memref<344064xi32, #tpu.memory_space<hbm>> -> memref<128xi32, #tpu.memory_space<hbm>>
    %dma_wait3A_40 = tpu.memref_slice %arg3[%add3A_39] : memref<344064xi32, #tpu.memory_space<hbm>> -> memref<128xi32, #tpu.memory_space<hbm>>
    tpu.wait_dma2 semaphore(%arg22 : memref<!tpu.dma_semaphore, #tpu.memory_space<semaphore_mem>>) src(%dma_wait3A_40 : memref<128xi32, #tpu.memory_space<hbm>>) dst(%arg7 : memref<128xi32, #tpu.memory_space<vmem>>)
    %dma_wait3A_41 = tpu.memref_slice %arg4[%add3A_39] : memref<344064xi32, #tpu.memory_space<hbm>> -> memref<128xi32, #tpu.memory_space<hbm>>
    %dma_wait3A_42 = tpu.memref_slice %arg4[%add3A_39] : memref<344064xi32, #tpu.memory_space<hbm>> -> memref<128xi32, #tpu.memory_space<hbm>>
    tpu.wait_dma2 semaphore(%arg22 : memref<!tpu.dma_semaphore, #tpu.memory_space<semaphore_mem>>) src(%dma_wait3A_42 : memref<128xi32, #tpu.memory_space<hbm>>) dst(%arg11 : memref<128xi32, #tpu.memory_space<vmem>>)
    %dma_wait3A_43 = tpu.memref_slice %arg5[%add3A_39] : memref<344064xf32, #tpu.memory_space<hbm>> -> memref<128xf32, #tpu.memory_space<hbm>>
    %dma_wait3A_44 = tpu.memref_slice %arg5[%add3A_39] : memref<344064xf32, #tpu.memory_space<hbm>> -> memref<128xf32, #tpu.memory_space<hbm>>
    tpu.wait_dma2 semaphore(%arg22 : memref<!tpu.dma_semaphore, #tpu.memory_space<semaphore_mem>>) src(%dma_wait3A_44 : memref<128xf32, #tpu.memory_space<hbm>>) dst(%arg15 : memref<128xf32, #tpu.memory_space<vmem>>)
    %dma_start3A_45 = arith.constant 0 : i32
    %dma_start3A_46 = arith.constant 0 : i32
    %dma_start3A_47 = tpu.memref_slice %arg2[%dma_start3A_45, %dma_start3A_46] : memref<10240x128xf32, #tpu.memory_space<hbm>> -> memref<10240x128xf32, #tpu.memory_space<hbm>>
    tpu.enqueue_indirect_dma source(%dma_start3A_47 : memref<10240x128xf32, #tpu.memory_space<hbm>>) target(%arg19 : memref<128x128xf32, #tpu.memory_space<vmem>>) offsets(%arg7 : memref<128xi32, #tpu.memory_space<vmem>>) semaphore(%arg26 : memref<!tpu.dma_semaphore, #tpu.memory_space<semaphore_mem>>)
    %scan3A_48 = arith.constant 0 : i32
    %scan3A_49 = arith.constant 21 : i32
    %scan3A_50 = arith.addi %scan3A_48, %scan3A_49 : i32
    %scan3A_51 = arith.constant 1 : i32
    scf.for %scan3A_65 = %scan3A_48 to %scan3A_50 step %scan3A_51  : i32 {
      %mul3A_66 = arith.constant 4 : i32
      %mul3A_67 = arith.muli %scan3A_65, %mul3A_66 : i32
      %add3A_68 = arith.constant 0 : i32
      %add3A_69 = arith.addi %add3A_68, %mul3A_67 : i32
      %add3A_70 = arith.constant 0 : i32
      %add3A_71 = arith.addi %add3A_69, %add3A_70 : i32
      %dma_wait3A_72 = arith.constant 0 : i32
      %dma_wait3A_73 = arith.constant 0 : i32
      %dma_wait3A_74 = tpu.memref_slice %arg2[%dma_wait3A_72, %dma_wait3A_73] : memref<10240x128xf32, #tpu.memory_space<hbm>> -> memref<10240x128xf32, #tpu.memory_space<hbm>>
      tpu.wait_indirect_dma semaphore(%arg26 : memref<!tpu.dma_semaphore, #tpu.memory_space<semaphore_mem>>) src(%dma_wait3A_74 : memref<10240x128xf32, #tpu.memory_space<hbm>>) dst(%arg19 : memref<128x128xf32, #tpu.memory_space<vmem>>)
      %add3A_75 = arith.constant 1 : i32
      %add3A_76 = arith.addi %add3A_71, %add3A_75 : i32
      %lt3A = arith.constant 84 : i32
      %lt3A_77 = arith.cmpi slt, %add3A_76, %lt3A : i32
      %convert_element_type3A = arith.extui %lt3A_77 : i1 to i32
      %cond3A = arith.constant 0 : i32
      %cond3A_78 = arith.cmpi ne, %convert_element_type3A, %cond3A : i32
      scf.if %cond3A_78 {
        %ge3A = arith.constant 1 : i32
        %ge3A_138 = arith.cmpi sge, %add3A_71, %ge3A : i32
        %convert_element_type3A_139 = arith.extui %ge3A_138 : i1 to i32
        %cond3A_140 = arith.constant 0 : i32
        %cond3A_141 = arith.cmpi ne, %convert_element_type3A_139, %cond3A_140 : i32
        scf.if %cond3A_141 {
          %dma_wait3A_163 = arith.constant 0 : i32
          %dma_wait3A_164 = arith.constant 0 : i32
          %dma_wait3A_165 = tpu.memref_slice %arg21[%dma_wait3A_163, %dma_wait3A_164] : memref<10240x128xf32, #tpu.memory_space<vmem_shared>> -> memref<10240x128xf32, #tpu.memory_space<vmem_shared>>
          tpu.wait_indirect_dma semaphore(%arg29 : memref<!tpu.dma_semaphore, #tpu.memory_space<semaphore_mem>>) src(%arg20 : memref<128x128xf32, #tpu.memory_space<vmem>>) dst(%dma_wait3A_165 : memref<10240x128xf32, #tpu.memory_space<vmem_shared>>)
        } else {
        }
        %add3A_142 = arith.constant 1 : i32
        %add3A_143 = arith.addi %add3A_71, %add3A_142 : i32
        %mul3A_144 = arith.constant 128 : i32
        %mul3A_145 = arith.muli %add3A_143, %mul3A_144 : i32
        %add3A_146 = arith.addi %mul3A_2, %mul3A_145 : i32
        %dma_wait3A_147 = tpu.memref_slice %arg3[%add3A_146] : memref<344064xi32, #tpu.memory_space<hbm>> -> memref<128xi32, #tpu.memory_space<hbm>>
        %dma_wait3A_148 = tpu.memref_slice %arg3[%add3A_146] : memref<344064xi32, #tpu.memory_space<hbm>> -> memref<128xi32, #tpu.memory_space<hbm>>
        tpu.wait_dma2 semaphore(%arg23 : memref<!tpu.dma_semaphore, #tpu.memory_space<semaphore_mem>>) src(%dma_wait3A_148 : memref<128xi32, #tpu.memory_space<hbm>>) dst(%arg8 : memref<128xi32, #tpu.memory_space<vmem>>)
        %dma_wait3A_149 = tpu.memref_slice %arg4[%add3A_146] : memref<344064xi32, #tpu.memory_space<hbm>> -> memref<128xi32, #tpu.memory_space<hbm>>
        %dma_wait3A_150 = tpu.memref_slice %arg4[%add3A_146] : memref<344064xi32, #tpu.memory_space<hbm>> -> memref<128xi32, #tpu.memory_space<hbm>>
        tpu.wait_dma2 semaphore(%arg23 : memref<!tpu.dma_semaphore, #tpu.memory_space<semaphore_mem>>) src(%dma_wait3A_150 : memref<128xi32, #tpu.memory_space<hbm>>) dst(%arg12 : memref<128xi32, #tpu.memory_space<vmem>>)
        %dma_wait3A_151 = tpu.memref_slice %arg5[%add3A_146] : memref<344064xf32, #tpu.memory_space<hbm>> -> memref<128xf32, #tpu.memory_space<hbm>>
        %dma_wait3A_152 = tpu.memref_slice %arg5[%add3A_146] : memref<344064xf32, #tpu.memory_space<hbm>> -> memref<128xf32, #tpu.memory_space<hbm>>
        tpu.wait_dma2 semaphore(%arg23 : memref<!tpu.dma_semaphore, #tpu.memory_space<semaphore_mem>>) src(%dma_wait3A_152 : memref<128xf32, #tpu.memory_space<hbm>>) dst(%arg16 : memref<128xf32, #tpu.memory_space<vmem>>)
        %dma_start3A_153 = arith.constant 0 : i32
        %dma_start3A_154 = arith.constant 0 : i32
        %dma_start3A_155 = tpu.memref_slice %arg2[%dma_start3A_153, %dma_start3A_154] : memref<10240x128xf32, #tpu.memory_space<hbm>> -> memref<10240x128xf32, #tpu.memory_space<hbm>>
        tpu.enqueue_indirect_dma source(%dma_start3A_155 : memref<10240x128xf32, #tpu.memory_space<hbm>>) target(%arg20 : memref<128x128xf32, #tpu.memory_space<vmem>>) offsets(%arg8 : memref<128xi32, #tpu.memory_space<vmem>>) semaphore(%arg27 : memref<!tpu.dma_semaphore, #tpu.memory_space<semaphore_mem>>)
        %add3A_156 = arith.constant 3 : i32
        %add3A_157 = arith.addi %add3A_71, %add3A_156 : i32
        %lt3A_158 = arith.constant 84 : i32
        %lt3A_159 = arith.cmpi slt, %add3A_157, %lt3A_158 : i32
        %convert_element_type3A_160 = arith.extui %lt3A_159 : i1 to i32
        %cond3A_161 = arith.constant 0 : i32
        %cond3A_162 = arith.cmpi ne, %convert_element_type3A_160, %cond3A_161 : i32
        scf.if %cond3A_162 {
          %add3A_163 = arith.constant 3 : i32
          %add3A_164 = arith.addi %add3A_71, %add3A_163 : i32
          %mul3A_165 = arith.constant 128 : i32
          %mul3A_166 = arith.muli %add3A_164, %mul3A_165 : i32
          %add3A_167 = arith.addi %mul3A_2, %mul3A_166 : i32
          %dma_start3A_168 = tpu.memref_slice %arg3[%add3A_167] : memref<344064xi32, #tpu.memory_space<hbm>> -> memref<128xi32, #tpu.memory_space<hbm>>
          %dma_start3A_169 = tpu.memref_slice %arg3[%add3A_167] : memref<344064xi32, #tpu.memory_space<hbm>> -> memref<128xi32, #tpu.memory_space<hbm>>
          tpu.enqueue_dma source(%dma_start3A_169 : memref<128xi32, #tpu.memory_space<hbm>>) target(%arg10 : memref<128xi32, #tpu.memory_space<vmem>>) target_semaphore(%arg25 : memref<!tpu.dma_semaphore, #tpu.memory_space<semaphore_mem>>)
          %dma_start3A_170 = tpu.memref_slice %arg4[%add3A_167] : memref<344064xi32, #tpu.memory_space<hbm>> -> memref<128xi32, #tpu.memory_space<hbm>>
          %dma_start3A_171 = tpu.memref_slice %arg4[%add3A_167] : memref<344064xi32, #tpu.memory_space<hbm>> -> memref<128xi32, #tpu.memory_space<hbm>>
          tpu.enqueue_dma source(%dma_start3A_171 : memref<128xi32, #tpu.memory_space<hbm>>) target(%arg14 : memref<128xi32, #tpu.memory_space<vmem>>) target_semaphore(%arg25 : memref<!tpu.dma_semaphore, #tpu.memory_space<semaphore_mem>>)
          %dma_start3A_172 = tpu.memref_slice %arg5[%add3A_167] : memref<344064xf32, #tpu.memory_space<hbm>> -> memref<128xf32, #tpu.memory_space<hbm>>
          %dma_start3A_173 = tpu.memref_slice %arg5[%add3A_167] : memref<344064xf32, #tpu.memory_space<hbm>> -> memref<128xf32, #tpu.memory_space<hbm>>
          tpu.enqueue_dma source(%dma_start3A_173 : memref<128xf32, #tpu.memory_space<hbm>>) target(%arg18 : memref<128xf32, #tpu.memory_space<vmem>>) target_semaphore(%arg25 : memref<!tpu.dma_semaphore, #tpu.memory_space<semaphore_mem>>)
        } else {
        }
      } else {
      }
      %parallel_loop3A = arith.constant 0 : i32
      %parallel_loop3A_79 = arith.constant 128 : i32
      %parallel_loop3A_80 = arith.constant 1 : i32
      scf.for %parallel_loop3A_138 = %parallel_loop3A to %parallel_loop3A_79 step %parallel_loop3A_80  : i32 {
        %parallel_loop3A_139 = arith.constant 0 : i32
        %parallel_loop3A_140 = vector.broadcast %parallel_loop3A_139 : i32 to vector<16xi32>
        %parallel_loop3A_141 = vector.broadcast %parallel_loop3A_138 : i32 to vector<16xi32>
        %parallel_loop3A_142 = arith.addi %parallel_loop3A_140, %parallel_loop3A_141 : vector<16xi32>
        %parallel_loop3A_143 = tpu.vector_load_idx %arg15[%parallel_loop3A_142] : memref<128xf32, #tpu.memory_space<vmem>>[vector<16xi32>], vector<16xf32>,
        %parallel_loop3A_144 = arith.index_cast %parallel_loop3A_138 : i32 to index
        %parallel_loop3A_145 = arith.constant 0 : index
        %parallel_loop3A_146 = tpu.vector_load %arg19[%parallel_loop3A_144, %parallel_loop3A_145] {strides = array<i32>} : memref<128x128xf32, #tpu.memory_space<vmem>>, vector<16xf32>,
        %parallel_loop3A_147 = arith.mulf %parallel_loop3A_146, %parallel_loop3A_143 : vector<16xf32>
        %parallel_loop3A_148 = arith.index_cast %parallel_loop3A_138 : i32 to index
        %parallel_loop3A_149 = arith.constant 0 : index
        %parallel_loop3A_150 = tpu.vector_load %arg19[%parallel_loop3A_148, %parallel_loop3A_149] {strides = array<i32>} : memref<128x128xf32, #tpu.memory_space<vmem>>, vector<16xf32>,
        tpu.vector_store %arg19[%parallel_loop3A_148, %parallel_loop3A_149], %parallel_loop3A_147 {strides = array<i32>} : memref<128x128xf32, #tpu.memory_space<vmem>>, vector<16xf32>,
        %parallel_loop3A_151 = arith.index_cast %parallel_loop3A_138 : i32 to index
        %parallel_loop3A_152 = arith.constant 16 : index
        %parallel_loop3A_153 = tpu.vector_load %arg19[%parallel_loop3A_151, %parallel_loop3A_152] {strides = array<i32>} : memref<128x128xf32, #tpu.memory_space<vmem>>, vector<16xf32>,
        %parallel_loop3A_154 = arith.mulf %parallel_loop3A_153, %parallel_loop3A_143 : vector<16xf32>
        %parallel_loop3A_155 = arith.index_cast %parallel_loop3A_138 : i32 to index
        %parallel_loop3A_156 = arith.constant 16 : index
        %parallel_loop3A_157 = tpu.vector_load %arg19[%parallel_loop3A_155, %parallel_loop3A_156] {strides = array<i32>} : memref<128x128xf32, #tpu.memory_space<vmem>>, vector<16xf32>,
        tpu.vector_store %arg19[%parallel_loop3A_155, %parallel_loop3A_156], %parallel_loop3A_154 {strides = array<i32>} : memref<128x128xf32, #tpu.memory_space<vmem>>, vector<16xf32>,
        %parallel_loop3A_158 = arith.index_cast %parallel_loop3A_138 : i32 to index
        %parallel_loop3A_159 = arith.constant 32 : index
        %parallel_loop3A_160 = tpu.vector_load %arg19[%parallel_loop3A_158, %parallel_loop3A_159] {strides = array<i32>} : memref<128x128xf32, #tpu.memory_space<vmem>>, vector<16xf32>,
        %parallel_loop3A_161 = arith.mulf %parallel_loop3A_160, %parallel_loop3A_143 : vector<16xf32>
        %parallel_loop3A_162 = arith.index_cast %parallel_loop3A_138 : i32 to index
        %parallel_loop3A_163 = arith.constant 32 : index
        %parallel_loop3A_164 = tpu.vector_load %arg19[%parallel_loop3A_162, %parallel_loop3A_163] {strides = array<i32>} : memref<128x128xf32, #tpu.memory_space<vmem>>, vector<16xf32>,
        tpu.vector_store %arg19[%parallel_loop3A_162, %parallel_loop3A_163], %parallel_loop3A_161 {strides = array<i32>} : memref<128x128xf32, #tpu.memory_space<vmem>>, vector<16xf32>,
        %parallel_loop3A_165 = arith.index_cast %parallel_loop3A_138 : i32 to index
        %parallel_loop3A_166 = arith.constant 48 : index
        %parallel_loop3A_167 = tpu.vector_load %arg19[%parallel_loop3A_165, %parallel_loop3A_166] {strides = array<i32>} : memref<128x128xf32, #tpu.memory_space<vmem>>, vector<16xf32>,
        %parallel_loop3A_168 = arith.mulf %parallel_loop3A_167, %parallel_loop3A_143 : vector<16xf32>
        %parallel_loop3A_169 = arith.index_cast %parallel_loop3A_138 : i32 to index
        %parallel_loop3A_170 = arith.constant 48 : index
        %parallel_loop3A_171 = tpu.vector_load %arg19[%parallel_loop3A_169, %parallel_loop3A_170] {strides = array<i32>} : memref<128x128xf32, #tpu.memory_space<vmem>>, vector<16xf32>,
        tpu.vector_store %arg19[%parallel_loop3A_169, %parallel_loop3A_170], %parallel_loop3A_168 {strides = array<i32>} : memref<128x128xf32, #tpu.memory_space<vmem>>, vector<16xf32>,
        %parallel_loop3A_172 = arith.index_cast %parallel_loop3A_138 : i32 to index
        %parallel_loop3A_173 = arith.constant 64 : index
        %parallel_loop3A_174 = tpu.vector_load %arg19[%parallel_loop3A_172, %parallel_loop3A_173] {strides = array<i32>} : memref<128x128xf32, #tpu.memory_space<vmem>>, vector<16xf32>,
        %parallel_loop3A_175 = arith.mulf %parallel_loop3A_174, %parallel_loop3A_143 : vector<16xf32>
        %parallel_loop3A_176 = arith.index_cast %parallel_loop3A_138 : i32 to index
        %parallel_loop3A_177 = arith.constant 64 : index
        %parallel_loop3A_178 = tpu.vector_load %arg19[%parallel_loop3A_176, %parallel_loop3A_177] {strides = array<i32>} : memref<128x128xf32, #tpu.memory_space<vmem>>, vector<16xf32>,
        tpu.vector_store %arg19[%parallel_loop3A_176, %parallel_loop3A_177], %parallel_loop3A_175 {strides = array<i32>} : memref<128x128xf32, #tpu.memory_space<vmem>>, vector<16xf32>,
        %parallel_loop3A_179 = arith.index_cast %parallel_loop3A_138 : i32 to index
        %parallel_loop3A_180 = arith.constant 80 : index
        %parallel_loop3A_181 = tpu.vector_load %arg19[%parallel_loop3A_179, %parallel_loop3A_180] {strides = array<i32>} : memref<128x128xf32, #tpu.memory_space<vmem>>, vector<16xf32>,
        %parallel_loop3A_182 = arith.mulf %parallel_loop3A_181, %parallel_loop3A_143 : vector<16xf32>
        %parallel_loop3A_183 = arith.index_cast %parallel_loop3A_138 : i32 to index
        %parallel_loop3A_184 = arith.constant 80 : index
        %parallel_loop3A_185 = tpu.vector_load %arg19[%parallel_loop3A_183, %parallel_loop3A_184] {strides = array<i32>} : memref<128x128xf32, #tpu.memory_space<vmem>>, vector<16xf32>,
        tpu.vector_store %arg19[%parallel_loop3A_183, %parallel_loop3A_184], %parallel_loop3A_182 {strides = array<i32>} : memref<128x128xf32, #tpu.memory_space<vmem>>, vector<16xf32>,
        %parallel_loop3A_186 = arith.index_cast %parallel_loop3A_138 : i32 to index
        %parallel_loop3A_187 = arith.constant 96 : index
        %parallel_loop3A_188 = tpu.vector_load %arg19[%parallel_loop3A_186, %parallel_loop3A_187] {strides = array<i32>} : memref<128x128xf32, #tpu.memory_space<vmem>>, vector<16xf32>,
        %parallel_loop3A_189 = arith.mulf %parallel_loop3A_188, %parallel_loop3A_143 : vector<16xf32>
        %parallel_loop3A_190 = arith.index_cast %parallel_loop3A_138 : i32 to index
        %parallel_loop3A_191 = arith.constant 96 : index
        %parallel_loop3A_192 = tpu.vector_load %arg19[%parallel_loop3A_190, %parallel_loop3A_191] {strides = array<i32>} : memref<128x128xf32, #tpu.memory_space<vmem>>, vector<16xf32>,
        tpu.vector_store %arg19[%parallel_loop3A_190, %parallel_loop3A_191], %parallel_loop3A_189 {strides = array<i32>} : memref<128x128xf32, #tpu.memory_space<vmem>>, vector<16xf32>,
        %parallel_loop3A_193 = arith.index_cast %parallel_loop3A_138 : i32 to index
        %parallel_loop3A_194 = arith.constant 112 : index
        %parallel_loop3A_195 = tpu.vector_load %arg19[%parallel_loop3A_193, %parallel_loop3A_194] {strides = array<i32>} : memref<128x128xf32, #tpu.memory_space<vmem>>, vector<16xf32>,
        %parallel_loop3A_196 = arith.mulf %parallel_loop3A_195, %parallel_loop3A_143 : vector<16xf32>
        %parallel_loop3A_197 = arith.index_cast %parallel_loop3A_138 : i32 to index
        %parallel_loop3A_198 = arith.constant 112 : index
        %parallel_loop3A_199 = tpu.vector_load %arg19[%parallel_loop3A_197, %parallel_loop3A_198] {strides = array<i32>} : memref<128x128xf32, #tpu.memory_space<vmem>>, vector<16xf32>,
        tpu.vector_store %arg19[%parallel_loop3A_197, %parallel_loop3A_198], %parallel_loop3A_196 {strides = array<i32>} : memref<128x128xf32, #tpu.memory_space<vmem>>, vector<16xf32>,
      } {sc.loop_unroll_factor = 4 : i64, sc.parallel_access}
      %dma_start3A_81 = arith.constant 0 : i32
      %dma_start3A_82 = arith.constant 0 : i32
      %dma_start3A_83 = tpu.memref_slice %arg21[%dma_start3A_81, %dma_start3A_82] : memref<10240x128xf32, #tpu.memory_space<vmem_shared>> -> memref<10240x128xf32, #tpu.memory_space<vmem_shared>>
      tpu.enqueue_indirect_dma source(%arg19 : memref<128x128xf32, #tpu.memory_space<vmem>>) target(%dma_start3A_83 : memref<10240x128xf32, #tpu.memory_space<vmem_shared>>) offsets(%arg11 : memref<128xi32, #tpu.memory_space<vmem>>) semaphore(%arg28 : memref<!tpu.dma_semaphore, #tpu.memory_space<semaphore_mem>>) {add = true}
      %add3A_84 = arith.constant 1 : i32
      %add3A_85 = arith.addi %add3A_69, %add3A_84 : i32
      %dma_wait3A_86 = arith.constant 0 : i32
      %dma_wait3A_87 = arith.constant 0 : i32
      %dma_wait3A_88 = tpu.memref_slice %arg2[%dma_wait3A_86, %dma_wait3A_87] : memref<10240x128xf32, #tpu.memory_space<hbm>> -> memref<10240x128xf32, #tpu.memory_space<hbm>>
      tpu.wait_indirect_dma semaphore(%arg27 : memref<!tpu.dma_semaphore, #tpu.memory_space<semaphore_mem>>) src(%dma_wait3A_88 : memref<10240x128xf32, #tpu.memory_space<hbm>>) dst(%arg20 : memref<128x128xf32, #tpu.memory_space<vmem>>)
      %add3A_89 = arith.constant 1 : i32
      %add3A_90 = arith.addi %add3A_85, %add3A_89 : i32
      %lt3A_91 = arith.constant 84 : i32
      %lt3A_92 = arith.cmpi slt, %add3A_90, %lt3A_91 : i32
      %convert_element_type3A_93 = arith.extui %lt3A_92 : i1 to i32
      %cond3A_94 = arith.constant 0 : i32
      %cond3A_95 = arith.cmpi ne, %convert_element_type3A_93, %cond3A_94 : i32
      scf.if %cond3A_95 {
        %ge3A = arith.constant 1 : i32
        %ge3A_138 = arith.cmpi sge, %add3A_85, %ge3A : i32
        %convert_element_type3A_139 = arith.extui %ge3A_138 : i1 to i32
        %cond3A_140 = arith.constant 0 : i32
        %cond3A_141 = arith.cmpi ne, %convert_element_type3A_139, %cond3A_140 : i32
        scf.if %cond3A_141 {
          %dma_wait3A_163 = arith.constant 0 : i32
          %dma_wait3A_164 = arith.constant 0 : i32
          %dma_wait3A_165 = tpu.memref_slice %arg21[%dma_wait3A_163, %dma_wait3A_164] : memref<10240x128xf32, #tpu.memory_space<vmem_shared>> -> memref<10240x128xf32, #tpu.memory_space<vmem_shared>>
          tpu.wait_indirect_dma semaphore(%arg28 : memref<!tpu.dma_semaphore, #tpu.memory_space<semaphore_mem>>) src(%arg19 : memref<128x128xf32, #tpu.memory_space<vmem>>) dst(%dma_wait3A_165 : memref<10240x128xf32, #tpu.memory_space<vmem_shared>>)
        } else {
        }
        %add3A_142 = arith.constant 1 : i32
        %add3A_143 = arith.addi %add3A_85, %add3A_142 : i32
        %mul3A_144 = arith.constant 128 : i32
        %mul3A_145 = arith.muli %add3A_143, %mul3A_144 : i32
        %add3A_146 = arith.addi %mul3A_2, %mul3A_145 : i32
        %dma_wait3A_147 = tpu.memref_slice %arg3[%add3A_146] : memref<344064xi32, #tpu.memory_space<hbm>> -> memref<128xi32, #tpu.memory_space<hbm>>
        %dma_wait3A_148 = tpu.memref_slice %arg3[%add3A_146] : memref<344064xi32, #tpu.memory_space<hbm>> -> memref<128xi32, #tpu.memory_space<hbm>>
        tpu.wait_dma2 semaphore(%arg24 : memref<!tpu.dma_semaphore, #tpu.memory_space<semaphore_mem>>) src(%dma_wait3A_148 : memref<128xi32, #tpu.memory_space<hbm>>) dst(%arg9 : memref<128xi32, #tpu.memory_space<vmem>>)
        %dma_wait3A_149 = tpu.memref_slice %arg4[%add3A_146] : memref<344064xi32, #tpu.memory_space<hbm>> -> memref<128xi32, #tpu.memory_space<hbm>>
        %dma_wait3A_150 = tpu.memref_slice %arg4[%add3A_146] : memref<344064xi32, #tpu.memory_space<hbm>> -> memref<128xi32, #tpu.memory_space<hbm>>
        tpu.wait_dma2 semaphore(%arg24 : memref<!tpu.dma_semaphore, #tpu.memory_space<semaphore_mem>>) src(%dma_wait3A_150 : memref<128xi32, #tpu.memory_space<hbm>>) dst(%arg13 : memref<128xi32, #tpu.memory_space<vmem>>)
        %dma_wait3A_151 = tpu.memref_slice %arg5[%add3A_146] : memref<344064xf32, #tpu.memory_space<hbm>> -> memref<128xf32, #tpu.memory_space<hbm>>
        %dma_wait3A_152 = tpu.memref_slice %arg5[%add3A_146] : memref<344064xf32, #tpu.memory_space<hbm>> -> memref<128xf32, #tpu.memory_space<hbm>>
        tpu.wait_dma2 semaphore(%arg24 : memref<!tpu.dma_semaphore, #tpu.memory_space<semaphore_mem>>) src(%dma_wait3A_152 : memref<128xf32, #tpu.memory_space<hbm>>) dst(%arg17 : memref<128xf32, #tpu.memory_space<vmem>>)
        %dma_start3A_153 = arith.constant 0 : i32
        %dma_start3A_154 = arith.constant 0 : i32
        %dma_start3A_155 = tpu.memref_slice %arg2[%dma_start3A_153, %dma_start3A_154] : memref<10240x128xf32, #tpu.memory_space<hbm>> -> memref<10240x128xf32, #tpu.memory_space<hbm>>
        tpu.enqueue_indirect_dma source(%dma_start3A_155 : memref<10240x128xf32, #tpu.memory_space<hbm>>) target(%arg19 : memref<128x128xf32, #tpu.memory_space<vmem>>) offsets(%arg9 : memref<128xi32, #tpu.memory_space<vmem>>) semaphore(%arg26 : memref<!tpu.dma_semaphore, #tpu.memory_space<semaphore_mem>>)
        %add3A_156 = arith.constant 3 : i32
        %add3A_157 = arith.addi %add3A_85, %add3A_156 : i32
        %lt3A_158 = arith.constant 84 : i32
        %lt3A_159 = arith.cmpi slt, %add3A_157, %lt3A_158 : i32
        %convert_element_type3A_160 = arith.extui %lt3A_159 : i1 to i32
        %cond3A_161 = arith.constant 0 : i32
        %cond3A_162 = arith.cmpi ne, %convert_element_type3A_160, %cond3A_161 : i32
        scf.if %cond3A_162 {
          %add3A_163 = arith.constant 3 : i32
          %add3A_164 = arith.addi %add3A_85, %add3A_163 : i32
          %mul3A_165 = arith.constant 128 : i32
          %mul3A_166 = arith.muli %add3A_164, %mul3A_165 : i32
          %add3A_167 = arith.addi %mul3A_2, %mul3A_166 : i32
          %dma_start3A_168 = tpu.memref_slice %arg3[%add3A_167] : memref<344064xi32, #tpu.memory_space<hbm>> -> memref<128xi32, #tpu.memory_space<hbm>>
          %dma_start3A_169 = tpu.memref_slice %arg3[%add3A_167] : memref<344064xi32, #tpu.memory_space<hbm>> -> memref<128xi32, #tpu.memory_space<hbm>>
          tpu.enqueue_dma source(%dma_start3A_169 : memref<128xi32, #tpu.memory_space<hbm>>) target(%arg7 : memref<128xi32, #tpu.memory_space<vmem>>) target_semaphore(%arg22 : memref<!tpu.dma_semaphore, #tpu.memory_space<semaphore_mem>>)
          %dma_start3A_170 = tpu.memref_slice %arg4[%add3A_167] : memref<344064xi32, #tpu.memory_space<hbm>> -> memref<128xi32, #tpu.memory_space<hbm>>
          %dma_start3A_171 = tpu.memref_slice %arg4[%add3A_167] : memref<344064xi32, #tpu.memory_space<hbm>> -> memref<128xi32, #tpu.memory_space<hbm>>
          tpu.enqueue_dma source(%dma_start3A_171 : memref<128xi32, #tpu.memory_space<hbm>>) target(%arg11 : memref<128xi32, #tpu.memory_space<vmem>>) target_semaphore(%arg22 : memref<!tpu.dma_semaphore, #tpu.memory_space<semaphore_mem>>)
          %dma_start3A_172 = tpu.memref_slice %arg5[%add3A_167] : memref<344064xf32, #tpu.memory_space<hbm>> -> memref<128xf32, #tpu.memory_space<hbm>>
          %dma_start3A_173 = tpu.memref_slice %arg5[%add3A_167] : memref<344064xf32, #tpu.memory_space<hbm>> -> memref<128xf32, #tpu.memory_space<hbm>>
          tpu.enqueue_dma source(%dma_start3A_173 : memref<128xf32, #tpu.memory_space<hbm>>) target(%arg15 : memref<128xf32, #tpu.memory_space<vmem>>) target_semaphore(%arg22 : memref<!tpu.dma_semaphore, #tpu.memory_space<semaphore_mem>>)
        } else {
        }
      } else {
      }
      %parallel_loop3A_96 = arith.constant 0 : i32
      %parallel_loop3A_97 = arith.constant 128 : i32
      %parallel_loop3A_98 = arith.constant 1 : i32
      scf.for %parallel_loop3A_138 = %parallel_loop3A_96 to %parallel_loop3A_97 step %parallel_loop3A_98  : i32 {
        %parallel_loop3A_139 = arith.constant 0 : i32
        %parallel_loop3A_140 = vector.broadcast %parallel_loop3A_139 : i32 to vector<16xi32>
        %parallel_loop3A_141 = vector.broadcast %parallel_loop3A_138 : i32 to vector<16xi32>
        %parallel_loop3A_142 = arith.addi %parallel_loop3A_140, %parallel_loop3A_141 : vector<16xi32>
        %parallel_loop3A_143 = tpu.vector_load_idx %arg16[%parallel_loop3A_142] : memref<128xf32, #tpu.memory_space<vmem>>[vector<16xi32>], vector<16xf32>,
        %parallel_loop3A_144 = arith.index_cast %parallel_loop3A_138 : i32 to index
        %parallel_loop3A_145 = arith.constant 0 : index
        %parallel_loop3A_146 = tpu.vector_load %arg20[%parallel_loop3A_144, %parallel_loop3A_145] {strides = array<i32>} : memref<128x128xf32, #tpu.memory_space<vmem>>, vector<16xf32>,
        %parallel_loop3A_147 = arith.mulf %parallel_loop3A_146, %parallel_loop3A_143 : vector<16xf32>
        %parallel_loop3A_148 = arith.index_cast %parallel_loop3A_138 : i32 to index
        %parallel_loop3A_149 = arith.constant 0 : index
        %parallel_loop3A_150 = tpu.vector_load %arg20[%parallel_loop3A_148, %parallel_loop3A_149] {strides = array<i32>} : memref<128x128xf32, #tpu.memory_space<vmem>>, vector<16xf32>,
        tpu.vector_store %arg20[%parallel_loop3A_148, %parallel_loop3A_149], %parallel_loop3A_147 {strides = array<i32>} : memref<128x128xf32, #tpu.memory_space<vmem>>, vector<16xf32>,
        %parallel_loop3A_151 = arith.index_cast %parallel_loop3A_138 : i32 to index
        %parallel_loop3A_152 = arith.constant 16 : index
        %parallel_loop3A_153 = tpu.vector_load %arg20[%parallel_loop3A_151, %parallel_loop3A_152] {strides = array<i32>} : memref<128x128xf32, #tpu.memory_space<vmem>>, vector<16xf32>,
        %parallel_loop3A_154 = arith.mulf %parallel_loop3A_153, %parallel_loop3A_143 : vector<16xf32>
        %parallel_loop3A_155 = arith.index_cast %parallel_loop3A_138 : i32 to index
        %parallel_loop3A_156 = arith.constant 16 : index
        %parallel_loop3A_157 = tpu.vector_load %arg20[%parallel_loop3A_155, %parallel_loop3A_156] {strides = array<i32>} : memref<128x128xf32, #tpu.memory_space<vmem>>, vector<16xf32>,
        tpu.vector_store %arg20[%parallel_loop3A_155, %parallel_loop3A_156], %parallel_loop3A_154 {strides = array<i32>} : memref<128x128xf32, #tpu.memory_space<vmem>>, vector<16xf32>,
        %parallel_loop3A_158 = arith.index_cast %parallel_loop3A_138 : i32 to index
        %parallel_loop3A_159 = arith.constant 32 : index
        %parallel_loop3A_160 = tpu.vector_load %arg20[%parallel_loop3A_158, %parallel_loop3A_159] {strides = array<i32>} : memref<128x128xf32, #tpu.memory_space<vmem>>, vector<16xf32>,
        %parallel_loop3A_161 = arith.mulf %parallel_loop3A_160, %parallel_loop3A_143 : vector<16xf32>
        %parallel_loop3A_162 = arith.index_cast %parallel_loop3A_138 : i32 to index
        %parallel_loop3A_163 = arith.constant 32 : index
        %parallel_loop3A_164 = tpu.vector_load %arg20[%parallel_loop3A_162, %parallel_loop3A_163] {strides = array<i32>} : memref<128x128xf32, #tpu.memory_space<vmem>>, vector<16xf32>,
        tpu.vector_store %arg20[%parallel_loop3A_162, %parallel_loop3A_163], %parallel_loop3A_161 {strides = array<i32>} : memref<128x128xf32, #tpu.memory_space<vmem>>, vector<16xf32>,
        %parallel_loop3A_165 = arith.index_cast %parallel_loop3A_138 : i32 to index
        %parallel_loop3A_166 = arith.constant 48 : index
        %parallel_loop3A_167 = tpu.vector_load %arg20[%parallel_loop3A_165, %parallel_loop3A_166] {strides = array<i32>} : memref<128x128xf32, #tpu.memory_space<vmem>>, vector<16xf32>,
        %parallel_loop3A_168 = arith.mulf %parallel_loop3A_167, %parallel_loop3A_143 : vector<16xf32>
        %parallel_loop3A_169 = arith.index_cast %parallel_loop3A_138 : i32 to index
        %parallel_loop3A_170 = arith.constant 48 : index
        %parallel_loop3A_171 = tpu.vector_load %arg20[%parallel_loop3A_169, %parallel_loop3A_170] {strides = array<i32>} : memref<128x128xf32, #tpu.memory_space<vmem>>, vector<16xf32>,
        tpu.vector_store %arg20[%parallel_loop3A_169, %parallel_loop3A_170], %parallel_loop3A_168 {strides = array<i32>} : memref<128x128xf32, #tpu.memory_space<vmem>>, vector<16xf32>,
        %parallel_loop3A_172 = arith.index_cast %parallel_loop3A_138 : i32 to index
        %parallel_loop3A_173 = arith.constant 64 : index
        %parallel_loop3A_174 = tpu.vector_load %arg20[%parallel_loop3A_172, %parallel_loop3A_173] {strides = array<i32>} : memref<128x128xf32, #tpu.memory_space<vmem>>, vector<16xf32>,
        %parallel_loop3A_175 = arith.mulf %parallel_loop3A_174, %parallel_loop3A_143 : vector<16xf32>
        %parallel_loop3A_176 = arith.index_cast %parallel_loop3A_138 : i32 to index
        %parallel_loop3A_177 = arith.constant 64 : index
        %parallel_loop3A_178 = tpu.vector_load %arg20[%parallel_loop3A_176, %parallel_loop3A_177] {strides = array<i32>} : memref<128x128xf32, #tpu.memory_space<vmem>>, vector<16xf32>,
        tpu.vector_store %arg20[%parallel_loop3A_176, %parallel_loop3A_177], %parallel_loop3A_175 {strides = array<i32>} : memref<128x128xf32, #tpu.memory_space<vmem>>, vector<16xf32>,
        %parallel_loop3A_179 = arith.index_cast %parallel_loop3A_138 : i32 to index
        %parallel_loop3A_180 = arith.constant 80 : index
        %parallel_loop3A_181 = tpu.vector_load %arg20[%parallel_loop3A_179, %parallel_loop3A_180] {strides = array<i32>} : memref<128x128xf32, #tpu.memory_space<vmem>>, vector<16xf32>,
        %parallel_loop3A_182 = arith.mulf %parallel_loop3A_181, %parallel_loop3A_143 : vector<16xf32>
        %parallel_loop3A_183 = arith.index_cast %parallel_loop3A_138 : i32 to index
        %parallel_loop3A_184 = arith.constant 80 : index
        %parallel_loop3A_185 = tpu.vector_load %arg20[%parallel_loop3A_183, %parallel_loop3A_184] {strides = array<i32>} : memref<128x128xf32, #tpu.memory_space<vmem>>, vector<16xf32>,
        tpu.vector_store %arg20[%parallel_loop3A_183, %parallel_loop3A_184], %parallel_loop3A_182 {strides = array<i32>} : memref<128x128xf32, #tpu.memory_space<vmem>>, vector<16xf32>,
        %parallel_loop3A_186 = arith.index_cast %parallel_loop3A_138 : i32 to index
        %parallel_loop3A_187 = arith.constant 96 : index
        %parallel_loop3A_188 = tpu.vector_load %arg20[%parallel_loop3A_186, %parallel_loop3A_187] {strides = array<i32>} : memref<128x128xf32, #tpu.memory_space<vmem>>, vector<16xf32>,
        %parallel_loop3A_189 = arith.mulf %parallel_loop3A_188, %parallel_loop3A_143 : vector<16xf32>
        %parallel_loop3A_190 = arith.index_cast %parallel_loop3A_138 : i32 to index
        %parallel_loop3A_191 = arith.constant 96 : index
        %parallel_loop3A_192 = tpu.vector_load %arg20[%parallel_loop3A_190, %parallel_loop3A_191] {strides = array<i32>} : memref<128x128xf32, #tpu.memory_space<vmem>>, vector<16xf32>,
        tpu.vector_store %arg20[%parallel_loop3A_190, %parallel_loop3A_191], %parallel_loop3A_189 {strides = array<i32>} : memref<128x128xf32, #tpu.memory_space<vmem>>, vector<16xf32>,
        %parallel_loop3A_193 = arith.index_cast %parallel_loop3A_138 : i32 to index
        %parallel_loop3A_194 = arith.constant 112 : index
        %parallel_loop3A_195 = tpu.vector_load %arg20[%parallel_loop3A_193, %parallel_loop3A_194] {strides = array<i32>} : memref<128x128xf32, #tpu.memory_space<vmem>>, vector<16xf32>,
        %parallel_loop3A_196 = arith.mulf %parallel_loop3A_195, %parallel_loop3A_143 : vector<16xf32>
        %parallel_loop3A_197 = arith.index_cast %parallel_loop3A_138 : i32 to index
        %parallel_loop3A_198 = arith.constant 112 : index
        %parallel_loop3A_199 = tpu.vector_load %arg20[%parallel_loop3A_197, %parallel_loop3A_198] {strides = array<i32>} : memref<128x128xf32, #tpu.memory_space<vmem>>, vector<16xf32>,
        tpu.vector_store %arg20[%parallel_loop3A_197, %parallel_loop3A_198], %parallel_loop3A_196 {strides = array<i32>} : memref<128x128xf32, #tpu.memory_space<vmem>>, vector<16xf32>,
      } {sc.loop_unroll_factor = 4 : i64, sc.parallel_access}
      %dma_start3A_99 = arith.constant 0 : i32
      %dma_start3A_100 = arith.constant 0 : i32
      %dma_start3A_101 = tpu.memref_slice %arg21[%dma_start3A_99, %dma_start3A_100] : memref<10240x128xf32, #tpu.memory_space<vmem_shared>> -> memref<10240x128xf32, #tpu.memory_space<vmem_shared>>
      tpu.enqueue_indirect_dma source(%arg20 : memref<128x128xf32, #tpu.memory_space<vmem>>) target(%dma_start3A_101 : memref<10240x128xf32, #tpu.memory_space<vmem_shared>>) offsets(%arg12 : memref<128xi32, #tpu.memory_space<vmem>>) semaphore(%arg29 : memref<!tpu.dma_semaphore, #tpu.memory_space<semaphore_mem>>) {add = true}
      %add3A_102 = arith.constant 2 : i32
      %add3A_103 = arith.addi %add3A_69, %add3A_102 : i32
      %dma_wait3A_104 = arith.constant 0 : i32
      %dma_wait3A_105 = arith.constant 0 : i32
      %dma_wait3A_106 = tpu.memref_slice %arg2[%dma_wait3A_104, %dma_wait3A_105] : memref<10240x128xf32, #tpu.memory_space<hbm>> -> memref<10240x128xf32, #tpu.memory_space<hbm>>
      tpu.wait_indirect_dma semaphore(%arg26 : memref<!tpu.dma_semaphore, #tpu.memory_space<semaphore_mem>>) src(%dma_wait3A_106 : memref<10240x128xf32, #tpu.memory_space<hbm>>) dst(%arg19 : memref<128x128xf32, #tpu.memory_space<vmem>>)
      %add3A_107 = arith.constant 1 : i32
      %add3A_108 = arith.addi %add3A_103, %add3A_107 : i32
      %lt3A_109 = arith.constant 84 : i32
      %lt3A_110 = arith.cmpi slt, %add3A_108, %lt3A_109 : i32
      %convert_element_type3A_111 = arith.extui %lt3A_110 : i1 to i32
      %cond3A_112 = arith.constant 0 : i32
      %cond3A_113 = arith.cmpi ne, %convert_element_type3A_111, %cond3A_112 : i32
      scf.if %cond3A_113 {
        %ge3A = arith.constant 1 : i32
        %ge3A_138 = arith.cmpi sge, %add3A_103, %ge3A : i32
        %convert_element_type3A_139 = arith.extui %ge3A_138 : i1 to i32
        %cond3A_140 = arith.constant 0 : i32
        %cond3A_141 = arith.cmpi ne, %convert_element_type3A_139, %cond3A_140 : i32
        scf.if %cond3A_141 {
          %dma_wait3A_163 = arith.constant 0 : i32
          %dma_wait3A_164 = arith.constant 0 : i32
          %dma_wait3A_165 = tpu.memref_slice %arg21[%dma_wait3A_163, %dma_wait3A_164] : memref<10240x128xf32, #tpu.memory_space<vmem_shared>> -> memref<10240x128xf32, #tpu.memory_space<vmem_shared>>
          tpu.wait_indirect_dma semaphore(%arg29 : memref<!tpu.dma_semaphore, #tpu.memory_space<semaphore_mem>>) src(%arg20 : memref<128x128xf32, #tpu.memory_space<vmem>>) dst(%dma_wait3A_165 : memref<10240x128xf32, #tpu.memory_space<vmem_shared>>)
        } else {
        }
        %add3A_142 = arith.constant 1 : i32
        %add3A_143 = arith.addi %add3A_103, %add3A_142 : i32
        %mul3A_144 = arith.constant 128 : i32
        %mul3A_145 = arith.muli %add3A_143, %mul3A_144 : i32
        %add3A_146 = arith.addi %mul3A_2, %mul3A_145 : i32
        %dma_wait3A_147 = tpu.memref_slice %arg3[%add3A_146] : memref<344064xi32, #tpu.memory_space<hbm>> -> memref<128xi32, #tpu.memory_space<hbm>>
        %dma_wait3A_148 = tpu.memref_slice %arg3[%add3A_146] : memref<344064xi32, #tpu.memory_space<hbm>> -> memref<128xi32, #tpu.memory_space<hbm>>
        tpu.wait_dma2 semaphore(%arg25 : memref<!tpu.dma_semaphore, #tpu.memory_space<semaphore_mem>>) src(%dma_wait3A_148 : memref<128xi32, #tpu.memory_space<hbm>>) dst(%arg10 : memref<128xi32, #tpu.memory_space<vmem>>)
        %dma_wait3A_149 = tpu.memref_slice %arg4[%add3A_146] : memref<344064xi32, #tpu.memory_space<hbm>> -> memref<128xi32, #tpu.memory_space<hbm>>
        %dma_wait3A_150 = tpu.memref_slice %arg4[%add3A_146] : memref<344064xi32, #tpu.memory_space<hbm>> -> memref<128xi32, #tpu.memory_space<hbm>>
        tpu.wait_dma2 semaphore(%arg25 : memref<!tpu.dma_semaphore, #tpu.memory_space<semaphore_mem>>) src(%dma_wait3A_150 : memref<128xi32, #tpu.memory_space<hbm>>) dst(%arg14 : memref<128xi32, #tpu.memory_space<vmem>>)
        %dma_wait3A_151 = tpu.memref_slice %arg5[%add3A_146] : memref<344064xf32, #tpu.memory_space<hbm>> -> memref<128xf32, #tpu.memory_space<hbm>>
        %dma_wait3A_152 = tpu.memref_slice %arg5[%add3A_146] : memref<344064xf32, #tpu.memory_space<hbm>> -> memref<128xf32, #tpu.memory_space<hbm>>
        tpu.wait_dma2 semaphore(%arg25 : memref<!tpu.dma_semaphore, #tpu.memory_space<semaphore_mem>>) src(%dma_wait3A_152 : memref<128xf32, #tpu.memory_space<hbm>>) dst(%arg18 : memref<128xf32, #tpu.memory_space<vmem>>)
        %dma_start3A_153 = arith.constant 0 : i32
        %dma_start3A_154 = arith.constant 0 : i32
        %dma_start3A_155 = tpu.memref_slice %arg2[%dma_start3A_153, %dma_start3A_154] : memref<10240x128xf32, #tpu.memory_space<hbm>> -> memref<10240x128xf32, #tpu.memory_space<hbm>>
        tpu.enqueue_indirect_dma source(%dma_start3A_155 : memref<10240x128xf32, #tpu.memory_space<hbm>>) target(%arg20 : memref<128x128xf32, #tpu.memory_space<vmem>>) offsets(%arg10 : memref<128xi32, #tpu.memory_space<vmem>>) semaphore(%arg27 : memref<!tpu.dma_semaphore, #tpu.memory_space<semaphore_mem>>)
        %add3A_156 = arith.constant 3 : i32
        %add3A_157 = arith.addi %add3A_103, %add3A_156 : i32
        %lt3A_158 = arith.constant 84 : i32
        %lt3A_159 = arith.cmpi slt, %add3A_157, %lt3A_158 : i32
        %convert_element_type3A_160 = arith.extui %lt3A_159 : i1 to i32
        %cond3A_161 = arith.constant 0 : i32
        %cond3A_162 = arith.cmpi ne, %convert_element_type3A_160, %cond3A_161 : i32
        scf.if %cond3A_162 {
          %add3A_163 = arith.constant 3 : i32
          %add3A_164 = arith.addi %add3A_103, %add3A_163 : i32
          %mul3A_165 = arith.constant 128 : i32
          %mul3A_166 = arith.muli %add3A_164, %mul3A_165 : i32
          %add3A_167 = arith.addi %mul3A_2, %mul3A_166 : i32
          %dma_start3A_168 = tpu.memref_slice %arg3[%add3A_167] : memref<344064xi32, #tpu.memory_space<hbm>> -> memref<128xi32, #tpu.memory_space<hbm>>
          %dma_start3A_169 = tpu.memref_slice %arg3[%add3A_167] : memref<344064xi32, #tpu.memory_space<hbm>> -> memref<128xi32, #tpu.memory_space<hbm>>
          tpu.enqueue_dma source(%dma_start3A_169 : memref<128xi32, #tpu.memory_space<hbm>>) target(%arg8 : memref<128xi32, #tpu.memory_space<vmem>>) target_semaphore(%arg23 : memref<!tpu.dma_semaphore, #tpu.memory_space<semaphore_mem>>)
          %dma_start3A_170 = tpu.memref_slice %arg4[%add3A_167] : memref<344064xi32, #tpu.memory_space<hbm>> -> memref<128xi32, #tpu.memory_space<hbm>>
          %dma_start3A_171 = tpu.memref_slice %arg4[%add3A_167] : memref<344064xi32, #tpu.memory_space<hbm>> -> memref<128xi32, #tpu.memory_space<hbm>>
          tpu.enqueue_dma source(%dma_start3A_171 : memref<128xi32, #tpu.memory_space<hbm>>) target(%arg12 : memref<128xi32, #tpu.memory_space<vmem>>) target_semaphore(%arg23 : memref<!tpu.dma_semaphore, #tpu.memory_space<semaphore_mem>>)
          %dma_start3A_172 = tpu.memref_slice %arg5[%add3A_167] : memref<344064xf32, #tpu.memory_space<hbm>> -> memref<128xf32, #tpu.memory_space<hbm>>
          %dma_start3A_173 = tpu.memref_slice %arg5[%add3A_167] : memref<344064xf32, #tpu.memory_space<hbm>> -> memref<128xf32, #tpu.memory_space<hbm>>
          tpu.enqueue_dma source(%dma_start3A_173 : memref<128xf32, #tpu.memory_space<hbm>>) target(%arg16 : memref<128xf32, #tpu.memory_space<vmem>>) target_semaphore(%arg23 : memref<!tpu.dma_semaphore, #tpu.memory_space<semaphore_mem>>)
        } else {
        }
      } else {
      }
      %parallel_loop3A_114 = arith.constant 0 : i32
      %parallel_loop3A_115 = arith.constant 128 : i32
      %parallel_loop3A_116 = arith.constant 1 : i32
      scf.for %parallel_loop3A_138 = %parallel_loop3A_114 to %parallel_loop3A_115 step %parallel_loop3A_116  : i32 {
        %parallel_loop3A_139 = arith.constant 0 : i32
        %parallel_loop3A_140 = vector.broadcast %parallel_loop3A_139 : i32 to vector<16xi32>
        %parallel_loop3A_141 = vector.broadcast %parallel_loop3A_138 : i32 to vector<16xi32>
        %parallel_loop3A_142 = arith.addi %parallel_loop3A_140, %parallel_loop3A_141 : vector<16xi32>
        %parallel_loop3A_143 = tpu.vector_load_idx %arg17[%parallel_loop3A_142] : memref<128xf32, #tpu.memory_space<vmem>>[vector<16xi32>], vector<16xf32>,
        %parallel_loop3A_144 = arith.index_cast %parallel_loop3A_138 : i32 to index
        %parallel_loop3A_145 = arith.constant 0 : index
        %parallel_loop3A_146 = tpu.vector_load %arg19[%parallel_loop3A_144, %parallel_loop3A_145] {strides = array<i32>} : memref<128x128xf32, #tpu.memory_space<vmem>>, vector<16xf32>,
        %parallel_loop3A_147 = arith.mulf %parallel_loop3A_146, %parallel_loop3A_143 : vector<16xf32>
        %parallel_loop3A_148 = arith.index_cast %parallel_loop3A_138 : i32 to index
        %parallel_loop3A_149 = arith.constant 0 : index
        %parallel_loop3A_150 = tpu.vector_load %arg19[%parallel_loop3A_148, %parallel_loop3A_149] {strides = array<i32>} : memref<128x128xf32, #tpu.memory_space<vmem>>, vector<16xf32>,
        tpu.vector_store %arg19[%parallel_loop3A_148, %parallel_loop3A_149], %parallel_loop3A_147 {strides = array<i32>} : memref<128x128xf32, #tpu.memory_space<vmem>>, vector<16xf32>,
        %parallel_loop3A_151 = arith.index_cast %parallel_loop3A_138 : i32 to index
        %parallel_loop3A_152 = arith.constant 16 : index
        %parallel_loop3A_153 = tpu.vector_load %arg19[%parallel_loop3A_151, %parallel_loop3A_152] {strides = array<i32>} : memref<128x128xf32, #tpu.memory_space<vmem>>, vector<16xf32>,
        %parallel_loop3A_154 = arith.mulf %parallel_loop3A_153, %parallel_loop3A_143 : vector<16xf32>
        %parallel_loop3A_155 = arith.index_cast %parallel_loop3A_138 : i32 to index
        %parallel_loop3A_156 = arith.constant 16 : index
        %parallel_loop3A_157 = tpu.vector_load %arg19[%parallel_loop3A_155, %parallel_loop3A_156] {strides = array<i32>} : memref<128x128xf32, #tpu.memory_space<vmem>>, vector<16xf32>,
        tpu.vector_store %arg19[%parallel_loop3A_155, %parallel_loop3A_156], %parallel_loop3A_154 {strides = array<i32>} : memref<128x128xf32, #tpu.memory_space<vmem>>, vector<16xf32>,
        %parallel_loop3A_158 = arith.index_cast %parallel_loop3A_138 : i32 to index
        %parallel_loop3A_159 = arith.constant 32 : index
        %parallel_loop3A_160 = tpu.vector_load %arg19[%parallel_loop3A_158, %parallel_loop3A_159] {strides = array<i32>} : memref<128x128xf32, #tpu.memory_space<vmem>>, vector<16xf32>,
        %parallel_loop3A_161 = arith.mulf %parallel_loop3A_160, %parallel_loop3A_143 : vector<16xf32>
        %parallel_loop3A_162 = arith.index_cast %parallel_loop3A_138 : i32 to index
        %parallel_loop3A_163 = arith.constant 32 : index
        %parallel_loop3A_164 = tpu.vector_load %arg19[%parallel_loop3A_162, %parallel_loop3A_163] {strides = array<i32>} : memref<128x128xf32, #tpu.memory_space<vmem>>, vector<16xf32>,
        tpu.vector_store %arg19[%parallel_loop3A_162, %parallel_loop3A_163], %parallel_loop3A_161 {strides = array<i32>} : memref<128x128xf32, #tpu.memory_space<vmem>>, vector<16xf32>,
        %parallel_loop3A_165 = arith.index_cast %parallel_loop3A_138 : i32 to index
        %parallel_loop3A_166 = arith.constant 48 : index
        %parallel_loop3A_167 = tpu.vector_load %arg19[%parallel_loop3A_165, %parallel_loop3A_166] {strides = array<i32>} : memref<128x128xf32, #tpu.memory_space<vmem>>, vector<16xf32>,
        %parallel_loop3A_168 = arith.mulf %parallel_loop3A_167, %parallel_loop3A_143 : vector<16xf32>
        %parallel_loop3A_169 = arith.index_cast %parallel_loop3A_138 : i32 to index
        %parallel_loop3A_170 = arith.constant 48 : index
        %parallel_loop3A_171 = tpu.vector_load %arg19[%parallel_loop3A_169, %parallel_loop3A_170] {strides = array<i32>} : memref<128x128xf32, #tpu.memory_space<vmem>>, vector<16xf32>,
        tpu.vector_store %arg19[%parallel_loop3A_169, %parallel_loop3A_170], %parallel_loop3A_168 {strides = array<i32>} : memref<128x128xf32, #tpu.memory_space<vmem>>, vector<16xf32>,
        %parallel_loop3A_172 = arith.index_cast %parallel_loop3A_138 : i32 to index
        %parallel_loop3A_173 = arith.constant 64 : index
        %parallel_loop3A_174 = tpu.vector_load %arg19[%parallel_loop3A_172, %parallel_loop3A_173] {strides = array<i32>} : memref<128x128xf32, #tpu.memory_space<vmem>>, vector<16xf32>,
        %parallel_loop3A_175 = arith.mulf %parallel_loop3A_174, %parallel_loop3A_143 : vector<16xf32>
        %parallel_loop3A_176 = arith.index_cast %parallel_loop3A_138 : i32 to index
        %parallel_loop3A_177 = arith.constant 64 : index
        %parallel_loop3A_178 = tpu.vector_load %arg19[%parallel_loop3A_176, %parallel_loop3A_177] {strides = array<i32>} : memref<128x128xf32, #tpu.memory_space<vmem>>, vector<16xf32>,
        tpu.vector_store %arg19[%parallel_loop3A_176, %parallel_loop3A_177], %parallel_loop3A_175 {strides = array<i32>} : memref<128x128xf32, #tpu.memory_space<vmem>>, vector<16xf32>,
        %parallel_loop3A_179 = arith.index_cast %parallel_loop3A_138 : i32 to index
        %parallel_loop3A_180 = arith.constant 80 : index
        %parallel_loop3A_181 = tpu.vector_load %arg19[%parallel_loop3A_179, %parallel_loop3A_180] {strides = array<i32>} : memref<128x128xf32, #tpu.memory_space<vmem>>, vector<16xf32>,
        %parallel_loop3A_182 = arith.mulf %parallel_loop3A_181, %parallel_loop3A_143 : vector<16xf32>
        %parallel_loop3A_183 = arith.index_cast %parallel_loop3A_138 : i32 to index
        %parallel_loop3A_184 = arith.constant 80 : index
        %parallel_loop3A_185 = tpu.vector_load %arg19[%parallel_loop3A_183, %parallel_loop3A_184] {strides = array<i32>} : memref<128x128xf32, #tpu.memory_space<vmem>>, vector<16xf32>,
        tpu.vector_store %arg19[%parallel_loop3A_183, %parallel_loop3A_184], %parallel_loop3A_182 {strides = array<i32>} : memref<128x128xf32, #tpu.memory_space<vmem>>, vector<16xf32>,
        %parallel_loop3A_186 = arith.index_cast %parallel_loop3A_138 : i32 to index
        %parallel_loop3A_187 = arith.constant 96 : index
        %parallel_loop3A_188 = tpu.vector_load %arg19[%parallel_loop3A_186, %parallel_loop3A_187] {strides = array<i32>} : memref<128x128xf32, #tpu.memory_space<vmem>>, vector<16xf32>,
        %parallel_loop3A_189 = arith.mulf %parallel_loop3A_188, %parallel_loop3A_143 : vector<16xf32>
        %parallel_loop3A_190 = arith.index_cast %parallel_loop3A_138 : i32 to index
        %parallel_loop3A_191 = arith.constant 96 : index
        %parallel_loop3A_192 = tpu.vector_load %arg19[%parallel_loop3A_190, %parallel_loop3A_191] {strides = array<i32>} : memref<128x128xf32, #tpu.memory_space<vmem>>, vector<16xf32>,
        tpu.vector_store %arg19[%parallel_loop3A_190, %parallel_loop3A_191], %parallel_loop3A_189 {strides = array<i32>} : memref<128x128xf32, #tpu.memory_space<vmem>>, vector<16xf32>,
        %parallel_loop3A_193 = arith.index_cast %parallel_loop3A_138 : i32 to index
        %parallel_loop3A_194 = arith.constant 112 : index
        %parallel_loop3A_195 = tpu.vector_load %arg19[%parallel_loop3A_193, %parallel_loop3A_194] {strides = array<i32>} : memref<128x128xf32, #tpu.memory_space<vmem>>, vector<16xf32>,
        %parallel_loop3A_196 = arith.mulf %parallel_loop3A_195, %parallel_loop3A_143 : vector<16xf32>
        %parallel_loop3A_197 = arith.index_cast %parallel_loop3A_138 : i32 to index
        %parallel_loop3A_198 = arith.constant 112 : index
        %parallel_loop3A_199 = tpu.vector_load %arg19[%parallel_loop3A_197, %parallel_loop3A_198] {strides = array<i32>} : memref<128x128xf32, #tpu.memory_space<vmem>>, vector<16xf32>,
        tpu.vector_store %arg19[%parallel_loop3A_197, %parallel_loop3A_198], %parallel_loop3A_196 {strides = array<i32>} : memref<128x128xf32, #tpu.memory_space<vmem>>, vector<16xf32>,
      } {sc.loop_unroll_factor = 4 : i64, sc.parallel_access}
      %dma_start3A_117 = arith.constant 0 : i32
      %dma_start3A_118 = arith.constant 0 : i32
      %dma_start3A_119 = tpu.memref_slice %arg21[%dma_start3A_117, %dma_start3A_118] : memref<10240x128xf32, #tpu.memory_space<vmem_shared>> -> memref<10240x128xf32, #tpu.memory_space<vmem_shared>>
      tpu.enqueue_indirect_dma source(%arg19 : memref<128x128xf32, #tpu.memory_space<vmem>>) target(%dma_start3A_119 : memref<10240x128xf32, #tpu.memory_space<vmem_shared>>) offsets(%arg13 : memref<128xi32, #tpu.memory_space<vmem>>) semaphore(%arg28 : memref<!tpu.dma_semaphore, #tpu.memory_space<semaphore_mem>>) {add = true}
      %add3A_120 = arith.constant 3 : i32
      %add3A_121 = arith.addi %add3A_69, %add3A_120 : i32
      %dma_wait3A_122 = arith.constant 0 : i32
      %dma_wait3A_123 = arith.constant 0 : i32
      %dma_wait3A_124 = tpu.memref_slice %arg2[%dma_wait3A_122, %dma_wait3A_123] : memref<10240x128xf32, #tpu.memory_space<hbm>> -> memref<10240x128xf32, #tpu.memory_space<hbm>>
      tpu.wait_indirect_dma semaphore(%arg27 : memref<!tpu.dma_semaphore, #tpu.memory_space<semaphore_mem>>) src(%dma_wait3A_124 : memref<10240x128xf32, #tpu.memory_space<hbm>>) dst(%arg20 : memref<128x128xf32, #tpu.memory_space<vmem>>)
      %add3A_125 = arith.constant 1 : i32
      %add3A_126 = arith.addi %add3A_121, %add3A_125 : i32
      %lt3A_127 = arith.constant 84 : i32
      %lt3A_128 = arith.cmpi slt, %add3A_126, %lt3A_127 : i32
      %convert_element_type3A_129 = arith.extui %lt3A_128 : i1 to i32
      %cond3A_130 = arith.constant 0 : i32
      %cond3A_131 = arith.cmpi ne, %convert_element_type3A_129, %cond3A_130 : i32
      scf.if %cond3A_131 {
        %ge3A = arith.constant 1 : i32
        %ge3A_138 = arith.cmpi sge, %add3A_121, %ge3A : i32
        %convert_element_type3A_139 = arith.extui %ge3A_138 : i1 to i32
        %cond3A_140 = arith.constant 0 : i32
        %cond3A_141 = arith.cmpi ne, %convert_element_type3A_139, %cond3A_140 : i32
        scf.if %cond3A_141 {
          %dma_wait3A_163 = arith.constant 0 : i32
          %dma_wait3A_164 = arith.constant 0 : i32
          %dma_wait3A_165 = tpu.memref_slice %arg21[%dma_wait3A_163, %dma_wait3A_164] : memref<10240x128xf32, #tpu.memory_space<vmem_shared>> -> memref<10240x128xf32, #tpu.memory_space<vmem_shared>>
          tpu.wait_indirect_dma semaphore(%arg28 : memref<!tpu.dma_semaphore, #tpu.memory_space<semaphore_mem>>) src(%arg19 : memref<128x128xf32, #tpu.memory_space<vmem>>) dst(%dma_wait3A_165 : memref<10240x128xf32, #tpu.memory_space<vmem_shared>>)
        } else {
        }
        %add3A_142 = arith.constant 1 : i32
        %add3A_143 = arith.addi %add3A_121, %add3A_142 : i32
        %mul3A_144 = arith.constant 128 : i32
        %mul3A_145 = arith.muli %add3A_143, %mul3A_144 : i32
        %add3A_146 = arith.addi %mul3A_2, %mul3A_145 : i32
        %dma_wait3A_147 = tpu.memref_slice %arg3[%add3A_146] : memref<344064xi32, #tpu.memory_space<hbm>> -> memref<128xi32, #tpu.memory_space<hbm>>
        %dma_wait3A_148 = tpu.memref_slice %arg3[%add3A_146] : memref<344064xi32, #tpu.memory_space<hbm>> -> memref<128xi32, #tpu.memory_space<hbm>>
        tpu.wait_dma2 semaphore(%arg22 : memref<!tpu.dma_semaphore, #tpu.memory_space<semaphore_mem>>) src(%dma_wait3A_148 : memref<128xi32, #tpu.memory_space<hbm>>) dst(%arg7 : memref<128xi32, #tpu.memory_space<vmem>>)
        %dma_wait3A_149 = tpu.memref_slice %arg4[%add3A_146] : memref<344064xi32, #tpu.memory_space<hbm>> -> memref<128xi32, #tpu.memory_space<hbm>>
        %dma_wait3A_150 = tpu.memref_slice %arg4[%add3A_146] : memref<344064xi32, #tpu.memory_space<hbm>> -> memref<128xi32, #tpu.memory_space<hbm>>
        tpu.wait_dma2 semaphore(%arg22 : memref<!tpu.dma_semaphore, #tpu.memory_space<semaphore_mem>>) src(%dma_wait3A_150 : memref<128xi32, #tpu.memory_space<hbm>>) dst(%arg11 : memref<128xi32, #tpu.memory_space<vmem>>)
        %dma_wait3A_151 = tpu.memref_slice %arg5[%add3A_146] : memref<344064xf32, #tpu.memory_space<hbm>> -> memref<128xf32, #tpu.memory_space<hbm>>
        %dma_wait3A_152 = tpu.memref_slice %arg5[%add3A_146] : memref<344064xf32, #tpu.memory_space<hbm>> -> memref<128xf32, #tpu.memory_space<hbm>>
        tpu.wait_dma2 semaphore(%arg22 : memref<!tpu.dma_semaphore, #tpu.memory_space<semaphore_mem>>) src(%dma_wait3A_152 : memref<128xf32, #tpu.memory_space<hbm>>) dst(%arg15 : memref<128xf32, #tpu.memory_space<vmem>>)
        %dma_start3A_153 = arith.constant 0 : i32
        %dma_start3A_154 = arith.constant 0 : i32
        %dma_start3A_155 = tpu.memref_slice %arg2[%dma_start3A_153, %dma_start3A_154] : memref<10240x128xf32, #tpu.memory_space<hbm>> -> memref<10240x128xf32, #tpu.memory_space<hbm>>
        tpu.enqueue_indirect_dma source(%dma_start3A_155 : memref<10240x128xf32, #tpu.memory_space<hbm>>) target(%arg19 : memref<128x128xf32, #tpu.memory_space<vmem>>) offsets(%arg7 : memref<128xi32, #tpu.memory_space<vmem>>) semaphore(%arg26 : memref<!tpu.dma_semaphore, #tpu.memory_space<semaphore_mem>>)
        %add3A_156 = arith.constant 3 : i32
        %add3A_157 = arith.addi %add3A_121, %add3A_156 : i32
        %lt3A_158 = arith.constant 84 : i32
        %lt3A_159 = arith.cmpi slt, %add3A_157, %lt3A_158 : i32
        %convert_element_type3A_160 = arith.extui %lt3A_159 : i1 to i32
        %cond3A_161 = arith.constant 0 : i32
        %cond3A_162 = arith.cmpi ne, %convert_element_type3A_160, %cond3A_161 : i32
        scf.if %cond3A_162 {
          %add3A_163 = arith.constant 3 : i32
          %add3A_164 = arith.addi %add3A_121, %add3A_163 : i32
          %mul3A_165 = arith.constant 128 : i32
          %mul3A_166 = arith.muli %add3A_164, %mul3A_165 : i32
          %add3A_167 = arith.addi %mul3A_2, %mul3A_166 : i32
          %dma_start3A_168 = tpu.memref_slice %arg3[%add3A_167] : memref<344064xi32, #tpu.memory_space<hbm>> -> memref<128xi32, #tpu.memory_space<hbm>>
          %dma_start3A_169 = tpu.memref_slice %arg3[%add3A_167] : memref<344064xi32, #tpu.memory_space<hbm>> -> memref<128xi32, #tpu.memory_space<hbm>>
          tpu.enqueue_dma source(%dma_start3A_169 : memref<128xi32, #tpu.memory_space<hbm>>) target(%arg9 : memref<128xi32, #tpu.memory_space<vmem>>) target_semaphore(%arg24 : memref<!tpu.dma_semaphore, #tpu.memory_space<semaphore_mem>>)
          %dma_start3A_170 = tpu.memref_slice %arg4[%add3A_167] : memref<344064xi32, #tpu.memory_space<hbm>> -> memref<128xi32, #tpu.memory_space<hbm>>
          %dma_start3A_171 = tpu.memref_slice %arg4[%add3A_167] : memref<344064xi32, #tpu.memory_space<hbm>> -> memref<128xi32, #tpu.memory_space<hbm>>
          tpu.enqueue_dma source(%dma_start3A_171 : memref<128xi32, #tpu.memory_space<hbm>>) target(%arg13 : memref<128xi32, #tpu.memory_space<vmem>>) target_semaphore(%arg24 : memref<!tpu.dma_semaphore, #tpu.memory_space<semaphore_mem>>)
          %dma_start3A_172 = tpu.memref_slice %arg5[%add3A_167] : memref<344064xf32, #tpu.memory_space<hbm>> -> memref<128xf32, #tpu.memory_space<hbm>>
          %dma_start3A_173 = tpu.memref_slice %arg5[%add3A_167] : memref<344064xf32, #tpu.memory_space<hbm>> -> memref<128xf32, #tpu.memory_space<hbm>>
          tpu.enqueue_dma source(%dma_start3A_173 : memref<128xf32, #tpu.memory_space<hbm>>) target(%arg17 : memref<128xf32, #tpu.memory_space<vmem>>) target_semaphore(%arg24 : memref<!tpu.dma_semaphore, #tpu.memory_space<semaphore_mem>>)
        } else {
        }
      } else {
      }
      %parallel_loop3A_132 = arith.constant 0 : i32
      %parallel_loop3A_133 = arith.constant 128 : i32
      %parallel_loop3A_134 = arith.constant 1 : i32
      scf.for %parallel_loop3A_138 = %parallel_loop3A_132 to %parallel_loop3A_133 step %parallel_loop3A_134  : i32 {
        %parallel_loop3A_139 = arith.constant 0 : i32
        %parallel_loop3A_140 = vector.broadcast %parallel_loop3A_139 : i32 to vector<16xi32>
        %parallel_loop3A_141 = vector.broadcast %parallel_loop3A_138 : i32 to vector<16xi32>
        %parallel_loop3A_142 = arith.addi %parallel_loop3A_140, %parallel_loop3A_141 : vector<16xi32>
        %parallel_loop3A_143 = tpu.vector_load_idx %arg18[%parallel_loop3A_142] : memref<128xf32, #tpu.memory_space<vmem>>[vector<16xi32>], vector<16xf32>,
        %parallel_loop3A_144 = arith.index_cast %parallel_loop3A_138 : i32 to index
        %parallel_loop3A_145 = arith.constant 0 : index
        %parallel_loop3A_146 = tpu.vector_load %arg20[%parallel_loop3A_144, %parallel_loop3A_145] {strides = array<i32>} : memref<128x128xf32, #tpu.memory_space<vmem>>, vector<16xf32>,
        %parallel_loop3A_147 = arith.mulf %parallel_loop3A_146, %parallel_loop3A_143 : vector<16xf32>
        %parallel_loop3A_148 = arith.index_cast %parallel_loop3A_138 : i32 to index
        %parallel_loop3A_149 = arith.constant 0 : index
        %parallel_loop3A_150 = tpu.vector_load %arg20[%parallel_loop3A_148, %parallel_loop3A_149] {strides = array<i32>} : memref<128x128xf32, #tpu.memory_space<vmem>>, vector<16xf32>,
        tpu.vector_store %arg20[%parallel_loop3A_148, %parallel_loop3A_149], %parallel_loop3A_147 {strides = array<i32>} : memref<128x128xf32, #tpu.memory_space<vmem>>, vector<16xf32>,
        %parallel_loop3A_151 = arith.index_cast %parallel_loop3A_138 : i32 to index
        %parallel_loop3A_152 = arith.constant 16 : index
        %parallel_loop3A_153 = tpu.vector_load %arg20[%parallel_loop3A_151, %parallel_loop3A_152] {strides = array<i32>} : memref<128x128xf32, #tpu.memory_space<vmem>>, vector<16xf32>,
        %parallel_loop3A_154 = arith.mulf %parallel_loop3A_153, %parallel_loop3A_143 : vector<16xf32>
        %parallel_loop3A_155 = arith.index_cast %parallel_loop3A_138 : i32 to index
        %parallel_loop3A_156 = arith.constant 16 : index
        %parallel_loop3A_157 = tpu.vector_load %arg20[%parallel_loop3A_155, %parallel_loop3A_156] {strides = array<i32>} : memref<128x128xf32, #tpu.memory_space<vmem>>, vector<16xf32>,
        tpu.vector_store %arg20[%parallel_loop3A_155, %parallel_loop3A_156], %parallel_loop3A_154 {strides = array<i32>} : memref<128x128xf32, #tpu.memory_space<vmem>>, vector<16xf32>,
        %parallel_loop3A_158 = arith.index_cast %parallel_loop3A_138 : i32 to index
        %parallel_loop3A_159 = arith.constant 32 : index
        %parallel_loop3A_160 = tpu.vector_load %arg20[%parallel_loop3A_158, %parallel_loop3A_159] {strides = array<i32>} : memref<128x128xf32, #tpu.memory_space<vmem>>, vector<16xf32>,
        %parallel_loop3A_161 = arith.mulf %parallel_loop3A_160, %parallel_loop3A_143 : vector<16xf32>
        %parallel_loop3A_162 = arith.index_cast %parallel_loop3A_138 : i32 to index
        %parallel_loop3A_163 = arith.constant 32 : index
        %parallel_loop3A_164 = tpu.vector_load %arg20[%parallel_loop3A_162, %parallel_loop3A_163] {strides = array<i32>} : memref<128x128xf32, #tpu.memory_space<vmem>>, vector<16xf32>,
        tpu.vector_store %arg20[%parallel_loop3A_162, %parallel_loop3A_163], %parallel_loop3A_161 {strides = array<i32>} : memref<128x128xf32, #tpu.memory_space<vmem>>, vector<16xf32>,
        %parallel_loop3A_165 = arith.index_cast %parallel_loop3A_138 : i32 to index
        %parallel_loop3A_166 = arith.constant 48 : index
        %parallel_loop3A_167 = tpu.vector_load %arg20[%parallel_loop3A_165, %parallel_loop3A_166] {strides = array<i32>} : memref<128x128xf32, #tpu.memory_space<vmem>>, vector<16xf32>,
        %parallel_loop3A_168 = arith.mulf %parallel_loop3A_167, %parallel_loop3A_143 : vector<16xf32>
        %parallel_loop3A_169 = arith.index_cast %parallel_loop3A_138 : i32 to index
        %parallel_loop3A_170 = arith.constant 48 : index
        %parallel_loop3A_171 = tpu.vector_load %arg20[%parallel_loop3A_169, %parallel_loop3A_170] {strides = array<i32>} : memref<128x128xf32, #tpu.memory_space<vmem>>, vector<16xf32>,
        tpu.vector_store %arg20[%parallel_loop3A_169, %parallel_loop3A_170], %parallel_loop3A_168 {strides = array<i32>} : memref<128x128xf32, #tpu.memory_space<vmem>>, vector<16xf32>,
        %parallel_loop3A_172 = arith.index_cast %parallel_loop3A_138 : i32 to index
        %parallel_loop3A_173 = arith.constant 64 : index
        %parallel_loop3A_174 = tpu.vector_load %arg20[%parallel_loop3A_172, %parallel_loop3A_173] {strides = array<i32>} : memref<128x128xf32, #tpu.memory_space<vmem>>, vector<16xf32>,
        %parallel_loop3A_175 = arith.mulf %parallel_loop3A_174, %parallel_loop3A_143 : vector<16xf32>
        %parallel_loop3A_176 = arith.index_cast %parallel_loop3A_138 : i32 to index
        %parallel_loop3A_177 = arith.constant 64 : index
        %parallel_loop3A_178 = tpu.vector_load %arg20[%parallel_loop3A_176, %parallel_loop3A_177] {strides = array<i32>} : memref<128x128xf32, #tpu.memory_space<vmem>>, vector<16xf32>,
        tpu.vector_store %arg20[%parallel_loop3A_176, %parallel_loop3A_177], %parallel_loop3A_175 {strides = array<i32>} : memref<128x128xf32, #tpu.memory_space<vmem>>, vector<16xf32>,
        %parallel_loop3A_179 = arith.index_cast %parallel_loop3A_138 : i32 to index
        %parallel_loop3A_180 = arith.constant 80 : index
        %parallel_loop3A_181 = tpu.vector_load %arg20[%parallel_loop3A_179, %parallel_loop3A_180] {strides = array<i32>} : memref<128x128xf32, #tpu.memory_space<vmem>>, vector<16xf32>,
        %parallel_loop3A_182 = arith.mulf %parallel_loop3A_181, %parallel_loop3A_143 : vector<16xf32>
        %parallel_loop3A_183 = arith.index_cast %parallel_loop3A_138 : i32 to index
        %parallel_loop3A_184 = arith.constant 80 : index
        %parallel_loop3A_185 = tpu.vector_load %arg20[%parallel_loop3A_183, %parallel_loop3A_184] {strides = array<i32>} : memref<128x128xf32, #tpu.memory_space<vmem>>, vector<16xf32>,
        tpu.vector_store %arg20[%parallel_loop3A_183, %parallel_loop3A_184], %parallel_loop3A_182 {strides = array<i32>} : memref<128x128xf32, #tpu.memory_space<vmem>>, vector<16xf32>,
        %parallel_loop3A_186 = arith.index_cast %parallel_loop3A_138 : i32 to index
        %parallel_loop3A_187 = arith.constant 96 : index
        %parallel_loop3A_188 = tpu.vector_load %arg20[%parallel_loop3A_186, %parallel_loop3A_187] {strides = array<i32>} : memref<128x128xf32, #tpu.memory_space<vmem>>, vector<16xf32>,
        %parallel_loop3A_189 = arith.mulf %parallel_loop3A_188, %parallel_loop3A_143 : vector<16xf32>
        %parallel_loop3A_190 = arith.index_cast %parallel_loop3A_138 : i32 to index
        %parallel_loop3A_191 = arith.constant 96 : index
        %parallel_loop3A_192 = tpu.vector_load %arg20[%parallel_loop3A_190, %parallel_loop3A_191] {strides = array<i32>} : memref<128x128xf32, #tpu.memory_space<vmem>>, vector<16xf32>,
        tpu.vector_store %arg20[%parallel_loop3A_190, %parallel_loop3A_191], %parallel_loop3A_189 {strides = array<i32>} : memref<128x128xf32, #tpu.memory_space<vmem>>, vector<16xf32>,
        %parallel_loop3A_193 = arith.index_cast %parallel_loop3A_138 : i32 to index
        %parallel_loop3A_194 = arith.constant 112 : index
        %parallel_loop3A_195 = tpu.vector_load %arg20[%parallel_loop3A_193, %parallel_loop3A_194] {strides = array<i32>} : memref<128x128xf32, #tpu.memory_space<vmem>>, vector<16xf32>,
        %parallel_loop3A_196 = arith.mulf %parallel_loop3A_195, %parallel_loop3A_143 : vector<16xf32>
        %parallel_loop3A_197 = arith.index_cast %parallel_loop3A_138 : i32 to index
        %parallel_loop3A_198 = arith.constant 112 : index
        %parallel_loop3A_199 = tpu.vector_load %arg20[%parallel_loop3A_197, %parallel_loop3A_198] {strides = array<i32>} : memref<128x128xf32, #tpu.memory_space<vmem>>, vector<16xf32>,
        tpu.vector_store %arg20[%parallel_loop3A_197, %parallel_loop3A_198], %parallel_loop3A_196 {strides = array<i32>} : memref<128x128xf32, #tpu.memory_space<vmem>>, vector<16xf32>,
      } {sc.loop_unroll_factor = 4 : i64, sc.parallel_access}
      %dma_start3A_135 = arith.constant 0 : i32
      %dma_start3A_136 = arith.constant 0 : i32
      %dma_start3A_137 = tpu.memref_slice %arg21[%dma_start3A_135, %dma_start3A_136] : memref<10240x128xf32, #tpu.memory_space<vmem_shared>> -> memref<10240x128xf32, #tpu.memory_space<vmem_shared>>
      tpu.enqueue_indirect_dma source(%arg20 : memref<128x128xf32, #tpu.memory_space<vmem>>) target(%dma_start3A_137 : memref<10240x128xf32, #tpu.memory_space<vmem_shared>>) offsets(%arg14 : memref<128xi32, #tpu.memory_space<vmem>>) semaphore(%arg29 : memref<!tpu.dma_semaphore, #tpu.memory_space<semaphore_mem>>) {add = true}
    }
    %scan3A_52 = arith.constant 21 : i32
    %dma_wait3A_53 = arith.constant 0 : i32
    %dma_wait3A_54 = arith.constant 0 : i32
    %dma_wait3A_55 = tpu.memref_slice %arg21[%dma_wait3A_53, %dma_wait3A_54] : memref<10240x128xf32, #tpu.memory_space<vmem_shared>> -> memref<10240x128xf32, #tpu.memory_space<vmem_shared>>
    tpu.wait_indirect_dma semaphore(%arg28 : memref<!tpu.dma_semaphore, #tpu.memory_space<semaphore_mem>>) src(%arg19 : memref<128x128xf32, #tpu.memory_space<vmem>>) dst(%dma_wait3A_55 : memref<10240x128xf32, #tpu.memory_space<vmem_shared>>)
    %dma_wait3A_56 = arith.constant 0 : i32
    %dma_wait3A_57 = arith.constant 0 : i32
    %dma_wait3A_58 = tpu.memref_slice %arg21[%dma_wait3A_56, %dma_wait3A_57] : memref<10240x128xf32, #tpu.memory_space<vmem_shared>> -> memref<10240x128xf32, #tpu.memory_space<vmem_shared>>
    tpu.wait_indirect_dma semaphore(%arg29 : memref<!tpu.dma_semaphore, #tpu.memory_space<semaphore_mem>>) src(%arg20 : memref<128x128xf32, #tpu.memory_space<vmem>>) dst(%dma_wait3A_58 : memref<10240x128xf32, #tpu.memory_space<vmem_shared>>)
    %barrier3A_59 = arith.constant 0 : index
    tpu.barrier barrier_id(%barrier3A_59)
    %scan3A_60 = arith.constant 0 : i32
    %scan3A_61 = arith.constant 5 : i32
    %scan3A_62 = arith.addi %scan3A_60, %scan3A_61 : i32
    %scan3A_63 = arith.constant 1 : i32
    scf.for %scan3A_65 = %scan3A_60 to %scan3A_62 step %scan3A_63  : i32 {
      %mul3A_66 = arith.constant 128 : i32
      %mul3A_67 = arith.muli %scan3A_65, %mul3A_66 : i32
      %add3A_68 = arith.constant 0 : i32
      %add3A_69 = arith.addi %add3A_68, %mul3A_67 : i32
      %add3A_70 = arith.addi %mul3A_4, %add3A_69 : i32
      "tpu.region"() ({
        %run_scoped3A = tpu.sem_alloc : memref<!tpu.dma_semaphore, #tpu.memory_space<semaphore_mem>>
        %dma_start3A_71 = arith.constant 0 : i32
        %dma_start3A_72 = tpu.memref_slice %arg6[%arg0, %add3A_70, %dma_start3A_71] : memref<2x10240x128xf32, #tpu.memory_space<hbm>> -> memref<1x128x128xf32, #tpu.memory_space<hbm>>
        %dma_start3A_73 = tpu.memref_squeeze %dma_start3A_72 : memref<1x128x128xf32, #tpu.memory_space<hbm>> -> memref<128x128xf32, #tpu.memory_space<hbm>>
        %dma_start3A_74 = arith.constant 0 : i32
        %dma_start3A_75 = tpu.memref_slice %arg21[%add3A_70, %dma_start3A_74] : memref<10240x128xf32, #tpu.memory_space<vmem_shared>> -> memref<128x128xf32, #tpu.memory_space<vmem_shared>>
        tpu.enqueue_dma source(%dma_start3A_75 : memref<128x128xf32, #tpu.memory_space<vmem_shared>>) target(%dma_start3A_73 : memref<128x128xf32, #tpu.memory_space<hbm>>) target_semaphore(%run_scoped3A : memref<!tpu.dma_semaphore, #tpu.memory_space<semaphore_mem>>)
        %dma_wait3A_76 = arith.constant 0 : i32
        %dma_wait3A_77 = tpu.memref_slice %arg6[%arg0, %add3A_70, %dma_wait3A_76] : memref<2x10240x128xf32, #tpu.memory_space<hbm>> -> memref<1x128x128xf32, #tpu.memory_space<hbm>>
        %dma_wait3A_78 = tpu.memref_squeeze %dma_wait3A_77 : memref<1x128x128xf32, #tpu.memory_space<hbm>> -> memref<128x128xf32, #tpu.memory_space<hbm>>
        %dma_wait3A_79 = arith.constant 0 : i32
        %dma_wait3A_80 = tpu.memref_slice %arg21[%add3A_70, %dma_wait3A_79] : memref<10240x128xf32, #tpu.memory_space<vmem_shared>> -> memref<128x128xf32, #tpu.memory_space<vmem_shared>>
        tpu.wait_dma2 semaphore(%run_scoped3A : memref<!tpu.dma_semaphore, #tpu.memory_space<semaphore_mem>>) src(%dma_wait3A_80 : memref<128x128xf32, #tpu.memory_space<vmem_shared>>) dst(%dma_wait3A_78 : memref<128x128xf32, #tpu.memory_space<hbm>>)
        tpu.yield
      }) : () -> ()
    }
    %scan3A_64 = arith.constant 5 : i32
    return
  }
}

module attributes {stable_mosaic.version = 14 : i64} {
  func.func @body(%arg0: i32, %arg1: memref<2000x128xf32, #tpu.memory_space<vmem>>, %arg2: memref<128x128xf32, #tpu.memory_space<vmem>>, %arg3: memref<2000x128xf32, #tpu.memory_space<vmem>>) attributes {dimension_semantics = [#tpu.dimension_semantics<arbitrary>], iteration_bounds = array<i64: 5>, scalar_prefetch = 0 : i64, scratch_operands = 0 : i64, tpu.core_type = #tpu.core_type<tc>, window_params = [{transform_indices = @transform_0, window_bounds = array<i64: 2000, 128>}, {pipeline_mode = #tpu.pipeline_mode<synchronous>, transform_indices = @transform_1, window_bounds = array<i64: 128, 128>}, {transform_indices = @transform_2, window_bounds = array<i64: 2000, 128>}]} {
    %get3A = arith.constant 0 : index
    %get3A_0 = arith.constant 0 : index
    %get3A_1 = vector.load %arg1[%get3A, %get3A_0] : memref<2000x128xf32, #tpu.memory_space<vmem>>, vector<2000x128xf32>
    %get3A_2 = arith.constant 0 : index
    %get3A_3 = arith.constant 0 : index
    %get3A_4 = vector.load %arg2[%get3A_2, %get3A_3] : memref<128x128xf32, #tpu.memory_space<vmem>>, vector<128x128xf32>
    %dot_general3A = arith.constant dense<0.000000e+00> : vector<2000x128xf32>
    %dot_general3A_5 = tpu.matmul %get3A_1, %get3A_4, %dot_general3A {dimension_numbers = #tpu.dot_dimension_numbers<[1], [0], [0], [1], [0, 0, 1, 1], [], []>, transpose_lhs_hint = false} : vector<2000x128xf32>, vector<128x128xf32>, vector<2000x128xf32> -> vector<2000x128xf32>
    %swap3A = arith.constant 0 : index
    %swap3A_6 = arith.constant 0 : index
    %swap3A_7 = vector.load %arg3[%swap3A, %swap3A_6] : memref<2000x128xf32, #tpu.memory_space<vmem>>, vector<2000x128xf32>
    tpu.vector_store %arg3[%swap3A, %swap3A_6], %dot_general3A_5 {strides = array<i32>} : memref<2000x128xf32, #tpu.memory_space<vmem>>, vector<2000x128xf32>,
    return
  }
  func.func @transform_0(%arg0: i32) -> (i32, i32) {
    %c0_i32 = arith.constant 0 : i32
    %c0_i32_0 = arith.constant 0 : i32
    return %arg0, %c0_i32 : i32, i32
  }
  func.func @transform_1(%arg0: i32) -> (i32, i32) {
    %c0_i32 = arith.constant 0 : i32
    %c0_i32_0 = arith.constant 0 : i32
    %c0_i32_1 = arith.constant 0 : i32
    return %c0_i32, %c0_i32_0 : i32, i32
  }
  func.func @transform_2(%arg0: i32) -> (i32, i32) {
    %c0_i32 = arith.constant 0 : i32
    %c0_i32_0 = arith.constant 0 : i32
    return %arg0, %c0_i32 : i32, i32
  }
}

module attributes {stable_mosaic.version = 14 : i64} {
  func.func @body(%arg0: memref<2x10240xf32, #tpu.memory_space<vmem>>, %arg1: memref<1x10240xf32, #tpu.memory_space<vmem>>) attributes {dimension_semantics = [], scalar_prefetch = 0 : i64, scratch_operands = 0 : i64, tpu.core_type = #tpu.core_type<tc>} {
    %get3A = arith.constant 0 : index
    %get3A_0 = arith.constant 0 : index
    %get3A_1 = vector.load %arg0[%get3A, %get3A_0] : memref<2x10240xf32, #tpu.memory_space<vmem>>, vector<1x10240xf32>
    %get3A_2 = arith.constant 1 : index
    %get3A_3 = arith.constant 0 : index
    %get3A_4 = vector.load %arg0[%get3A_2, %get3A_3] : memref<2x10240xf32, #tpu.memory_space<vmem>>, vector<1x10240xf32>
    %add3A = arith.addf %get3A_1, %get3A_4 : vector<1x10240xf32>
    %gt3A = arith.constant 0.000000e+00 : f32
    %gt3A_5 = vector.broadcast %gt3A : f32 to vector<1x10240xf32>
    %gt3A_6 = arith.cmpf ogt, %add3A, %gt3A_5 : vector<1x10240xf32>
    %max3A = arith.constant 1.000000e-30 : f32
    %max3A_7 = vector.broadcast %max3A : f32 to vector<1x10240xf32>
    %max3A_8 = arith.maximumf %add3A, %max3A_7 : vector<1x10240xf32>
    %rsqrt3A = math.rsqrt %max3A_8 : vector<1x10240xf32>
    %jit3A = arith.constant 0.000000e+00 : f32
    %broadcast_in_dim3A = vector.broadcast %jit3A : f32 to vector<1x10240xf32>
    %select_n3A = arith.select %gt3A_6, %rsqrt3A, %broadcast_in_dim3A : vector<1x10240xi1>, vector<1x10240xf32>
    %swap3A = arith.constant 0 : index
    %swap3A_9 = arith.constant 0 : index
    %swap3A_10 = vector.load %arg1[%swap3A, %swap3A_9] : memref<1x10240xf32, #tpu.memory_space<vmem>>, vector<1x10240xf32>
    tpu.vector_store %arg1[%swap3A, %swap3A_9], %select_n3A {strides = array<i32>} : memref<1x10240xf32, #tpu.memory_space<vmem>>, vector<1x10240xf32>,
    return
  }
}

module attributes {stable_mosaic.version = 14 : i64} {
  func.func @body(%arg0: i32, %arg1: memref<2048x128xf32, #tpu.memory_space<vmem>>, %arg2: memref<2048x1xf32, #tpu.memory_space<vmem>>, %arg3: memref<2048x128xf32, #tpu.memory_space<vmem>>) attributes {dimension_semantics = [#tpu.dimension_semantics<arbitrary>], iteration_bounds = array<i64: 5>, scalar_prefetch = 0 : i64, scratch_operands = 0 : i64, tpu.core_type = #tpu.core_type<tc>, window_params = [{transform_indices = @transform_0, window_bounds = array<i64: 2048, 128>}, {transform_indices = @transform_1, window_bounds = array<i64: 2048, 1>}, {transform_indices = @transform_2, window_bounds = array<i64: 2048, 128>}]} {
    %get3A = arith.constant 0 : index
    %get3A_0 = arith.constant 0 : index
    %get3A_1 = vector.load %arg2[%get3A, %get3A_0] : memref<2048x1xf32, #tpu.memory_space<vmem>>, vector<2048x1xf32>
    %get3A_2 = arith.constant 0 : index
    %get3A_3 = arith.constant 0 : index
    %get3A_4 = vector.load %arg1[%get3A_2, %get3A_3] : memref<2048x128xf32, #tpu.memory_space<vmem>>, vector<2048x128xf32>
    %mul3A = vector.broadcast %get3A_1 : vector<2048x1xf32> to vector<2048x128xf32>
    %mul3A_5 = arith.mulf %mul3A, %get3A_4 : vector<2048x128xf32>
    %swap3A = arith.constant 0 : index
    %swap3A_6 = arith.constant 0 : index
    %swap3A_7 = vector.load %arg3[%swap3A, %swap3A_6] : memref<2048x128xf32, #tpu.memory_space<vmem>>, vector<2048x128xf32>
    tpu.vector_store %arg3[%swap3A, %swap3A_6], %mul3A_5 {strides = array<i32>} : memref<2048x128xf32, #tpu.memory_space<vmem>>, vector<2048x128xf32>,
    return
  }
  func.func @transform_0(%arg0: i32) -> (i32, i32) {
    %c0_i32 = arith.constant 0 : i32
    %c0_i32_0 = arith.constant 0 : i32
    return %arg0, %c0_i32 : i32, i32
  }
  func.func @transform_1(%arg0: i32) -> (i32, i32) {
    %c0_i32 = arith.constant 0 : i32
    %c0_i32_0 = arith.constant 0 : i32
    return %arg0, %c0_i32 : i32, i32
  }
  func.func @transform_2(%arg0: i32) -> (i32, i32) {
    %c0_i32 = arith.constant 0 : i32
    %c0_i32_0 = arith.constant 0 : i32
    return %arg0, %c0_i32 : i32, i32
  }
}

module attributes {stable_mosaic.version = 14 : i64} {
  func.func @body(%arg0: i32, %arg1: memref<2x2048x128xf32, #tpu.memory_space<vmem>>, %arg2: memref<2048x1xf32, #tpu.memory_space<vmem>>, %arg3: memref<1x128xf32, #tpu.memory_space<vmem>>, %arg4: memref<128x128xf32, #tpu.memory_space<vmem>>, %arg5: memref<2048x128xf32, #tpu.memory_space<vmem>>) attributes {dimension_semantics = [#tpu.dimension_semantics<arbitrary>], iteration_bounds = array<i64: 5>, scalar_prefetch = 0 : i64, scratch_operands = 0 : i64, tpu.core_type = #tpu.core_type<tc>, window_params = [{transform_indices = @transform_0, window_bounds = array<i64: 2, 2048, 128>}, {transform_indices = @transform_1, window_bounds = array<i64: 2048, 1>}, {pipeline_mode = #tpu.pipeline_mode<synchronous>, transform_indices = @transform_2, window_bounds = array<i64: 1, 128>}, {pipeline_mode = #tpu.pipeline_mode<synchronous>, transform_indices = @transform_3, window_bounds = array<i64: 128, 128>}, {transform_indices = @transform_4, window_bounds = array<i64: 2048, 128>}]} {
    %get3A = arith.constant 0 : index
    %get3A_0 = arith.constant 0 : index
    %get3A_1 = vector.load %arg2[%get3A, %get3A_0] : memref<2048x1xf32, #tpu.memory_space<vmem>>, vector<2048x1xf32>
    %get3A_2 = arith.constant 0 : index
    %get3A_3 = arith.constant 0 : index
    %get3A_4 = arith.constant 0 : index
    %get3A_5 = vector.load %arg1[%get3A_2, %get3A_3, %get3A_4] : memref<2x2048x128xf32, #tpu.memory_space<vmem>>, vector<1x2048x128xf32>
    %get3A_6 = vector.shape_cast %get3A_5 : vector<1x2048x128xf32> to vector<2048x128xf32>
    %get3A_7 = arith.constant 1 : index
    %get3A_8 = arith.constant 0 : index
    %get3A_9 = arith.constant 0 : index
    %get3A_10 = vector.load %arg1[%get3A_7, %get3A_8, %get3A_9] : memref<2x2048x128xf32, #tpu.memory_space<vmem>>, vector<1x2048x128xf32>
    %get3A_11 = vector.shape_cast %get3A_10 : vector<1x2048x128xf32> to vector<2048x128xf32>
    %add3A = arith.addf %get3A_6, %get3A_11 : vector<2048x128xf32>
    %mul3A = vector.broadcast %get3A_1 : vector<2048x1xf32> to vector<2048x128xf32>
    %mul3A_12 = arith.mulf %mul3A, %add3A : vector<2048x128xf32>
    %get3A_13 = arith.constant 0 : index
    %get3A_14 = arith.constant 0 : index
    %get3A_15 = vector.load %arg3[%get3A_13, %get3A_14] : memref<1x128xf32, #tpu.memory_space<vmem>>, vector<1x128xf32>
    %add3A_16 = vector.broadcast %get3A_15 : vector<1x128xf32> to vector<2048x128xf32>
    %add3A_17 = arith.addf %mul3A_12, %add3A_16 : vector<2048x128xf32>
    %max3A = arith.constant 0.000000e+00 : f32
    %max3A_18 = vector.broadcast %max3A : f32 to vector<2048x128xf32>
    %max3A_19 = arith.maximumf %add3A_17, %max3A_18 : vector<2048x128xf32>
    %get3A_20 = arith.constant 0 : index
    %get3A_21 = arith.constant 0 : index
    %get3A_22 = vector.load %arg2[%get3A_20, %get3A_21] : memref<2048x1xf32, #tpu.memory_space<vmem>>, vector<2048x1xf32>
    %get3A_23 = arith.constant 0 : index
    %get3A_24 = arith.constant 0 : index
    %get3A_25 = vector.load %arg4[%get3A_23, %get3A_24] : memref<128x128xf32, #tpu.memory_space<vmem>>, vector<128x128xf32>
    %dot_general3A = arith.constant dense<0.000000e+00> : vector<2048x128xf32>
    %dot_general3A_26 = tpu.matmul %max3A_19, %get3A_25, %dot_general3A {dimension_numbers = #tpu.dot_dimension_numbers<[1], [0], [0], [1], [0, 0, 1, 1], [], []>, transpose_lhs_hint = false} : vector<2048x128xf32>, vector<128x128xf32>, vector<2048x128xf32> -> vector<2048x128xf32>
    %mul3A_27 = vector.broadcast %get3A_22 : vector<2048x1xf32> to vector<2048x128xf32>
    %mul3A_28 = arith.mulf %mul3A_27, %dot_general3A_26 : vector<2048x128xf32>
    %swap3A = arith.constant 0 : index
    %swap3A_29 = arith.constant 0 : index
    %swap3A_30 = vector.load %arg5[%swap3A, %swap3A_29] : memref<2048x128xf32, #tpu.memory_space<vmem>>, vector<2048x128xf32>
    tpu.vector_store %arg5[%swap3A, %swap3A_29], %mul3A_28 {strides = array<i32>} : memref<2048x128xf32, #tpu.memory_space<vmem>>, vector<2048x128xf32>,
    return
  }
  func.func @transform_0(%arg0: i32) -> (i32, i32, i32) {
    %c0_i32 = arith.constant 0 : i32
    %c0_i32_0 = arith.constant 0 : i32
    %c0_i32_1 = arith.constant 0 : i32
    return %c0_i32, %arg0, %c0_i32_0 : i32, i32, i32
  }
  func.func @transform_1(%arg0: i32) -> (i32, i32) {
    %c0_i32 = arith.constant 0 : i32
    %c0_i32_0 = arith.constant 0 : i32
    return %arg0, %c0_i32 : i32, i32
  }
  func.func @transform_2(%arg0: i32) -> (i32, i32) {
    %c0_i32 = arith.constant 0 : i32
    %c0_i32_0 = arith.constant 0 : i32
    %c0_i32_1 = arith.constant 0 : i32
    return %c0_i32, %c0_i32_0 : i32, i32
  }
  func.func @transform_3(%arg0: i32) -> (i32, i32) {
    %c0_i32 = arith.constant 0 : i32
    %c0_i32_0 = arith.constant 0 : i32
    %c0_i32_1 = arith.constant 0 : i32
    return %c0_i32, %c0_i32_0 : i32, i32
  }
  func.func @transform_4(%arg0: i32) -> (i32, i32) {
    %c0_i32 = arith.constant 0 : i32
    %c0_i32_0 = arith.constant 0 : i32
    return %arg0, %c0_i32 : i32, i32
  }
}

module attributes {stable_mosaic.version = 14 : i64} {
  func.func @body(%arg0: i32, %arg1: memref<2x2048x128xf32, #tpu.memory_space<vmem>>, %arg2: memref<2048x1xf32, #tpu.memory_space<vmem>>, %arg3: memref<1x128xf32, #tpu.memory_space<vmem>>, %arg4: memref<2048x128xf32, #tpu.memory_space<vmem>>) attributes {dimension_semantics = [#tpu.dimension_semantics<arbitrary>], iteration_bounds = array<i64: 5>, scalar_prefetch = 0 : i64, scratch_operands = 0 : i64, tpu.core_type = #tpu.core_type<tc>, window_params = [{transform_indices = @transform_0, window_bounds = array<i64: 2, 2048, 128>}, {transform_indices = @transform_1, window_bounds = array<i64: 2048, 1>}, {pipeline_mode = #tpu.pipeline_mode<synchronous>, transform_indices = @transform_2, window_bounds = array<i64: 1, 128>}, {transform_indices = @transform_3, window_bounds = array<i64: 2048, 128>}]} {
    %get3A = arith.constant 0 : index
    %get3A_0 = arith.constant 0 : index
    %get3A_1 = vector.load %arg2[%get3A, %get3A_0] : memref<2048x1xf32, #tpu.memory_space<vmem>>, vector<2048x1xf32>
    %get3A_2 = arith.constant 0 : index
    %get3A_3 = arith.constant 0 : index
    %get3A_4 = arith.constant 0 : index
    %get3A_5 = vector.load %arg1[%get3A_2, %get3A_3, %get3A_4] : memref<2x2048x128xf32, #tpu.memory_space<vmem>>, vector<1x2048x128xf32>
    %get3A_6 = vector.shape_cast %get3A_5 : vector<1x2048x128xf32> to vector<2048x128xf32>
    %get3A_7 = arith.constant 1 : index
    %get3A_8 = arith.constant 0 : index
    %get3A_9 = arith.constant 0 : index
    %get3A_10 = vector.load %arg1[%get3A_7, %get3A_8, %get3A_9] : memref<2x2048x128xf32, #tpu.memory_space<vmem>>, vector<1x2048x128xf32>
    %get3A_11 = vector.shape_cast %get3A_10 : vector<1x2048x128xf32> to vector<2048x128xf32>
    %add3A = arith.addf %get3A_6, %get3A_11 : vector<2048x128xf32>
    %mul3A = vector.broadcast %get3A_1 : vector<2048x1xf32> to vector<2048x128xf32>
    %mul3A_12 = arith.mulf %mul3A, %add3A : vector<2048x128xf32>
    %get3A_13 = arith.constant 0 : index
    %get3A_14 = arith.constant 0 : index
    %get3A_15 = vector.load %arg3[%get3A_13, %get3A_14] : memref<1x128xf32, #tpu.memory_space<vmem>>, vector<1x128xf32>
    %add3A_16 = vector.broadcast %get3A_15 : vector<1x128xf32> to vector<2048x128xf32>
    %add3A_17 = arith.addf %mul3A_12, %add3A_16 : vector<2048x128xf32>
    %swap3A = arith.constant 0 : index
    %swap3A_18 = arith.constant 0 : index
    %swap3A_19 = vector.load %arg4[%swap3A, %swap3A_18] : memref<2048x128xf32, #tpu.memory_space<vmem>>, vector<2048x128xf32>
    tpu.vector_store %arg4[%swap3A, %swap3A_18], %add3A_17 {strides = array<i32>} : memref<2048x128xf32, #tpu.memory_space<vmem>>, vector<2048x128xf32>,
    return
  }
  func.func @transform_0(%arg0: i32) -> (i32, i32, i32) {
    %c0_i32 = arith.constant 0 : i32
    %c0_i32_0 = arith.constant 0 : i32
    %c0_i32_1 = arith.constant 0 : i32
    return %c0_i32, %arg0, %c0_i32_0 : i32, i32, i32
  }
  func.func @transform_1(%arg0: i32) -> (i32, i32) {
    %c0_i32 = arith.constant 0 : i32
    %c0_i32_0 = arith.constant 0 : i32
    return %arg0, %c0_i32 : i32, i32
  }
  func.func @transform_2(%arg0: i32) -> (i32, i32) {
    %c0_i32 = arith.constant 0 : i32
    %c0_i32_0 = arith.constant 0 : i32
    %c0_i32_1 = arith.constant 0 : i32
    return %c0_i32, %c0_i32_0 : i32, i32
  }
  func.func @transform_3(%arg0: i32) -> (i32, i32) {
    %c0_i32 = arith.constant 0 : i32
    %c0_i32_0 = arith.constant 0 : i32
    return %arg0, %c0_i32 : i32, i32
  }
}

</mosaic_0001>

<sc_bundles>
// kernel: kernel.11.cloned.1.call-start
scs
__scs_entry_jumppad:
0x0: {  	(pc) =	sbr.rel $0x88, $3  }
0x1: {  	(tag) =	ssettag $0x0;
	lr =	simm.s32 $0x1  }
0x2: {  	[smem:$0x3F99] =	sst lr;
	_ =	strace $0xD0000000  }
0x3: {  	_ = 	snop  }
0x4: {  	_ = 	snop  }
0x5: {  	_ = 	snop  }
0x6: {  	_ = 	snop  }
0x7: {  	_ = 	snop  }
__scs_overlays_trampoline_lowered:
0x8: {  	[smem:$0x3FA8] =	sst s0  }
0x9: {  	[smem:$0x3FA9] =	sst s1  }
0xa: {  	[smem:$0x3FAA] =	sst s2  }
0xb: {  	[smem:$0x3FAB] =	sst s3  }
0xc: {  	[smem:$0x3FAC] =	sst s4  }
0xd: {  	[smem:$0x3FAD] =	sst s5  }
0xe: {  	[smem:$0x3FAE] =	sst s6  }
0xf: {  	[smem:$0x3FAF] =	sst s7  }
0x10: {  	[smem:$0x3FB0] =	sst s8  }
0x11: {  	[smem:$0x3FB1] =	sst s9;
	s0 =	simm.s32 @!p0 $0x0  }
0x12: {  	s1 =	sld [smem:$0x3F97];
	s0 =	simm.s32 @p0 $0x1  }
0x13: {  	[smem:$0x3FB2] =	sst s0;
	s0 =	simm.s32 @!p1 $0x0  }
0x14: {  	s2 =	sld [smem:$0x3F96];
	s0 =	simm.s32 @p1 $0x1  }
0x15: {  	[smem:$0x3FB3] =	sst s0;
	s0 =	simm.s32 @!p2 $0x0  }
0x16: {  	s3 =	sld [smem:$0x3FDB];
	s0 =	simm.s32 @p2 $0x1  }
0x17: {  	s4 =	simm.s32 $0x1BF5;
	[smem:$0x3FB5] =	sst s0  }
0x18: {  	s0 =	sld [smem:$0x3F98];
	_ =	swait.ge [sflag:s4], $0x0  }
0x19: {  	s7 =	sld [smem:$0x3F99]  }
0x1a: {  	s8 =	sadd.s32 $0xFFFFE003, lr  }
0x1b: {  	s9 =	sadd.s32 $0xFFFFFEF7, lr;
	s5 =	simm.s32 $0xFFFFFFFF;
	p2 =	slt.u32 s8, $0xFFFFF086  }
0x1c: {  	p1 =	slt.u32 s9, $0xF7A;
	s5 =	simm.s32 @!p2 $0x0  }
0x1d: {  	s5 =	simm.s32 @p1 $0x1;
	p0 =	seq.s32 s7, s2  }
0x1e: {  	s7 =	smul.u32 @!p0 $0xF7A, s2;
	p2 =	seq.s32 @!p0 s5, $0x0  }
0x1f: {  	s9 =	smul.u32 $0xF7A, s1;
	s8 =	simm.s32 @!p0 $0x1BF5;
	p2 =	por !p2, p0  }
0x20: {  	[sflag:s8] =	ssyncset.s32 @!p0 $0xFFFFF086;
	s6 =	sadd.s32 @!p0 s3, s7;
	s7 =	simm.s32 @!p0 $0x108  }
0x21: {  	s3 =	sadd.s32 s3, s9;
	s6 =	sadd.s32 @!p0 $0x88, s6;
	s7 =	simm.s32 @p2 $0x1082  }
0x22: {  	[simem:s7], [sflag:s8] =	dma.local @!p0 [hbm:s6], $0xF7A  }
0x23: {  	s9 =	sor.u32 $0xD0000000, s2;
	s6 =	simm.s32 $0x108;
	_ =	swait.ge @!p0 [sflag:s8], $0x0  }
0x24: {  	s3 =	sadd.s32 $0x88, s3;
	s6 =	simm.s32 @!p1 $0x1082;
	[sflag:s4] =	ssyncset.s32 $0xFFFFF086  }
0x25: {  	[simem:s6], [sflag:s4] =	dma.local [hbm:s3], $0xF7A  }
0x26: {  	[smem:$0x3F99] =	sst s1;
	(tag) =	ssettag s2;
	_ =	strace s9  }
0x27: {  	s1 =	sld [smem:$0x3FA9]  }
0x28: {  	s2 =	sld [smem:$0x3FAA]  }
0x29: {  	s4 =	sld [smem:$0x3FAC]  }
0x2a: {  	p0 =	seq.s32 s5, $0x0;
	s5 =	sld [smem:$0x3FAD]  }
0x2b: {  	s6 =	sld [smem:$0x3FAE]  }
0x2c: {  	s7 =	sld [smem:$0x3FAF]  }
0x2d: {  	s3 =	simm.s32 $0x108;
	s8 =	sld [smem:$0x3FB0]  }
0x2e: {  	s3 =	simm.s32 @!p0 $0x1082;
	s9 =	sld [smem:$0x3FB1]  }
0x2f: {  	lr =	sadd.s32 s0, s3;
	s0 =	sld [smem:$0x3FA8]  }
0x30: {  	s3 =	sld [smem:$0x3FAB]  }
0x31: {  	[smem:$0x3FB4] =	sst s10  }
0x32: {  	s10 =	sld [smem:$0x3FB2];
	_ =	sdelay $0x3  }
0x33: {  	p0 =	seq.s32 s10, $0x1;
	s10 =	sld [smem:$0x3FB4];
	_ =	sdelay $0x3  }
0x34: {  	[smem:$0x3FB4] =	sst s10  }
0x35: {  	s10 =	sld [smem:$0x3FB3];
	_ =	sdelay $0x3  }
0x36: {  	p1 =	seq.s32 s10, $0x1;
	s10 =	sld [smem:$0x3FB4];
	_ =	sdelay $0x3  }
0x37: {  	[smem:$0x3FB4] =	sst s10  }
0x38: {  	s10 =	sld [smem:$0x3FB5]  }
0x39: {  	_ = 	snop;
	(pc) =	sbr.ind lr, $3  }
0x3a: {  	_ = 	snop  }
0x3b: {  	_ = 	snop  }
0x3c: {  	p2 =	seq.s32 s10, $0x1;
	s10 =	sld [smem:$0x3FB4]  }
0x3d: {  	_ =	shalt  }
0x3e: {  	_ =	shalt  }
0x3f: {  	_ =	shalt  }
0x40: {  	_ =	shalt  }
0x41: {  	_ =	shalt  }
0x42: {  	_ =	shalt  }
0x43: {  	_ =	shalt  }
0x44: {  	_ =	shalt  }
0x45: {  	_ =	shalt  }
0x46: {  	_ =	shalt  }
0x47: {  	_ =	shalt  }
0x48: {  	_ =	shalt  }
0x49: {  	_ =	shalt  }
0x4a: {  	_ =	shalt  }
0x4b: {  	_ =	shalt  }
0x4c: {  	_ =	shalt  }
0x4d: {  	_ =	shalt  }
0x4e: {  	_ =	shalt  }
0x4f: {  	_ =	shalt  }
0x50: {  	_ =	shalt  }
0x51: {  	_ =	shalt  }
0x52: {  	_ =	shalt  }
0x53: {  	_ =	shalt  }
0x54: {  	_ =	shalt  }
0x55: {  	_ =	shalt  }
0x56: {  	_ =	shalt  }
0x57: {  	_ =	shalt  }
0x58: {  	_ =	shalt  }
0x59: {  	_ =	shalt  }
0x5a: {  	_ =	shalt  }
0x5b: {  	_ =	shalt  }
0x5c: {  	_ =	shalt  }
0x5d: {  	_ =	shalt  }
0x5e: {  	_ =	shalt  }
0x5f: {  	_ =	shalt  }
0x60: {  	_ =	shalt  }
0x61: {  	_ =	shalt  }
0x62: {  	_ =	shalt  }
0x63: {  	_ =	shalt  }
0x64: {  	_ =	shalt  }
0x65: {  	_ =	shalt  }
0x66: {  	_ =	shalt  }
0x67: {  	_ =	shalt  }
0x68: {  	_ =	shalt  }
0x69: {  	_ =	shalt  }
0x6a: {  	_ =	shalt  }
0x6b: {  	_ =	shalt  }
0x6c: {  	_ =	shalt  }
0x6d: {  	_ =	shalt  }
0x6e: {  	_ =	shalt  }
0x6f: {  	_ =	shalt  }
0x70: {  	_ =	shalt  }
0x71: {  	_ =	shalt  }
0x72: {  	_ =	shalt  }
0x73: {  	_ =	shalt  }
0x74: {  	_ =	shalt  }
0x75: {  	_ =	shalt  }
0x76: {  	_ =	shalt  }
0x77: {  	_ =	shalt  }
0x78: {  	_ =	shalt  }
0x79: {  	_ =	shalt  }
0x7a: {  	_ =	shalt  }
0x7b: {  	_ =	shalt  }
0x7c: {  	_ =	shalt  }
0x7d: {  	_ =	shalt  }
0x7e: {  	_ =	shalt  }
0x7f: {  	_ =	shalt  }
0x80: {  	_ =	shalt  }
0x81: {  	_ =	shalt  }
0x82: {  	_ =	shalt  }
0x83: {  	_ =	shalt  }
0x84: {  	_ =	shalt  }
0x85: {  	_ =	shalt  }
0x86: {  	_ =	shalt  }
0x87: {  	_ =	shalt  }
.Lfunc_end0:
.L_simem_size_0:
called_computation_lowered:
.L_overlay_start_0:
0x88: {  	s2 =	sld [smem:$0x3FD9]  }
0x89: {  	s3 =	sld [smem:$0x3FFE];
	_ =	sdelay $0x1  }
0x8a: {  	s1 =	srdreg.scid  }
0x8b: {  	s0 =	sand.u32 $0x1, s1  }
0x8c: {  	s16 =	sshll.u32 s0, $0xA;
	s2 =	sadd.s32 s3, s2  }
0x8d: {  	s2 =	sadd.s32 s2, s16  }
0x8e: {  	[smem:$0x3FC0] =	sst s2  }
0x8f: {  	_ = 	snop  }
0x90: {  	(tm) =	ssettm $0x1  }
0x91: {  	s17 =	sld [smem:$0x3FFB];
	_ =	sdelay $0x3  }
0x92: {  	_ =	strace s17  }
0x93: {  	s2 =	sld [smem:$0x3FFC];
	_ =	sdelay $0x3  }
0x94: {  	_ =	strace s2  }
0x95: {  	s2 =	sld [smem:$0x3FFD];
	_ =	sdelay $0x3  }
0x96: {  	_ =	strace s2  }
0x97: {  	_ =	strace $0x8FFFFFFF  }
0x98: {  	s18 =	sld [smem:$0x3FDB];
	_ =	sdelay $0x1  }
0x99: {  	s19 =	simm.s32 $_scs_section_size  }
0x9a: {  	s4 =	simm.s32 $_size__tile_overlayer_lowered;
	s5 =	simm.s32 $_tile_overlayer_lowered  }
0x9b: {  	s22 =	simm.s32 $0x1BFF;
	s21 =	sshll.u32 s5, $0x1;
	s2 =	sadd.s32 s19, s18  }
0x9c: {  	s6 =	simm.s32 $0x0;
	s20 =	sshll.u32 s4, $0x1;
	s4 =	sadd.s32 s21, s2  }
0x9d: {  	[timem:s6], [sflag:s22] =	dma.local [hbm:s4], s20  }
0x9e: {  	_ =	swait.ge [sflag:s22], s20  }
0x9f: {  	s3 =	ssub.s32 $0x0, s20;
	[sflag:s22] =	ssyncset.done $0x0  }
0xa0: {  	[sflag:s22] =	ssyncadd.s32 s3;
	_ =	sdelay $0x1  }
0xa1: {  	s23 =	simm.s32 $0x1B8B  }
0xa2: {  	_ =	swait.ge [sflag:s23], $0x1  }
0xa3: {  	[sflag:s23] =	ssyncset.done $0x0  }
0xa4: {  	s25 =	simm.s32 $0x1B8E;
	s24 =	sld [smem:$0x3FFE];
	[sflag:s23] =	ssyncadd.s32 $0xFFFFFFFF  }
0xa5: {  	s26 =	simm.s32 $execute0_lowered;
	[smem:$0x3FD2] =	sst s25  }
0xa6: {  	s4 =	sshll.u32 s26, $0x1;
	_ =	strace $0x80000046;
	[dreg:$0x1] =	wrdreg $0xFFFFFFFF  }
0xa7: {  	s28 =	simm.s32 $_size_execute0_lowered;
	s2 =	sadd.s32 s2, s4;
	[dreg:$0x0] =	wrdreg $0x0  }
0xa8: {  	s4 =	sshll.u32 s28, $0x1;
	[dreg:$0x2] =	wrdreg s2  }
0xa9: {  	[dreg:$0x3] =	wrdreg s4  }
0xaa: {  	[dreg:$0x4] =	wrdreg $0xC0  }
0xab: {  	_ =	task [dreg:s6], $0x5FFFF  }
0xac: {  	[dreg:$0x1] =	wrdreg $0xFFFFFFFF  }
0xad: {  	[dreg:$0x0] =	wrdreg $0x60  }
0xae: {  	[dreg:$0x2] =	wrdreg s24  }
0xaf: {  	[dreg:$0x3] =	wrdreg $0x6000  }
0xb0: {  	[dreg:$0x4] =	wrdreg $0x9  }
0xb1: {  	_ =	task.clear_ibuf [dreg:s6], $0x5FFFF;
	_ =	strace $0x90000046  }
0xb2: {  	s29 =	simm.s32 $0x9;
	_ =	strace $0x80000048  }
0xb3: {  	_ =	swait.ge [sflag:s29], $0x1  }
0xb4: {  	[sflag:s29] =	ssyncadd.s32 $0xFFFFFFFF  }
0xb5: {  	_ =	strace $0x90000048  }
0xb6: {  	_ =	sfence  }
0xb7: {  	s30 =	sld [smem:$0x0];
	_ =	sdelay $0x2  }
0xb8: {  	s31 =	sshll.u32 s1, $0xD;
	s1 =	sshrl.u32 s1, $0x2  }
0xb9: {  	s3 =	sand.u32 $0x4000, s31;
	s1 =	sadd.s32 s1, s30  }
0xba: {  	s0 =	sor.u32 s3, s0;
	s1 =	sshll.u32 s1, $0x11  }
0xbb: {  	s0 =	sor.u32 s1, s0  }
0xbc: {  	s0 =	sadd.s32 $0x8F2B, s0  }
0xbd: {  	[sflag:s0] =	ssyncadd.remote.s32 $0x1  }
0xbe: {  	_ =	sfence.sel $0xFFFF  }
0xbf: {  	[dreg:$0x0] =	wrdreg $0xFFFFFFFF;
	(pc) =	sbr.abs _section_cstart, $3  }
0xc0: {  	[dreg:$0x1] =	wrdreg $0xFFFFFFFF  }
0xc1: {  	_ =	task.clear_ibuf [dreg:s6], $0x2FFFF;
	_ =	strace $0x9FFFFFFF  }
0xc2: {  	(tm) =	ssettm $0x7FFFFFFF  }
0xc3: {  	_ =	shalt  }
tec
execute0_lowered:
.L_overlay_start_1:
0x0: {  	(tag) =	ssettag $0x1  }
0x1: {  	s0 =	rddreg [dreg:$0x0]  }
0x2: {  	s1 =	rddreg [dreg:$0x1];
	s2 =	srdreg.scid;
	s3 =	simm.s32 $0x0  }
0x3: {  	s14 =	stileid.u32;
	s2 =	sand.u32 $0x1, s2;
	[smem:$0x7FF] =	sst s3  }
0x4: {  	s4 =	sadd.s32 $0xD200, s0;
	s9 =	smul.u32 $0x280, s14;
	s6 =	sshll.u32 s2, $0x4  }
0x5: {  	_ =	strace $0x80000047;
	s2 =	ssub.s32 $0x2, s2;
	s5 =	sor.u32 s14, s6  }
0x6: {  	s8 =	sshrl.u32 s2, $0x1;
	s15 =	sadd.s32 s9, s1;
	s14 =	smul.u32 $0xA00, s14  }
0x7: {  	s25 =	sshrl.u32 s9, $0x7;
	s9 =	sshrl.u32 s9, $0x2;
	s7 =	smul.u32 $0x2A00, s5  }
0x8: {  	s5 =	sadd.s32 $0x2A00, s0;
	s0 =	sadd.s32 s6, s0;
	s2 =	ssub.s32 s2, s8  }
0x9: {  	s26 =	sadd.s32 $0x1, s25;
	s29 =	sadd.s32 $0x2, s25;
	s12 =	sadd.s32 $0x3, s25  }
0xa: {  	[dreg:$0x3] =	wrdreg s15;
	s0 =	sadd.s32 $0x17A00, s0;
	s11 =	sshll.u32 s26, $0x5  }
0xb: {  	s30 =	sshll.u32 s29, $0x5;
	s31 =	sshll.u32 s12, $0x5;
	s2 =	smax.u32 s2, $0x1  }
0xc: {  	s17 =	sshll.u32 s29, $0x7;
	s29 =	sadd.s32 $0x100, s15;
	[dreg:$0x11] =	wrdreg s2  }
0xd: {  	s16 =	sshll.u32 s26, $0x7;
	s9 =	sadd.s32 s9, s0;
	[dreg:$0x18] =	wrdreg s29  }
0xe: {  	s18 =	sshll.u32 s12, $0x7;
	s28 =	sadd.s32 s11, s0;
	[dreg:$0xa] =	wrdreg s9  }
0xf: {  	s12 =	simm.s32 $0x380;
	s11 =	sadd.s32 s30, s0;
	[dreg:$0xb] =	wrdreg s28  }
0x10: {  	s19 =	sshrl.u32 s7, $0x3;
	s30 =	sadd.s32 $0x180, s15;
	[dreg:$0xc] =	wrdreg s11  }
0x11: {  	s2 =	sadd.s32 s16, s1;
	s20 =	sadd.s32 s4, s19;
	[dreg:$0x19] =	wrdreg s30  }
0x12: {  	s21 =	sor.u32 $0x10, s19;
	s10 =	sadd.s32 s5, s19;
	[dreg:$0x4] =	wrdreg s20  }
0x13: {  	s23 =	sor.u32 $0x20, s19;
	s11 =	sadd.s32 s31, s0;
	[dreg:$0x5] =	wrdreg s10  }
0x14: {  	s6 =	sor.u32 $0x30, s19;
	s19 =	sshrl.u32 s2, $0x3;
	[dreg:$0xd] =	wrdreg s11  }
0x15: {  	s16 =	simm.s32 $0x480;
	s28 =	sadd.s32 $0x80, s15;
	[dreg:$0x13] =	wrdreg s19  }
0x16: {  	s31 =	sadd.s32 $0x200, s15;
	s9 =	simm.s32 $0x7;
	[dreg:$0x17] =	wrdreg s28  }
0x17: {  	s15 =	simm.s32 $0x2;
	s22 =	sadd.s32 s4, s21;
	[dreg:$0x1a] =	wrdreg s31  }
0x18: {  	s8 =	sadd.s32 s5, s21;
	s24 =	sadd.s32 s4, s23;
	[dreg:$0x6] =	wrdreg s22  }
0x19: {  	s10 =	sadd.s32 s5, s23;
	s11 =	sadd.s32 s4, s6;
	[dreg:$0x7] =	wrdreg s8  }
0x1a: {  	s20 =	sadd.s32 $0x200, s7;
	s21 =	sadd.s32 $0x280, s7;
	[dreg:$0x8] =	wrdreg s24  }
0x1b: {  	s23 =	sadd.s32 $0x380, s7;
	s19 =	simm.s32 $0x5;
	[dreg:$0x9] =	wrdreg s10  }
0x1c: {  	s8 =	sadd.s32 $0x4, s25;
	[dreg:$0xf] =	wrdreg s11;
	s22 =	sadd.s32 $0x300, s7  }
0x1d: {  	s7 =	sadd.s32 s18, s1;
	s10 =	simm.s32 $0x80;
	s11 =	simm.s32 $0x180  }
0x1e: {  	s18 =	simm.s32 $0x3;
	s13 =	sshll.u32 s8, $0x5;
	s8 =	sshll.u32 s8, $0x7  }
0x1f: {  	s25 =	sshrl.u32 s7, $0x3;
	s0 =	sadd.s32 s13, s0;
	s13 =	sadd.s32 s5, s6  }
0x20: {  	s6 =	sadd.s32 s17, s1;
	s8 =	sadd.s32 s8, s1;
	[dreg:$0x15] =	wrdreg s25  }
0x21: {  	s17 =	simm.s32 $0x580;
	s25 =	simm.s32 $0x6;
	[dreg:$0xe] =	wrdreg s0  }
.Ltmp0:
0x22: {  	[dreg:$0x10] =	wrdreg s13;
	s0 =	sshrl.u32 s14, $0x2;
	(pc) =	sbr.rel .LBB2_1-.Ltmp0, $4  }
0x23: {  	s24 =	sshrl.u32 s6, $0x3;
	s26 =	sshrl.u32 s8, $0x3;
	s8 =	simm.s32 $0x500  }
0x24: {  	s13 =	simm.s32 $0x1;
	s0 =	sadd.s32 s0, s1;
	[dreg:$0x14] =	wrdreg s24  }
0x25: {  	s14 =	simm.s32 $0x400;
	[dreg:$0x16] =	wrdreg s26;
	s0 =	sshrl.u32 s0, $0x3  }
0x26: {  	v0 =	vimm.f32 $0.0e+00;
	s24 =	simm.s32 $0x4;
	s26 =	simm.s32 $0x0;
	[dreg:$0x12] =	wrdreg s0  }
.LBB2_12:
0x27: {  	_ =	swait.ge [sflag:s19], $0x80  }
0x28: {  	[sflag:s19] =	ssyncset.done $0x0  }
0x29: {  	[sflag:s19] =	ssyncadd.s32 $0xFFFFFF80  }
0x2a: {  	_ =	swait.ge [sflag:s25], $0x80  }
0x2b: {  	[sflag:s25] =	ssyncset.done $0x0  }
0x2c: {  	[sflag:s25] =	ssyncadd.s32 $0xFFFFFF80  }
0x2d: {  	s0 =	stileid.u32;
	[bflag:$0x0] =	sbarrier.arrive $0xFFFF  }
0x2e: {  	s0 =	sshll.u32 s0, $0x6;
	s2 =	rddreg [dreg:$0xa]  }
0x2f: {  	s0 =	sor.u32 $0x1C07, s0;
	s6 =	rddreg [dreg:$0x12]  }
0x30: {  	[hbm:s2], [sflag:s0] =	dma.local [spmem:s6], $0x10  }
0x31: {  	_ =	swait.ge [sflag:s9], $0x10  }
0x32: {  	[sflag:s9] =	ssyncset.done $0x0;
	s28 =	rddreg [dreg:$0xb]  }
0x33: {  	s29 =	rddreg [dreg:$0x13];
	[sflag:s9] =	ssyncadd.s32 $0xFFFFFFF0  }
0x34: {  	[hbm:s28], [sflag:s0] =	dma.local [spmem:s29], $0x10  }
0x35: {  	_ =	swait.ge [sflag:s9], $0x10  }
0x36: {  	[sflag:s9] =	ssyncset.done $0x0;
	s30 =	rddreg [dreg:$0xc]  }
0x37: {  	s31 =	rddreg [dreg:$0x14];
	[sflag:s9] =	ssyncadd.s32 $0xFFFFFFF0  }
0x38: {  	[hbm:s30], [sflag:s0] =	dma.local [spmem:s31], $0x10  }
0x39: {  	_ =	swait.ge [sflag:s9], $0x10  }
0x3a: {  	[sflag:s9] =	ssyncset.done $0x0;
	s7 =	rddreg [dreg:$0xd]  }
0x3b: {  	s28 =	rddreg [dreg:$0x15];
	[sflag:s9] =	ssyncadd.s32 $0xFFFFFFF0  }
0x3c: {  	[hbm:s7], [sflag:s0] =	dma.local [spmem:s28], $0x10  }
0x3d: {  	_ =	swait.ge [sflag:s9], $0x10  }
0x3e: {  	[sflag:s9] =	ssyncset.done $0x0;
	s29 =	rddreg [dreg:$0xe]  }
0x3f: {  	s30 =	rddreg [dreg:$0x16];
	[sflag:s9] =	ssyncadd.s32 $0xFFFFFFF0  }
0x40: {  	[hbm:s29], [sflag:s0] =	dma.local [spmem:s30], $0x10  }
0x41: {  	_ =	swait.ge [sflag:s9], $0x10  }
0x42: {  	s26 =	sadd.s32 $0x1, s26;
	s31 =	rddreg [dreg:$0x11]  }
0x43: {  	p0 =	sne.s32 s26, s31  }
.Ltmp1:
0x44: {  	_ = 	snop;
	(pc) =	sbr.rel @!p0 .LBB2_13-.Ltmp1, $3  }
0x45: {  	_ =	sdelay $0x1  }
0x46: {  	[sflag:s9] =	ssyncset.done $0x0  }
0x47: {  	[sflag:s9] =	ssyncadd.s32 $0xFFFFFFF0  }
.LBB2_1:
0x48: {  	[tilespmem:$0x500] =	vst v0  }
0x49: {  	[tilespmem:$0x510] =	vst v0  }
0x4a: {  	[tilespmem:$0x520] =	vst v0  }
0x4b: {  	[tilespmem:$0x530] =	vst v0  }
0x4c: {  	[tilespmem:$0x540] =	vst v0  }
0x4d: {  	[tilespmem:$0x550] =	vst v0  }
0x4e: {  	[tilespmem:$0x560] =	vst v0  }
0x4f: {  	[tilespmem:$0x570] =	vst v0;
	s0 =	rddreg [dreg:$0x3]  }
0x50: {  	[spmem:s0] =	stream.linear.scatter [tilespmem:s8], [sflag:$0x7], $0x80, $0x38;
	[tilespmem:$0x880] =	vst v63  }
0x51: {  	_ =	swait.ge [sflag:s9], $0x80  }
0x52: {  	[sflag:s9] =	ssyncset.done $0x0  }
0x53: {  	s29 =	rddreg [dreg:$0x17];
	[sflag:s9] =	ssyncadd.s32 $0xFFFFFF80  }
0x54: {  	[spmem:s29] =	stream.linear.scatter [tilespmem:s8], [sflag:$0x7], $0x80, $0x38;
	[tilespmem:$0x880] =	vst v63  }
0x55: {  	_ =	swait.ge [sflag:s9], $0x80  }
0x56: {  	[sflag:s9] =	ssyncset.done $0x0  }
0x57: {  	s30 =	rddreg [dreg:$0x18];
	[sflag:s9] =	ssyncadd.s32 $0xFFFFFF80  }
0x58: {  	[spmem:s30] =	stream.linear.scatter [tilespmem:s8], [sflag:$0x7], $0x80, $0x38;
	[tilespmem:$0x880] =	vst v63  }
0x59: {  	_ =	swait.ge [sflag:s9], $0x80  }
0x5a: {  	[sflag:s9] =	ssyncset.done $0x0  }
0x5b: {  	s31 =	rddreg [dreg:$0x19];
	[sflag:s9] =	ssyncadd.s32 $0xFFFFFF80  }
0x5c: {  	[spmem:s31] =	stream.linear.scatter [tilespmem:s8], [sflag:$0x7], $0x80, $0x38;
	[tilespmem:$0x880] =	vst v63  }
0x5d: {  	_ =	swait.ge [sflag:s9], $0x80  }
0x5e: {  	[sflag:s9] =	ssyncset.done $0x0  }
0x5f: {  	s2 =	rddreg [dreg:$0x1a];
	[sflag:s9] =	ssyncadd.s32 $0xFFFFFF80  }
0x60: {  	[spmem:s2] =	stream.linear.scatter [tilespmem:s8], [sflag:$0x7], $0x80, $0x38;
	[tilespmem:$0x880] =	vst v63  }
0x61: {  	_ =	swait.ge [sflag:s9], $0x80  }
0x62: {  	[sflag:s9] =	ssyncset.done $0x0  }
0x63: {  	[sflag:s9] =	ssyncadd.s32 $0xFFFFFF80  }
0x64: {  	[bflag:$0x0] =	sbarrier.arrive $0xFFFF  }
0x65: {  	s6 =	rddreg [dreg:$0x4]  }
0x66: {  	[tilespmem:s3], [sflag:$0x1] =	stream.linear.gather [hbm4b:s6+s3], $0x80, $0x38;
	[tilespmem:$0x880] =	vst v63  }
0x67: {  	s2 =	simm.s32 $0x200;
	s7 =	rddreg [dreg:$0x5]  }
0x68: {  	[tilespmem:s2], [sflag:$0x1] =	stream.linear.gather [hbm4b:s7+s3], $0x80, $0x38;
	[tilespmem:$0x880] =	vst v63  }
0x69: {  	s29 =	rddreg [dreg:$0x6]  }
0x6a: {  	[tilespmem:s10], [sflag:$0x2] =	stream.linear.gather [hbm4b:s29+s3], $0x80, $0x38;
	[tilespmem:$0x880] =	vst v63  }
0x6b: {  	s31 =	simm.s32 $0x280;
	s30 =	rddreg [dreg:$0x7]  }
0x6c: {  	[tilespmem:s31], [sflag:$0x2] =	stream.linear.gather [hbm4b:s30+s3], $0x80, $0x38;
	[tilespmem:$0x880] =	vst v63  }
0x6d: {  	s6 =	simm.s32 $0x100;
	s2 =	rddreg [dreg:$0x8]  }
0x6e: {  	[tilespmem:s6], [sflag:$0x3] =	stream.linear.gather [hbm4b:s2+s3], $0x80, $0x38;
	[tilespmem:$0x880] =	vst v63  }
0x6f: {  	s7 =	rddreg [dreg:$0x9];
	s29 =	simm.s32 $0x300  }
0x70: {  	[tilespmem:s29], [sflag:$0x3] =	stream.linear.gather [hbm4b:s7+s3], $0x80, $0x38;
	[tilespmem:$0x880] =	vst v63  }
0x71: {  	s30 =	rddreg [dreg:$0xf]  }
0x72: {  	[tilespmem:s11], [sflag:$0x4] =	stream.linear.gather [hbm4b:s30+s3], $0x80, $0x38;
	[tilespmem:$0x880] =	vst v63  }
0x73: {  	s28 =	simm.s32 $0x0;
	s31 =	rddreg [dreg:$0x10]  }
0x74: {  	[tilespmem:s12], [sflag:$0x4] =	stream.linear.gather [hbm4b:s31+s3], $0x80, $0x38;
	[tilespmem:$0x880] =	vst v63  }
.LBB2_2:
0x75: {  	_ =	swait.ge [sflag:s13], $0x80  }
0x76: {  	[sflag:s13] =	ssyncset.done $0x0  }
0x77: {  	[sflag:s13] =	ssyncadd.s32 $0xFFFFFF80  }
0x78: {  	_ =	swait.ge [sflag:s13], $0x80  }
0x79: {  	p1 =	seq.s32 s28, $0x0;
	[sflag:s13] =	ssyncset.done $0x0  }
0x7a: {  	s0 =	simm.s32 @!p1 $0x5;
	[sflag:s13] =	ssyncadd.s32 $0xFFFFFF80  }
0x7b: {  	_ =	swait.ge @!p1 [sflag:s0], $0x80  }
0x7c: {  	[sflag:s0] =	ssyncset.done @!p1 $0x0  }
0x7d: {  	s6 =	simm.s32 $0x10;
	[sflag:s0] =	ssyncadd.s32 @!p1 $0xFFFFFF80  }
0x7e: {  	v1 =	vld [tilespmem:s6+$0x0];
	_ =	sdelay $0x1  }
0x7f: {  	v2 =	vld [tilespmem:s6+$0xFFFFFFF0]  }
0x80: {  	s7 =	simm.s32 $0x30  }
0x81: {  	s2 =	simm.s32 $0x410;
	v4 =	vld [tilespmem:s7+$0x0]  }
0x82: {  	s31 =	simm.s32 $0x210;
	[tilespmem:s2+$0x0] =	vst v1  }
0x83: {  	v1 =	vld [tilespmem:s31+$0x0]  }
0x84: {  	v3 =	vld [tilespmem:s7+$0xFFFFFFF0];
	[tilespmem:s2+$0xFFFFFFF0] =	vst v2  }
0x85: {  	s29 =	sshll.u32 s28, $0x9;
	s30 =	simm.s32 $0x510;
	s6 =	simm.s32 $0x430;
	v2 =	vld [tilespmem:s31+$0xFFFFFFF0]  }
0x86: {  	s0 =	simm.s32 $0x510;
	s7 =	simm.s32 $0x50;
	s2 =	simm.s32 $0x20;
	[tilespmem:s6+$0x0] =	vst v4  }
.LBB2_3:
0x87: {  	s2 =	sadd.s32 $0x20, s2  }
0x88: {  	v4 =	vld [tilespmem:s7+$0x0];
	[tilespmem:s30+$0x0] =	vst v1;
	s0 =	sadd.s32 $0x20, s0;
	s31 =	sadd.s32 $0x20, s31;
	p0 =	slt.u32 s2, $0x60  }
.Ltmp2:
0x89: {  	[tilespmem:s6+$0xFFFFFFF0] =	vst v3;
	v1 =	vld [tilespmem:s31+$0x0];
	(pc) =	sbr.rel @p0 .LBB2_3-.Ltmp2, $4  }
0x8a: {  	v3 =	vld [tilespmem:s7+$0xFFFFFFF0];
	[tilespmem:s30+$0xFFFFFFF0] =	vst v2;
	s30 =	smov.u32 s0  }
0x8b: {  	v2 =	vld [tilespmem:s31+$0xFFFFFFF0]  }
0x8c: {  	s6 =	sadd.s32 $0x20, s6  }
0x8d: {  	s7 =	sadd.s32 $0x20, s7;
	[tilespmem:s6+$0x0] =	vst v4  }
0x8e: {  	s2 =	sadd.s32 $0x20, s31  }
0x8f: {  	[tilespmem:s6+$0xFFFFFFF0] =	vst v3;
	v3 =	vld [tilespmem:s2+$0x0]  }
0x90: {  	v4 =	vld [tilespmem:s2+$0xFFFFFFF0];
	_ =	sdelay $0x1  }
0x91: {  	[tilespmem:s30+$0x0] =	vst v1  }
0x92: {  	s0 =	sadd.s32 $0x20, s0;
	[tilespmem:s30+$0xFFFFFFF0] =	vst v2  }
0x93: {  	p0 =	seq.s32 s28, $0x14;
	[tilespmem:s0+$0x0] =	vst v3  }
0x94: {  	[tilespmem:s0+$0xFFFFFFF0] =	vst v4;
	s0 =	sadd.s32 @!p0 s29, s20  }
0x95: {  	[spmem:s1] =	stream.indirect.scatter.add.f32 [tilespmem:s8], [sflag:$0x5], $0x1, s14, s10, $0xb8;
	[tilespmem:$0x880] =	vst v63  }
0x96: {  	s0 =	sshrl.u32 @!p0 s0, $0x3  }
0x97: {  	s6 =	simm.s32 @!p0 $0x0;
	s2 =	sadd.s32 @!p0 s4, s0  }
0x98: {  	[tilespmem:s6], [sflag:$0x1] =	stream.linear.gather @!p0 [hbm4b:s2+s6], $0x80, $0x38;
	[tilespmem:$0x880] =	vst v63  }
0x99: {  	s0 =	sadd.s32 @!p0 s5, s0;
	s2 =	simm.s32 @!p0 $0x200  }
0x9a: {  	[tilespmem:s2], [sflag:$0x1] =	stream.linear.gather @!p0 [hbm4b:s0+s6], $0x80, $0x38;
	[tilespmem:$0x880] =	vst v63  }
0x9b: {  	_ =	swait.ge [sflag:s15], $0x80  }
0x9c: {  	[sflag:s15] =	ssyncset.done $0x0  }
0x9d: {  	[sflag:s15] =	ssyncadd.s32 $0xFFFFFF80  }
0x9e: {  	_ =	swait.ge [sflag:s15], $0x80  }
0x9f: {  	[sflag:s15] =	ssyncset.done $0x0  }
0xa0: {  	s0 =	simm.s32 @!p1 $0x6;
	[sflag:s15] =	ssyncadd.s32 $0xFFFFFF80  }
0xa1: {  	_ =	swait.ge @!p1 [sflag:s0], $0x80  }
0xa2: {  	[sflag:s0] =	ssyncset.done @!p1 $0x0  }
0xa3: {  	s2 =	simm.s32 $0x90;
	[sflag:s0] =	ssyncadd.s32 @!p1 $0xFFFFFF80  }
0xa4: {  	v1 =	vld [tilespmem:s2+$0x0];
	_ =	sdelay $0x1  }
0xa5: {  	v2 =	vld [tilespmem:s2+$0xFFFFFFF0]  }
0xa6: {  	s6 =	simm.s32 $0xB0  }
0xa7: {  	s7 =	simm.s32 $0x490;
	v4 =	vld [tilespmem:s6+$0x0]  }
0xa8: {  	s31 =	simm.s32 $0x290;
	[tilespmem:s7+$0x0] =	vst v1  }
0xa9: {  	v1 =	vld [tilespmem:s31+$0x0]  }
0xaa: {  	v3 =	vld [tilespmem:s6+$0xFFFFFFF0];
	[tilespmem:s7+$0xFFFFFFF0] =	vst v2  }
0xab: {  	s30 =	simm.s32 $0x590;
	s6 =	simm.s32 $0x4B0;
	v2 =	vld [tilespmem:s31+$0xFFFFFFF0]  }
0xac: {  	s0 =	simm.s32 $0x590;
	s2 =	simm.s32 $0x20;
	[tilespmem:s6+$0x0] =	vst v4;
	s7 =	simm.s32 $0xD0  }
.LBB2_5:
0xad: {  	s2 =	sadd.s32 $0x20, s2  }
0xae: {  	v4 =	vld [tilespmem:s7+$0x0];
	[tilespmem:s30+$0x0] =	vst v1;
	s0 =	sadd.s32 $0x20, s0;
	s31 =	sadd.s32 $0x20, s31;
	p1 =	slt.u32 s2, $0x60  }
.Ltmp3:
0xaf: {  	[tilespmem:s6+$0xFFFFFFF0] =	vst v3;
	v1 =	vld [tilespmem:s31+$0x0];
	(pc) =	sbr.rel @p1 .LBB2_5-.Ltmp3, $4  }
0xb0: {  	v3 =	vld [tilespmem:s7+$0xFFFFFFF0];
	[tilespmem:s30+$0xFFFFFFF0] =	vst v2;
	s30 =	smov.u32 s0  }
0xb1: {  	v2 =	vld [tilespmem:s31+$0xFFFFFFF0]  }
0xb2: {  	s6 =	sadd.s32 $0x20, s6  }
0xb3: {  	s7 =	sadd.s32 $0x20, s7;
	[tilespmem:s6+$0x0] =	vst v4  }
0xb4: {  	s2 =	sadd.s32 $0x20, s31  }
0xb5: {  	[tilespmem:s6+$0xFFFFFFF0] =	vst v3;
	v3 =	vld [tilespmem:s2+$0x0]  }
0xb6: {  	v4 =	vld [tilespmem:s2+$0xFFFFFFF0];
	_ =	sdelay $0x1  }
0xb7: {  	[tilespmem:s30+$0x0] =	vst v1  }
0xb8: {  	s0 =	sadd.s32 $0x20, s0;
	[tilespmem:s30+$0xFFFFFFF0] =	vst v2  }
0xb9: {  	[tilespmem:s0+$0x0] =	vst v3  }
0xba: {  	[tilespmem:s0+$0xFFFFFFF0] =	vst v4;
	s0 =	sadd.s32 @!p0 s29, s21  }
0xbb: {  	[spmem:s1] =	stream.indirect.scatter.add.f32 [tilespmem:s17], [sflag:$0x6], $0x1, s16, s10, $0xb8;
	[tilespmem:$0x880] =	vst v63  }
0xbc: {  	s0 =	sshrl.u32 @!p0 s0, $0x3  }
0xbd: {  	s7 =	simm.s32 @!p0 $0x80;
	s6 =	simm.s32 @!p0 $0x0;
	s2 =	sadd.s32 @!p0 s4, s0  }
0xbe: {  	[tilespmem:s7], [sflag:$0x2] =	stream.linear.gather @!p0 [hbm4b:s2+s6], $0x80, $0x38;
	[tilespmem:$0x880] =	vst v63  }
0xbf: {  	s0 =	sadd.s32 @!p0 s5, s0;
	s2 =	simm.s32 @!p0 $0x280  }
0xc0: {  	[tilespmem:s2], [sflag:$0x2] =	stream.linear.gather @!p0 [hbm4b:s0+s6], $0x80, $0x38;
	[tilespmem:$0x880] =	vst v63  }
0xc1: {  	_ =	swait.ge [sflag:s18], $0x80  }
0xc2: {  	[sflag:s18] =	ssyncset.done $0x0  }
0xc3: {  	[sflag:s18] =	ssyncadd.s32 $0xFFFFFF80  }
0xc4: {  	_ =	swait.ge [sflag:s18], $0x80  }
0xc5: {  	[sflag:s18] =	ssyncset.done $0x0  }
0xc6: {  	[sflag:s18] =	ssyncadd.s32 $0xFFFFFF80  }
0xc7: {  	_ =	swait.ge [sflag:s19], $0x80  }
0xc8: {  	[sflag:s19] =	ssyncset.done $0x0  }
0xc9: {  	s2 =	simm.s32 $0x110;
	[sflag:s19] =	ssyncadd.s32 $0xFFFFFF80  }
0xca: {  	v1 =	vld [tilespmem:s2+$0x0];
	_ =	sdelay $0x1  }
0xcb: {  	v2 =	vld [tilespmem:s2+$0xFFFFFFF0]  }
0xcc: {  	s6 =	simm.s32 $0x130  }
0xcd: {  	s7 =	simm.s32 $0x410;
	v4 =	vld [tilespmem:s6+$0x0]  }
0xce: {  	s31 =	simm.s32 $0x310;
	[tilespmem:s7+$0x0] =	vst v1  }
0xcf: {  	v1 =	vld [tilespmem:s31+$0x0]  }
0xd0: {  	v3 =	vld [tilespmem:s6+$0xFFFFFFF0];
	[tilespmem:s7+$0xFFFFFFF0] =	vst v2  }
0xd1: {  	s30 =	simm.s32 $0x510;
	s6 =	simm.s32 $0x430;
	v2 =	vld [tilespmem:s31+$0xFFFFFFF0]  }
0xd2: {  	s0 =	simm.s32 $0x510;
	s2 =	simm.s32 $0x20;
	[tilespmem:s6+$0x0] =	vst v4;
	s7 =	simm.s32 $0x150  }
.LBB2_7:
0xd3: {  	s2 =	sadd.s32 $0x20, s2  }
0xd4: {  	v4 =	vld [tilespmem:s7+$0x0];
	[tilespmem:s30+$0x0] =	vst v1;
	s0 =	sadd.s32 $0x20, s0;
	s31 =	sadd.s32 $0x20, s31;
	p1 =	slt.u32 s2, $0x60  }
.Ltmp4:
0xd5: {  	[tilespmem:s6+$0xFFFFFFF0] =	vst v3;
	v1 =	vld [tilespmem:s31+$0x0];
	(pc) =	sbr.rel @p1 .LBB2_7-.Ltmp4, $4  }
0xd6: {  	v3 =	vld [tilespmem:s7+$0xFFFFFFF0];
	[tilespmem:s30+$0xFFFFFFF0] =	vst v2;
	s30 =	smov.u32 s0  }
0xd7: {  	v2 =	vld [tilespmem:s31+$0xFFFFFFF0]  }
0xd8: {  	s6 =	sadd.s32 $0x20, s6  }
0xd9: {  	s7 =	sadd.s32 $0x20, s7;
	[tilespmem:s6+$0x0] =	vst v4  }
0xda: {  	s2 =	sadd.s32 $0x20, s31  }
0xdb: {  	[tilespmem:s6+$0xFFFFFFF0] =	vst v3;
	v3 =	vld [tilespmem:s2+$0x0]  }
0xdc: {  	v4 =	vld [tilespmem:s2+$0xFFFFFFF0];
	_ =	sdelay $0x1  }
0xdd: {  	[tilespmem:s30+$0x0] =	vst v1  }
0xde: {  	s0 =	sadd.s32 $0x20, s0;
	[tilespmem:s30+$0xFFFFFFF0] =	vst v2  }
0xdf: {  	[tilespmem:s0+$0x0] =	vst v3  }
0xe0: {  	[tilespmem:s0+$0xFFFFFFF0] =	vst v4;
	s0 =	sadd.s32 @!p0 s29, s22  }
0xe1: {  	[spmem:s1] =	stream.indirect.scatter.add.f32 [tilespmem:s8], [sflag:$0x5], $0x1, s14, s10, $0xb8;
	[tilespmem:$0x880] =	vst v63  }
0xe2: {  	s0 =	sshrl.u32 @!p0 s0, $0x3  }
0xe3: {  	s7 =	simm.s32 @!p0 $0x100;
	s6 =	simm.s32 @!p0 $0x0;
	s2 =	sadd.s32 @!p0 s4, s0  }
0xe4: {  	[tilespmem:s7], [sflag:$0x3] =	stream.linear.gather @!p0 [hbm4b:s2+s6], $0x80, $0x38;
	[tilespmem:$0x880] =	vst v63  }
0xe5: {  	s0 =	sadd.s32 @!p0 s5, s0;
	s2 =	simm.s32 @!p0 $0x300  }
0xe6: {  	[tilespmem:s2], [sflag:$0x3] =	stream.linear.gather @!p0 [hbm4b:s0+s6], $0x80, $0x38;
	[tilespmem:$0x880] =	vst v63  }
0xe7: {  	_ =	swait.ge [sflag:s24], $0x80  }
0xe8: {  	[sflag:s24] =	ssyncset.done $0x0  }
0xe9: {  	[sflag:s24] =	ssyncadd.s32 $0xFFFFFF80  }
0xea: {  	_ =	swait.ge [sflag:s24], $0x80  }
0xeb: {  	[sflag:s24] =	ssyncset.done $0x0  }
0xec: {  	[sflag:s24] =	ssyncadd.s32 $0xFFFFFF80  }
0xed: {  	_ =	swait.ge [sflag:s25], $0x80  }
0xee: {  	[sflag:s25] =	ssyncset.done $0x0  }
0xef: {  	s2 =	simm.s32 $0x190;
	[sflag:s25] =	ssyncadd.s32 $0xFFFFFF80  }
0xf0: {  	v1 =	vld [tilespmem:s2+$0x0];
	_ =	sdelay $0x1  }
0xf1: {  	v2 =	vld [tilespmem:s2+$0xFFFFFFF0]  }
0xf2: {  	s6 =	simm.s32 $0x1B0  }
0xf3: {  	s7 =	simm.s32 $0x490;
	v4 =	vld [tilespmem:s6+$0x0]  }
0xf4: {  	s31 =	simm.s32 $0x390;
	[tilespmem:s7+$0x0] =	vst v1  }
0xf5: {  	v1 =	vld [tilespmem:s31+$0x0]  }
0xf6: {  	v3 =	vld [tilespmem:s6+$0xFFFFFFF0];
	[tilespmem:s7+$0xFFFFFFF0] =	vst v2  }
0xf7: {  	s30 =	simm.s32 $0x590;
	s6 =	simm.s32 $0x4B0;
	v2 =	vld [tilespmem:s31+$0xFFFFFFF0]  }
0xf8: {  	s0 =	simm.s32 $0x590;
	s2 =	simm.s32 $0x20;
	[tilespmem:s6+$0x0] =	vst v4;
	s7 =	simm.s32 $0x1D0  }
.LBB2_9:
0xf9: {  	s2 =	sadd.s32 $0x20, s2  }
0xfa: {  	v4 =	vld [tilespmem:s7+$0x0];
	[tilespmem:s30+$0x0] =	vst v1;
	s0 =	sadd.s32 $0x20, s0;
	s31 =	sadd.s32 $0x20, s31;
	p1 =	slt.u32 s2, $0x60  }
.Ltmp5:
0xfb: {  	[tilespmem:s6+$0xFFFFFFF0] =	vst v3;
	v1 =	vld [tilespmem:s31+$0x0];
	(pc) =	sbr.rel @p1 .LBB2_9-.Ltmp5, $4  }
0xfc: {  	v3 =	vld [tilespmem:s7+$0xFFFFFFF0];
	[tilespmem:s30+$0xFFFFFFF0] =	vst v2;
	s30 =	smov.u32 s0  }
0xfd: {  	v2 =	vld [tilespmem:s31+$0xFFFFFFF0]  }
0xfe: {  	s6 =	sadd.s32 $0x20, s6  }
0xff: {  	s7 =	sadd.s32 $0x20, s7;
	[tilespmem:s6+$0x0] =	vst v4  }
0x100: {  	s2 =	sadd.s32 $0x20, s31  }
0x101: {  	[tilespmem:s6+$0xFFFFFFF0] =	vst v3;
	v3 =	vld [tilespmem:s2+$0x0]  }
0x102: {  	v4 =	vld [tilespmem:s2+$0xFFFFFFF0];
	_ =	sdelay $0x1  }
.Ltmp6:
0x103: {  	[tilespmem:s30+$0x0] =	vst v1;
	(pc) =	sbr.rel @p0 .LBB2_12-.Ltmp6, $4  }
0x104: {  	s0 =	sadd.s32 $0x20, s0;
	[tilespmem:s30+$0xFFFFFFF0] =	vst v2  }
0x105: {  	[tilespmem:s0+$0x0] =	vst v3  }
0x106: {  	[tilespmem:s0+$0xFFFFFFF0] =	vst v4  }
0x107: {  	[spmem:s1] =	stream.indirect.scatter.add.f32 [tilespmem:s17], [sflag:$0x6], $0x1, s16, s10, $0xb8;
	[tilespmem:$0x880] =	vst v63  }
0x108: {  	s0 =	sadd.s32 s29, s23  }
.Ltmp7:
0x109: {  	s0 =	sshrl.u32 s0, $0x3;
	(pc) =	sbr.rel .LBB2_2-.Ltmp7, $4  }
0x10a: {  	s2 =	sadd.s32 s4, s0  }
0x10b: {  	[tilespmem:s11], [sflag:$0x4] =	stream.linear.gather [hbm4b:s2+s3], $0x80, $0x38;
	[tilespmem:$0x880] =	vst v63  }
0x10c: {  	s28 =	sadd.s32 $0x1, s28;
	s0 =	sadd.s32 s5, s0  }
0x10d: {  	[tilespmem:s12], [sflag:$0x4] =	stream.linear.gather [hbm4b:s0+s3], $0x80, $0x38;
	[tilespmem:$0x880] =	vst v63  }
.LBB2_13:
0x10e: {  	_ =	sfence.sel $0x180000  }
0x10f: {  	[bflag:$0x0] =	sbarrier.arrive $0xFFFF  }
0x110: {  	_ =	strace $0x90000047  }
0x111: {  	s0 =	stileid.u32;
	[bflag:$0x2] =	sbarrier.arrive $0xFFFF  }
0x112: {  	p0 =	sne.s32 s0, $0x0;
	s0 =	rddreg [dreg:$0x2]  }
0x113: {  	s0 =	sadd.s32 @!p0 $0x100000, s0  }
0x114: {  	[sflag:s0] =	ssyncadd.tile.s32 @!p0 $0x1;
	_ =	shalt  }
.Lfunc_end2:
_tile_overlayer_lowered:
.L_overlay_start_2:
0x115: {  	(tag) =	ssettag $0x2  }
0x116: {  	s0 =	rddreg [dreg:$0x0];
	s2 =	stileid.u32  }
0x117: {  	s1 =	rddreg [dreg:$0x1];
	p0 =	sne.s32 s2, $0x0  }
0x118: {  	s3 =	rddreg [dreg:$0x2];
	[bflag:$0x3] =	sbarrier.arrive $0xFFFF;
	s2 =	simm.s32 @!p0 $0x1C07  }
0x119: {  	[timem:s3], [sflag:s2] =	dma.local @!p0 [hbm:s0], s1  }
0x11a: {  	s0 =	simm.s32 @!p0 $0x7  }
0x11b: {  	_ =	swait.ge @!p0 [sflag:s0], s1  }
0x11c: {  	s1 =	ssub.s32 @!p0 $0x0, s1;
	[sflag:s0] =	ssyncset.done @!p0 $0x0  }
0x11d: {  	[sflag:s0] =	ssyncadd.s32 @!p0 s1  }
0x11e: {  	[bflag:$0x3] =	sbarrier.arrive $0xFFFF  }
0x11f: {  	_ =	shalt  }

// kernel: kernel.14.cloned.1.call-start
scs
__scs_entry_jumppad:
0x0: {  	(pc) =	sbr.rel $0x88, $3  }
0x1: {  	(tag) =	ssettag $0x0;
	lr =	simm.s32 $0x1  }
0x2: {  	[smem:$0x3F99] =	sst lr;
	_ =	strace $0xD0000000  }
0x3: {  	_ = 	snop  }
0x4: {  	_ = 	snop  }
0x5: {  	_ = 	snop  }
0x6: {  	_ = 	snop  }
0x7: {  	_ = 	snop  }
__scs_overlays_trampoline_lowered:
0x8: {  	[smem:$0x3FA8] =	sst s0  }
0x9: {  	[smem:$0x3FA9] =	sst s1  }
0xa: {  	[smem:$0x3FAA] =	sst s2  }
0xb: {  	[smem:$0x3FAB] =	sst s3  }
0xc: {  	[smem:$0x3FAC] =	sst s4  }
0xd: {  	[smem:$0x3FAD] =	sst s5  }
0xe: {  	[smem:$0x3FAE] =	sst s6  }
0xf: {  	[smem:$0x3FAF] =	sst s7  }
0x10: {  	[smem:$0x3FB0] =	sst s8  }
0x11: {  	[smem:$0x3FB1] =	sst s9;
	s0 =	simm.s32 @!p0 $0x0  }
0x12: {  	s1 =	sld [smem:$0x3F97];
	s0 =	simm.s32 @p0 $0x1  }
0x13: {  	[smem:$0x3FB2] =	sst s0;
	s0 =	simm.s32 @!p1 $0x0  }
0x14: {  	s2 =	sld [smem:$0x3F96];
	s0 =	simm.s32 @p1 $0x1  }
0x15: {  	[smem:$0x3FB3] =	sst s0;
	s0 =	simm.s32 @!p2 $0x0  }
0x16: {  	s3 =	sld [smem:$0x3FDB];
	s0 =	simm.s32 @p2 $0x1  }
0x17: {  	s4 =	simm.s32 $0x1BF5;
	[smem:$0x3FB5] =	sst s0  }
0x18: {  	s0 =	sld [smem:$0x3F98];
	_ =	swait.ge [sflag:s4], $0x0  }
0x19: {  	s7 =	sld [smem:$0x3F99]  }
0x1a: {  	s8 =	sadd.s32 $0xFFFFE003, lr  }
0x1b: {  	s9 =	sadd.s32 $0xFFFFFEF7, lr;
	s5 =	simm.s32 $0xFFFFFFFF;
	p2 =	slt.u32 s8, $0xFFFFF086  }
0x1c: {  	p1 =	slt.u32 s9, $0xF7A;
	s5 =	simm.s32 @!p2 $0x0  }
0x1d: {  	s5 =	simm.s32 @p1 $0x1;
	p0 =	seq.s32 s7, s2  }
0x1e: {  	s7 =	smul.u32 @!p0 $0xF7A, s2;
	p2 =	seq.s32 @!p0 s5, $0x0  }
0x1f: {  	s9 =	smul.u32 $0xF7A, s1;
	s8 =	simm.s32 @!p0 $0x1BF5;
	p2 =	por !p2, p0  }
0x20: {  	[sflag:s8] =	ssyncset.s32 @!p0 $0xFFFFF086;
	s6 =	sadd.s32 @!p0 s3, s7;
	s7 =	simm.s32 @!p0 $0x108  }
0x21: {  	s3 =	sadd.s32 s3, s9;
	s6 =	sadd.s32 @!p0 $0x88, s6;
	s7 =	simm.s32 @p2 $0x1082  }
0x22: {  	[simem:s7], [sflag:s8] =	dma.local @!p0 [hbm:s6], $0xF7A  }
0x23: {  	s9 =	sor.u32 $0xD0000000, s2;
	s6 =	simm.s32 $0x108;
	_ =	swait.ge @!p0 [sflag:s8], $0x0  }
0x24: {  	s3 =	sadd.s32 $0x88, s3;
	s6 =	simm.s32 @!p1 $0x1082;
	[sflag:s4] =	ssyncset.s32 $0xFFFFF086  }
0x25: {  	[simem:s6], [sflag:s4] =	dma.local [hbm:s3], $0xF7A  }
0x26: {  	[smem:$0x3F99] =	sst s1;
	(tag) =	ssettag s2;
	_ =	strace s9  }
0x27: {  	s1 =	sld [smem:$0x3FA9]  }
0x28: {  	s2 =	sld [smem:$0x3FAA]  }
0x29: {  	s4 =	sld [smem:$0x3FAC]  }
0x2a: {  	p0 =	seq.s32 s5, $0x0;
	s5 =	sld [smem:$0x3FAD]  }
0x2b: {  	s6 =	sld [smem:$0x3FAE]  }
0x2c: {  	s7 =	sld [smem:$0x3FAF]  }
0x2d: {  	s3 =	simm.s32 $0x108;
	s8 =	sld [smem:$0x3FB0]  }
0x2e: {  	s3 =	simm.s32 @!p0 $0x1082;
	s9 =	sld [smem:$0x3FB1]  }
0x2f: {  	lr =	sadd.s32 s0, s3;
	s0 =	sld [smem:$0x3FA8]  }
0x30: {  	s3 =	sld [smem:$0x3FAB]  }
0x31: {  	[smem:$0x3FB4] =	sst s10  }
0x32: {  	s10 =	sld [smem:$0x3FB2];
	_ =	sdelay $0x3  }
0x33: {  	p0 =	seq.s32 s10, $0x1;
	s10 =	sld [smem:$0x3FB4];
	_ =	sdelay $0x3  }
0x34: {  	[smem:$0x3FB4] =	sst s10  }
0x35: {  	s10 =	sld [smem:$0x3FB3];
	_ =	sdelay $0x3  }
0x36: {  	p1 =	seq.s32 s10, $0x1;
	s10 =	sld [smem:$0x3FB4];
	_ =	sdelay $0x3  }
0x37: {  	[smem:$0x3FB4] =	sst s10  }
0x38: {  	s10 =	sld [smem:$0x3FB5]  }
0x39: {  	_ = 	snop;
	(pc) =	sbr.ind lr, $3  }
0x3a: {  	_ = 	snop  }
0x3b: {  	_ = 	snop  }
0x3c: {  	p2 =	seq.s32 s10, $0x1;
	s10 =	sld [smem:$0x3FB4]  }
0x3d: {  	_ =	shalt  }
0x3e: {  	_ =	shalt  }
0x3f: {  	_ =	shalt  }
0x40: {  	_ =	shalt  }
0x41: {  	_ =	shalt  }
0x42: {  	_ =	shalt  }
0x43: {  	_ =	shalt  }
0x44: {  	_ =	shalt  }
0x45: {  	_ =	shalt  }
0x46: {  	_ =	shalt  }
0x47: {  	_ =	shalt  }
0x48: {  	_ =	shalt  }
0x49: {  	_ =	shalt  }
0x4a: {  	_ =	shalt  }
0x4b: {  	_ =	shalt  }
0x4c: {  	_ =	shalt  }
0x4d: {  	_ =	shalt  }
0x4e: {  	_ =	shalt  }
0x4f: {  	_ =	shalt  }
0x50: {  	_ =	shalt  }
0x51: {  	_ =	shalt  }
0x52: {  	_ =	shalt  }
0x53: {  	_ =	shalt  }
0x54: {  	_ =	shalt  }
0x55: {  	_ =	shalt  }
0x56: {  	_ =	shalt  }
0x57: {  	_ =	shalt  }
0x58: {  	_ =	shalt  }
0x59: {  	_ =	shalt  }
0x5a: {  	_ =	shalt  }
0x5b: {  	_ =	shalt  }
0x5c: {  	_ =	shalt  }
0x5d: {  	_ =	shalt  }
0x5e: {  	_ =	shalt  }
0x5f: {  	_ =	shalt  }
0x60: {  	_ =	shalt  }
0x61: {  	_ =	shalt  }
0x62: {  	_ =	shalt  }
0x63: {  	_ =	shalt  }
0x64: {  	_ =	shalt  }
0x65: {  	_ =	shalt  }
0x66: {  	_ =	shalt  }
0x67: {  	_ =	shalt  }
0x68: {  	_ =	shalt  }
0x69: {  	_ =	shalt  }
0x6a: {  	_ =	shalt  }
0x6b: {  	_ =	shalt  }
0x6c: {  	_ =	shalt  }
0x6d: {  	_ =	shalt  }
0x6e: {  	_ =	shalt  }
0x6f: {  	_ =	shalt  }
0x70: {  	_ =	shalt  }
0x71: {  	_ =	shalt  }
0x72: {  	_ =	shalt  }
0x73: {  	_ =	shalt  }
0x74: {  	_ =	shalt  }
0x75: {  	_ =	shalt  }
0x76: {  	_ =	shalt  }
0x77: {  	_ =	shalt  }
0x78: {  	_ =	shalt  }
0x79: {  	_ =	shalt  }
0x7a: {  	_ =	shalt  }
0x7b: {  	_ =	shalt  }
0x7c: {  	_ =	shalt  }
0x7d: {  	_ =	shalt  }
0x7e: {  	_ =	shalt  }
0x7f: {  	_ =	shalt  }
0x80: {  	_ =	shalt  }
0x81: {  	_ =	shalt  }
0x82: {  	_ =	shalt  }
0x83: {  	_ =	shalt  }
0x84: {  	_ =	shalt  }
0x85: {  	_ =	shalt  }
0x86: {  	_ =	shalt  }
0x87: {  	_ =	shalt  }
.Lfunc_end0:
.L_simem_size_0:
called_computation.1_lowered:
.L_overlay_start_0:
0x88: {  	s2 =	sld [smem:$0x3FD9]  }
0x89: {  	s3 =	sld [smem:$0x3FFE];
	_ =	sdelay $0x1  }
0x8a: {  	s1 =	srdreg.scid  }
0x8b: {  	s0 =	sand.u32 $0x1, s1  }
0x8c: {  	s17 =	sshll.u32 s0, $0xA;
	s2 =	sadd.s32 s3, s2  }
0x8d: {  	s2 =	sadd.s32 s2, s17  }
0x8e: {  	[smem:$0x3FC0] =	sst s2  }
0x8f: {  	_ = 	snop  }
0x90: {  	s18 =	sld [smem:$0x3FD0];
	(tm) =	ssettm $0x1  }
0x91: {  	s19 =	sld [smem:$0x3FFB];
	_ =	sdelay $0x3  }
0x92: {  	_ =	strace s19  }
0x93: {  	s2 =	sld [smem:$0x3FFC];
	_ =	sdelay $0x3  }
0x94: {  	_ =	strace s2  }
0x95: {  	s2 =	sld [smem:$0x3FFD];
	_ =	sdelay $0x3  }
0x96: {  	_ =	strace s2  }
0x97: {  	_ =	strace $0x8FFFFFFF  }
0x98: {  	s20 =	sld [smem:$0x3FDB];
	_ =	sdelay $0x1  }
0x99: {  	s4 =	simm.s32 $_scs_section_size  }
0x9a: {  	s5 =	simm.s32 $_size__tile_overlayer_lowered;
	s6 =	simm.s32 $_tile_overlayer_lowered  }
0x9b: {  	s7 =	simm.s32 $0x1BFF;
	s21 =	sshll.u32 s6, $0x1;
	s4 =	sadd.s32 s4, s20  }
0x9c: {  	s22 =	simm.s32 $0x0;
	s5 =	sshll.u32 s5, $0x1;
	s6 =	sadd.s32 s21, s4  }
0x9d: {  	[timem:s22], [sflag:s7] =	dma.local [hbm:s6], s5  }
0x9e: {  	_ =	swait.ge [sflag:s7], s5  }
0x9f: {  	s5 =	ssub.s32 $0x0, s5;
	[sflag:s7] =	ssyncset.done $0x0  }
0xa0: {  	[sflag:s7] =	ssyncadd.s32 s5;
	_ =	sdelay $0x1  }
0xa1: {  	s23 =	simm.s32 $0x1B8B  }
0xa2: {  	_ =	swait.ge [sflag:s23], $0x1  }
0xa3: {  	[sflag:s23] =	ssyncset.done $0x0  }
0xa4: {  	[sflag:s23] =	ssyncadd.s32 $0xFFFFFFFF  }
0xa5: {  	s5 =	sld [smem:$0x0]  }
0xa6: {  	s6 =	sand.u32 $0xFFFFFFFE, s1  }
0xa7: {  	p0 =	sne.s32 s1, s6  }
0xa8: {  	s6 =	sshll.u32 @p0 s6, $0xE  }
0xa9: {  	s6 =	sadd.s32 @p0 $0x11B8D, s6;
	s7 =	sshll.u32 @p0 s5, $0x11  }
0xaa: {  	s6 =	sor.u32 @p0 s7, s6  }
0xab: {  	[sflag:s6] =	ssyncadd.remote.s32 @p0 $0x1;
	_ =	sdelay $0x1  }
0xac: {  	s6 =	simm.s32 @p0 $0x1B8D  }
0xad: {  	_ =	swait.eq @p0 [sflag:s6], $0x1  }
0xae: {  	[sflag:s6] =	ssyncadd.s32 @p0 $0xFFFFFFFF  }
0xaf: {  	s7 =	sshll.u32 @!p0 s1, $0xE  }
0xb0: {  	s7 =	sor.u32 @!p0 $0x4000, s7;
	s6 =	simm.s32 @!p0 $0x1B8D  }
0xb1: {  	s5 =	sshll.u32 @!p0 s5, $0x11;
	s7 =	sadd.s32 @!p0 $0x11B8D, s7;
	_ =	swait.eq @!p0 [sflag:s6], $0x1  }
0xb2: {  	s5 =	sor.u32 @!p0 s5, s7;
	[sflag:s6] =	ssyncadd.s32 @!p0 $0xFFFFFFFF  }
0xb3: {  	s25 =	simm.s32 $0x1B8E;
	s24 =	sld [smem:$0x3FFE];
	[sflag:s5] =	ssyncadd.remote.s32 @!p0 $0x1  }
0xb4: {  	s26 =	simm.s32 $execute0_lowered;
	[smem:$0x3FD2] =	sst s25  }
0xb5: {  	s6 =	sshll.u32 s26, $0x1;
	_ =	strace $0x80000049;
	[dreg:$0x1] =	wrdreg $0xFFFFFFFF  }
0xb6: {  	s28 =	simm.s32 $_size_execute0_lowered;
	s4 =	sadd.s32 s4, s6;
	[dreg:$0x0] =	wrdreg $0x0  }
0xb7: {  	s6 =	sshll.u32 s28, $0x1;
	[dreg:$0x2] =	wrdreg s4  }
0xb8: {  	[dreg:$0x3] =	wrdreg s6  }
0xb9: {  	[dreg:$0x4] =	wrdreg $0xC0  }
0xba: {  	_ =	task [dreg:s22], $0x5FFFF  }
0xbb: {  	[dreg:$0x1] =	wrdreg $0xFFFFFFFF  }
0xbc: {  	[dreg:$0x0] =	wrdreg $0x60  }
0xbd: {  	[dreg:$0x2] =	wrdreg s18  }
0xbe: {  	[dreg:$0x3] =	wrdreg s24  }
0xbf: {  	[dreg:$0x4] =	wrdreg $0xA  }
0xc0: {  	_ =	task.clear_ibuf [dreg:s22], $0x5FFFF;
	_ =	strace $0x90000049  }
0xc1: {  	s29 =	simm.s32 $0xA;
	_ =	strace $0x8000004B  }
0xc2: {  	_ =	swait.ge [sflag:s29], $0x1  }
0xc3: {  	[sflag:s29] =	ssyncadd.s32 $0xFFFFFFFF  }
0xc4: {  	_ =	strace $0x9000004B  }
0xc5: {  	_ =	sfence  }
0xc6: {  	s30 =	sld [smem:$0x0];
	_ =	sdelay $0x2  }
0xc7: {  	s31 =	sshll.u32 s1, $0xD;
	s1 =	sshrl.u32 s1, $0x2  }
0xc8: {  	s4 =	sand.u32 $0x4000, s31;
	s1 =	sadd.s32 s1, s30  }
0xc9: {  	s0 =	sor.u32 s4, s0;
	s1 =	sshll.u32 s1, $0x11  }
0xca: {  	s0 =	sor.u32 s1, s0  }
0xcb: {  	s0 =	sadd.s32 $0x8F2B, s0  }
0xcc: {  	[sflag:s0] =	ssyncadd.remote.s32 $0x1  }
0xcd: {  	_ =	sfence.sel $0xFFFF  }
0xce: {  	[dreg:$0x0] =	wrdreg $0xFFFFFFFF;
	(pc) =	sbr.abs _section_cstart, $3  }
0xcf: {  	[dreg:$0x1] =	wrdreg $0xFFFFFFFF  }
0xd0: {  	_ =	task.clear_ibuf [dreg:s22], $0x2FFFF;
	_ =	strace $0x9FFFFFFF  }
0xd1: {  	(tm) =	ssettm $0x7FFFFFFF  }
tec
execute0_lowered:
.L_overlay_start_1:
0x0: {  	(tag) =	ssettag $0x1  }
0x1: {  	s1 =	srdreg.scid;
	s0 =	stileid.u32  }
0x2: {  	s17 =	sand.u32 $0x1, s1;
	s4 =	smul.u32 $0x280, s0  }
0x3: {  	s2 =	rddreg [dreg:$0x0];
	s5 =	smul.u32 $0x140, s17  }
0x4: {  	s9 =	rddreg [dreg:$0x1]  }
0x5: {  	s3 =	simm.s32 $0x0;
	s1 =	rddreg [dreg:$0x2];
	s19 =	sadd.s32 s5, s4  }
0x6: {  	[smem:$0x7FF] =	sst s3;
	s16 =	sadd.s32 $0x18400, s9;
	s4 =	sshrl.u32 s19, $0x3  }
0x7: {  	_ =	strace $0x8000004A;
	s5 =	sadd.s32 s16, s4;
	s4 =	simm.s32 $0x2  }
0x8: {  	[tilespmem:s3], [sflag:$0x2] =	stream.linear.gather [hbm4b:s5+s3], $0x40, $0x38;
	[tilespmem:$0x2080] =	vst v63  }
0x9: {  	_ =	swait.ge [sflag:s4], $0x40  }
0xa: {  	s6 =	simm.s32 $0x40;
	[sflag:s4] =	ssyncset.done $0x0  }
0xb: {  	s7 =	simm.s32 $0x80;
	s8 =	simm.s32 $0x1;
	[sflag:s4] =	ssyncadd.s32 $0xFFFFFFC0  }
0xc: {  	[tilespmem:s7], [sflag:$0x1] =	stream.indirect.gather [hbm4b:s2+s6], $0x80, s3, s6, $0xb8;
	[tilespmem:$0x2080] =	vst v63  }
0xd: {  	_ =	swait.ge [sflag:s8], $0x2000  }
0xe: {  	s18 =	sadd.s32 $0x18A00, s9;
	s28 =	sshll.u32 s19, $0x4;
	[sflag:s8] =	ssyncset.done $0x0  }
0xf: {  	s9 =	sadd.s32 s18, s28;
	[sflag:s8] =	ssyncadd.s32 $0xFFFFE000  }
0x10: {  	[hbm4b:s9+s3] =	stream.linear.scatter [tilespmem:s7], [sflag:$0x2], $0x2000, $0x38;
	[tilespmem:$0x2080] =	vst v63  }
0x11: {  	s11 =	sadd.s32 $0x40, s19;
	_ =	swait.ge [sflag:s4], $0x2000  }
0x12: {  	s10 =	sshrl.u32 s11, $0x3;
	[sflag:s4] =	ssyncset.done $0x0  }
0x13: {  	s10 =	sadd.s32 s16, s10;
	[sflag:s4] =	ssyncadd.s32 $0xFFFFE000  }
0x14: {  	[tilespmem:s3], [sflag:$0x2] =	stream.linear.gather [hbm4b:s10+s3], $0x40, $0x38;
	[tilespmem:$0x2080] =	vst v63  }
0x15: {  	_ =	swait.ge [sflag:s4], $0x40  }
0x16: {  	[sflag:s4] =	ssyncset.done $0x0  }
0x17: {  	[sflag:s4] =	ssyncadd.s32 $0xFFFFFFC0  }
0x18: {  	[tilespmem:s7], [sflag:$0x1] =	stream.indirect.gather [hbm4b:s2+s6], $0x80, s3, s6, $0xb8;
	[tilespmem:$0x2080] =	vst v63  }
0x19: {  	_ =	swait.ge [sflag:s8], $0x2000  }
0x1a: {  	s11 =	sshll.u32 s11, $0x4;
	[sflag:s8] =	ssyncset.done $0x0  }
0x1b: {  	s11 =	sadd.s32 s18, s11;
	[sflag:s8] =	ssyncadd.s32 $0xFFFFE000  }
0x1c: {  	[hbm4b:s11+s3] =	stream.linear.scatter [tilespmem:s7], [sflag:$0x2], $0x2000, $0x38;
	[tilespmem:$0x2080] =	vst v63  }
0x1d: {  	s13 =	sadd.s32 $0x80, s19;
	_ =	swait.ge [sflag:s4], $0x2000  }
0x1e: {  	s12 =	sshrl.u32 s13, $0x3;
	[sflag:s4] =	ssyncset.done $0x0  }
0x1f: {  	s12 =	sadd.s32 s16, s12;
	[sflag:s4] =	ssyncadd.s32 $0xFFFFE000  }
0x20: {  	[tilespmem:s3], [sflag:$0x2] =	stream.linear.gather [hbm4b:s12+s3], $0x40, $0x38;
	[tilespmem:$0x2080] =	vst v63  }
0x21: {  	_ =	swait.ge [sflag:s4], $0x40  }
0x22: {  	[sflag:s4] =	ssyncset.done $0x0  }
0x23: {  	[sflag:s4] =	ssyncadd.s32 $0xFFFFFFC0  }
0x24: {  	[tilespmem:s7], [sflag:$0x1] =	stream.indirect.gather [hbm4b:s2+s6], $0x80, s3, s6, $0xb8;
	[tilespmem:$0x2080] =	vst v63  }
0x25: {  	_ =	swait.ge [sflag:s8], $0x2000  }
0x26: {  	s13 =	sshll.u32 s13, $0x4;
	[sflag:s8] =	ssyncset.done $0x0  }
0x27: {  	s13 =	sadd.s32 s18, s13;
	[sflag:s8] =	ssyncadd.s32 $0xFFFFE000  }
0x28: {  	[hbm4b:s13+s3] =	stream.linear.scatter [tilespmem:s7], [sflag:$0x2], $0x2000, $0x38;
	[tilespmem:$0x2080] =	vst v63  }
0x29: {  	s15 =	sadd.s32 $0xC0, s19;
	_ =	swait.ge [sflag:s4], $0x2000  }
0x2a: {  	s14 =	sshrl.u32 s15, $0x3;
	[sflag:s4] =	ssyncset.done $0x0  }
0x2b: {  	s14 =	sadd.s32 s16, s14;
	[sflag:s4] =	ssyncadd.s32 $0xFFFFE000  }
0x2c: {  	[tilespmem:s3], [sflag:$0x2] =	stream.linear.gather [hbm4b:s14+s3], $0x40, $0x38;
	[tilespmem:$0x2080] =	vst v63  }
0x2d: {  	_ =	swait.ge [sflag:s4], $0x40  }
0x2e: {  	[sflag:s4] =	ssyncset.done $0x0  }
0x2f: {  	[sflag:s4] =	ssyncadd.s32 $0xFFFFFFC0  }
0x30: {  	[tilespmem:s7], [sflag:$0x1] =	stream.indirect.gather [hbm4b:s2+s6], $0x80, s3, s6, $0xb8;
	[tilespmem:$0x2080] =	vst v63  }
0x31: {  	_ =	swait.ge [sflag:s8], $0x2000  }
0x32: {  	s15 =	sshll.u32 s15, $0x4;
	[sflag:s8] =	ssyncset.done $0x0  }
0x33: {  	s15 =	sadd.s32 s18, s15;
	[sflag:s8] =	ssyncadd.s32 $0xFFFFE000  }
0x34: {  	[hbm4b:s15+s3] =	stream.linear.scatter [tilespmem:s7], [sflag:$0x2], $0x2000, $0x38;
	[tilespmem:$0x2080] =	vst v63  }
0x35: {  	s19 =	sadd.s32 $0x100, s19;
	_ =	swait.ge [sflag:s4], $0x2000  }
0x36: {  	s20 =	sshrl.u32 s19, $0x3;
	[sflag:s4] =	ssyncset.done $0x0  }
0x37: {  	s17 =	ssub.s32 $0x2, s17;
	s16 =	sadd.s32 s16, s20;
	[sflag:s4] =	ssyncadd.s32 $0xFFFFE000  }
0x38: {  	[tilespmem:s3], [sflag:$0x2] =	stream.linear.gather [hbm4b:s16+s3], $0x40, $0x38;
	[tilespmem:$0x2080] =	vst v63  }
0x39: {  	s29 =	sshrl.u32 s17, $0x1;
	_ =	swait.ge [sflag:s4], $0x40  }
0x3a: {  	s20 =	ssub.s32 s17, s29;
	[sflag:s4] =	ssyncset.done $0x0  }
0x3b: {  	s31 =	smax.u32 s20, $0x1;
	[sflag:s4] =	ssyncadd.s32 $0xFFFFFFC0  }
0x3c: {  	[tilespmem:s7], [sflag:$0x1] =	stream.indirect.gather [hbm4b:s2+s6], $0x80, s3, s6, $0xb8;
	[tilespmem:$0x2080] =	vst v63  }
0x3d: {  	p0 =	sne.s32 s31, $0x1;
	_ =	swait.ge [sflag:s8], $0x2000  }
.Ltmp0:
0x3e: {  	s30 =	sshll.u32 s19, $0x4;
	[sflag:s8] =	ssyncset.done $0x0;
	(pc) =	sbr.rel @!p0 .LBB2_2-.Ltmp0, $4  }
0x3f: {  	s17 =	sadd.s32 s18, s30;
	[sflag:s8] =	ssyncadd.s32 $0xFFFFE000  }
0x40: {  	[hbm4b:s17+s3] =	stream.linear.scatter [tilespmem:s7], [sflag:$0x2], $0x2000, $0x38;
	[tilespmem:$0x2080] =	vst v63  }
0x41: {  	_ =	swait.ge [sflag:s4], $0x2000  }
0x42: {  	s18 =	sadd.s32 $0xFFFFFFFF, s31;
	[sflag:s4] =	ssyncset.done $0x0  }
.LBB2_1:
0x43: {  	p0 =	sne.s32 s18, $0x1;
	s18 =	sadd.s32 $0xFFFFFFFF, s18;
	[sflag:s4] =	ssyncadd.s32 $0xFFFFE000  }
0x44: {  	[tilespmem:s3], [sflag:$0x2] =	stream.linear.gather [hbm4b:s5+s3], $0x40, $0x38;
	[tilespmem:$0x2080] =	vst v63  }
0x45: {  	_ =	swait.ge [sflag:s4], $0x40  }
0x46: {  	[sflag:s4] =	ssyncset.done $0x0  }
0x47: {  	[sflag:s4] =	ssyncadd.s32 $0xFFFFFFC0  }
0x48: {  	[tilespmem:s7], [sflag:$0x1] =	stream.indirect.gather [hbm4b:s2+s6], $0x80, s3, s6, $0xb8;
	[tilespmem:$0x2080] =	vst v63  }
0x49: {  	_ =	swait.ge [sflag:s8], $0x2000  }
0x4a: {  	[sflag:s8] =	ssyncset.done $0x0  }
0x4b: {  	[sflag:s8] =	ssyncadd.s32 $0xFFFFE000  }
0x4c: {  	[hbm4b:s9+s3] =	stream.linear.scatter [tilespmem:s7], [sflag:$0x2], $0x2000, $0x38;
	[tilespmem:$0x2080] =	vst v63  }
0x4d: {  	_ =	swait.ge [sflag:s4], $0x2000  }
0x4e: {  	[sflag:s4] =	ssyncset.done $0x0  }
0x4f: {  	[sflag:s4] =	ssyncadd.s32 $0xFFFFE000  }
0x50: {  	[tilespmem:s3], [sflag:$0x2] =	stream.linear.gather [hbm4b:s10+s3], $0x40, $0x38;
	[tilespmem:$0x2080] =	vst v63  }
0x51: {  	_ =	swait.ge [sflag:s4], $0x40  }
0x52: {  	[sflag:s4] =	ssyncset.done $0x0  }
0x53: {  	[sflag:s4] =	ssyncadd.s32 $0xFFFFFFC0  }
0x54: {  	[tilespmem:s7], [sflag:$0x1] =	stream.indirect.gather [hbm4b:s2+s6], $0x80, s3, s6, $0xb8;
	[tilespmem:$0x2080] =	vst v63  }
0x55: {  	_ =	swait.ge [sflag:s8], $0x2000  }
0x56: {  	[sflag:s8] =	ssyncset.done $0x0  }
0x57: {  	[sflag:s8] =	ssyncadd.s32 $0xFFFFE000  }
0x58: {  	[hbm4b:s11+s3] =	stream.linear.scatter [tilespmem:s7], [sflag:$0x2], $0x2000, $0x38;
	[tilespmem:$0x2080] =	vst v63  }
0x59: {  	_ =	swait.ge [sflag:s4], $0x2000  }
0x5a: {  	[sflag:s4] =	ssyncset.done $0x0  }
0x5b: {  	[sflag:s4] =	ssyncadd.s32 $0xFFFFE000  }
0x5c: {  	[tilespmem:s3], [sflag:$0x2] =	stream.linear.gather [hbm4b:s12+s3], $0x40, $0x38;
	[tilespmem:$0x2080] =	vst v63  }
0x5d: {  	_ =	swait.ge [sflag:s4], $0x40  }
0x5e: {  	[sflag:s4] =	ssyncset.done $0x0  }
0x5f: {  	[sflag:s4] =	ssyncadd.s32 $0xFFFFFFC0  }
0x60: {  	[tilespmem:s7], [sflag:$0x1] =	stream.indirect.gather [hbm4b:s2+s6], $0x80, s3, s6, $0xb8;
	[tilespmem:$0x2080] =	vst v63  }
0x61: {  	_ =	swait.ge [sflag:s8], $0x2000  }
0x62: {  	[sflag:s8] =	ssyncset.done $0x0  }
0x63: {  	[sflag:s8] =	ssyncadd.s32 $0xFFFFE000  }
0x64: {  	[hbm4b:s13+s3] =	stream.linear.scatter [tilespmem:s7], [sflag:$0x2], $0x2000, $0x38;
	[tilespmem:$0x2080] =	vst v63  }
0x65: {  	_ =	swait.ge [sflag:s4], $0x2000  }
0x66: {  	[sflag:s4] =	ssyncset.done $0x0  }
0x67: {  	[sflag:s4] =	ssyncadd.s32 $0xFFFFE000  }
0x68: {  	[tilespmem:s3], [sflag:$0x2] =	stream.linear.gather [hbm4b:s14+s3], $0x40, $0x38;
	[tilespmem:$0x2080] =	vst v63  }
0x69: {  	_ =	swait.ge [sflag:s4], $0x40  }
0x6a: {  	[sflag:s4] =	ssyncset.done $0x0  }
0x6b: {  	[sflag:s4] =	ssyncadd.s32 $0xFFFFFFC0  }
0x6c: {  	[tilespmem:s7], [sflag:$0x1] =	stream.indirect.gather [hbm4b:s2+s6], $0x80, s3, s6, $0xb8;
	[tilespmem:$0x2080] =	vst v63  }
0x6d: {  	_ =	swait.ge [sflag:s8], $0x2000  }
0x6e: {  	[sflag:s8] =	ssyncset.done $0x0  }
0x6f: {  	[sflag:s8] =	ssyncadd.s32 $0xFFFFE000  }
0x70: {  	[hbm4b:s15+s3] =	stream.linear.scatter [tilespmem:s7], [sflag:$0x2], $0x2000, $0x38;
	[tilespmem:$0x2080] =	vst v63  }
0x71: {  	_ =	swait.ge [sflag:s4], $0x2000  }
0x72: {  	[sflag:s4] =	ssyncset.done $0x0  }
0x73: {  	[sflag:s4] =	ssyncadd.s32 $0xFFFFE000  }
0x74: {  	[tilespmem:s3], [sflag:$0x2] =	stream.linear.gather [hbm4b:s16+s3], $0x40, $0x38;
	[tilespmem:$0x2080] =	vst v63  }
0x75: {  	_ =	swait.ge [sflag:s4], $0x40  }
0x76: {  	[sflag:s4] =	ssyncset.done $0x0  }
0x77: {  	[sflag:s4] =	ssyncadd.s32 $0xFFFFFFC0  }
0x78: {  	[tilespmem:s7], [sflag:$0x1] =	stream.indirect.gather [hbm4b:s2+s6], $0x80, s3, s6, $0xb8;
	[tilespmem:$0x2080] =	vst v63  }
0x79: {  	_ =	swait.ge [sflag:s8], $0x2000  }
.Ltmp1:
0x7a: {  	[sflag:s8] =	ssyncset.done $0x0;
	(pc) =	sbr.rel @p0 .LBB2_1-.Ltmp1, $4  }
0x7b: {  	[sflag:s8] =	ssyncadd.s32 $0xFFFFE000  }
0x7c: {  	[hbm4b:s17+s3] =	stream.linear.scatter [tilespmem:s7], [sflag:$0x2], $0x2000, $0x38;
	[tilespmem:$0x2080] =	vst v63  }
0x7d: {  	_ =	swait.ge [sflag:s4], $0x2000  }
0x7e: {  	[sflag:s4] =	ssyncset.done $0x0  }
.LBB2_2:
0x7f: {  	[sflag:s4] =	ssyncadd.s32 $0xFFFFE000  }
0x80: {  	_ =	sfence.sel $0x180000  }
0x81: {  	[bflag:$0x0] =	sbarrier.arrive $0xFFFF  }
0x82: {  	p0 =	sne.s32 s0, $0x0;
	_ =	strace $0x9000004A  }
0x83: {  	s0 =	sadd.s32 @!p0 $0x100000, s1;
	[bflag:$0x2] =	sbarrier.arrive $0xFFFF  }
0x84: {  	[sflag:s0] =	ssyncadd.tile.s32 @!p0 $0x1;
	_ =	shalt  }
.Lfunc_end2:
_tile_overlayer_lowered:
.L_overlay_start_2:
0x85: {  	(tag) =	ssettag $0x2  }
0x86: {  	s0 =	rddreg [dreg:$0x0];
	s2 =	stileid.u32  }
0x87: {  	s1 =	rddreg [dreg:$0x1];
	p0 =	sne.s32 s2, $0x0  }
0x88: {  	s3 =	rddreg [dreg:$0x2];
	[bflag:$0x3] =	sbarrier.arrive $0xFFFF;
	s2 =	simm.s32 @!p0 $0x1C02  }
0x89: {  	[timem:s3], [sflag:s2] =	dma.local @!p0 [hbm:s0], s1  }
0x8a: {  	s0 =	simm.s32 @!p0 $0x2  }
0x8b: {  	_ =	swait.ge @!p0 [sflag:s0], s1  }
0x8c: {  	s1 =	ssub.s32 @!p0 $0x0, s1;
	[sflag:s0] =	ssyncset.done @!p0 $0x0  }
0x8d: {  	[sflag:s0] =	ssyncadd.s32 @!p0 s1  }
0x8e: {  	[bflag:$0x3] =	sbarrier.arrive $0xFFFF  }
0x8f: {  	_ =	shalt  }

// kernel: kernel.17.cloned.1.call-start
scs
__scs_entry_jumppad:
0x0: {  	(pc) =	sbr.rel $0x88, $3  }
0x1: {  	(tag) =	ssettag $0x0;
	lr =	simm.s32 $0x1  }
0x2: {  	[smem:$0x3F99] =	sst lr;
	_ =	strace $0xD0000000  }
0x3: {  	_ = 	snop  }
0x4: {  	_ = 	snop  }
0x5: {  	_ = 	snop  }
0x6: {  	_ = 	snop  }
0x7: {  	_ = 	snop  }
__scs_overlays_trampoline_lowered:
0x8: {  	[smem:$0x3FA8] =	sst s0  }
0x9: {  	[smem:$0x3FA9] =	sst s1  }
0xa: {  	[smem:$0x3FAA] =	sst s2  }
0xb: {  	[smem:$0x3FAB] =	sst s3  }
0xc: {  	[smem:$0x3FAC] =	sst s4  }
0xd: {  	[smem:$0x3FAD] =	sst s5  }
0xe: {  	[smem:$0x3FAE] =	sst s6  }
0xf: {  	[smem:$0x3FAF] =	sst s7  }
0x10: {  	[smem:$0x3FB0] =	sst s8  }
0x11: {  	[smem:$0x3FB1] =	sst s9;
	s0 =	simm.s32 @!p0 $0x0  }
0x12: {  	s1 =	sld [smem:$0x3F97];
	s0 =	simm.s32 @p0 $0x1  }
0x13: {  	[smem:$0x3FB2] =	sst s0;
	s0 =	simm.s32 @!p1 $0x0  }
0x14: {  	s2 =	sld [smem:$0x3F96];
	s0 =	simm.s32 @p1 $0x1  }
0x15: {  	[smem:$0x3FB3] =	sst s0;
	s0 =	simm.s32 @!p2 $0x0  }
0x16: {  	s3 =	sld [smem:$0x3FDB];
	s0 =	simm.s32 @p2 $0x1  }
0x17: {  	s4 =	simm.s32 $0x1BF5;
	[smem:$0x3FB5] =	sst s0  }
0x18: {  	s0 =	sld [smem:$0x3F98];
	_ =	swait.ge [sflag:s4], $0x0  }
0x19: {  	s7 =	sld [smem:$0x3F99]  }
0x1a: {  	s8 =	sadd.s32 $0xFFFFE003, lr  }
0x1b: {  	s9 =	sadd.s32 $0xFFFFFEF7, lr;
	s5 =	simm.s32 $0xFFFFFFFF;
	p2 =	slt.u32 s8, $0xFFFFF086  }
0x1c: {  	p1 =	slt.u32 s9, $0xF7A;
	s5 =	simm.s32 @!p2 $0x0  }
0x1d: {  	s5 =	simm.s32 @p1 $0x1;
	p0 =	seq.s32 s7, s2  }
0x1e: {  	s7 =	smul.u32 @!p0 $0xF7A, s2;
	p2 =	seq.s32 @!p0 s5, $0x0  }
0x1f: {  	s9 =	smul.u32 $0xF7A, s1;
	s8 =	simm.s32 @!p0 $0x1BF5;
	p2 =	por !p2, p0  }
0x20: {  	[sflag:s8] =	ssyncset.s32 @!p0 $0xFFFFF086;
	s6 =	sadd.s32 @!p0 s3, s7;
	s7 =	simm.s32 @!p0 $0x108  }
0x21: {  	s3 =	sadd.s32 s3, s9;
	s6 =	sadd.s32 @!p0 $0x88, s6;
	s7 =	simm.s32 @p2 $0x1082  }
0x22: {  	[simem:s7], [sflag:s8] =	dma.local @!p0 [hbm:s6], $0xF7A  }
0x23: {  	s9 =	sor.u32 $0xD0000000, s2;
	s6 =	simm.s32 $0x108;
	_ =	swait.ge @!p0 [sflag:s8], $0x0  }
0x24: {  	s3 =	sadd.s32 $0x88, s3;
	s6 =	simm.s32 @!p1 $0x1082;
	[sflag:s4] =	ssyncset.s32 $0xFFFFF086  }
0x25: {  	[simem:s6], [sflag:s4] =	dma.local [hbm:s3], $0xF7A  }
0x26: {  	[smem:$0x3F99] =	sst s1;
	(tag) =	ssettag s2;
	_ =	strace s9  }
0x27: {  	s1 =	sld [smem:$0x3FA9]  }
0x28: {  	s2 =	sld [smem:$0x3FAA]  }
0x29: {  	s4 =	sld [smem:$0x3FAC]  }
0x2a: {  	p0 =	seq.s32 s5, $0x0;
	s5 =	sld [smem:$0x3FAD]  }
0x2b: {  	s6 =	sld [smem:$0x3FAE]  }
0x2c: {  	s7 =	sld [smem:$0x3FAF]  }
0x2d: {  	s3 =	simm.s32 $0x108;
	s8 =	sld [smem:$0x3FB0]  }
0x2e: {  	s3 =	simm.s32 @!p0 $0x1082;
	s9 =	sld [smem:$0x3FB1]  }
0x2f: {  	lr =	sadd.s32 s0, s3;
	s0 =	sld [smem:$0x3FA8]  }
0x30: {  	s3 =	sld [smem:$0x3FAB]  }
0x31: {  	[smem:$0x3FB4] =	sst s10  }
0x32: {  	s10 =	sld [smem:$0x3FB2];
	_ =	sdelay $0x3  }
0x33: {  	p0 =	seq.s32 s10, $0x1;
	s10 =	sld [smem:$0x3FB4];
	_ =	sdelay $0x3  }
0x34: {  	[smem:$0x3FB4] =	sst s10  }
0x35: {  	s10 =	sld [smem:$0x3FB3];
	_ =	sdelay $0x3  }
0x36: {  	p1 =	seq.s32 s10, $0x1;
	s10 =	sld [smem:$0x3FB4];
	_ =	sdelay $0x3  }
0x37: {  	[smem:$0x3FB4] =	sst s10  }
0x38: {  	s10 =	sld [smem:$0x3FB5]  }
0x39: {  	_ = 	snop;
	(pc) =	sbr.ind lr, $3  }
0x3a: {  	_ = 	snop  }
0x3b: {  	_ = 	snop  }
0x3c: {  	p2 =	seq.s32 s10, $0x1;
	s10 =	sld [smem:$0x3FB4]  }
0x3d: {  	_ =	shalt  }
0x3e: {  	_ =	shalt  }
0x3f: {  	_ =	shalt  }
0x40: {  	_ =	shalt  }
0x41: {  	_ =	shalt  }
0x42: {  	_ =	shalt  }
0x43: {  	_ =	shalt  }
0x44: {  	_ =	shalt  }
0x45: {  	_ =	shalt  }
0x46: {  	_ =	shalt  }
0x47: {  	_ =	shalt  }
0x48: {  	_ =	shalt  }
0x49: {  	_ =	shalt  }
0x4a: {  	_ =	shalt  }
0x4b: {  	_ =	shalt  }
0x4c: {  	_ =	shalt  }
0x4d: {  	_ =	shalt  }
0x4e: {  	_ =	shalt  }
0x4f: {  	_ =	shalt  }
0x50: {  	_ =	shalt  }
0x51: {  	_ =	shalt  }
0x52: {  	_ =	shalt  }
0x53: {  	_ =	shalt  }
0x54: {  	_ =	shalt  }
0x55: {  	_ =	shalt  }
0x56: {  	_ =	shalt  }
0x57: {  	_ =	shalt  }
0x58: {  	_ =	shalt  }
0x59: {  	_ =	shalt  }
0x5a: {  	_ =	shalt  }
0x5b: {  	_ =	shalt  }
0x5c: {  	_ =	shalt  }
0x5d: {  	_ =	shalt  }
0x5e: {  	_ =	shalt  }
0x5f: {  	_ =	shalt  }
0x60: {  	_ =	shalt  }
0x61: {  	_ =	shalt  }
0x62: {  	_ =	shalt  }
0x63: {  	_ =	shalt  }
0x64: {  	_ =	shalt  }
0x65: {  	_ =	shalt  }
0x66: {  	_ =	shalt  }
0x67: {  	_ =	shalt  }
0x68: {  	_ =	shalt  }
0x69: {  	_ =	shalt  }
0x6a: {  	_ =	shalt  }
0x6b: {  	_ =	shalt  }
0x6c: {  	_ =	shalt  }
0x6d: {  	_ =	shalt  }
0x6e: {  	_ =	shalt  }
0x6f: {  	_ =	shalt  }
0x70: {  	_ =	shalt  }
0x71: {  	_ =	shalt  }
0x72: {  	_ =	shalt  }
0x73: {  	_ =	shalt  }
0x74: {  	_ =	shalt  }
0x75: {  	_ =	shalt  }
0x76: {  	_ =	shalt  }
0x77: {  	_ =	shalt  }
0x78: {  	_ =	shalt  }
0x79: {  	_ =	shalt  }
0x7a: {  	_ =	shalt  }
0x7b: {  	_ =	shalt  }
0x7c: {  	_ =	shalt  }
0x7d: {  	_ =	shalt  }
0x7e: {  	_ =	shalt  }
0x7f: {  	_ =	shalt  }
0x80: {  	_ =	shalt  }
0x81: {  	_ =	shalt  }
0x82: {  	_ =	shalt  }
0x83: {  	_ =	shalt  }
0x84: {  	_ =	shalt  }
0x85: {  	_ =	shalt  }
0x86: {  	_ =	shalt  }
0x87: {  	_ =	shalt  }
.Lfunc_end0:
.L_simem_size_0:
called_computation.2_lowered:
.L_overlay_start_0:
0x88: {  	s2 =	sld [smem:$0x3FD9]  }
0x89: {  	s3 =	sld [smem:$0x3FFE];
	_ =	sdelay $0x1  }
0x8a: {  	s1 =	srdreg.scid  }
0x8b: {  	s0 =	sand.u32 $0x1, s1  }
0x8c: {  	s16 =	sshll.u32 s0, $0xA;
	s2 =	sadd.s32 s3, s2  }
0x8d: {  	s2 =	sadd.s32 s2, s16  }
0x8e: {  	[smem:$0x3FC0] =	sst s2  }
0x8f: {  	_ = 	snop  }
0x90: {  	(tm) =	ssettm $0x1  }
0x91: {  	s17 =	sld [smem:$0x3FFB];
	_ =	sdelay $0x3  }
0x92: {  	_ =	strace s17  }
0x93: {  	s2 =	sld [smem:$0x3FFC];
	_ =	sdelay $0x3  }
0x94: {  	_ =	strace s2  }
0x95: {  	s2 =	sld [smem:$0x3FFD];
	_ =	sdelay $0x3  }
0x96: {  	_ =	strace s2  }
0x97: {  	_ =	strace $0x8FFFFFFF  }
0x98: {  	s18 =	sld [smem:$0x3FDB];
	_ =	sdelay $0x1  }
0x99: {  	s19 =	simm.s32 $_scs_section_size  }
0x9a: {  	s4 =	simm.s32 $_size__tile_overlayer_lowered;
	s5 =	simm.s32 $_tile_overlayer_lowered  }
0x9b: {  	s22 =	simm.s32 $0x1BFF;
	s21 =	sshll.u32 s5, $0x1;
	s2 =	sadd.s32 s19, s18  }
0x9c: {  	s6 =	simm.s32 $0x0;
	s20 =	sshll.u32 s4, $0x1;
	s4 =	sadd.s32 s21, s2  }
0x9d: {  	[timem:s6], [sflag:s22] =	dma.local [hbm:s4], s20  }
0x9e: {  	_ =	swait.ge [sflag:s22], s20  }
0x9f: {  	s3 =	ssub.s32 $0x0, s20;
	[sflag:s22] =	ssyncset.done $0x0  }
0xa0: {  	[sflag:s22] =	ssyncadd.s32 s3;
	_ =	sdelay $0x1  }
0xa1: {  	s23 =	simm.s32 $0x1B8B  }
0xa2: {  	_ =	swait.ge [sflag:s23], $0x1  }
0xa3: {  	[sflag:s23] =	ssyncset.done $0x0  }
0xa4: {  	s25 =	simm.s32 $0x1B8E;
	s24 =	sld [smem:$0x3FFE];
	[sflag:s23] =	ssyncadd.s32 $0xFFFFFFFF  }
0xa5: {  	s26 =	simm.s32 $execute0_lowered;
	[smem:$0x3FD2] =	sst s25  }
0xa6: {  	s4 =	sshll.u32 s26, $0x1;
	_ =	strace $0x8000004C;
	[dreg:$0x1] =	wrdreg $0xFFFFFFFF  }
0xa7: {  	s28 =	simm.s32 $_size_execute0_lowered;
	s2 =	sadd.s32 s2, s4;
	[dreg:$0x0] =	wrdreg $0x0  }
0xa8: {  	s4 =	sshll.u32 s28, $0x1;
	[dreg:$0x2] =	wrdreg s2  }
0xa9: {  	[dreg:$0x3] =	wrdreg s4  }
0xaa: {  	[dreg:$0x4] =	wrdreg $0xC0  }
0xab: {  	_ =	task [dreg:s6], $0x5FFFF  }
0xac: {  	[dreg:$0x1] =	wrdreg $0xFFFFFFFF  }
0xad: {  	[dreg:$0x0] =	wrdreg $0x60  }
0xae: {  	[dreg:$0x2] =	wrdreg s24  }
0xaf: {  	[dreg:$0x3] =	wrdreg $0x86000  }
0xb0: {  	[dreg:$0x4] =	wrdreg $0x9  }
0xb1: {  	_ =	task.clear_ibuf [dreg:s6], $0x5FFFF;
	_ =	strace $0x9000004C  }
0xb2: {  	s29 =	simm.s32 $0x9;
	_ =	strace $0x8000004E  }
0xb3: {  	_ =	swait.ge [sflag:s29], $0x1  }
0xb4: {  	[sflag:s29] =	ssyncadd.s32 $0xFFFFFFFF  }
0xb5: {  	_ =	strace $0x9000004E  }
0xb6: {  	_ =	sfence  }
0xb7: {  	s30 =	sld [smem:$0x0];
	_ =	sdelay $0x2  }
0xb8: {  	s31 =	sshll.u32 s1, $0xD;
	s1 =	sshrl.u32 s1, $0x2  }
0xb9: {  	s3 =	sand.u32 $0x4000, s31;
	s1 =	sadd.s32 s1, s30  }
0xba: {  	s0 =	sor.u32 s3, s0;
	s1 =	sshll.u32 s1, $0x11  }
0xbb: {  	s0 =	sor.u32 s1, s0  }
0xbc: {  	s0 =	sadd.s32 $0x8F2B, s0  }
0xbd: {  	[sflag:s0] =	ssyncadd.remote.s32 $0x1  }
0xbe: {  	_ =	sfence.sel $0xFFFF  }
0xbf: {  	[dreg:$0x0] =	wrdreg $0xFFFFFFFF;
	(pc) =	sbr.abs _section_cstart, $3  }
0xc0: {  	[dreg:$0x1] =	wrdreg $0xFFFFFFFF  }
0xc1: {  	_ =	task.clear_ibuf [dreg:s6], $0x2FFFF;
	_ =	strace $0x9FFFFFFF  }
0xc2: {  	(tm) =	ssettm $0x7FFFFFFF  }
0xc3: {  	_ =	shalt  }
tec
execute0_lowered:
.L_overlay_start_1:
0x0: {  	(tag) =	ssettag $0x1  }
0x1: {  	s0 =	rddreg [dreg:$0x0]  }
0x2: {  	s1 =	rddreg [dreg:$0x1];
	s17 =	simm.s32 $0x0;
	s2 =	srdreg.scid  }
0x3: {  	s11 =	stileid.u32;
	s28 =	simm.s32 $0x5;
	s29 =	simm.s32 $0x2  }
0x4: {  	s30 =	simm.s32 $0x4600;
	s31 =	simm.s32 $0x180;
	[smem:$0x7FF] =	sst s17  }
0x5: {  	s3 =	sadd.s32 $0x17A00, s0;
	s5 =	sadd.s32 $0x40A00, s0;
	s6 =	sadd.s32 $0xD200, s0  }
0x6: {  	s2 =	sand.u32 $0x1, s2;
	s7 =	sadd.s32 $0x2A00, s0;
	s9 =	smul.u32 $0x50000, s11  }
0x7: {  	s0 =	sadd.s32 $0x4B200, s0;
	s25 =	smul.u32 $0x14000, s11;
	s4 =	sshll.u32 s2, $0x4  }
0x8: {  	_ =	strace $0x8000004D;
	s8 =	ssub.s32 $0x2, s2;
	s4 =	sor.u32 s11, s4  }
0x9: {  	s10 =	sshrl.u32 s8, $0x1;
	s9 =	sshrl.u32 s9, $0x2;
	s4 =	smul.u32 $0x2A00, s4  }
0xa: {  	s2 =	smul.u32 $0x140000, s2;
	s8 =	ssub.s32 s8, s10;
	s19 =	sadd.s32 s9, s1  }
0xb: {  	s9 =	smax.u32 s8, $0x1;
	[dreg:$0x4] =	wrdreg s19;
	s26 =	sshrl.u32 s4, $0x3  }
0xc: {  	s11 =	sadd.s32 $0x4000, s25;
	[dreg:$0x15] =	wrdreg s9;
	s13 =	sadd.s32 s5, s26  }
0xd: {  	s10 =	sadd.s32 $0x10000, s25;
	s14 =	sadd.s32 s6, s26;
	[dreg:$0x5] =	wrdreg s13  }
0xe: {  	s12 =	sor.u32 $0x10, s26;
	s22 =	sadd.s32 s7, s26;
	[dreg:$0x6] =	wrdreg s14  }
0xf: {  	s23 =	sor.u32 $0x20, s26;
	s26 =	sor.u32 $0x180, s4;
	[dreg:$0xf] =	wrdreg s22  }
0x10: {  	s8 =	simm.s32 $0x8;
	s15 =	sadd.s32 s5, s12;
	[dreg:$0x13] =	wrdreg s26  }
0x11: {  	s9 =	simm.s32 $0x6;
	s20 =	sadd.s32 s6, s12;
	[dreg:$0x7] =	wrdreg s15  }
0x12: {  	s13 =	sadd.s32 s2, s25;
	s21 =	sadd.s32 s7, s12;
	[dreg:$0xd] =	wrdreg s20  }
0x13: {  	s14 =	sadd.s32 s2, s11;
	s24 =	sadd.s32 s5, s23;
	[dreg:$0xe] =	wrdreg s21  }
0x14: {  	s26 =	sadd.s32 $0x300, s4;
	s22 =	sadd.s32 $0x8000, s19;
	[dreg:$0x10] =	wrdreg s24  }
0x15: {  	s12 =	sadd.s32 s11, s1;
	s21 =	sadd.s32 $0x4000, s19;
	[dreg:$0x1b] =	wrdreg s22  }
0x16: {  	s13 =	sshrl.u32 s13, $0x3;
	s24 =	sadd.s32 $0x10000, s19;
	[dreg:$0x1a] =	wrdreg s21  }
0x17: {  	s14 =	sshrl.u32 s14, $0x3;
	s13 =	sadd.s32 s0, s13;
	[dreg:$0x1d] =	wrdreg s24  }
0x18: {  	s11 =	simm.s32 $0x3;
	s15 =	sadd.s32 s0, s14;
	[dreg:$0x8] =	wrdreg s13  }
0x19: {  	s22 =	simm.s32 $0x4;
	[dreg:$0x9] =	wrdreg s15;
	s13 =	sadd.s32 $0x8000, s25  }
0x1a: {  	s15 =	sadd.s32 $0xC000, s25;
	s25 =	sadd.s32 s6, s23;
	s16 =	sadd.s32 s2, s13  }
0x1b: {  	[dreg:$0x11] =	wrdreg s25;
	s13 =	sadd.s32 s13, s1;
	s14 =	sshrl.u32 s16, $0x3  }
0x1c: {  	s16 =	sadd.s32 s2, s15;
	s2 =	sadd.s32 s2, s10;
	s14 =	sadd.s32 s0, s14  }
0x1d: {  	s18 =	sshrl.u32 s16, $0x3;
	s16 =	sshrl.u32 s13, $0x3;
	[dreg:$0xa] =	wrdreg s14  }
0x1e: {  	s2 =	sshrl.u32 s2, $0x3;
	s14 =	sadd.s32 s0, s18;
	[dreg:$0x17] =	wrdreg s16  }
0x1f: {  	s21 =	simm.s32 $0x500;
	s0 =	sadd.s32 s0, s2;
	[dreg:$0xb] =	wrdreg s14  }
0x20: {  	s25 =	sadd.s32 $0x280, s4;
	s2 =	sadd.s32 $0x200, s4;
	[dreg:$0xc] =	wrdreg s0  }
0x21: {  	s16 =	simm.s32 $0x80;
	s0 =	sadd.s32 s7, s23;
	[dreg:$0x14] =	wrdreg s2  }
0x22: {  	s4 =	simm.s32 $0x580;
	s23 =	sadd.s32 $0xC000, s19;
	[dreg:$0x12] =	wrdreg s0  }
0x23: {  	s14 =	sadd.s32 s15, s1;
	s0 =	sshrl.u32 s12, $0x3;
	[dreg:$0x1c] =	wrdreg s23  }
0x24: {  	s15 =	sadd.s32 s10, s1;
	s18 =	sshrl.u32 s14, $0x3;
	[dreg:$0x16] =	wrdreg s0  }
0x25: {  	s10 =	simm.s32 $0x7;
	s20 =	sshrl.u32 s15, $0x3;
	[dreg:$0x18] =	wrdreg s18  }
0x26: {  	s12 =	simm.s32 $0x600;
	s15 =	simm.s32 $0x400;
	[dreg:$0x19] =	wrdreg s20  }
0x27: {  	v0 =	vimm.f32 $0.0e+00;
	s20 =	simm.s32 $0x9;
	s18 =	simm.s32 $0x480;
	s0 =	simm.s32 $0x380  }
.LBB2_1:
0x28: {  	[dreg:$0x3] =	wrdreg s17;
	s2 =	simm.s32 $0x0;
	s13 =	simm.s32 $0x200  }
.LBB2_2:
0x29: {  	p0 =	sne.s32 s13, $0xFE00;
	[tilespmem:s2+$0x670] =	vst v0  }
0x2a: {  	[tilespmem:s2+$0x600] =	vst v0  }
0x2b: {  	[tilespmem:s2+$0x610] =	vst v0  }
.Ltmp0:
0x2c: {  	[tilespmem:s2+$0x620] =	vst v0;
	(pc) =	sbr.rel @p0 .LBB2_2-.Ltmp0, $4  }
0x2d: {  	[tilespmem:s2+$0x630] =	vst v0  }
0x2e: {  	[tilespmem:s2+$0x640] =	vst v0  }
0x2f: {  	[tilespmem:s2+$0x650] =	vst v0  }
0x30: {  	[tilespmem:s2+$0x660] =	vst v0;
	s2 =	sshra.s32 s13, $0x2;
	s13 =	sadd.s32 $0x200, s13  }
0x31: {  	[tilespmem:s2+$0x670] =	vst v0  }
0x32: {  	[tilespmem:s2+$0x600] =	vst v0  }
0x33: {  	[tilespmem:s2+$0x610] =	vst v0  }
0x34: {  	[tilespmem:s2+$0x620] =	vst v0  }
0x35: {  	[tilespmem:s2+$0x630] =	vst v0  }
0x36: {  	[tilespmem:s2+$0x640] =	vst v0  }
0x37: {  	[tilespmem:s2+$0x650] =	vst v0  }
0x38: {  	[tilespmem:s2+$0x660] =	vst v0  }
0x39: {  	[spmem:s19] =	stream.linear.scatter [tilespmem:s12], [sflag:$0x9], $0x4000, $0x38;
	[tilespmem:$0x1C600] =	vst v63  }
0x3a: {  	_ =	swait.ge [sflag:s20], $0x4000  }
0x3b: {  	[sflag:s20] =	ssyncset.done $0x0  }
0x3c: {  	s14 =	rddreg [dreg:$0x1a];
	[sflag:s20] =	ssyncadd.s32 $0xFFFFC000  }
0x3d: {  	[spmem:s14] =	stream.linear.scatter [tilespmem:s12], [sflag:$0x9], $0x4000, $0x38;
	[tilespmem:$0x1C600] =	vst v63  }
0x3e: {  	_ =	swait.ge [sflag:s20], $0x4000  }
0x3f: {  	[sflag:s20] =	ssyncset.done $0x0  }
0x40: {  	s17 =	rddreg [dreg:$0x1b];
	[sflag:s20] =	ssyncadd.s32 $0xFFFFC000  }
0x41: {  	[spmem:s17] =	stream.linear.scatter [tilespmem:s12], [sflag:$0x9], $0x4000, $0x38;
	[tilespmem:$0x1C600] =	vst v63  }
0x42: {  	_ =	swait.ge [sflag:s20], $0x4000  }
0x43: {  	[sflag:s20] =	ssyncset.done $0x0  }
0x44: {  	s19 =	rddreg [dreg:$0x1c];
	[sflag:s20] =	ssyncadd.s32 $0xFFFFC000  }
0x45: {  	[spmem:s19] =	stream.linear.scatter [tilespmem:s12], [sflag:$0x9], $0x4000, $0x38;
	[tilespmem:$0x1C600] =	vst v63  }
0x46: {  	_ =	swait.ge [sflag:s20], $0x4000  }
0x47: {  	[sflag:s20] =	ssyncset.done $0x0  }
0x48: {  	s23 =	rddreg [dreg:$0x1d];
	[sflag:s20] =	ssyncadd.s32 $0xFFFFC000  }
0x49: {  	[spmem:s23] =	stream.linear.scatter [tilespmem:s12], [sflag:$0x9], $0x4000, $0x38;
	[tilespmem:$0x1C600] =	vst v63  }
0x4a: {  	_ =	swait.ge [sflag:s20], $0x4000  }
0x4b: {  	[sflag:s20] =	ssyncset.done $0x0  }
0x4c: {  	[sflag:s20] =	ssyncadd.s32 $0xFFFFC000  }
0x4d: {  	[bflag:$0x0] =	sbarrier.arrive $0xFFFF  }
0x4e: {  	s2 =	simm.s32 $0x0;
	s13 =	rddreg [dreg:$0x5]  }
0x4f: {  	[tilespmem:s2], [sflag:$0x1] =	stream.linear.gather [hbm4b:s13+s2], $0x80, $0x38;
	[tilespmem:$0x1C600] =	vst v63  }
0x50: {  	s14 =	simm.s32 $0x200;
	s24 =	rddreg [dreg:$0x6]  }
0x51: {  	[tilespmem:s14], [sflag:$0x1] =	stream.linear.gather [hbm4b:s24+s2], $0x80, $0x38;
	[tilespmem:$0x1C600] =	vst v63  }
0x52: {  	s17 =	rddreg [dreg:$0xf]  }
0x53: {  	[tilespmem:s15], [sflag:$0x1] =	stream.linear.gather [hbm4b:s17+s2], $0x80, $0x38;
	[tilespmem:$0x1C600] =	vst v63  }
0x54: {  	s19 =	rddreg [dreg:$0x7]  }
0x55: {  	[tilespmem:s16], [sflag:$0x2] =	stream.linear.gather [hbm4b:s19+s2], $0x80, $0x38;
	[tilespmem:$0x1C600] =	vst v63  }
0x56: {  	s23 =	simm.s32 $0x280;
	s20 =	rddreg [dreg:$0xd]  }
0x57: {  	[tilespmem:s23], [sflag:$0x2] =	stream.linear.gather [hbm4b:s20+s2], $0x80, $0x38;
	[tilespmem:$0x1C600] =	vst v63  }
0x58: {  	s24 =	rddreg [dreg:$0xe]  }
0x59: {  	[tilespmem:s18], [sflag:$0x2] =	stream.linear.gather [hbm4b:s24+s2], $0x80, $0x38;
	[tilespmem:$0x1C600] =	vst v63  }
0x5a: {  	s14 =	rddreg [dreg:$0x10];
	s17 =	simm.s32 $0x100  }
0x5b: {  	[tilespmem:s17], [sflag:$0x3] =	stream.linear.gather [hbm4b:s14+s2], $0x80, $0x38;
	[tilespmem:$0x1C600] =	vst v63  }
0x5c: {  	s19 =	rddreg [dreg:$0x11];
	s20 =	simm.s32 $0x300  }
0x5d: {  	[tilespmem:s20], [sflag:$0x3] =	stream.linear.gather [hbm4b:s19+s2], $0x80, $0x38;
	[tilespmem:$0x1C600] =	vst v63  }
0x5e: {  	s23 =	rddreg [dreg:$0x12];
	s24 =	simm.s32 $0x1  }
0x5f: {  	[tilespmem:s21], [sflag:$0x3] =	stream.linear.gather [hbm4b:s23+s2], $0x80, $0x38;
	[tilespmem:$0x1C600] =	vst v63  }
0x60: {  	_ =	swait.ge [sflag:s24], $0x80  }
0x61: {  	[sflag:s24] =	ssyncset.done $0x0  }
0x62: {  	[sflag:s24] =	ssyncadd.s32 $0xFFFFFF80  }
0x63: {  	_ =	swait.ge [sflag:s24], $0x80  }
0x64: {  	[sflag:s24] =	ssyncset.done $0x0  }
0x65: {  	[sflag:s24] =	ssyncadd.s32 $0xFFFFFF80  }
0x66: {  	_ =	swait.ge [sflag:s24], $0x80  }
0x67: {  	[sflag:s24] =	ssyncset.done $0x0  }
0x68: {  	s13 =	simm.s32 $0x0;
	[sflag:s24] =	ssyncadd.s32 $0xFFFFFF80  }
0x69: {  	[tilespmem:s12], [sflag:$0x5] =	stream.indirect.gather [hbm4b:s3+s16], $0x80, s2, s16, $0xb8;
	[tilespmem:$0x1C600] =	vst v63  }
.LBB2_4:
0x6a: {  	_ =	swait.ge [sflag:s28], $0x4000  }
0x6b: {  	p0 =	seq.s32 s13, $0x0;
	[sflag:s28] =	ssyncset.done $0x0  }
0x6c: {  	s14 =	simm.s32 @!p0 $0x8;
	[sflag:s28] =	ssyncadd.s32 $0xFFFFC000  }
0x6d: {  	_ =	swait.ge @!p0 [sflag:s14], $0x4000  }
0x6e: {  	[sflag:s14] =	ssyncset.done @!p0 $0x0  }
0x6f: {  	[sflag:s14] =	ssyncadd.s32 @!p0 $0xFFFFC000  }
0x70: {  	_ =	swait.ge [sflag:s29], $0x80  }
0x71: {  	[sflag:s29] =	ssyncset.done $0x0  }
0x72: {  	[sflag:s29] =	ssyncadd.s32 $0xFFFFFF80  }
0x73: {  	_ =	swait.ge [sflag:s29], $0x80  }
0x74: {  	[sflag:s29] =	ssyncset.done $0x0  }
0x75: {  	[sflag:s29] =	ssyncadd.s32 $0xFFFFFF80  }
0x76: {  	_ =	swait.ge [sflag:s29], $0x80  }
0x77: {  	s14 =	sshll.u32 s13, $0x9;
	[sflag:s29] =	ssyncset.done $0x0;
	s17 =	rddreg [dreg:$0x13]  }
0x78: {  	s19 =	simm.s32 $0x2;
	[sflag:s29] =	ssyncadd.s32 $0xFFFFFF80;
	s17 =	sadd.s32 s14, s17  }
0x79: {  	v1 =	vmov s2;
	[tilespmem:s30], [sflag:$0x6] =	stream.indirect.gather [hbm4b:s3+s16], $0x80, s16, s16, $0xb8;
	[tilespmem:$0x1C600] =	vst v63  }
0x7a: {  	v1 =	vand.u32 $0xFFFFFFFC, v1;
	v2 =	vmov s19;
	s17 =	sshrl.u32 s17, $0x3  }
0x7b: {  	v1 =	vbroadcast v1, $0x0;
	v2 =	vand.u32 $0xFFFFFFFE, v2;
	s20 =	sadd.s32 s5, s17  }
0x7c: {  	v2 =	vbroadcast v2, $0x0;
	[tilespmem:s31], [sflag:$0x4] =	stream.linear.gather [hbm4b:s20+s2], $0x80, $0x38;
	[tilespmem:$0x1C600] =	vst v63  }
0x7d: {  	s23 =	sadd.s32 s6, s17  }
0x7e: {  	[tilespmem:s0], [sflag:$0x4] =	stream.linear.gather [hbm4b:s23+s2], $0x80, $0x38;
	[tilespmem:$0x1C600] =	vst v63  }
0x7f: {  	s17 =	sadd.s32 s7, s17  }
0x80: {  	[tilespmem:s4], [sflag:$0x4] =	stream.linear.gather [hbm4b:s17+s2], $0x80, $0x38;
	[tilespmem:$0x1C600] =	vst v63  }
0x81: {  	v1 =	vld.idx.msk [tilespmem:v1+s15+$0x0], $0xffff  }
0x82: {  	s24 =	simm.s32 $0x1;
	s17 =	simm.s32 $0x700;
	v2 =	vld.idx.msk [tilespmem:v2+s15+$0x0], $0xffff  }
0x83: {  	v3 =	vmov s24;
	v4 =	vld [tilespmem:s17+$0x70]  }
0x84: {  	v3 =	vand.u32 $0xFFFFFFFD, v3;
	v5 =	vld [tilespmem:s17+$0xFFFFFF00]  }
0x85: {  	v3 =	vbroadcast v3, $0x0;
	v6 =	vld [tilespmem:s17+$0xFFFFFF10]  }
0x86: {  	v7 =	vld [tilespmem:s17+$0xFFFFFF20]  }
0x87: {  	v8 =	vld [tilespmem:s17+$0xFFFFFF30]  }
0x88: {  	v9 =	vld [tilespmem:s17+$0xFFFFFF40]  }
0x89: {  	v10 =	vld [tilespmem:s17+$0xFFFFFF50]  }
0x8a: {  	v11 =	vld [tilespmem:s17+$0xFFFFFF60];
	v5 =	vmul.f32 v5, v1  }
0x8b: {  	v3 =	vld.idx.msk [tilespmem:v3+s15+$0x0], $0xffff;
	v4 =	vmul.f32 v4, v2  }
0x8c: {  	v13 =	vld [tilespmem:s17+$0x40];
	[tilespmem:s17+$0xFFFFFF00] =	vst v5;
	v5 =	vmul.f32 v6, v1  }
0x8d: {  	v6 =	vld [tilespmem:s17+$0xFFFFFF70];
	[tilespmem:s17+$0x70] =	vst v4;
	v4 =	vmul.f32 v7, v1  }
0x8e: {  	v7 =	vld [tilespmem:s17+$0xFFFFFF80];
	[tilespmem:s17+$0xFFFFFF10] =	vst v5;
	v5 =	vmul.f32 v8, v1  }
0x8f: {  	v8 =	vld [tilespmem:s17+$0xFFFFFF90];
	[tilespmem:s17+$0xFFFFFF20] =	vst v4;
	v4 =	vmul.f32 v9, v1  }
0x90: {  	v9 =	vld [tilespmem:s17+$0xFFFFFFA0];
	[tilespmem:s17+$0xFFFFFF30] =	vst v5;
	v5 =	vmul.f32 v10, v1  }
0x91: {  	v10 =	vld [tilespmem:s17+$0xFFFFFFB0];
	[tilespmem:s17+$0xFFFFFF40] =	vst v4;
	v4 =	vmul.f32 v11, v1  }
0x92: {  	v11 =	vld [tilespmem:s17+$0xFFFFFFC0];
	v6 =	vmul.f32 v6, v1;
	[tilespmem:s17+$0xFFFFFF50] =	vst v5  }
0x93: {  	v5 =	vmul.f32 v7, v3;
	v7 =	vld [tilespmem:s17+$0xFFFFFFD0];
	[tilespmem:s17+$0xFFFFFF60] =	vst v4  }
0x94: {  	s20 =	simm.s32 $0x3;
	v4 =	vld [tilespmem:s17+$0xFFFFFFE0];
	v8 =	vmul.f32 v8, v3;
	[tilespmem:s17+$0xFFFFFF70] =	vst v6  }
0x95: {  	v12 =	vmov s20;
	v6 =	vld [tilespmem:s17+$0xFFFFFFF0];
	[tilespmem:s17+$0xFFFFFF80] =	vst v5;
	v5 =	vmul.f32 v9, v3  }
0x96: {  	v9 =	vld [tilespmem:s17+$0x0];
	[tilespmem:s17+$0xFFFFFF90] =	vst v8;
	v8 =	vmul.f32 v10, v3  }
0x97: {  	v10 =	vld [tilespmem:s17+$0x10];
	[tilespmem:s17+$0xFFFFFFA0] =	vst v5;
	v5 =	vmul.f32 v11, v3  }
0x98: {  	[tilespmem:s17+$0xFFFFFFB0] =	vst v8;
	v7 =	vmul.f32 v7, v3;
	v8 =	vld [tilespmem:s17+$0x20]  }
0x99: {  	v11 =	vld [tilespmem:s17+$0x30];
	v4 =	vmul.f32 v4, v3;
	[tilespmem:s17+$0xFFFFFFC0] =	vst v5  }
0x9a: {  	v1 =	vld.idx.msk [tilespmem:v12+s15+$0x0], $0xffff;
	v3 =	vmul.f32 v6, v3;
	[tilespmem:s17+$0xFFFFFFD0] =	vst v7  }
0x9b: {  	[tilespmem:s17+$0xFFFFFFE0] =	vst v4;
	v5 =	vmul.f32 v9, v2;
	v4 =	vld [tilespmem:s17+$0x50]  }
0x9c: {  	s23 =	simm.s32 $0x4;
	[tilespmem:s17+$0xFFFFFFF0] =	vst v3;
	v6 =	vmul.f32 v10, v2;
	v3 =	vld [tilespmem:s17+$0x60]  }
0x9d: {  	s24 =	simm.s32 $0x7;
	v7 =	vmov s23;
	[tilespmem:s17+$0x0] =	vst v5;
	v9 =	vmul.f32 v8, v2;
	v8 =	vld [tilespmem:s17+$0x80]  }
0x9e: {  	s20 =	simm.s32 $0x5;
	v12 =	vand.u32 $0xFFFFFFFC, v7;
	v7 =	vld [tilespmem:s17+$0x90];
	v5 =	vmov s24;
	v10 =	vmul.f32 v11, v2;
	[tilespmem:s17+$0x10] =	vst v6  }
0x9f: {  	s19 =	simm.s32 $0x700;
	s23 =	simm.s32 $0x6;
	v11 =	vmul.f32 v13, v2;
	v6 =	vbroadcast v12, $0x0;
	v12 =	vmov s20;
	s20 =	simm.s32 $0x8;
	[tilespmem:s17+$0x20] =	vst v9;
	v9 =	vld [tilespmem:s17+$0xA0]  }
.LBB2_5:
0xa0: {  	p0 =	slt.u32 s20, $0x7C;
	v12 =	vand.u32 $0xFFFFFFFD, v12;
	v13 =	vmov s23;
	[tilespmem:s17+$0x30] =	vst v10;
	v4 =	vmul.f32 v4, v2;
	v10 =	vld [tilespmem:s17+$0xB0]  }
0xa1: {  	v12 =	vbroadcast v12, $0x0;
	v13 =	vand.u32 $0xFFFFFFFE, v13;
	[tilespmem:s17+$0x40] =	vst v11;
	v2 =	vmul.f32 v3, v2;
	v3 =	vld [tilespmem:s17+$0xC0]  }
0xa2: {  	v11 =	vbroadcast v13, $0x0;
	[tilespmem:s17+$0x50] =	vst v4;
	v4 =	vmul.f32 v8, v1;
	v8 =	vld [tilespmem:s17+$0xD0]  }
0xa3: {  	[tilespmem:s17+$0x60] =	vst v2;
	v2 =	vmul.f32 v7, v1;
	v7 =	vld [tilespmem:s17+$0xE0]  }
0xa4: {  	[tilespmem:s17+$0x80] =	vst v4;
	v4 =	vmul.f32 v9, v1;
	v9 =	vld [tilespmem:s17+$0xF0]  }
0xa5: {  	v5 =	vld.idx.msk [tilespmem:v5+s15+$0x0], $0xffff;
	[tilespmem:s17+$0x90] =	vst v2;
	v2 =	vmul.f32 v10, v1  }
0xa6: {  	v6 =	vld.idx.msk [tilespmem:v6+s15+$0x0], $0xffff;
	[tilespmem:s17+$0xA0] =	vst v4;
	v3 =	vmul.f32 v3, v1  }
0xa7: {  	v4 =	vld.idx.msk [tilespmem:v12+s15+$0x0], $0xffff;
	[tilespmem:s17+$0xB0] =	vst v2;
	v8 =	vmul.f32 v8, v1  }
0xa8: {  	s17 =	sadd.s32 $0x200, s17;
	v2 =	vld.idx.msk [tilespmem:v11+s15+$0x0], $0xffff;
	[tilespmem:s19+$0xC0] =	vst v3;
	v3 =	vmul.f32 v7, v1  }
0xa9: {  	v7 =	vld [tilespmem:s17+$0x70];
	[tilespmem:s19+$0xD0] =	vst v8;
	v9 =	vmul.f32 v9, v1  }
0xaa: {  	v8 =	vld [tilespmem:s17+$0xFFFFFF00];
	[tilespmem:s19+$0xE0] =	vst v3  }
0xab: {  	v1 =	vmov v5;
	v3 =	vld [tilespmem:s17+$0xFFFFFF10];
	[tilespmem:s19+$0xF0] =	vst v9;
	s19 =	smov.u32 s17  }
0xac: {  	v5 =	vld [tilespmem:s17+$0xFFFFFF20]  }
0xad: {  	v9 =	vld [tilespmem:s17+$0xFFFFFF30]  }
0xae: {  	v10 =	vld [tilespmem:s17+$0xFFFFFF40];
	v7 =	vmul.f32 v7, v2  }
0xaf: {  	v8 =	vmul.f32 v8, v6;
	v11 =	vld [tilespmem:s17+$0xFFFFFF50]  }
0xb0: {  	v3 =	vmul.f32 v3, v6;
	v12 =	vld [tilespmem:s17+$0xFFFFFF60];
	[tilespmem:s17+$0x70] =	vst v7  }
0xb1: {  	[tilespmem:s17+$0xFFFFFF00] =	vst v8;
	v5 =	vmul.f32 v5, v6;
	v7 =	vld [tilespmem:s17+$0xFFFFFF70]  }
0xb2: {  	[tilespmem:s17+$0xFFFFFF10] =	vst v3;
	v3 =	vmul.f32 v9, v6;
	v8 =	vld [tilespmem:s17+$0xFFFFFF80]  }
0xb3: {  	[tilespmem:s17+$0xFFFFFF20] =	vst v5;
	v5 =	vmul.f32 v10, v6;
	v9 =	vld [tilespmem:s17+$0xFFFFFF90]  }
0xb4: {  	[tilespmem:s17+$0xFFFFFF30] =	vst v3;
	v3 =	vmul.f32 v11, v6;
	v10 =	vld [tilespmem:s17+$0xFFFFFFA0]  }
0xb5: {  	[tilespmem:s17+$0xFFFFFF40] =	vst v5;
	v5 =	vmul.f32 v12, v6;
	v11 =	vld [tilespmem:s17+$0xFFFFFFB0]  }
0xb6: {  	[tilespmem:s17+$0xFFFFFF50] =	vst v3;
	v3 =	vmul.f32 v7, v6;
	v6 =	vld [tilespmem:s17+$0xFFFFFFC0]  }
0xb7: {  	[tilespmem:s17+$0xFFFFFF60] =	vst v5;
	v5 =	vmul.f32 v8, v4;
	v7 =	vld [tilespmem:s17+$0xFFFFFFD0]  }
0xb8: {  	[tilespmem:s17+$0xFFFFFF70] =	vst v3;
	v3 =	vmul.f32 v9, v4;
	v8 =	vld [tilespmem:s17+$0xFFFFFFE0]  }
0xb9: {  	[tilespmem:s17+$0xFFFFFF80] =	vst v5;
	v5 =	vmul.f32 v10, v4;
	v9 =	vld [tilespmem:s17+$0xFFFFFFF0]  }
0xba: {  	[tilespmem:s17+$0xFFFFFF90] =	vst v3;
	v3 =	vmul.f32 v11, v4;
	v10 =	vld [tilespmem:s17+$0x0]  }
0xbb: {  	[tilespmem:s17+$0xFFFFFFA0] =	vst v5;
	v5 =	vmul.f32 v6, v4;
	v6 =	vld [tilespmem:s17+$0x10]  }
0xbc: {  	[tilespmem:s17+$0xFFFFFFB0] =	vst v3;
	v3 =	vmul.f32 v7, v4;
	v7 =	vld [tilespmem:s17+$0x20]  }
0xbd: {  	[tilespmem:s17+$0xFFFFFFC0] =	vst v5;
	v5 =	vmul.f32 v8, v4;
	v11 =	vld [tilespmem:s17+$0x30]  }
0xbe: {  	[tilespmem:s17+$0xFFFFFFD0] =	vst v3;
	v3 =	vmul.f32 v9, v4;
	v9 =	vld [tilespmem:s17+$0x40]  }
.Ltmp1:
0xbf: {  	[tilespmem:s17+$0xFFFFFFE0] =	vst v5;
	v5 =	vmul.f32 v10, v2;
	v4 =	vld [tilespmem:s17+$0x50];
	(pc) =	sbr.rel @p0 .LBB2_5-.Ltmp1, $4  }
0xc0: {  	[tilespmem:s17+$0xFFFFFFF0] =	vst v3;
	v6 =	vmul.f32 v6, v2;
	v3 =	vld [tilespmem:s17+$0x60]  }
0xc1: {  	s23 =	sadd.s32 $0x3, s20;
	v10 =	vmov s20;
	[tilespmem:s17+$0x0] =	vst v5;
	v13 =	vmul.f32 v7, v2;
	v8 =	vld [tilespmem:s17+$0x80]  }
0xc2: {  	s24 =	sadd.s32 $0x1, s20;
	v12 =	vand.u32 $0xFFFFFFFC, v10;
	v5 =	vmov s23;
	[tilespmem:s17+$0x10] =	vst v6;
	v10 =	vmul.f32 v11, v2;
	v7 =	vld [tilespmem:s17+$0x90]  }
0xc3: {  	s23 =	sadd.s32 $0x2, s20;
	s20 =	sadd.s32 $0x4, s20;
	v6 =	vbroadcast v12, $0x0;
	v12 =	vmov s24;
	[tilespmem:s17+$0x20] =	vst v13;
	v11 =	vmul.f32 v9, v2;
	v9 =	vld [tilespmem:s17+$0xA0]  }
0xc4: {  	v13 =	vld [tilespmem:s17+$0xB0]  }
0xc5: {  	v15 =	vld [tilespmem:s17+$0xC0]  }
0xc6: {  	v14 =	vmov s23;
	v16 =	vld [tilespmem:s17+$0xD0]  }
0xc7: {  	v17 =	vld [tilespmem:s17+$0xE0];
	[tilespmem:s17+$0x30] =	vst v10;
	v4 =	vmul.f32 v4, v2;
	v14 =	vand.u32 $0xFFFFFFFE, v14  }
0xc8: {  	v12 =	vand.u32 $0xFFFFFFFD, v12;
	v5 =	vld.idx.msk [tilespmem:v5+s15+$0x0], $0xffff;
	[tilespmem:s17+$0x40] =	vst v11;
	v2 =	vmul.f32 v3, v2;
	v14 =	vbroadcast v14, $0x0  }
0xc9: {  	s20 =	sadd.s32 $0x200, s17;
	v12 =	vbroadcast v12, $0x0;
	v3 =	vld.idx.msk [tilespmem:v6+s15+$0x0], $0xffff;
	v8 =	vmul.f32 v8, v1;
	[tilespmem:s17+$0x50] =	vst v4  }
0xca: {  	v10 =	vld [tilespmem:s20+$0xFFFFFF00];
	v4 =	vmul.f32 v7, v1;
	[tilespmem:s17+$0x60] =	vst v2  }
0xcb: {  	[tilespmem:s17+$0x80] =	vst v8;
	v8 =	vld [tilespmem:s17+$0xF0];
	v2 =	vmul.f32 v9, v1  }
0xcc: {  	v11 =	vld [tilespmem:s20+$0xFFFFFF10];
	[tilespmem:s17+$0x90] =	vst v4;
	v4 =	vmul.f32 v13, v1  }
0xcd: {  	v9 =	vld [tilespmem:s20+$0x70];
	[tilespmem:s17+$0xA0] =	vst v2;
	v2 =	vmul.f32 v15, v1  }
0xce: {  	[tilespmem:s17+$0xB0] =	vst v4;
	v4 =	vmul.f32 v16, v1;
	v7 =	vld.idx.msk [tilespmem:v14+s15+$0x0], $0xffff  }
0xcf: {  	v6 =	vld.idx.msk [tilespmem:v12+s15+$0x0], $0xffff;
	[tilespmem:s19+$0xC0] =	vst v2;
	v2 =	vmul.f32 v17, v1  }
0xd0: {  	v12 =	vld [tilespmem:s20+$0xFFFFFF20];
	[tilespmem:s19+$0xD0] =	vst v4;
	v1 =	vmul.f32 v8, v1  }
0xd1: {  	v4 =	vld [tilespmem:s20+$0xFFFFFF30];
	[tilespmem:s19+$0xE0] =	vst v2  }
0xd2: {  	v2 =	vld [tilespmem:s20+$0xFFFFFF40];
	[tilespmem:s19+$0xF0] =	vst v1;
	v1 =	vmul.f32 v10, v3  }
0xd3: {  	v8 =	vmul.f32 v9, v7;
	v9 =	vld [tilespmem:s20+$0xFFFFFF50]  }
0xd4: {  	v10 =	vmul.f32 v11, v3;
	v11 =	vld [tilespmem:s20+$0xFFFFFF60];
	[tilespmem:s20+$0xFFFFFF00] =	vst v1  }
0xd5: {  	v1 =	vmul.f32 v12, v3;
	[tilespmem:s20+$0x70] =	vst v8;
	v8 =	vld [tilespmem:s20+$0xFFFFFF70]  }
0xd6: {  	[tilespmem:s20+$0xFFFFFF10] =	vst v10;
	v10 =	vld [tilespmem:s20+$0xFFFFFF80];
	v4 =	vmul.f32 v4, v3  }
0xd7: {  	[tilespmem:s20+$0xFFFFFF20] =	vst v1;
	v1 =	vmul.f32 v2, v3;
	v2 =	vld [tilespmem:s20+$0xFFFFFF90]  }
0xd8: {  	[tilespmem:s20+$0xFFFFFF30] =	vst v4;
	v4 =	vmul.f32 v9, v3;
	v9 =	vld [tilespmem:s20+$0xFFFFFFA0]  }
0xd9: {  	[tilespmem:s20+$0xFFFFFF40] =	vst v1;
	v1 =	vmul.f32 v11, v3;
	v11 =	vld [tilespmem:s20+$0xFFFFFFB0]  }
0xda: {  	[tilespmem:s20+$0xFFFFFF50] =	vst v4;
	v3 =	vmul.f32 v8, v3;
	v4 =	vld [tilespmem:s20+$0xFFFFFFC0]  }
0xdb: {  	[tilespmem:s20+$0xFFFFFF60] =	vst v1;
	v1 =	vmul.f32 v10, v6;
	v8 =	vld [tilespmem:s20+$0xFFFFFFD0]  }
0xdc: {  	v2 =	vmul.f32 v2, v6;
	[tilespmem:s20+$0xFFFFFF70] =	vst v3;
	v3 =	vld [tilespmem:s20+$0xFFFFFFE0]  }
0xdd: {  	[tilespmem:s20+$0xFFFFFF80] =	vst v1;
	v1 =	vmul.f32 v9, v6;
	v9 =	vld [tilespmem:s20+$0xFFFFFFF0]  }
0xde: {  	v10 =	vld [tilespmem:s20+$0x0];
	[tilespmem:s20+$0xFFFFFF90] =	vst v2;
	v2 =	vmul.f32 v11, v6  }
0xdf: {  	[tilespmem:s20+$0xFFFFFFA0] =	vst v1;
	v1 =	vmul.f32 v4, v6;
	v4 =	vld [tilespmem:s20+$0x10]  }
0xe0: {  	[tilespmem:s20+$0xFFFFFFB0] =	vst v2;
	v2 =	vmul.f32 v8, v6;
	v8 =	vld [tilespmem:s20+$0x20]  }
0xe1: {  	[tilespmem:s20+$0xFFFFFFC0] =	vst v1;
	v1 =	vmul.f32 v3, v6;
	v3 =	vld [tilespmem:s20+$0x30]  }
0xe2: {  	[tilespmem:s20+$0xFFFFFFD0] =	vst v2;
	v2 =	vmul.f32 v9, v6;
	v6 =	vld [tilespmem:s20+$0x40]  }
0xe3: {  	v9 =	vld [tilespmem:s20+$0x50];
	[tilespmem:s20+$0xFFFFFFE0] =	vst v1;
	v1 =	vmul.f32 v10, v7  }
0xe4: {  	[tilespmem:s20+$0xFFFFFFF0] =	vst v2;
	v2 =	vmul.f32 v4, v7;
	v4 =	vld [tilespmem:s20+$0x60]  }
0xe5: {  	[tilespmem:s20+$0x0] =	vst v1;
	v1 =	vmul.f32 v8, v7;
	v8 =	vld [tilespmem:s20+$0x80]  }
0xe6: {  	[tilespmem:s20+$0x10] =	vst v2;
	v2 =	vmul.f32 v3, v7;
	v3 =	vld [tilespmem:s20+$0x90]  }
0xe7: {  	[tilespmem:s20+$0x20] =	vst v1;
	v1 =	vmul.f32 v6, v7;
	v6 =	vld [tilespmem:s20+$0xA0]  }
0xe8: {  	[tilespmem:s20+$0x30] =	vst v2;
	v2 =	vmul.f32 v9, v7;
	v9 =	vld [tilespmem:s20+$0xB0]  }
0xe9: {  	[tilespmem:s20+$0x40] =	vst v1;
	v1 =	vmul.f32 v4, v7;
	v4 =	vld [tilespmem:s20+$0xC0]  }
0xea: {  	v7 =	vld [tilespmem:s20+$0xD0];
	[tilespmem:s20+$0x50] =	vst v2;
	v2 =	vmul.f32 v8, v5  }
0xeb: {  	[tilespmem:s20+$0x60] =	vst v1;
	v1 =	vmul.f32 v3, v5;
	v3 =	vld [tilespmem:s20+$0xE0]  }
0xec: {  	[tilespmem:s20+$0x80] =	vst v2;
	v2 =	vmul.f32 v6, v5;
	v6 =	vld [tilespmem:s20+$0xF0]  }
0xed: {  	[tilespmem:s20+$0x90] =	vst v1;
	v1 =	vmul.f32 v9, v5  }
0xee: {  	[tilespmem:s20+$0xA0] =	vst v2;
	v2 =	vmul.f32 v4, v5  }
0xef: {  	[tilespmem:s20+$0xB0] =	vst v1;
	v1 =	vmul.f32 v7, v5  }
0xf0: {  	[tilespmem:s20+$0xC0] =	vst v2;
	v2 =	vmul.f32 v3, v5  }
0xf1: {  	[tilespmem:s20+$0xD0] =	vst v1;
	v1 =	vmul.f32 v6, v5  }
0xf2: {  	[tilespmem:s20+$0xE0] =	vst v2  }
0xf3: {  	[tilespmem:s20+$0xF0] =	vst v1;
	s20 =	simm.s32 $0x200  }
0xf4: {  	[spmem:s1] =	stream.indirect.scatter.add.f32 [tilespmem:s12], [sflag:$0x7], $0x80, s20, s16, $0xb8;
	[tilespmem:$0x1C600] =	vst v63  }
0xf5: {  	_ =	swait.ge [sflag:s9], $0x4000  }
0xf6: {  	[sflag:s9] =	ssyncset.done $0x0  }
0xf7: {  	[sflag:s9] =	ssyncadd.s32 $0xFFFFC000  }
0xf8: {  	_ =	swait.ge [sflag:s10], $0x4000  }
0xf9: {  	[sflag:s10] =	ssyncset.done $0x0  }
0xfa: {  	[sflag:s10] =	ssyncadd.s32 $0xFFFFC000  }
0xfb: {  	_ =	swait.ge [sflag:s11], $0x80  }
0xfc: {  	[sflag:s11] =	ssyncset.done $0x0  }
0xfd: {  	[sflag:s11] =	ssyncadd.s32 $0xFFFFFF80  }
0xfe: {  	_ =	swait.ge [sflag:s11], $0x80  }
0xff: {  	[sflag:s11] =	ssyncset.done $0x0  }
0x100: {  	[sflag:s11] =	ssyncadd.s32 $0xFFFFFF80  }
0x101: {  	s23 =	simm.s32 $0x100;
	p0 =	seq.s32 s13, $0x14;
	_ =	swait.ge [sflag:s11], $0x80  }
0x102: {  	s24 =	simm.s32 $0x0;
	[sflag:s11] =	ssyncset.done $0x0;
	s19 =	rddreg [dreg:$0x14]  }
0x103: {  	s20 =	simm.s32 $0x2;
	[sflag:s11] =	ssyncadd.s32 $0xFFFFFF80;
	s19 =	sadd.s32 @!p0 s14, s19  }
0x104: {  	v1 =	vmov s24;
	[tilespmem:s12], [sflag:$0x5] =	stream.indirect.gather [hbm4b:s3+s16], $0x80, s23, s16, $0xb8;
	[tilespmem:$0x1C600] =	vst v63  }
0x105: {  	v1 =	vand.u32 $0xFFFFFFFC, v1;
	v2 =	vmov s20;
	s19 =	sshrl.u32 @!p0 s19, $0x3  }
0x106: {  	s20 =	simm.s32 @!p0 $0x0;
	v1 =	vbroadcast v1, $0x0;
	v2 =	vand.u32 $0xFFFFFFFE, v2;
	s17 =	sadd.s32 @!p0 s5, s19  }
0x107: {  	v2 =	vbroadcast v2, $0x0;
	[tilespmem:s20], [sflag:$0x1] =	stream.linear.gather @!p0 [hbm4b:s17+s20], $0x80, $0x38;
	[tilespmem:$0x1C600] =	vst v63  }
0x108: {  	s23 =	simm.s32 @!p0 $0x200;
	s17 =	sadd.s32 @!p0 s6, s19  }
0x109: {  	[tilespmem:s23], [sflag:$0x1] =	stream.linear.gather @!p0 [hbm4b:s17+s20], $0x80, $0x38;
	[tilespmem:$0x1C600] =	vst v63  }
0x10a: {  	s17 =	sadd.s32 @!p0 s7, s19;
	s19 =	simm.s32 @!p0 $0x400  }
0x10b: {  	[tilespmem:s19], [sflag:$0x1] =	stream.linear.gather @!p0 [hbm4b:s17+s20], $0x80, $0x38;
	[tilespmem:$0x1C600] =	vst v63  }
0x10c: {  	v1 =	vld.idx.msk [tilespmem:v1+s18+$0x0], $0xffff  }
0x10d: {  	s17 =	simm.s32 $0x4700;
	v2 =	vld.idx.msk [tilespmem:v2+s18+$0x0], $0xffff  }
0x10e: {  	s23 =	simm.s32 $0x1;
	v4 =	vld [tilespmem:s17+$0x70]  }
0x10f: {  	v3 =	vmov s23;
	v5 =	vld [tilespmem:s17+$0xFFFFFF00]  }
0x110: {  	v3 =	vand.u32 $0xFFFFFFFD, v3;
	v6 =	vld [tilespmem:s17+$0xFFFFFF10]  }
0x111: {  	v3 =	vbroadcast v3, $0x0;
	v7 =	vld [tilespmem:s17+$0xFFFFFF20]  }
0x112: {  	v8 =	vld [tilespmem:s17+$0xFFFFFF30]  }
0x113: {  	v9 =	vld [tilespmem:s17+$0xFFFFFF40]  }
0x114: {  	v10 =	vld [tilespmem:s17+$0xFFFFFF50]  }
0x115: {  	v11 =	vld [tilespmem:s17+$0xFFFFFF60];
	v5 =	vmul.f32 v5, v1  }
0x116: {  	v13 =	vld [tilespmem:s17+$0x40];
	v4 =	vmul.f32 v4, v2  }
0x117: {  	v3 =	vld.idx.msk [tilespmem:v3+s18+$0x0], $0xffff;
	[tilespmem:s17+$0xFFFFFF00] =	vst v5;
	v5 =	vmul.f32 v6, v1  }
0x118: {  	v6 =	vld [tilespmem:s17+$0xFFFFFF70];
	[tilespmem:s17+$0x70] =	vst v4;
	v4 =	vmul.f32 v7, v1  }
0x119: {  	v7 =	vld [tilespmem:s17+$0xFFFFFF80];
	[tilespmem:s17+$0xFFFFFF10] =	vst v5;
	v5 =	vmul.f32 v8, v1  }
0x11a: {  	v8 =	vld [tilespmem:s17+$0xFFFFFF90];
	[tilespmem:s17+$0xFFFFFF20] =	vst v4;
	v4 =	vmul.f32 v9, v1  }
0x11b: {  	v9 =	vld [tilespmem:s17+$0xFFFFFFA0];
	[tilespmem:s17+$0xFFFFFF30] =	vst v5;
	v5 =	vmul.f32 v10, v1  }
0x11c: {  	v10 =	vld [tilespmem:s17+$0xFFFFFFB0];
	[tilespmem:s17+$0xFFFFFF40] =	vst v4;
	v4 =	vmul.f32 v11, v1  }
0x11d: {  	v11 =	vld [tilespmem:s17+$0xFFFFFFC0];
	v6 =	vmul.f32 v6, v1;
	[tilespmem:s17+$0xFFFFFF50] =	vst v5  }
0x11e: {  	v5 =	vmul.f32 v7, v3;
	v7 =	vld [tilespmem:s17+$0xFFFFFFD0];
	[tilespmem:s17+$0xFFFFFF60] =	vst v4  }
0x11f: {  	s24 =	simm.s32 $0x3;
	v4 =	vld [tilespmem:s17+$0xFFFFFFE0];
	v8 =	vmul.f32 v8, v3;
	[tilespmem:s17+$0xFFFFFF70] =	vst v6  }
0x120: {  	v12 =	vmov s24;
	v6 =	vld [tilespmem:s17+$0xFFFFFFF0];
	[tilespmem:s17+$0xFFFFFF80] =	vst v5;
	v5 =	vmul.f32 v9, v3  }
0x121: {  	v9 =	vld [tilespmem:s17+$0x0];
	[tilespmem:s17+$0xFFFFFF90] =	vst v8;
	v8 =	vmul.f32 v10, v3  }
0x122: {  	v10 =	vld [tilespmem:s17+$0x10];
	[tilespmem:s17+$0xFFFFFFA0] =	vst v5;
	v5 =	vmul.f32 v11, v3  }
0x123: {  	[tilespmem:s17+$0xFFFFFFB0] =	vst v8;
	v7 =	vmul.f32 v7, v3;
	v8 =	vld [tilespmem:s17+$0x20]  }
0x124: {  	v11 =	vld [tilespmem:s17+$0x30];
	v4 =	vmul.f32 v4, v3;
	[tilespmem:s17+$0xFFFFFFC0] =	vst v5  }
0x125: {  	v1 =	vld.idx.msk [tilespmem:v12+s18+$0x0], $0xffff;
	v3 =	vmul.f32 v6, v3;
	[tilespmem:s17+$0xFFFFFFD0] =	vst v7  }
0x126: {  	[tilespmem:s17+$0xFFFFFFE0] =	vst v4;
	v5 =	vmul.f32 v9, v2;
	v4 =	vld [tilespmem:s17+$0x50]  }
0x127: {  	s20 =	simm.s32 $0x4;
	[tilespmem:s17+$0xFFFFFFF0] =	vst v3;
	v6 =	vmul.f32 v10, v2;
	v3 =	vld [tilespmem:s17+$0x60]  }
0x128: {  	s23 =	simm.s32 $0x7;
	v7 =	vmov s20;
	[tilespmem:s17+$0x0] =	vst v5;
	v9 =	vmul.f32 v8, v2;
	v8 =	vld [tilespmem:s17+$0x80]  }
0x129: {  	s24 =	simm.s32 $0x5;
	v12 =	vand.u32 $0xFFFFFFFC, v7;
	v7 =	vld [tilespmem:s17+$0x90];
	v5 =	vmov s23;
	v10 =	vmul.f32 v11, v2;
	[tilespmem:s17+$0x10] =	vst v6  }
0x12a: {  	s19 =	simm.s32 $0x4700;
	s20 =	simm.s32 $0x8;
	s23 =	simm.s32 $0x6;
	v11 =	vmul.f32 v13, v2;
	v6 =	vbroadcast v12, $0x0;
	v12 =	vmov s24;
	[tilespmem:s17+$0x20] =	vst v9;
	v9 =	vld [tilespmem:s17+$0xA0]  }
.LBB2_7:
0x12b: {  	p1 =	slt.u32 s20, $0x7C;
	v12 =	vand.u32 $0xFFFFFFFD, v12;
	v13 =	vmov s23;
	[tilespmem:s17+$0x30] =	vst v10;
	v4 =	vmul.f32 v4, v2;
	v10 =	vld [tilespmem:s17+$0xB0]  }
0x12c: {  	v12 =	vbroadcast v12, $0x0;
	v13 =	vand.u32 $0xFFFFFFFE, v13;
	[tilespmem:s17+$0x40] =	vst v11;
	v2 =	vmul.f32 v3, v2;
	v3 =	vld [tilespmem:s17+$0xC0]  }
0x12d: {  	v11 =	vbroadcast v13, $0x0;
	[tilespmem:s17+$0x50] =	vst v4;
	v4 =	vmul.f32 v8, v1;
	v8 =	vld [tilespmem:s17+$0xD0]  }
0x12e: {  	[tilespmem:s17+$0x60] =	vst v2;
	v2 =	vmul.f32 v7, v1;
	v7 =	vld [tilespmem:s17+$0xE0]  }
0x12f: {  	[tilespmem:s17+$0x80] =	vst v4;
	v4 =	vmul.f32 v9, v1;
	v9 =	vld [tilespmem:s17+$0xF0]  }
0x130: {  	v5 =	vld.idx.msk [tilespmem:v5+s18+$0x0], $0xffff;
	[tilespmem:s17+$0x90] =	vst v2;
	v2 =	vmul.f32 v10, v1  }
0x131: {  	v6 =	vld.idx.msk [tilespmem:v6+s18+$0x0], $0xffff;
	[tilespmem:s17+$0xA0] =	vst v4;
	v3 =	vmul.f32 v3, v1  }
0x132: {  	v4 =	vld.idx.msk [tilespmem:v12+s18+$0x0], $0xffff;
	[tilespmem:s17+$0xB0] =	vst v2;
	v8 =	vmul.f32 v8, v1  }
0x133: {  	s17 =	sadd.s32 $0x200, s17;
	v2 =	vld.idx.msk [tilespmem:v11+s18+$0x0], $0xffff;
	[tilespmem:s19+$0xC0] =	vst v3;
	v3 =	vmul.f32 v7, v1  }
0x134: {  	v7 =	vld [tilespmem:s17+$0x70];
	[tilespmem:s19+$0xD0] =	vst v8;
	v9 =	vmul.f32 v9, v1  }
0x135: {  	v8 =	vld [tilespmem:s17+$0xFFFFFF00];
	[tilespmem:s19+$0xE0] =	vst v3  }
0x136: {  	v1 =	vmov v5;
	v3 =	vld [tilespmem:s17+$0xFFFFFF10];
	[tilespmem:s19+$0xF0] =	vst v9;
	s19 =	smov.u32 s17  }
0x137: {  	v5 =	vld [tilespmem:s17+$0xFFFFFF20]  }
0x138: {  	v9 =	vld [tilespmem:s17+$0xFFFFFF30]  }
0x139: {  	v10 =	vld [tilespmem:s17+$0xFFFFFF40];
	v7 =	vmul.f32 v7, v2  }
0x13a: {  	v8 =	vmul.f32 v8, v6;
	v11 =	vld [tilespmem:s17+$0xFFFFFF50]  }
0x13b: {  	v3 =	vmul.f32 v3, v6;
	v12 =	vld [tilespmem:s17+$0xFFFFFF60];
	[tilespmem:s17+$0x70] =	vst v7  }
0x13c: {  	[tilespmem:s17+$0xFFFFFF00] =	vst v8;
	v5 =	vmul.f32 v5, v6;
	v7 =	vld [tilespmem:s17+$0xFFFFFF70]  }
0x13d: {  	[tilespmem:s17+$0xFFFFFF10] =	vst v3;
	v3 =	vmul.f32 v9, v6;
	v8 =	vld [tilespmem:s17+$0xFFFFFF80]  }
0x13e: {  	[tilespmem:s17+$0xFFFFFF20] =	vst v5;
	v5 =	vmul.f32 v10, v6;
	v9 =	vld [tilespmem:s17+$0xFFFFFF90]  }
0x13f: {  	[tilespmem:s17+$0xFFFFFF30] =	vst v3;
	v3 =	vmul.f32 v11, v6;
	v10 =	vld [tilespmem:s17+$0xFFFFFFA0]  }
0x140: {  	[tilespmem:s17+$0xFFFFFF40] =	vst v5;
	v5 =	vmul.f32 v12, v6;
	v11 =	vld [tilespmem:s17+$0xFFFFFFB0]  }
0x141: {  	[tilespmem:s17+$0xFFFFFF50] =	vst v3;
	v3 =	vmul.f32 v7, v6;
	v6 =	vld [tilespmem:s17+$0xFFFFFFC0]  }
0x142: {  	[tilespmem:s17+$0xFFFFFF60] =	vst v5;
	v5 =	vmul.f32 v8, v4;
	v7 =	vld [tilespmem:s17+$0xFFFFFFD0]  }
0x143: {  	[tilespmem:s17+$0xFFFFFF70] =	vst v3;
	v3 =	vmul.f32 v9, v4;
	v8 =	vld [tilespmem:s17+$0xFFFFFFE0]  }
0x144: {  	[tilespmem:s17+$0xFFFFFF80] =	vst v5;
	v5 =	vmul.f32 v10, v4;
	v9 =	vld [tilespmem:s17+$0xFFFFFFF0]  }
0x145: {  	[tilespmem:s17+$0xFFFFFF90] =	vst v3;
	v3 =	vmul.f32 v11, v4;
	v10 =	vld [tilespmem:s17+$0x0]  }
0x146: {  	[tilespmem:s17+$0xFFFFFFA0] =	vst v5;
	v5 =	vmul.f32 v6, v4;
	v6 =	vld [tilespmem:s17+$0x10]  }
0x147: {  	[tilespmem:s17+$0xFFFFFFB0] =	vst v3;
	v3 =	vmul.f32 v7, v4;
	v7 =	vld [tilespmem:s17+$0x20]  }
0x148: {  	[tilespmem:s17+$0xFFFFFFC0] =	vst v5;
	v5 =	vmul.f32 v8, v4;
	v11 =	vld [tilespmem:s17+$0x30]  }
0x149: {  	[tilespmem:s17+$0xFFFFFFD0] =	vst v3;
	v3 =	vmul.f32 v9, v4;
	v9 =	vld [tilespmem:s17+$0x40]  }
.Ltmp2:
0x14a: {  	[tilespmem:s17+$0xFFFFFFE0] =	vst v5;
	v5 =	vmul.f32 v10, v2;
	v4 =	vld [tilespmem:s17+$0x50];
	(pc) =	sbr.rel @p1 .LBB2_7-.Ltmp2, $4  }
0x14b: {  	[tilespmem:s17+$0xFFFFFFF0] =	vst v3;
	v6 =	vmul.f32 v6, v2;
	v3 =	vld [tilespmem:s17+$0x60]  }
0x14c: {  	s23 =	sadd.s32 $0x3, s20;
	v10 =	vmov s20;
	[tilespmem:s17+$0x0] =	vst v5;
	v13 =	vmul.f32 v7, v2;
	v8 =	vld [tilespmem:s17+$0x80]  }
0x14d: {  	s24 =	sadd.s32 $0x1, s20;
	v12 =	vand.u32 $0xFFFFFFFC, v10;
	v5 =	vmov s23;
	[tilespmem:s17+$0x10] =	vst v6;
	v10 =	vmul.f32 v11, v2;
	v7 =	vld [tilespmem:s17+$0x90]  }
0x14e: {  	s23 =	sadd.s32 $0x2, s20;
	s20 =	sadd.s32 $0x4, s20;
	v6 =	vbroadcast v12, $0x0;
	v12 =	vmov s24;
	[tilespmem:s17+$0x20] =	vst v13;
	v11 =	vmul.f32 v9, v2;
	v9 =	vld [tilespmem:s17+$0xA0]  }
0x14f: {  	v13 =	vld [tilespmem:s17+$0xB0]  }
0x150: {  	v15 =	vld [tilespmem:s17+$0xC0]  }
0x151: {  	v14 =	vmov s23;
	v16 =	vld [tilespmem:s17+$0xD0]  }
0x152: {  	v17 =	vld [tilespmem:s17+$0xE0];
	[tilespmem:s17+$0x30] =	vst v10;
	v4 =	vmul.f32 v4, v2;
	v14 =	vand.u32 $0xFFFFFFFE, v14  }
0x153: {  	v12 =	vand.u32 $0xFFFFFFFD, v12;
	v5 =	vld.idx.msk [tilespmem:v5+s18+$0x0], $0xffff;
	[tilespmem:s17+$0x40] =	vst v11;
	v2 =	vmul.f32 v3, v2;
	v14 =	vbroadcast v14, $0x0  }
0x154: {  	s20 =	sadd.s32 $0x200, s17;
	v12 =	vbroadcast v12, $0x0;
	v3 =	vld.idx.msk [tilespmem:v6+s18+$0x0], $0xffff;
	v8 =	vmul.f32 v8, v1;
	[tilespmem:s17+$0x50] =	vst v4  }
0x155: {  	v10 =	vld [tilespmem:s20+$0xFFFFFF00];
	v4 =	vmul.f32 v7, v1;
	[tilespmem:s17+$0x60] =	vst v2  }
0x156: {  	[tilespmem:s17+$0x80] =	vst v8;
	v8 =	vld [tilespmem:s17+$0xF0];
	v2 =	vmul.f32 v9, v1  }
0x157: {  	v11 =	vld [tilespmem:s20+$0xFFFFFF10];
	[tilespmem:s17+$0x90] =	vst v4;
	v4 =	vmul.f32 v13, v1  }
0x158: {  	v9 =	vld [tilespmem:s20+$0x70];
	[tilespmem:s17+$0xA0] =	vst v2;
	v2 =	vmul.f32 v15, v1  }
0x159: {  	[tilespmem:s17+$0xB0] =	vst v4;
	v4 =	vmul.f32 v16, v1;
	v7 =	vld.idx.msk [tilespmem:v14+s18+$0x0], $0xffff  }
0x15a: {  	v6 =	vld.idx.msk [tilespmem:v12+s18+$0x0], $0xffff;
	[tilespmem:s19+$0xC0] =	vst v2;
	v2 =	vmul.f32 v17, v1  }
0x15b: {  	v12 =	vld [tilespmem:s20+$0xFFFFFF20];
	[tilespmem:s19+$0xD0] =	vst v4;
	v1 =	vmul.f32 v8, v1  }
0x15c: {  	v4 =	vld [tilespmem:s20+$0xFFFFFF30];
	[tilespmem:s19+$0xE0] =	vst v2  }
0x15d: {  	v2 =	vld [tilespmem:s20+$0xFFFFFF40];
	[tilespmem:s19+$0xF0] =	vst v1;
	v1 =	vmul.f32 v10, v3  }
0x15e: {  	v8 =	vmul.f32 v9, v7;
	v9 =	vld [tilespmem:s20+$0xFFFFFF50]  }
0x15f: {  	v10 =	vmul.f32 v11, v3;
	v11 =	vld [tilespmem:s20+$0xFFFFFF60];
	[tilespmem:s20+$0xFFFFFF00] =	vst v1  }
0x160: {  	v1 =	vmul.f32 v12, v3;
	[tilespmem:s20+$0x70] =	vst v8;
	v8 =	vld [tilespmem:s20+$0xFFFFFF70]  }
0x161: {  	[tilespmem:s20+$0xFFFFFF10] =	vst v10;
	v10 =	vld [tilespmem:s20+$0xFFFFFF80];
	v4 =	vmul.f32 v4, v3  }
0x162: {  	[tilespmem:s20+$0xFFFFFF20] =	vst v1;
	v1 =	vmul.f32 v2, v3;
	v2 =	vld [tilespmem:s20+$0xFFFFFF90]  }
0x163: {  	[tilespmem:s20+$0xFFFFFF30] =	vst v4;
	v4 =	vmul.f32 v9, v3;
	v9 =	vld [tilespmem:s20+$0xFFFFFFA0]  }
0x164: {  	[tilespmem:s20+$0xFFFFFF40] =	vst v1;
	v1 =	vmul.f32 v11, v3;
	v11 =	vld [tilespmem:s20+$0xFFFFFFB0]  }
0x165: {  	[tilespmem:s20+$0xFFFFFF50] =	vst v4;
	v3 =	vmul.f32 v8, v3;
	v4 =	vld [tilespmem:s20+$0xFFFFFFC0]  }
0x166: {  	[tilespmem:s20+$0xFFFFFF60] =	vst v1;
	v1 =	vmul.f32 v10, v6;
	v8 =	vld [tilespmem:s20+$0xFFFFFFD0]  }
0x167: {  	v2 =	vmul.f32 v2, v6;
	[tilespmem:s20+$0xFFFFFF70] =	vst v3;
	v3 =	vld [tilespmem:s20+$0xFFFFFFE0]  }
0x168: {  	[tilespmem:s20+$0xFFFFFF80] =	vst v1;
	v1 =	vmul.f32 v9, v6;
	v9 =	vld [tilespmem:s20+$0xFFFFFFF0]  }
0x169: {  	v10 =	vld [tilespmem:s20+$0x0];
	[tilespmem:s20+$0xFFFFFF90] =	vst v2;
	v2 =	vmul.f32 v11, v6  }
0x16a: {  	[tilespmem:s20+$0xFFFFFFA0] =	vst v1;
	v1 =	vmul.f32 v4, v6;
	v4 =	vld [tilespmem:s20+$0x10]  }
0x16b: {  	[tilespmem:s20+$0xFFFFFFB0] =	vst v2;
	v2 =	vmul.f32 v8, v6;
	v8 =	vld [tilespmem:s20+$0x20]  }
0x16c: {  	[tilespmem:s20+$0xFFFFFFC0] =	vst v1;
	v1 =	vmul.f32 v3, v6;
	v3 =	vld [tilespmem:s20+$0x30]  }
0x16d: {  	[tilespmem:s20+$0xFFFFFFD0] =	vst v2;
	v2 =	vmul.f32 v9, v6;
	v6 =	vld [tilespmem:s20+$0x40]  }
0x16e: {  	v9 =	vld [tilespmem:s20+$0x50];
	[tilespmem:s20+$0xFFFFFFE0] =	vst v1;
	v1 =	vmul.f32 v10, v7  }
0x16f: {  	[tilespmem:s20+$0xFFFFFFF0] =	vst v2;
	v2 =	vmul.f32 v4, v7;
	v4 =	vld [tilespmem:s20+$0x60]  }
0x170: {  	[tilespmem:s20+$0x0] =	vst v1;
	v1 =	vmul.f32 v8, v7;
	v8 =	vld [tilespmem:s20+$0x80]  }
0x171: {  	[tilespmem:s20+$0x10] =	vst v2;
	v2 =	vmul.f32 v3, v7;
	v3 =	vld [tilespmem:s20+$0x90]  }
0x172: {  	[tilespmem:s20+$0x20] =	vst v1;
	v1 =	vmul.f32 v6, v7;
	v6 =	vld [tilespmem:s20+$0xA0]  }
0x173: {  	[tilespmem:s20+$0x30] =	vst v2;
	v2 =	vmul.f32 v9, v7;
	v9 =	vld [tilespmem:s20+$0xB0]  }
0x174: {  	[tilespmem:s20+$0x40] =	vst v1;
	v1 =	vmul.f32 v4, v7;
	v4 =	vld [tilespmem:s20+$0xC0]  }
0x175: {  	v7 =	vld [tilespmem:s20+$0xD0];
	[tilespmem:s20+$0x50] =	vst v2;
	v2 =	vmul.f32 v8, v5  }
0x176: {  	[tilespmem:s20+$0x60] =	vst v1;
	v1 =	vmul.f32 v3, v5;
	v3 =	vld [tilespmem:s20+$0xE0]  }
0x177: {  	[tilespmem:s20+$0x80] =	vst v2;
	v2 =	vmul.f32 v6, v5;
	v6 =	vld [tilespmem:s20+$0xF0]  }
0x178: {  	[tilespmem:s20+$0x90] =	vst v1;
	v1 =	vmul.f32 v9, v5  }
0x179: {  	[tilespmem:s20+$0xA0] =	vst v2;
	v2 =	vmul.f32 v4, v5  }
0x17a: {  	[tilespmem:s20+$0xB0] =	vst v1;
	v1 =	vmul.f32 v7, v5  }
0x17b: {  	[tilespmem:s20+$0xC0] =	vst v2;
	v2 =	vmul.f32 v3, v5  }
0x17c: {  	[tilespmem:s20+$0xD0] =	vst v1;
	v1 =	vmul.f32 v6, v5  }
0x17d: {  	[tilespmem:s20+$0xE0] =	vst v2  }
0x17e: {  	s23 =	simm.s32 $0x280;
	[tilespmem:s20+$0xF0] =	vst v1  }
0x17f: {  	[spmem:s1] =	stream.indirect.scatter.add.f32 [tilespmem:s30], [sflag:$0x8], $0x80, s23, s16, $0xb8;
	[tilespmem:$0x1C600] =	vst v63  }
0x180: {  	_ =	swait.ge [sflag:s28], $0x4000  }
0x181: {  	[sflag:s28] =	ssyncset.done $0x0  }
0x182: {  	[sflag:s28] =	ssyncadd.s32 $0xFFFFC000  }
0x183: {  	_ =	swait.ge [sflag:s8], $0x4000  }
0x184: {  	[sflag:s8] =	ssyncset.done $0x0  }
0x185: {  	[sflag:s8] =	ssyncadd.s32 $0xFFFFC000  }
0x186: {  	_ =	swait.ge [sflag:s22], $0x80  }
0x187: {  	[sflag:s22] =	ssyncset.done $0x0  }
0x188: {  	[sflag:s22] =	ssyncadd.s32 $0xFFFFFF80  }
0x189: {  	_ =	swait.ge [sflag:s22], $0x80  }
0x18a: {  	[sflag:s22] =	ssyncset.done $0x0  }
0x18b: {  	[sflag:s22] =	ssyncadd.s32 $0xFFFFFF80  }
0x18c: {  	_ =	swait.ge [sflag:s22], $0x80  }
0x18d: {  	s24 =	simm.s32 $0x0;
	s19 =	sadd.s32 @!p0 s14, s25;
	[sflag:s22] =	ssyncset.done $0x0  }
0x18e: {  	s19 =	sshrl.u32 @!p0 s19, $0x3;
	v1 =	vmov s24;
	s20 =	simm.s32 $0x2;
	[sflag:s22] =	ssyncadd.s32 $0xFFFFFF80  }
0x18f: {  	v1 =	vand.u32 $0xFFFFFFFC, v1;
	v2 =	vmov s20;
	[tilespmem:s30], [sflag:$0x6] =	stream.indirect.gather [hbm4b:s3+s16], $0x80, s31, s16, $0xb8;
	[tilespmem:$0x1C600] =	vst v63  }
0x190: {  	s17 =	sadd.s32 @!p0 s5, s19;
	s20 =	simm.s32 @!p0 $0x0;
	s23 =	simm.s32 @!p0 $0x80;
	v1 =	vbroadcast v1, $0x0;
	v2 =	vand.u32 $0xFFFFFFFE, v2  }
0x191: {  	v2 =	vbroadcast v2, $0x0;
	[tilespmem:s23], [sflag:$0x2] =	stream.linear.gather @!p0 [hbm4b:s17+s20], $0x80, $0x38;
	[tilespmem:$0x1C600] =	vst v63  }
0x192: {  	s17 =	sadd.s32 @!p0 s6, s19;
	s23 =	simm.s32 @!p0 $0x280  }
0x193: {  	[tilespmem:s23], [sflag:$0x2] =	stream.linear.gather @!p0 [hbm4b:s17+s20], $0x80, $0x38;
	[tilespmem:$0x1C600] =	vst v63  }
0x194: {  	s17 =	sadd.s32 @!p0 s7, s19;
	s19 =	simm.s32 @!p0 $0x480  }
0x195: {  	[tilespmem:s19], [sflag:$0x2] =	stream.linear.gather @!p0 [hbm4b:s17+s20], $0x80, $0x38;
	[tilespmem:$0x1C600] =	vst v63  }
0x196: {  	v1 =	vld.idx.msk [tilespmem:v1+s21+$0x0], $0xffff  }
0x197: {  	s17 =	simm.s32 $0x700;
	v2 =	vld.idx.msk [tilespmem:v2+s21+$0x0], $0xffff  }
0x198: {  	s23 =	simm.s32 $0x1;
	v4 =	vld [tilespmem:s17+$0x70]  }
0x199: {  	v3 =	vmov s23;
	v5 =	vld [tilespmem:s17+$0xFFFFFF00]  }
0x19a: {  	v3 =	vand.u32 $0xFFFFFFFD, v3;
	v6 =	vld [tilespmem:s17+$0xFFFFFF10]  }
0x19b: {  	v3 =	vbroadcast v3, $0x0;
	v7 =	vld [tilespmem:s17+$0xFFFFFF20]  }
0x19c: {  	v8 =	vld [tilespmem:s17+$0xFFFFFF30]  }
0x19d: {  	v9 =	vld [tilespmem:s17+$0xFFFFFF40]  }
0x19e: {  	v10 =	vld [tilespmem:s17+$0xFFFFFF50]  }
0x19f: {  	v11 =	vld [tilespmem:s17+$0xFFFFFF60];
	v5 =	vmul.f32 v5, v1  }
0x1a0: {  	v13 =	vld [tilespmem:s17+$0x40];
	v4 =	vmul.f32 v4, v2  }
0x1a1: {  	v3 =	vld.idx.msk [tilespmem:v3+s21+$0x0], $0xffff;
	[tilespmem:s17+$0xFFFFFF00] =	vst v5;
	v5 =	vmul.f32 v6, v1  }
0x1a2: {  	v6 =	vld [tilespmem:s17+$0xFFFFFF70];
	[tilespmem:s17+$0x70] =	vst v4;
	v4 =	vmul.f32 v7, v1  }
0x1a3: {  	v7 =	vld [tilespmem:s17+$0xFFFFFF80];
	[tilespmem:s17+$0xFFFFFF10] =	vst v5;
	v5 =	vmul.f32 v8, v1  }
0x1a4: {  	v8 =	vld [tilespmem:s17+$0xFFFFFF90];
	[tilespmem:s17+$0xFFFFFF20] =	vst v4;
	v4 =	vmul.f32 v9, v1  }
0x1a5: {  	v9 =	vld [tilespmem:s17+$0xFFFFFFA0];
	[tilespmem:s17+$0xFFFFFF30] =	vst v5;
	v5 =	vmul.f32 v10, v1  }
0x1a6: {  	v10 =	vld [tilespmem:s17+$0xFFFFFFB0];
	[tilespmem:s17+$0xFFFFFF40] =	vst v4;
	v4 =	vmul.f32 v11, v1  }
0x1a7: {  	v11 =	vld [tilespmem:s17+$0xFFFFFFC0];
	v6 =	vmul.f32 v6, v1;
	[tilespmem:s17+$0xFFFFFF50] =	vst v5  }
0x1a8: {  	v5 =	vmul.f32 v7, v3;
	v7 =	vld [tilespmem:s17+$0xFFFFFFD0];
	[tilespmem:s17+$0xFFFFFF60] =	vst v4  }
0x1a9: {  	s24 =	simm.s32 $0x3;
	v4 =	vld [tilespmem:s17+$0xFFFFFFE0];
	v8 =	vmul.f32 v8, v3;
	[tilespmem:s17+$0xFFFFFF70] =	vst v6  }
0x1aa: {  	v12 =	vmov s24;
	v6 =	vld [tilespmem:s17+$0xFFFFFFF0];
	[tilespmem:s17+$0xFFFFFF80] =	vst v5;
	v5 =	vmul.f32 v9, v3  }
0x1ab: {  	v9 =	vld [tilespmem:s17+$0x0];
	[tilespmem:s17+$0xFFFFFF90] =	vst v8;
	v8 =	vmul.f32 v10, v3  }
0x1ac: {  	v10 =	vld [tilespmem:s17+$0x10];
	[tilespmem:s17+$0xFFFFFFA0] =	vst v5;
	v5 =	vmul.f32 v11, v3  }
0x1ad: {  	[tilespmem:s17+$0xFFFFFFB0] =	vst v8;
	v7 =	vmul.f32 v7, v3;
	v8 =	vld [tilespmem:s17+$0x20]  }
0x1ae: {  	v11 =	vld [tilespmem:s17+$0x30];
	v4 =	vmul.f32 v4, v3;
	[tilespmem:s17+$0xFFFFFFC0] =	vst v5  }
0x1af: {  	v1 =	vld.idx.msk [tilespmem:v12+s21+$0x0], $0xffff;
	v3 =	vmul.f32 v6, v3;
	[tilespmem:s17+$0xFFFFFFD0] =	vst v7  }
0x1b0: {  	[tilespmem:s17+$0xFFFFFFE0] =	vst v4;
	v5 =	vmul.f32 v9, v2;
	v4 =	vld [tilespmem:s17+$0x50]  }
0x1b1: {  	s20 =	simm.s32 $0x4;
	[tilespmem:s17+$0xFFFFFFF0] =	vst v3;
	v6 =	vmul.f32 v10, v2;
	v3 =	vld [tilespmem:s17+$0x60]  }
0x1b2: {  	s23 =	simm.s32 $0x7;
	v7 =	vmov s20;
	[tilespmem:s17+$0x0] =	vst v5;
	v9 =	vmul.f32 v8, v2;
	v8 =	vld [tilespmem:s17+$0x80]  }
0x1b3: {  	s24 =	simm.s32 $0x5;
	v12 =	vand.u32 $0xFFFFFFFC, v7;
	v7 =	vld [tilespmem:s17+$0x90];
	v5 =	vmov s23;
	v10 =	vmul.f32 v11, v2;
	[tilespmem:s17+$0x10] =	vst v6  }
0x1b4: {  	s19 =	simm.s32 $0x700;
	s20 =	simm.s32 $0x8;
	s23 =	simm.s32 $0x6;
	v11 =	vmul.f32 v13, v2;
	v6 =	vbroadcast v12, $0x0;
	v12 =	vmov s24;
	[tilespmem:s17+$0x20] =	vst v9;
	v9 =	vld [tilespmem:s17+$0xA0]  }
.LBB2_9:
0x1b5: {  	p1 =	slt.u32 s20, $0x7C;
	v12 =	vand.u32 $0xFFFFFFFD, v12;
	v13 =	vmov s23;
	[tilespmem:s17+$0x30] =	vst v10;
	v4 =	vmul.f32 v4, v2;
	v10 =	vld [tilespmem:s17+$0xB0]  }
0x1b6: {  	v12 =	vbroadcast v12, $0x0;
	v13 =	vand.u32 $0xFFFFFFFE, v13;
	[tilespmem:s17+$0x40] =	vst v11;
	v2 =	vmul.f32 v3, v2;
	v3 =	vld [tilespmem:s17+$0xC0]  }
0x1b7: {  	v11 =	vbroadcast v13, $0x0;
	[tilespmem:s17+$0x50] =	vst v4;
	v4 =	vmul.f32 v8, v1;
	v8 =	vld [tilespmem:s17+$0xD0]  }
0x1b8: {  	[tilespmem:s17+$0x60] =	vst v2;
	v2 =	vmul.f32 v7, v1;
	v7 =	vld [tilespmem:s17+$0xE0]  }
0x1b9: {  	[tilespmem:s17+$0x80] =	vst v4;
	v4 =	vmul.f32 v9, v1;
	v9 =	vld [tilespmem:s17+$0xF0]  }
0x1ba: {  	v5 =	vld.idx.msk [tilespmem:v5+s21+$0x0], $0xffff;
	[tilespmem:s17+$0x90] =	vst v2;
	v2 =	vmul.f32 v10, v1  }
0x1bb: {  	v6 =	vld.idx.msk [tilespmem:v6+s21+$0x0], $0xffff;
	[tilespmem:s17+$0xA0] =	vst v4;
	v3 =	vmul.f32 v3, v1  }
0x1bc: {  	v4 =	vld.idx.msk [tilespmem:v12+s21+$0x0], $0xffff;
	[tilespmem:s17+$0xB0] =	vst v2;
	v8 =	vmul.f32 v8, v1  }
0x1bd: {  	s17 =	sadd.s32 $0x200, s17;
	v2 =	vld.idx.msk [tilespmem:v11+s21+$0x0], $0xffff;
	[tilespmem:s19+$0xC0] =	vst v3;
	v3 =	vmul.f32 v7, v1  }
0x1be: {  	v7 =	vld [tilespmem:s17+$0x70];
	[tilespmem:s19+$0xD0] =	vst v8;
	v9 =	vmul.f32 v9, v1  }
0x1bf: {  	v8 =	vld [tilespmem:s17+$0xFFFFFF00];
	[tilespmem:s19+$0xE0] =	vst v3  }
0x1c0: {  	v1 =	vmov v5;
	v3 =	vld [tilespmem:s17+$0xFFFFFF10];
	[tilespmem:s19+$0xF0] =	vst v9;
	s19 =	smov.u32 s17  }
0x1c1: {  	v5 =	vld [tilespmem:s17+$0xFFFFFF20]  }
0x1c2: {  	v9 =	vld [tilespmem:s17+$0xFFFFFF30]  }
0x1c3: {  	v10 =	vld [tilespmem:s17+$0xFFFFFF40];
	v7 =	vmul.f32 v7, v2  }
0x1c4: {  	v8 =	vmul.f32 v8, v6;
	v11 =	vld [tilespmem:s17+$0xFFFFFF50]  }
0x1c5: {  	v3 =	vmul.f32 v3, v6;
	v12 =	vld [tilespmem:s17+$0xFFFFFF60];
	[tilespmem:s17+$0x70] =	vst v7  }
0x1c6: {  	[tilespmem:s17+$0xFFFFFF00] =	vst v8;
	v5 =	vmul.f32 v5, v6;
	v7 =	vld [tilespmem:s17+$0xFFFFFF70]  }
0x1c7: {  	[tilespmem:s17+$0xFFFFFF10] =	vst v3;
	v3 =	vmul.f32 v9, v6;
	v8 =	vld [tilespmem:s17+$0xFFFFFF80]  }
0x1c8: {  	[tilespmem:s17+$0xFFFFFF20] =	vst v5;
	v5 =	vmul.f32 v10, v6;
	v9 =	vld [tilespmem:s17+$0xFFFFFF90]  }
0x1c9: {  	[tilespmem:s17+$0xFFFFFF30] =	vst v3;
	v3 =	vmul.f32 v11, v6;
	v10 =	vld [tilespmem:s17+$0xFFFFFFA0]  }
0x1ca: {  	[tilespmem:s17+$0xFFFFFF40] =	vst v5;
	v5 =	vmul.f32 v12, v6;
	v11 =	vld [tilespmem:s17+$0xFFFFFFB0]  }
0x1cb: {  	[tilespmem:s17+$0xFFFFFF50] =	vst v3;
	v3 =	vmul.f32 v7, v6;
	v6 =	vld [tilespmem:s17+$0xFFFFFFC0]  }
0x1cc: {  	[tilespmem:s17+$0xFFFFFF60] =	vst v5;
	v5 =	vmul.f32 v8, v4;
	v7 =	vld [tilespmem:s17+$0xFFFFFFD0]  }
0x1cd: {  	[tilespmem:s17+$0xFFFFFF70] =	vst v3;
	v3 =	vmul.f32 v9, v4;
	v8 =	vld [tilespmem:s17+$0xFFFFFFE0]  }
0x1ce: {  	[tilespmem:s17+$0xFFFFFF80] =	vst v5;
	v5 =	vmul.f32 v10, v4;
	v9 =	vld [tilespmem:s17+$0xFFFFFFF0]  }
0x1cf: {  	[tilespmem:s17+$0xFFFFFF90] =	vst v3;
	v3 =	vmul.f32 v11, v4;
	v10 =	vld [tilespmem:s17+$0x0]  }
0x1d0: {  	[tilespmem:s17+$0xFFFFFFA0] =	vst v5;
	v5 =	vmul.f32 v6, v4;
	v6 =	vld [tilespmem:s17+$0x10]  }
0x1d1: {  	[tilespmem:s17+$0xFFFFFFB0] =	vst v3;
	v3 =	vmul.f32 v7, v4;
	v7 =	vld [tilespmem:s17+$0x20]  }
0x1d2: {  	[tilespmem:s17+$0xFFFFFFC0] =	vst v5;
	v5 =	vmul.f32 v8, v4;
	v11 =	vld [tilespmem:s17+$0x30]  }
0x1d3: {  	[tilespmem:s17+$0xFFFFFFD0] =	vst v3;
	v3 =	vmul.f32 v9, v4;
	v9 =	vld [tilespmem:s17+$0x40]  }
.Ltmp3:
0x1d4: {  	[tilespmem:s17+$0xFFFFFFE0] =	vst v5;
	v5 =	vmul.f32 v10, v2;
	v4 =	vld [tilespmem:s17+$0x50];
	(pc) =	sbr.rel @p1 .LBB2_9-.Ltmp3, $4  }
0x1d5: {  	[tilespmem:s17+$0xFFFFFFF0] =	vst v3;
	v6 =	vmul.f32 v6, v2;
	v3 =	vld [tilespmem:s17+$0x60]  }
0x1d6: {  	s23 =	sadd.s32 $0x3, s20;
	v10 =	vmov s20;
	[tilespmem:s17+$0x0] =	vst v5;
	v13 =	vmul.f32 v7, v2;
	v8 =	vld [tilespmem:s17+$0x80]  }
0x1d7: {  	s24 =	sadd.s32 $0x1, s20;
	v12 =	vand.u32 $0xFFFFFFFC, v10;
	v5 =	vmov s23;
	[tilespmem:s17+$0x10] =	vst v6;
	v10 =	vmul.f32 v11, v2;
	v7 =	vld [tilespmem:s17+$0x90]  }
0x1d8: {  	s23 =	sadd.s32 $0x2, s20;
	s20 =	sadd.s32 $0x4, s20;
	v6 =	vbroadcast v12, $0x0;
	v12 =	vmov s24;
	[tilespmem:s17+$0x20] =	vst v13;
	v11 =	vmul.f32 v9, v2;
	v9 =	vld [tilespmem:s17+$0xA0]  }
0x1d9: {  	v13 =	vld [tilespmem:s17+$0xB0]  }
0x1da: {  	v15 =	vld [tilespmem:s17+$0xC0]  }
0x1db: {  	v14 =	vmov s23;
	v16 =	vld [tilespmem:s17+$0xD0]  }
0x1dc: {  	v17 =	vld [tilespmem:s17+$0xE0];
	[tilespmem:s17+$0x30] =	vst v10;
	v4 =	vmul.f32 v4, v2;
	v14 =	vand.u32 $0xFFFFFFFE, v14  }
0x1dd: {  	v12 =	vand.u32 $0xFFFFFFFD, v12;
	v5 =	vld.idx.msk [tilespmem:v5+s21+$0x0], $0xffff;
	[tilespmem:s17+$0x40] =	vst v11;
	v2 =	vmul.f32 v3, v2;
	v14 =	vbroadcast v14, $0x0  }
0x1de: {  	s20 =	sadd.s32 $0x200, s17;
	v12 =	vbroadcast v12, $0x0;
	v3 =	vld.idx.msk [tilespmem:v6+s21+$0x0], $0xffff;
	v8 =	vmul.f32 v8, v1;
	[tilespmem:s17+$0x50] =	vst v4  }
0x1df: {  	v10 =	vld [tilespmem:s20+$0xFFFFFF00];
	v4 =	vmul.f32 v7, v1;
	[tilespmem:s17+$0x60] =	vst v2  }
0x1e0: {  	[tilespmem:s17+$0x80] =	vst v8;
	v8 =	vld [tilespmem:s17+$0xF0];
	v2 =	vmul.f32 v9, v1  }
0x1e1: {  	v11 =	vld [tilespmem:s20+$0xFFFFFF10];
	[tilespmem:s17+$0x90] =	vst v4;
	v4 =	vmul.f32 v13, v1  }
0x1e2: {  	v9 =	vld [tilespmem:s20+$0x70];
	[tilespmem:s17+$0xA0] =	vst v2;
	v2 =	vmul.f32 v15, v1  }
0x1e3: {  	[tilespmem:s17+$0xB0] =	vst v4;
	v4 =	vmul.f32 v16, v1;
	v7 =	vld.idx.msk [tilespmem:v14+s21+$0x0], $0xffff  }
0x1e4: {  	v6 =	vld.idx.msk [tilespmem:v12+s21+$0x0], $0xffff;
	[tilespmem:s19+$0xC0] =	vst v2;
	v2 =	vmul.f32 v17, v1  }
0x1e5: {  	v12 =	vld [tilespmem:s20+$0xFFFFFF20];
	[tilespmem:s19+$0xD0] =	vst v4;
	v1 =	vmul.f32 v8, v1  }
0x1e6: {  	v4 =	vld [tilespmem:s20+$0xFFFFFF30];
	[tilespmem:s19+$0xE0] =	vst v2  }
0x1e7: {  	v2 =	vld [tilespmem:s20+$0xFFFFFF40];
	[tilespmem:s19+$0xF0] =	vst v1;
	v1 =	vmul.f32 v10, v3  }
0x1e8: {  	v8 =	vmul.f32 v9, v7;
	v9 =	vld [tilespmem:s20+$0xFFFFFF50]  }
0x1e9: {  	v10 =	vmul.f32 v11, v3;
	v11 =	vld [tilespmem:s20+$0xFFFFFF60];
	[tilespmem:s20+$0xFFFFFF00] =	vst v1  }
0x1ea: {  	v1 =	vmul.f32 v12, v3;
	[tilespmem:s20+$0x70] =	vst v8;
	v8 =	vld [tilespmem:s20+$0xFFFFFF70]  }
0x1eb: {  	[tilespmem:s20+$0xFFFFFF10] =	vst v10;
	v10 =	vld [tilespmem:s20+$0xFFFFFF80];
	v4 =	vmul.f32 v4, v3  }
0x1ec: {  	[tilespmem:s20+$0xFFFFFF20] =	vst v1;
	v1 =	vmul.f32 v2, v3;
	v2 =	vld [tilespmem:s20+$0xFFFFFF90]  }
0x1ed: {  	[tilespmem:s20+$0xFFFFFF30] =	vst v4;
	v4 =	vmul.f32 v9, v3;
	v9 =	vld [tilespmem:s20+$0xFFFFFFA0]  }
0x1ee: {  	[tilespmem:s20+$0xFFFFFF40] =	vst v1;
	v1 =	vmul.f32 v11, v3;
	v11 =	vld [tilespmem:s20+$0xFFFFFFB0]  }
0x1ef: {  	[tilespmem:s20+$0xFFFFFF50] =	vst v4;
	v3 =	vmul.f32 v8, v3;
	v4 =	vld [tilespmem:s20+$0xFFFFFFC0]  }
0x1f0: {  	[tilespmem:s20+$0xFFFFFF60] =	vst v1;
	v1 =	vmul.f32 v10, v6;
	v8 =	vld [tilespmem:s20+$0xFFFFFFD0]  }
0x1f1: {  	v2 =	vmul.f32 v2, v6;
	[tilespmem:s20+$0xFFFFFF70] =	vst v3;
	v3 =	vld [tilespmem:s20+$0xFFFFFFE0]  }
0x1f2: {  	[tilespmem:s20+$0xFFFFFF80] =	vst v1;
	v1 =	vmul.f32 v9, v6;
	v9 =	vld [tilespmem:s20+$0xFFFFFFF0]  }
0x1f3: {  	v10 =	vld [tilespmem:s20+$0x0];
	[tilespmem:s20+$0xFFFFFF90] =	vst v2;
	v2 =	vmul.f32 v11, v6  }
0x1f4: {  	[tilespmem:s20+$0xFFFFFFA0] =	vst v1;
	v1 =	vmul.f32 v4, v6;
	v4 =	vld [tilespmem:s20+$0x10]  }
0x1f5: {  	[tilespmem:s20+$0xFFFFFFB0] =	vst v2;
	v2 =	vmul.f32 v8, v6;
	v8 =	vld [tilespmem:s20+$0x20]  }
0x1f6: {  	[tilespmem:s20+$0xFFFFFFC0] =	vst v1;
	v1 =	vmul.f32 v3, v6;
	v3 =	vld [tilespmem:s20+$0x30]  }
0x1f7: {  	[tilespmem:s20+$0xFFFFFFD0] =	vst v2;
	v2 =	vmul.f32 v9, v6;
	v6 =	vld [tilespmem:s20+$0x40]  }
0x1f8: {  	v9 =	vld [tilespmem:s20+$0x50];
	[tilespmem:s20+$0xFFFFFFE0] =	vst v1;
	v1 =	vmul.f32 v10, v7  }
0x1f9: {  	[tilespmem:s20+$0xFFFFFFF0] =	vst v2;
	v2 =	vmul.f32 v4, v7;
	v4 =	vld [tilespmem:s20+$0x60]  }
0x1fa: {  	[tilespmem:s20+$0x0] =	vst v1;
	v1 =	vmul.f32 v8, v7;
	v8 =	vld [tilespmem:s20+$0x80]  }
0x1fb: {  	[tilespmem:s20+$0x10] =	vst v2;
	v2 =	vmul.f32 v3, v7;
	v3 =	vld [tilespmem:s20+$0x90]  }
0x1fc: {  	[tilespmem:s20+$0x20] =	vst v1;
	v1 =	vmul.f32 v6, v7;
	v6 =	vld [tilespmem:s20+$0xA0]  }
0x1fd: {  	[tilespmem:s20+$0x30] =	vst v2;
	v2 =	vmul.f32 v9, v7;
	v9 =	vld [tilespmem:s20+$0xB0]  }
0x1fe: {  	[tilespmem:s20+$0x40] =	vst v1;
	v1 =	vmul.f32 v4, v7;
	v4 =	vld [tilespmem:s20+$0xC0]  }
0x1ff: {  	v7 =	vld [tilespmem:s20+$0xD0];
	[tilespmem:s20+$0x50] =	vst v2;
	v2 =	vmul.f32 v8, v5  }
0x200: {  	[tilespmem:s20+$0x60] =	vst v1;
	v1 =	vmul.f32 v3, v5;
	v3 =	vld [tilespmem:s20+$0xE0]  }
0x201: {  	[tilespmem:s20+$0x80] =	vst v2;
	v2 =	vmul.f32 v6, v5;
	v6 =	vld [tilespmem:s20+$0xF0]  }
0x202: {  	[tilespmem:s20+$0x90] =	vst v1;
	v1 =	vmul.f32 v9, v5  }
0x203: {  	[tilespmem:s20+$0xA0] =	vst v2;
	v2 =	vmul.f32 v4, v5  }
0x204: {  	[tilespmem:s20+$0xB0] =	vst v1;
	v1 =	vmul.f32 v7, v5  }
0x205: {  	[tilespmem:s20+$0xC0] =	vst v2;
	v2 =	vmul.f32 v3, v5  }
0x206: {  	[tilespmem:s20+$0xD0] =	vst v1;
	v1 =	vmul.f32 v6, v5  }
0x207: {  	[tilespmem:s20+$0xE0] =	vst v2  }
0x208: {  	s19 =	simm.s32 $0x300;
	[tilespmem:s20+$0xF0] =	vst v1  }
0x209: {  	[spmem:s1] =	stream.indirect.scatter.add.f32 [tilespmem:s12], [sflag:$0x7], $0x80, s19, s16, $0xb8;
	[tilespmem:$0x1C600] =	vst v63  }
0x20a: {  	_ =	swait.ge [sflag:s9], $0x4000  }
0x20b: {  	[sflag:s9] =	ssyncset.done $0x0  }
0x20c: {  	s17 =	simm.s32 @!p0 $0x7;
	[sflag:s9] =	ssyncadd.s32 $0xFFFFC000  }
0x20d: {  	_ =	swait.ge @!p0 [sflag:s17], $0x4000  }
0x20e: {  	[sflag:s17] =	ssyncset.done @!p0 $0x0  }
0x20f: {  	[sflag:s17] =	ssyncadd.s32 @!p0 $0xFFFFC000;
	s17 =	simm.s32 @!p0 $0x1  }
0x210: {  	_ =	swait.ge @!p0 [sflag:s17], $0x80  }
0x211: {  	[sflag:s17] =	ssyncset.done @!p0 $0x0  }
0x212: {  	[sflag:s17] =	ssyncadd.s32 @!p0 $0xFFFFFF80  }
0x213: {  	_ =	swait.ge @!p0 [sflag:s17], $0x80  }
0x214: {  	[sflag:s17] =	ssyncset.done @!p0 $0x0  }
0x215: {  	[sflag:s17] =	ssyncadd.s32 @!p0 $0xFFFFFF80  }
0x216: {  	s14 =	sadd.s32 @!p0 s14, s26;
	_ =	swait.ge @!p0 [sflag:s17], $0x80  }
0x217: {  	s23 =	simm.s32 $0x2;
	s20 =	simm.s32 @!p0 $0x600;
	[sflag:s17] =	ssyncset.done @!p0 $0x0  }
0x218: {  	s19 =	simm.s32 @!p0 $0x0;
	[sflag:s17] =	ssyncadd.s32 @!p0 $0xFFFFFF80;
	s17 =	simm.s32 @!p0 $0x80  }
0x219: {  	v2 =	vmov s23;
	[tilespmem:s20], [sflag:$0x5] =	stream.indirect.gather @!p0 [hbm4b:s3+s17], $0x80, s19, s17, $0xb8;
	[tilespmem:$0x1C600] =	vst v63  }
0x21a: {  	s14 =	sshrl.u32 @!p0 s14, $0x3;
	v2 =	vand.u32 $0xFFFFFFFE, v2;
	s20 =	simm.s32 $0x0  }
0x21b: {  	v2 =	vbroadcast v2, $0x0;
	s17 =	sadd.s32 @!p0 s5, s14;
	v1 =	vmov s20;
	s20 =	simm.s32 @!p0 $0x100  }
0x21c: {  	[tilespmem:s20], [sflag:$0x3] =	stream.linear.gather @!p0 [hbm4b:s17+s19], $0x80, $0x38;
	[tilespmem:$0x1C600] =	vst v63  }
0x21d: {  	s17 =	sadd.s32 @!p0 s6, s14;
	s20 =	simm.s32 @!p0 $0x300  }
0x21e: {  	[tilespmem:s20], [sflag:$0x3] =	stream.linear.gather @!p0 [hbm4b:s17+s19], $0x80, $0x38;
	[tilespmem:$0x1C600] =	vst v63  }
0x21f: {  	v1 =	vand.u32 $0xFFFFFFFC, v1;
	s14 =	sadd.s32 @!p0 s7, s14;
	s17 =	simm.s32 @!p0 $0x500  }
0x220: {  	v1 =	vbroadcast v1, $0x0;
	[tilespmem:s17], [sflag:$0x3] =	stream.linear.gather @!p0 [hbm4b:s14+s19], $0x80, $0x38;
	[tilespmem:$0x1C600] =	vst v63  }
0x221: {  	s14 =	simm.s32 $0x4700;
	v2 =	vld.idx.msk [tilespmem:v2+s4+$0x0], $0xffff  }
0x222: {  	s24 =	simm.s32 $0x1;
	v4 =	vld [tilespmem:s14+$0x70]  }
0x223: {  	v3 =	vmov s24;
	v5 =	vld [tilespmem:s14+$0xFFFFFF00]  }
0x224: {  	v3 =	vand.u32 $0xFFFFFFFD, v3;
	v6 =	vld [tilespmem:s14+$0xFFFFFF10]  }
0x225: {  	v3 =	vbroadcast v3, $0x0;
	v7 =	vld [tilespmem:s14+$0xFFFFFF20]  }
0x226: {  	v1 =	vld.idx.msk [tilespmem:v1+s4+$0x0], $0xffff  }
0x227: {  	v8 =	vld [tilespmem:s14+$0xFFFFFF30]  }
0x228: {  	v9 =	vld [tilespmem:s14+$0xFFFFFF40]  }
0x229: {  	v10 =	vld [tilespmem:s14+$0xFFFFFF50]  }
0x22a: {  	v11 =	vld [tilespmem:s14+$0xFFFFFF60];
	v4 =	vmul.f32 v4, v2  }
0x22b: {  	v3 =	vld.idx.msk [tilespmem:v3+s4+$0x0], $0xffff;
	v5 =	vmul.f32 v5, v1  }
0x22c: {  	v13 =	vld [tilespmem:s14+$0x40];
	[tilespmem:s14+$0x70] =	vst v4;
	v4 =	vmul.f32 v7, v1  }
0x22d: {  	[tilespmem:s14+$0xFFFFFF00] =	vst v5;
	v5 =	vmul.f32 v6, v1;
	v6 =	vld [tilespmem:s14+$0xFFFFFF70]  }
0x22e: {  	v7 =	vld [tilespmem:s14+$0xFFFFFF80];
	[tilespmem:s14+$0xFFFFFF20] =	vst v4;
	v4 =	vmul.f32 v9, v1  }
0x22f: {  	[tilespmem:s14+$0xFFFFFF10] =	vst v5;
	v5 =	vmul.f32 v8, v1;
	v8 =	vld [tilespmem:s14+$0xFFFFFF90]  }
0x230: {  	v9 =	vld [tilespmem:s14+$0xFFFFFFA0];
	[tilespmem:s14+$0xFFFFFF40] =	vst v4;
	v4 =	vmul.f32 v11, v1  }
0x231: {  	[tilespmem:s14+$0xFFFFFF30] =	vst v5;
	v5 =	vmul.f32 v10, v1;
	v10 =	vld [tilespmem:s14+$0xFFFFFFB0]  }
0x232: {  	[tilespmem:s14+$0xFFFFFF60] =	vst v4;
	v4 =	vld [tilespmem:s14+$0xFFFFFFE0];
	v6 =	vmul.f32 v6, v1  }
0x233: {  	v11 =	vld [tilespmem:s14+$0xFFFFFFC0];
	[tilespmem:s14+$0xFFFFFF50] =	vst v5;
	v5 =	vmul.f32 v7, v3  }
0x234: {  	s19 =	simm.s32 $0x3;
	v7 =	vld [tilespmem:s14+$0xFFFFFFD0];
	v8 =	vmul.f32 v8, v3;
	[tilespmem:s14+$0xFFFFFF70] =	vst v6  }
0x235: {  	v12 =	vmov s19;
	v6 =	vld [tilespmem:s14+$0xFFFFFFF0];
	[tilespmem:s14+$0xFFFFFF80] =	vst v5;
	v5 =	vmul.f32 v9, v3  }
0x236: {  	v9 =	vld [tilespmem:s14+$0x0];
	[tilespmem:s14+$0xFFFFFF90] =	vst v8;
	v8 =	vmul.f32 v10, v3  }
0x237: {  	v10 =	vld [tilespmem:s14+$0x10];
	v4 =	vmul.f32 v4, v3;
	[tilespmem:s14+$0xFFFFFFA0] =	vst v5  }
0x238: {  	v5 =	vmul.f32 v11, v3;
	[tilespmem:s14+$0xFFFFFFB0] =	vst v8;
	v8 =	vld [tilespmem:s14+$0x20]  }
0x239: {  	v11 =	vld [tilespmem:s14+$0x30];
	v7 =	vmul.f32 v7, v3;
	[tilespmem:s14+$0xFFFFFFE0] =	vst v4  }
0x23a: {  	v1 =	vld.idx.msk [tilespmem:v12+s4+$0x0], $0xffff;
	[tilespmem:s14+$0xFFFFFFC0] =	vst v5;
	v3 =	vmul.f32 v6, v3  }
0x23b: {  	v4 =	vld [tilespmem:s14+$0x50];
	[tilespmem:s14+$0xFFFFFFD0] =	vst v7;
	v5 =	vmul.f32 v9, v2  }
0x23c: {  	s20 =	simm.s32 $0x4;
	[tilespmem:s14+$0xFFFFFFF0] =	vst v3;
	v6 =	vmul.f32 v10, v2;
	v3 =	vld [tilespmem:s14+$0x60]  }
0x23d: {  	s23 =	simm.s32 $0x7;
	v7 =	vmov s20;
	[tilespmem:s14+$0x0] =	vst v5;
	v9 =	vmul.f32 v8, v2;
	v8 =	vld [tilespmem:s14+$0x80]  }
0x23e: {  	s24 =	simm.s32 $0x5;
	v12 =	vand.u32 $0xFFFFFFFC, v7;
	v7 =	vld [tilespmem:s14+$0x90];
	v5 =	vmov s23;
	v10 =	vmul.f32 v11, v2;
	[tilespmem:s14+$0x10] =	vst v6  }
0x23f: {  	s17 =	simm.s32 $0x4700;
	s19 =	simm.s32 $0x8;
	s20 =	simm.s32 $0x6;
	v11 =	vmul.f32 v13, v2;
	v6 =	vbroadcast v12, $0x0;
	v12 =	vmov s24;
	[tilespmem:s14+$0x20] =	vst v9;
	v9 =	vld [tilespmem:s14+$0xA0]  }
.LBB2_11:
0x240: {  	p0 =	slt.u32 s19, $0x7C;
	v12 =	vand.u32 $0xFFFFFFFD, v12;
	v13 =	vmov s20;
	[tilespmem:s14+$0x30] =	vst v10;
	v4 =	vmul.f32 v4, v2;
	v10 =	vld [tilespmem:s14+$0xB0]  }
0x241: {  	v12 =	vbroadcast v12, $0x0;
	v13 =	vand.u32 $0xFFFFFFFE, v13;
	[tilespmem:s14+$0x40] =	vst v11;
	v2 =	vmul.f32 v3, v2;
	v3 =	vld [tilespmem:s14+$0xC0]  }
0x242: {  	v11 =	vbroadcast v13, $0x0;
	[tilespmem:s14+$0x50] =	vst v4;
	v4 =	vmul.f32 v8, v1;
	v8 =	vld [tilespmem:s14+$0xD0]  }
0x243: {  	[tilespmem:s14+$0x60] =	vst v2;
	v2 =	vmul.f32 v7, v1;
	v7 =	vld [tilespmem:s14+$0xE0]  }
0x244: {  	[tilespmem:s14+$0x80] =	vst v4;
	v4 =	vmul.f32 v9, v1;
	v9 =	vld [tilespmem:s14+$0xF0]  }
0x245: {  	v5 =	vld.idx.msk [tilespmem:v5+s4+$0x0], $0xffff;
	[tilespmem:s14+$0x90] =	vst v2;
	v2 =	vmul.f32 v10, v1  }
0x246: {  	v6 =	vld.idx.msk [tilespmem:v6+s4+$0x0], $0xffff;
	[tilespmem:s14+$0xA0] =	vst v4;
	v3 =	vmul.f32 v3, v1  }
0x247: {  	v4 =	vld.idx.msk [tilespmem:v12+s4+$0x0], $0xffff;
	[tilespmem:s14+$0xB0] =	vst v2;
	v8 =	vmul.f32 v8, v1  }
0x248: {  	s14 =	sadd.s32 $0x200, s14;
	v2 =	vld.idx.msk [tilespmem:v11+s4+$0x0], $0xffff;
	[tilespmem:s17+$0xC0] =	vst v3;
	v3 =	vmul.f32 v7, v1  }
0x249: {  	v7 =	vld [tilespmem:s14+$0x70];
	[tilespmem:s17+$0xD0] =	vst v8;
	v9 =	vmul.f32 v9, v1  }
0x24a: {  	v8 =	vld [tilespmem:s14+$0xFFFFFF00];
	[tilespmem:s17+$0xE0] =	vst v3  }
0x24b: {  	v1 =	vmov v5;
	v3 =	vld [tilespmem:s14+$0xFFFFFF10];
	[tilespmem:s17+$0xF0] =	vst v9;
	s17 =	smov.u32 s14  }
0x24c: {  	v5 =	vld [tilespmem:s14+$0xFFFFFF20]  }
0x24d: {  	v9 =	vld [tilespmem:s14+$0xFFFFFF30]  }
0x24e: {  	v10 =	vld [tilespmem:s14+$0xFFFFFF40];
	v7 =	vmul.f32 v7, v2  }
0x24f: {  	v8 =	vmul.f32 v8, v6;
	v11 =	vld [tilespmem:s14+$0xFFFFFF50]  }
0x250: {  	v3 =	vmul.f32 v3, v6;
	v12 =	vld [tilespmem:s14+$0xFFFFFF60];
	[tilespmem:s14+$0x70] =	vst v7  }
0x251: {  	[tilespmem:s14+$0xFFFFFF00] =	vst v8;
	v5 =	vmul.f32 v5, v6;
	v7 =	vld [tilespmem:s14+$0xFFFFFF70]  }
0x252: {  	[tilespmem:s14+$0xFFFFFF10] =	vst v3;
	v3 =	vmul.f32 v9, v6;
	v8 =	vld [tilespmem:s14+$0xFFFFFF80]  }
0x253: {  	[tilespmem:s14+$0xFFFFFF20] =	vst v5;
	v5 =	vmul.f32 v10, v6;
	v9 =	vld [tilespmem:s14+$0xFFFFFF90]  }
0x254: {  	[tilespmem:s14+$0xFFFFFF30] =	vst v3;
	v3 =	vmul.f32 v11, v6;
	v10 =	vld [tilespmem:s14+$0xFFFFFFA0]  }
0x255: {  	[tilespmem:s14+$0xFFFFFF40] =	vst v5;
	v5 =	vmul.f32 v12, v6;
	v11 =	vld [tilespmem:s14+$0xFFFFFFB0]  }
0x256: {  	[tilespmem:s14+$0xFFFFFF50] =	vst v3;
	v3 =	vmul.f32 v7, v6;
	v6 =	vld [tilespmem:s14+$0xFFFFFFC0]  }
0x257: {  	[tilespmem:s14+$0xFFFFFF60] =	vst v5;
	v5 =	vmul.f32 v8, v4;
	v7 =	vld [tilespmem:s14+$0xFFFFFFD0]  }
0x258: {  	[tilespmem:s14+$0xFFFFFF70] =	vst v3;
	v3 =	vmul.f32 v9, v4;
	v8 =	vld [tilespmem:s14+$0xFFFFFFE0]  }
0x259: {  	[tilespmem:s14+$0xFFFFFF80] =	vst v5;
	v5 =	vmul.f32 v10, v4;
	v9 =	vld [tilespmem:s14+$0xFFFFFFF0]  }
0x25a: {  	[tilespmem:s14+$0xFFFFFF90] =	vst v3;
	v3 =	vmul.f32 v11, v4;
	v10 =	vld [tilespmem:s14+$0x0]  }
0x25b: {  	[tilespmem:s14+$0xFFFFFFA0] =	vst v5;
	v5 =	vmul.f32 v6, v4;
	v6 =	vld [tilespmem:s14+$0x10]  }
0x25c: {  	[tilespmem:s14+$0xFFFFFFB0] =	vst v3;
	v3 =	vmul.f32 v7, v4;
	v7 =	vld [tilespmem:s14+$0x20]  }
0x25d: {  	[tilespmem:s14+$0xFFFFFFC0] =	vst v5;
	v5 =	vmul.f32 v8, v4;
	v11 =	vld [tilespmem:s14+$0x30]  }
0x25e: {  	[tilespmem:s14+$0xFFFFFFD0] =	vst v3;
	v3 =	vmul.f32 v9, v4;
	v9 =	vld [tilespmem:s14+$0x40]  }
.Ltmp4:
0x25f: {  	[tilespmem:s14+$0xFFFFFFE0] =	vst v5;
	v5 =	vmul.f32 v10, v2;
	v4 =	vld [tilespmem:s14+$0x50];
	(pc) =	sbr.rel @p0 .LBB2_11-.Ltmp4, $4  }
0x260: {  	[tilespmem:s14+$0xFFFFFFF0] =	vst v3;
	v6 =	vmul.f32 v6, v2;
	v3 =	vld [tilespmem:s14+$0x60]  }
0x261: {  	s20 =	sadd.s32 $0x3, s19;
	v10 =	vmov s19;
	[tilespmem:s14+$0x0] =	vst v5;
	v13 =	vmul.f32 v7, v2;
	v8 =	vld [tilespmem:s14+$0x80]  }
0x262: {  	s23 =	sadd.s32 $0x1, s19;
	v12 =	vand.u32 $0xFFFFFFFC, v10;
	v5 =	vmov s20;
	[tilespmem:s14+$0x10] =	vst v6;
	v10 =	vmul.f32 v11, v2;
	v7 =	vld [tilespmem:s14+$0x90]  }
0x263: {  	s20 =	sadd.s32 $0x2, s19;
	s19 =	sadd.s32 $0x4, s19;
	v6 =	vbroadcast v12, $0x0;
	v12 =	vmov s23;
	[tilespmem:s14+$0x20] =	vst v13;
	v11 =	vmul.f32 v9, v2;
	v9 =	vld [tilespmem:s14+$0xA0]  }
0x264: {  	v13 =	vld [tilespmem:s14+$0xB0]  }
0x265: {  	v15 =	vld [tilespmem:s14+$0xC0]  }
0x266: {  	v16 =	vld [tilespmem:s14+$0xD0]  }
0x267: {  	v17 =	vld [tilespmem:s14+$0xE0]  }
0x268: {  	v29 =	vld [tilespmem:s14+$0xF0];
	[tilespmem:s14+$0x30] =	vst v10;
	v4 =	vmul.f32 v4, v2  }
0x269: {  	v5 =	vld.idx.msk [tilespmem:v5+s4+$0x0], $0xffff;
	[tilespmem:s14+$0x40] =	vst v11;
	v2 =	vmul.f32 v3, v2  }
0x26a: {  	s19 =	sadd.s32 $0x200, s14;
	v3 =	vld.idx.msk [tilespmem:v6+s4+$0x0], $0xffff;
	v8 =	vmul.f32 v8, v1;
	[tilespmem:s14+$0x50] =	vst v4  }
0x26b: {  	v14 =	vmov s20;
	v34 =	vld [tilespmem:s19+$0x70];
	v30 =	vmul.f32 v7, v1;
	[tilespmem:s14+$0x60] =	vst v2  }
0x26c: {  	v14 =	vand.u32 $0xFFFFFFFE, v14;
	v35 =	vld [tilespmem:s19+$0xFFFFFF00];
	[tilespmem:s14+$0x80] =	vst v8;
	v2 =	vmul.f32 v9, v1  }
0x26d: {  	v37 =	vld [tilespmem:s19+$0xFFFFFF10];
	v14 =	vbroadcast v14, $0x0;
	[tilespmem:s14+$0x90] =	vst v30;
	v33 =	vmul.f32 v13, v1  }
0x26e: {  	v38 =	vld [tilespmem:s19+$0xFFFFFF20];
	[tilespmem:s14+$0xA0] =	vst v2;
	v2 =	vmul.f32 v15, v1  }
0x26f: {  	v12 =	vand.u32 $0xFFFFFFFD, v12;
	v39 =	vld [tilespmem:s19+$0xFFFFFF30];
	v36 =	vmul.f32 v16, v1;
	[tilespmem:s14+$0xB0] =	vst v33  }
0x270: {  	v12 =	vbroadcast v12, $0x0;
	v41 =	vld [tilespmem:s19+$0xFFFFFF50];
	[tilespmem:s17+$0xC0] =	vst v2;
	v2 =	vmul.f32 v17, v1  }
0x271: {  	v43 =	vld [tilespmem:s19+$0xFFFFFF60];
	[tilespmem:s17+$0xD0] =	vst v36;
	v1 =	vmul.f32 v29, v1  }
0x272: {  	v42 =	vmul.f32 v37, v3;
	[tilespmem:s17+$0xE0] =	vst v2;
	v2 =	vld [tilespmem:s19+$0xFFFFFF40]  }
0x273: {  	v32 =	vld.idx.msk [tilespmem:v14+s4+$0x0], $0xffff;
	[tilespmem:s17+$0xF0] =	vst v1;
	v1 =	vmul.f32 v35, v3  }
0x274: {  	v44 =	vld [tilespmem:s19+$0xFFFFFF70];
	v4 =	vmul.f32 v39, v3;
	[tilespmem:s19+$0xFFFFFF10] =	vst v42  }
0x275: {  	v45 =	vld [tilespmem:s19+$0xFFFFFF80];
	[tilespmem:s19+$0xFFFFFF00] =	vst v1;
	v1 =	vmul.f32 v38, v3  }
0x276: {  	v46 =	vmul.f32 v41, v3;
	v31 =	vld.idx.msk [tilespmem:v12+s4+$0x0], $0xffff;
	[tilespmem:s19+$0xFFFFFF30] =	vst v4  }
0x277: {  	[tilespmem:s19+$0xFFFFFF20] =	vst v1;
	v1 =	vmul.f32 v2, v3;
	v2 =	vld [tilespmem:s19+$0xFFFFFF90]  }
0x278: {  	v47 =	vld [tilespmem:s19+$0xFFFFFFA0];
	[tilespmem:s19+$0xFFFFFF50] =	vst v46;
	v40 =	vmul.f32 v34, v32  }
0x279: {  	v48 =	vld [tilespmem:s19+$0xFFFFFFB0];
	[tilespmem:s19+$0xFFFFFF40] =	vst v1;
	v1 =	vmul.f32 v43, v3  }
0x27a: {  	v49 =	vld [tilespmem:s19+$0xFFFFFFC0];
	[tilespmem:s19+$0x70] =	vst v40;
	v3 =	vmul.f32 v44, v3  }
0x27b: {  	v50 =	vld [tilespmem:s19+$0xFFFFFFD0];
	[tilespmem:s19+$0xFFFFFF60] =	vst v1;
	v1 =	vmul.f32 v45, v31  }
0x27c: {  	[tilespmem:s19+$0xFFFFFF70] =	vst v3;
	v3 =	vld [tilespmem:s19+$0xFFFFFFE0];
	v2 =	vmul.f32 v2, v31  }
0x27d: {  	v51 =	vld [tilespmem:s19+$0xFFFFFFF0];
	[tilespmem:s19+$0xFFFFFF80] =	vst v1;
	v1 =	vmul.f32 v47, v31  }
0x27e: {  	v52 =	vld [tilespmem:s19+$0x0];
	[tilespmem:s19+$0xFFFFFF90] =	vst v2;
	v2 =	vmul.f32 v48, v31  }
0x27f: {  	v53 =	vld [tilespmem:s19+$0x10];
	[tilespmem:s19+$0xFFFFFFA0] =	vst v1;
	v1 =	vmul.f32 v49, v31  }
0x280: {  	v54 =	vld [tilespmem:s19+$0x20];
	[tilespmem:s19+$0xFFFFFFB0] =	vst v2;
	v2 =	vmul.f32 v50, v31  }
0x281: {  	[tilespmem:s19+$0xFFFFFFC0] =	vst v1;
	v1 =	vmul.f32 v3, v31;
	v3 =	vld [tilespmem:s19+$0x30]  }
0x282: {  	v55 =	vld [tilespmem:s19+$0x40];
	[tilespmem:s19+$0xFFFFFFD0] =	vst v2;
	v2 =	vmul.f32 v51, v31  }
0x283: {  	v56 =	vld [tilespmem:s19+$0x50];
	[tilespmem:s19+$0xFFFFFFE0] =	vst v1;
	v1 =	vmul.f32 v52, v32  }
0x284: {  	v57 =	vld [tilespmem:s19+$0x60];
	[tilespmem:s19+$0xFFFFFFF0] =	vst v2;
	v2 =	vmul.f32 v53, v32  }
0x285: {  	v58 =	vld [tilespmem:s19+$0x80];
	[tilespmem:s19+$0x0] =	vst v1;
	v1 =	vmul.f32 v54, v32  }
0x286: {  	[tilespmem:s19+$0x10] =	vst v2;
	v2 =	vmul.f32 v3, v32;
	v3 =	vld [tilespmem:s19+$0x90]  }
0x287: {  	v59 =	vld [tilespmem:s19+$0xA0];
	[tilespmem:s19+$0x20] =	vst v1;
	v1 =	vmul.f32 v55, v32  }
0x288: {  	v60 =	vld [tilespmem:s19+$0xB0];
	[tilespmem:s19+$0x30] =	vst v2;
	v2 =	vmul.f32 v56, v32  }
0x289: {  	v61 =	vld [tilespmem:s19+$0xC0];
	[tilespmem:s19+$0x40] =	vst v1;
	v1 =	vmul.f32 v57, v32  }
0x28a: {  	v62 =	vld [tilespmem:s19+$0xD0];
	[tilespmem:s19+$0x50] =	vst v2;
	v2 =	vmul.f32 v58, v5  }
0x28b: {  	[tilespmem:s19+$0x60] =	vst v1;
	v1 =	vmul.f32 v3, v5;
	v3 =	vld [tilespmem:s19+$0xE0]  }
0x28c: {  	v63 =	vld [tilespmem:s19+$0xF0];
	[tilespmem:s19+$0x80] =	vst v2;
	v2 =	vmul.f32 v59, v5  }
0x28d: {  	[tilespmem:s19+$0x90] =	vst v1;
	v1 =	vmul.f32 v60, v5  }
0x28e: {  	s13 =	sadd.s32 $0x1, s13;
	[tilespmem:s19+$0xA0] =	vst v2;
	v2 =	vmul.f32 v61, v5  }
0x28f: {  	p0 =	sne.s32 s13, $0x15;
	[tilespmem:s19+$0xB0] =	vst v1;
	v1 =	vmul.f32 v62, v5  }
.Ltmp5:
0x290: {  	[tilespmem:s19+$0xC0] =	vst v2;
	v2 =	vmul.f32 v3, v5;
	(pc) =	sbr.rel @p0 .LBB2_4-.Ltmp5, $4  }
0x291: {  	[tilespmem:s19+$0xD0] =	vst v1;
	v1 =	vmul.f32 v63, v5  }
0x292: {  	[tilespmem:s19+$0xE0] =	vst v2  }
0x293: {  	[tilespmem:s19+$0xF0] =	vst v1  }
0x294: {  	[spmem:s1] =	stream.indirect.scatter.add.f32 [tilespmem:s30], [sflag:$0x8], $0x80, s0, s16, $0xb8;
	[tilespmem:$0x1C600] =	vst v63  }
0x295: {  	_ =	swait.ge [sflag:s10], $0x4000  }
0x296: {  	[sflag:s10] =	ssyncset.done $0x0  }
0x297: {  	[sflag:s10] =	ssyncadd.s32 $0xFFFFC000  }
0x298: {  	_ =	swait.ge [sflag:s8], $0x4000  }
0x299: {  	[sflag:s8] =	ssyncset.done $0x0  }
0x29a: {  	[sflag:s8] =	ssyncadd.s32 $0xFFFFC000  }
0x29b: {  	s2 =	stileid.u32;
	[bflag:$0x0] =	sbarrier.arrive $0xFFFF  }
0x29c: {  	s20 =	simm.s32 $0x9;
	s2 =	sshll.u32 s2, $0x6;
	s19 =	rddreg [dreg:$0x4]  }
0x29d: {  	s2 =	sor.u32 $0x1C09, s2;
	s14 =	rddreg [dreg:$0x8];
	s13 =	sshrl.u32 s19, $0x3  }
0x29e: {  	[hbm:s14], [sflag:s2] =	dma.local [spmem:s13], $0x800  }
0x29f: {  	_ =	swait.ge [sflag:s20], $0x800  }
0x2a0: {  	[sflag:s20] =	ssyncset.done $0x0;
	s23 =	rddreg [dreg:$0x9]  }
0x2a1: {  	s24 =	rddreg [dreg:$0x16];
	[sflag:s20] =	ssyncadd.s32 $0xFFFFF800  }
0x2a2: {  	[hbm:s23], [sflag:s2] =	dma.local [spmem:s24], $0x800  }
0x2a3: {  	_ =	swait.ge [sflag:s20], $0x800  }
0x2a4: {  	[sflag:s20] =	ssyncset.done $0x0;
	s14 =	rddreg [dreg:$0xa]  }
0x2a5: {  	s17 =	rddreg [dreg:$0x17];
	[sflag:s20] =	ssyncadd.s32 $0xFFFFF800  }
0x2a6: {  	[hbm:s14], [sflag:s2] =	dma.local [spmem:s17], $0x800  }
0x2a7: {  	_ =	swait.ge [sflag:s20], $0x800  }
0x2a8: {  	[sflag:s20] =	ssyncset.done $0x0;
	s23 =	rddreg [dreg:$0xb]  }
0x2a9: {  	s24 =	rddreg [dreg:$0x18];
	[sflag:s20] =	ssyncadd.s32 $0xFFFFF800  }
0x2aa: {  	[hbm:s23], [sflag:s2] =	dma.local [spmem:s24], $0x800  }
0x2ab: {  	_ =	swait.ge [sflag:s20], $0x800  }
0x2ac: {  	[sflag:s20] =	ssyncset.done $0x0;
	s17 =	rddreg [dreg:$0xc]  }
0x2ad: {  	s23 =	rddreg [dreg:$0x19];
	[sflag:s20] =	ssyncadd.s32 $0xFFFFF800  }
0x2ae: {  	[hbm:s17], [sflag:s2] =	dma.local [spmem:s23], $0x800  }
0x2af: {  	_ =	swait.ge [sflag:s20], $0x800  }
0x2b0: {  	s17 =	rddreg [dreg:$0x3]  }
0x2b1: {  	s24 =	rddreg [dreg:$0x15];
	s17 =	sadd.s32 $0x1, s17  }
0x2b2: {  	p0 =	sne.s32 s17, s24  }
.Ltmp6:
0x2b3: {  	_ = 	snop;
	(pc) =	sbr.rel @p0 .LBB2_1-.Ltmp6, $3  }
0x2b4: {  	_ =	sdelay $0x1  }
0x2b5: {  	[sflag:s20] =	ssyncset.done $0x0  }
0x2b6: {  	[sflag:s20] =	ssyncadd.s32 $0xFFFFF800  }
0x2b7: {  	_ =	sfence.sel $0x180000  }
0x2b8: {  	[bflag:$0x0] =	sbarrier.arrive $0xFFFF  }
0x2b9: {  	_ =	strace $0x9000004D  }
0x2ba: {  	s0 =	stileid.u32;
	[bflag:$0x2] =	sbarrier.arrive $0xFFFF  }
0x2bb: {  	p0 =	sne.s32 s0, $0x0;
	s0 =	rddreg [dreg:$0x2]  }
0x2bc: {  	s0 =	sadd.s32 @!p0 $0x100000, s0  }
0x2bd: {  	[sflag:s0] =	ssyncadd.tile.s32 @!p0 $0x1;
	_ =	shalt  }
.Lfunc_end2:
_tile_overlayer_lowered:
.L_overlay_start_2:
0x2be: {  	(tag) =	ssettag $0x2  }
0x2bf: {  	s0 =	rddreg [dreg:$0x0];
	s2 =	stileid.u32  }
0x2c0: {  	s1 =	rddreg [dreg:$0x1];
	p0 =	sne.s32 s2, $0x0  }
0x2c1: {  	s3 =	rddreg [dreg:$0x2];
	[bflag:$0x3] =	sbarrier.arrive $0xFFFF;
	s2 =	simm.s32 @!p0 $0x1C09  }
0x2c2: {  	[timem:s3], [sflag:s2] =	dma.local @!p0 [hbm:s0], s1  }
0x2c3: {  	s0 =	simm.s32 @!p0 $0x9  }
0x2c4: {  	_ =	swait.ge @!p0 [sflag:s0], s1  }
0x2c5: {  	s1 =	ssub.s32 @!p0 $0x0, s1;
	[sflag:s0] =	ssyncset.done @!p0 $0x0  }
0x2c6: {  	[sflag:s0] =	ssyncadd.s32 @!p0 s1  }
0x2c7: {  	[bflag:$0x3] =	sbarrier.arrive $0xFFFF  }
0x2c8: {  	_ =	shalt  }

// kernel: kernel.20.cloned.1.call-start
scs
__scs_entry_jumppad:
0x0: {  	(pc) =	sbr.rel $0x88, $3  }
0x1: {  	(tag) =	ssettag $0x0;
	lr =	simm.s32 $0x1  }
0x2: {  	[smem:$0x3F99] =	sst lr;
	_ =	strace $0xD0000000  }
0x3: {  	_ = 	snop  }
0x4: {  	_ = 	snop  }
0x5: {  	_ = 	snop  }
0x6: {  	_ = 	snop  }
0x7: {  	_ = 	snop  }
__scs_overlays_trampoline_lowered:
0x8: {  	[smem:$0x3FA8] =	sst s0  }
0x9: {  	[smem:$0x3FA9] =	sst s1  }
0xa: {  	[smem:$0x3FAA] =	sst s2  }
0xb: {  	[smem:$0x3FAB] =	sst s3  }
0xc: {  	[smem:$0x3FAC] =	sst s4  }
0xd: {  	[smem:$0x3FAD] =	sst s5  }
0xe: {  	[smem:$0x3FAE] =	sst s6  }
0xf: {  	[smem:$0x3FAF] =	sst s7  }
0x10: {  	[smem:$0x3FB0] =	sst s8  }
0x11: {  	[smem:$0x3FB1] =	sst s9;
	s0 =	simm.s32 @!p0 $0x0  }
0x12: {  	s1 =	sld [smem:$0x3F97];
	s0 =	simm.s32 @p0 $0x1  }
0x13: {  	[smem:$0x3FB2] =	sst s0;
	s0 =	simm.s32 @!p1 $0x0  }
0x14: {  	s2 =	sld [smem:$0x3F96];
	s0 =	simm.s32 @p1 $0x1  }
0x15: {  	[smem:$0x3FB3] =	sst s0;
	s0 =	simm.s32 @!p2 $0x0  }
0x16: {  	s3 =	sld [smem:$0x3FDB];
	s0 =	simm.s32 @p2 $0x1  }
0x17: {  	s4 =	simm.s32 $0x1BF5;
	[smem:$0x3FB5] =	sst s0  }
0x18: {  	s0 =	sld [smem:$0x3F98];
	_ =	swait.ge [sflag:s4], $0x0  }
0x19: {  	s7 =	sld [smem:$0x3F99]  }
0x1a: {  	s8 =	sadd.s32 $0xFFFFE003, lr  }
0x1b: {  	s9 =	sadd.s32 $0xFFFFFEF7, lr;
	s5 =	simm.s32 $0xFFFFFFFF;
	p2 =	slt.u32 s8, $0xFFFFF086  }
0x1c: {  	p1 =	slt.u32 s9, $0xF7A;
	s5 =	simm.s32 @!p2 $0x0  }
0x1d: {  	s5 =	simm.s32 @p1 $0x1;
	p0 =	seq.s32 s7, s2  }
0x1e: {  	s7 =	smul.u32 @!p0 $0xF7A, s2;
	p2 =	seq.s32 @!p0 s5, $0x0  }
0x1f: {  	s9 =	smul.u32 $0xF7A, s1;
	s8 =	simm.s32 @!p0 $0x1BF5;
	p2 =	por !p2, p0  }
0x20: {  	[sflag:s8] =	ssyncset.s32 @!p0 $0xFFFFF086;
	s6 =	sadd.s32 @!p0 s3, s7;
	s7 =	simm.s32 @!p0 $0x108  }
0x21: {  	s3 =	sadd.s32 s3, s9;
	s6 =	sadd.s32 @!p0 $0x88, s6;
	s7 =	simm.s32 @p2 $0x1082  }
0x22: {  	[simem:s7], [sflag:s8] =	dma.local @!p0 [hbm:s6], $0xF7A  }
0x23: {  	s9 =	sor.u32 $0xD0000000, s2;
	s6 =	simm.s32 $0x108;
	_ =	swait.ge @!p0 [sflag:s8], $0x0  }
0x24: {  	s3 =	sadd.s32 $0x88, s3;
	s6 =	simm.s32 @!p1 $0x1082;
	[sflag:s4] =	ssyncset.s32 $0xFFFFF086  }
0x25: {  	[simem:s6], [sflag:s4] =	dma.local [hbm:s3], $0xF7A  }
0x26: {  	[smem:$0x3F99] =	sst s1;
	(tag) =	ssettag s2;
	_ =	strace s9  }
0x27: {  	s1 =	sld [smem:$0x3FA9]  }
0x28: {  	s2 =	sld [smem:$0x3FAA]  }
0x29: {  	s4 =	sld [smem:$0x3FAC]  }
0x2a: {  	p0 =	seq.s32 s5, $0x0;
	s5 =	sld [smem:$0x3FAD]  }
0x2b: {  	s6 =	sld [smem:$0x3FAE]  }
0x2c: {  	s7 =	sld [smem:$0x3FAF]  }
0x2d: {  	s3 =	simm.s32 $0x108;
	s8 =	sld [smem:$0x3FB0]  }
0x2e: {  	s3 =	simm.s32 @!p0 $0x1082;
	s9 =	sld [smem:$0x3FB1]  }
0x2f: {  	lr =	sadd.s32 s0, s3;
	s0 =	sld [smem:$0x3FA8]  }
0x30: {  	s3 =	sld [smem:$0x3FAB]  }
0x31: {  	[smem:$0x3FB4] =	sst s10  }
0x32: {  	s10 =	sld [smem:$0x3FB2];
	_ =	sdelay $0x3  }
0x33: {  	p0 =	seq.s32 s10, $0x1;
	s10 =	sld [smem:$0x3FB4];
	_ =	sdelay $0x3  }
0x34: {  	[smem:$0x3FB4] =	sst s10  }
0x35: {  	s10 =	sld [smem:$0x3FB3];
	_ =	sdelay $0x3  }
0x36: {  	p1 =	seq.s32 s10, $0x1;
	s10 =	sld [smem:$0x3FB4];
	_ =	sdelay $0x3  }
0x37: {  	[smem:$0x3FB4] =	sst s10  }
0x38: {  	s10 =	sld [smem:$0x3FB5]  }
0x39: {  	_ = 	snop;
	(pc) =	sbr.ind lr, $3  }
0x3a: {  	_ = 	snop  }
0x3b: {  	_ = 	snop  }
0x3c: {  	p2 =	seq.s32 s10, $0x1;
	s10 =	sld [smem:$0x3FB4]  }
0x3d: {  	_ =	shalt  }
0x3e: {  	_ =	shalt  }
0x3f: {  	_ =	shalt  }
0x40: {  	_ =	shalt  }
0x41: {  	_ =	shalt  }
0x42: {  	_ =	shalt  }
0x43: {  	_ =	shalt  }
0x44: {  	_ =	shalt  }
0x45: {  	_ =	shalt  }
0x46: {  	_ =	shalt  }
0x47: {  	_ =	shalt  }
0x48: {  	_ =	shalt  }
0x49: {  	_ =	shalt  }
0x4a: {  	_ =	shalt  }
0x4b: {  	_ =	shalt  }
0x4c: {  	_ =	shalt  }
0x4d: {  	_ =	shalt  }
0x4e: {  	_ =	shalt  }
0x4f: {  	_ =	shalt  }
0x50: {  	_ =	shalt  }
0x51: {  	_ =	shalt  }
0x52: {  	_ =	shalt  }
0x53: {  	_ =	shalt  }
0x54: {  	_ =	shalt  }
0x55: {  	_ =	shalt  }
0x56: {  	_ =	shalt  }
0x57: {  	_ =	shalt  }
0x58: {  	_ =	shalt  }
0x59: {  	_ =	shalt  }
0x5a: {  	_ =	shalt  }
0x5b: {  	_ =	shalt  }
0x5c: {  	_ =	shalt  }
0x5d: {  	_ =	shalt  }
0x5e: {  	_ =	shalt  }
0x5f: {  	_ =	shalt  }
0x60: {  	_ =	shalt  }
0x61: {  	_ =	shalt  }
0x62: {  	_ =	shalt  }
0x63: {  	_ =	shalt  }
0x64: {  	_ =	shalt  }
0x65: {  	_ =	shalt  }
0x66: {  	_ =	shalt  }
0x67: {  	_ =	shalt  }
0x68: {  	_ =	shalt  }
0x69: {  	_ =	shalt  }
0x6a: {  	_ =	shalt  }
0x6b: {  	_ =	shalt  }
0x6c: {  	_ =	shalt  }
0x6d: {  	_ =	shalt  }
0x6e: {  	_ =	shalt  }
0x6f: {  	_ =	shalt  }
0x70: {  	_ =	shalt  }
0x71: {  	_ =	shalt  }
0x72: {  	_ =	shalt  }
0x73: {  	_ =	shalt  }
0x74: {  	_ =	shalt  }
0x75: {  	_ =	shalt  }
0x76: {  	_ =	shalt  }
0x77: {  	_ =	shalt  }
0x78: {  	_ =	shalt  }
0x79: {  	_ =	shalt  }
0x7a: {  	_ =	shalt  }
0x7b: {  	_ =	shalt  }
0x7c: {  	_ =	shalt  }
0x7d: {  	_ =	shalt  }
0x7e: {  	_ =	shalt  }
0x7f: {  	_ =	shalt  }
0x80: {  	_ =	shalt  }
0x81: {  	_ =	shalt  }
0x82: {  	_ =	shalt  }
0x83: {  	_ =	shalt  }
0x84: {  	_ =	shalt  }
0x85: {  	_ =	shalt  }
0x86: {  	_ =	shalt  }
0x87: {  	_ =	shalt  }
.Lfunc_end0:
.L_simem_size_0:
called_computation.3_lowered:
.L_overlay_start_0:
0x88: {  	s2 =	sld [smem:$0x3FD9]  }
0x89: {  	s3 =	sld [smem:$0x3FFE];
	_ =	sdelay $0x1  }
0x8a: {  	s1 =	srdreg.scid  }
0x8b: {  	s0 =	sand.u32 $0x1, s1  }
0x8c: {  	s16 =	sshll.u32 s0, $0xA;
	s2 =	sadd.s32 s3, s2  }
0x8d: {  	s2 =	sadd.s32 s2, s16  }
0x8e: {  	[smem:$0x3FC0] =	sst s2  }
0x8f: {  	_ = 	snop  }
0x90: {  	(tm) =	ssettm $0x1  }
0x91: {  	s17 =	sld [smem:$0x3FFB];
	_ =	sdelay $0x3  }
0x92: {  	_ =	strace s17  }
0x93: {  	s2 =	sld [smem:$0x3FFC];
	_ =	sdelay $0x3  }
0x94: {  	_ =	strace s2  }
0x95: {  	s2 =	sld [smem:$0x3FFD];
	_ =	sdelay $0x3  }
0x96: {  	_ =	strace s2  }
0x97: {  	_ =	strace $0x8FFFFFFF  }
0x98: {  	s18 =	sld [smem:$0x3FDB];
	_ =	sdelay $0x1  }
0x99: {  	s19 =	simm.s32 $_scs_section_size  }
0x9a: {  	s4 =	simm.s32 $_size__tile_overlayer_lowered;
	s5 =	simm.s32 $_tile_overlayer_lowered  }
0x9b: {  	s22 =	simm.s32 $0x1BFF;
	s21 =	sshll.u32 s5, $0x1;
	s2 =	sadd.s32 s19, s18  }
0x9c: {  	s6 =	simm.s32 $0x0;
	s20 =	sshll.u32 s4, $0x1;
	s4 =	sadd.s32 s21, s2  }
0x9d: {  	[timem:s6], [sflag:s22] =	dma.local [hbm:s4], s20  }
0x9e: {  	_ =	swait.ge [sflag:s22], s20  }
0x9f: {  	s3 =	ssub.s32 $0x0, s20;
	[sflag:s22] =	ssyncset.done $0x0  }
0xa0: {  	[sflag:s22] =	ssyncadd.s32 s3;
	_ =	sdelay $0x1  }
0xa1: {  	s23 =	simm.s32 $0x1B8B  }
0xa2: {  	_ =	swait.ge [sflag:s23], $0x1  }
0xa3: {  	[sflag:s23] =	ssyncset.done $0x0  }
0xa4: {  	s25 =	simm.s32 $0x1B8E;
	s24 =	sld [smem:$0x3FFE];
	[sflag:s23] =	ssyncadd.s32 $0xFFFFFFFF  }
0xa5: {  	s26 =	simm.s32 $execute0_lowered;
	[smem:$0x3FD2] =	sst s25  }
0xa6: {  	s4 =	sshll.u32 s26, $0x1;
	_ =	strace $0x8000004F;
	[dreg:$0x1] =	wrdreg $0xFFFFFFFF  }
0xa7: {  	s28 =	simm.s32 $_size_execute0_lowered;
	s2 =	sadd.s32 s2, s4;
	[dreg:$0x0] =	wrdreg $0x0  }
0xa8: {  	s4 =	sshll.u32 s28, $0x1;
	[dreg:$0x2] =	wrdreg s2  }
0xa9: {  	[dreg:$0x3] =	wrdreg s4  }
0xaa: {  	[dreg:$0x4] =	wrdreg $0xC0  }
0xab: {  	_ =	task [dreg:s6], $0x5FFFF  }
0xac: {  	[dreg:$0x1] =	wrdreg $0xFFFFFFFF  }
0xad: {  	[dreg:$0x0] =	wrdreg $0x60  }
0xae: {  	[dreg:$0x2] =	wrdreg s24  }
0xaf: {  	[dreg:$0x3] =	wrdreg $0x86000  }
0xb0: {  	[dreg:$0x4] =	wrdreg $0x9  }
0xb1: {  	_ =	task.clear_ibuf [dreg:s6], $0x5FFFF;
	_ =	strace $0x9000004F  }
0xb2: {  	s29 =	simm.s32 $0x9;
	_ =	strace $0x80000051  }
0xb3: {  	_ =	swait.ge [sflag:s29], $0x1  }
0xb4: {  	[sflag:s29] =	ssyncadd.s32 $0xFFFFFFFF  }
0xb5: {  	_ =	strace $0x90000051  }
0xb6: {  	_ =	sfence  }
0xb7: {  	s30 =	sld [smem:$0x0];
	_ =	sdelay $0x2  }
0xb8: {  	s31 =	sshll.u32 s1, $0xD;
	s1 =	sshrl.u32 s1, $0x2  }
0xb9: {  	s3 =	sand.u32 $0x4000, s31;
	s1 =	sadd.s32 s1, s30  }
0xba: {  	s0 =	sor.u32 s3, s0;
	s1 =	sshll.u32 s1, $0x11  }
0xbb: {  	s0 =	sor.u32 s1, s0  }
0xbc: {  	s0 =	sadd.s32 $0x8F2B, s0  }
0xbd: {  	[sflag:s0] =	ssyncadd.remote.s32 $0x1  }
0xbe: {  	_ =	sfence.sel $0xFFFF  }
0xbf: {  	[dreg:$0x0] =	wrdreg $0xFFFFFFFF;
	(pc) =	sbr.abs _section_cstart, $3  }
0xc0: {  	[dreg:$0x1] =	wrdreg $0xFFFFFFFF  }
0xc1: {  	_ =	task.clear_ibuf [dreg:s6], $0x2FFFF;
	_ =	strace $0x9FFFFFFF  }
0xc2: {  	(tm) =	ssettm $0x7FFFFFFF  }
0xc3: {  	_ =	shalt  }
tec
execute0_lowered:
.L_overlay_start_1:
0x0: {  	(tag) =	ssettag $0x1  }
0x1: {  	s0 =	rddreg [dreg:$0x0]  }
0x2: {  	s1 =	rddreg [dreg:$0x1];
	s17 =	simm.s32 $0x0;
	s2 =	srdreg.scid  }
0x3: {  	s11 =	stileid.u32;
	s28 =	simm.s32 $0x5;
	s29 =	simm.s32 $0x2  }
0x4: {  	s30 =	simm.s32 $0x4600;
	s31 =	simm.s32 $0x180;
	[smem:$0x7FF] =	sst s17  }
0x5: {  	s3 =	sadd.s32 $0x17A00, s0;
	s5 =	sadd.s32 $0x40A00, s0;
	s6 =	sadd.s32 $0xD200, s0  }
0x6: {  	s2 =	sand.u32 $0x1, s2;
	s7 =	sadd.s32 $0x2A00, s0;
	s9 =	smul.u32 $0x50000, s11  }
0x7: {  	s0 =	sadd.s32 $0x4B200, s0;
	s25 =	smul.u32 $0x14000, s11;
	s4 =	sshll.u32 s2, $0x4  }
0x8: {  	_ =	strace $0x80000050;
	s8 =	ssub.s32 $0x2, s2;
	s4 =	sor.u32 s11, s4  }
0x9: {  	s10 =	sshrl.u32 s8, $0x1;
	s9 =	sshrl.u32 s9, $0x2;
	s4 =	smul.u32 $0x2A00, s4  }
0xa: {  	s2 =	smul.u32 $0x140000, s2;
	s8 =	ssub.s32 s8, s10;
	s19 =	sadd.s32 s9, s1  }
0xb: {  	s9 =	smax.u32 s8, $0x1;
	[dreg:$0x4] =	wrdreg s19;
	s26 =	sshrl.u32 s4, $0x3  }
0xc: {  	s11 =	sadd.s32 $0x4000, s25;
	[dreg:$0x15] =	wrdreg s9;
	s13 =	sadd.s32 s5, s26  }
0xd: {  	s10 =	sadd.s32 $0x10000, s25;
	s14 =	sadd.s32 s6, s26;
	[dreg:$0x5] =	wrdreg s13  }
0xe: {  	s12 =	sor.u32 $0x10, s26;
	s22 =	sadd.s32 s7, s26;
	[dreg:$0x6] =	wrdreg s14  }
0xf: {  	s23 =	sor.u32 $0x20, s26;
	s26 =	sor.u32 $0x180, s4;
	[dreg:$0xf] =	wrdreg s22  }
0x10: {  	s8 =	simm.s32 $0x8;
	s15 =	sadd.s32 s5, s12;
	[dreg:$0x13] =	wrdreg s26  }
0x11: {  	s9 =	simm.s32 $0x6;
	s20 =	sadd.s32 s6, s12;
	[dreg:$0x7] =	wrdreg s15  }
0x12: {  	s13 =	sadd.s32 s2, s25;
	s21 =	sadd.s32 s7, s12;
	[dreg:$0xd] =	wrdreg s20  }
0x13: {  	s14 =	sadd.s32 s2, s11;
	s24 =	sadd.s32 s5, s23;
	[dreg:$0xe] =	wrdreg s21  }
0x14: {  	s26 =	sadd.s32 $0x300, s4;
	s22 =	sadd.s32 $0x8000, s19;
	[dreg:$0x10] =	wrdreg s24  }
0x15: {  	s12 =	sadd.s32 s11, s1;
	s21 =	sadd.s32 $0x4000, s19;
	[dreg:$0x1b] =	wrdreg s22  }
0x16: {  	s13 =	sshrl.u32 s13, $0x3;
	s24 =	sadd.s32 $0x10000, s19;
	[dreg:$0x1a] =	wrdreg s21  }
0x17: {  	s14 =	sshrl.u32 s14, $0x3;
	s13 =	sadd.s32 s0, s13;
	[dreg:$0x1d] =	wrdreg s24  }
0x18: {  	s11 =	simm.s32 $0x3;
	s15 =	sadd.s32 s0, s14;
	[dreg:$0x8] =	wrdreg s13  }
0x19: {  	s22 =	simm.s32 $0x4;
	[dreg:$0x9] =	wrdreg s15;
	s13 =	sadd.s32 $0x8000, s25  }
0x1a: {  	s15 =	sadd.s32 $0xC000, s25;
	s25 =	sadd.s32 s6, s23;
	s16 =	sadd.s32 s2, s13  }
0x1b: {  	[dreg:$0x11] =	wrdreg s25;
	s13 =	sadd.s32 s13, s1;
	s14 =	sshrl.u32 s16, $0x3  }
0x1c: {  	s16 =	sadd.s32 s2, s15;
	s2 =	sadd.s32 s2, s10;
	s14 =	sadd.s32 s0, s14  }
0x1d: {  	s18 =	sshrl.u32 s16, $0x3;
	s16 =	sshrl.u32 s13, $0x3;
	[dreg:$0xa] =	wrdreg s14  }
0x1e: {  	s2 =	sshrl.u32 s2, $0x3;
	s14 =	sadd.s32 s0, s18;
	[dreg:$0x17] =	wrdreg s16  }
0x1f: {  	s21 =	simm.s32 $0x500;
	s0 =	sadd.s32 s0, s2;
	[dreg:$0xb] =	wrdreg s14  }
0x20: {  	s25 =	sadd.s32 $0x280, s4;
	s2 =	sadd.s32 $0x200, s4;
	[dreg:$0xc] =	wrdreg s0  }
0x21: {  	s16 =	simm.s32 $0x80;
	s0 =	sadd.s32 s7, s23;
	[dreg:$0x14] =	wrdreg s2  }
0x22: {  	s4 =	simm.s32 $0x580;
	s23 =	sadd.s32 $0xC000, s19;
	[dreg:$0x12] =	wrdreg s0  }
0x23: {  	s14 =	sadd.s32 s15, s1;
	s0 =	sshrl.u32 s12, $0x3;
	[dreg:$0x1c] =	wrdreg s23  }
0x24: {  	s15 =	sadd.s32 s10, s1;
	s18 =	sshrl.u32 s14, $0x3;
	[dreg:$0x16] =	wrdreg s0  }
0x25: {  	s10 =	simm.s32 $0x7;
	s20 =	sshrl.u32 s15, $0x3;
	[dreg:$0x18] =	wrdreg s18  }
0x26: {  	s12 =	simm.s32 $0x600;
	s15 =	simm.s32 $0x400;
	[dreg:$0x19] =	wrdreg s20  }
0x27: {  	v0 =	vimm.f32 $0.0e+00;
	s20 =	simm.s32 $0x9;
	s18 =	simm.s32 $0x480;
	s0 =	simm.s32 $0x380  }
.LBB2_1:
0x28: {  	[dreg:$0x3] =	wrdreg s17;
	s2 =	simm.s32 $0x0;
	s13 =	simm.s32 $0x200  }
.LBB2_2:
0x29: {  	p0 =	sne.s32 s13, $0xFE00;
	[tilespmem:s2+$0x670] =	vst v0  }
0x2a: {  	[tilespmem:s2+$0x600] =	vst v0  }
0x2b: {  	[tilespmem:s2+$0x610] =	vst v0  }
.Ltmp0:
0x2c: {  	[tilespmem:s2+$0x620] =	vst v0;
	(pc) =	sbr.rel @p0 .LBB2_2-.Ltmp0, $4  }
0x2d: {  	[tilespmem:s2+$0x630] =	vst v0  }
0x2e: {  	[tilespmem:s2+$0x640] =	vst v0  }
0x2f: {  	[tilespmem:s2+$0x650] =	vst v0  }
0x30: {  	[tilespmem:s2+$0x660] =	vst v0;
	s2 =	sshra.s32 s13, $0x2;
	s13 =	sadd.s32 $0x200, s13  }
0x31: {  	[tilespmem:s2+$0x670] =	vst v0  }
0x32: {  	[tilespmem:s2+$0x600] =	vst v0  }
0x33: {  	[tilespmem:s2+$0x610] =	vst v0  }
0x34: {  	[tilespmem:s2+$0x620] =	vst v0  }
0x35: {  	[tilespmem:s2+$0x630] =	vst v0  }
0x36: {  	[tilespmem:s2+$0x640] =	vst v0  }
0x37: {  	[tilespmem:s2+$0x650] =	vst v0  }
0x38: {  	[tilespmem:s2+$0x660] =	vst v0  }
0x39: {  	[spmem:s19] =	stream.linear.scatter [tilespmem:s12], [sflag:$0x9], $0x4000, $0x38;
	[tilespmem:$0x1C600] =	vst v63  }
0x3a: {  	_ =	swait.ge [sflag:s20], $0x4000  }
0x3b: {  	[sflag:s20] =	ssyncset.done $0x0  }
0x3c: {  	s14 =	rddreg [dreg:$0x1a];
	[sflag:s20] =	ssyncadd.s32 $0xFFFFC000  }
0x3d: {  	[spmem:s14] =	stream.linear.scatter [tilespmem:s12], [sflag:$0x9], $0x4000, $0x38;
	[tilespmem:$0x1C600] =	vst v63  }
0x3e: {  	_ =	swait.ge [sflag:s20], $0x4000  }
0x3f: {  	[sflag:s20] =	ssyncset.done $0x0  }
0x40: {  	s17 =	rddreg [dreg:$0x1b];
	[sflag:s20] =	ssyncadd.s32 $0xFFFFC000  }
0x41: {  	[spmem:s17] =	stream.linear.scatter [tilespmem:s12], [sflag:$0x9], $0x4000, $0x38;
	[tilespmem:$0x1C600] =	vst v63  }
0x42: {  	_ =	swait.ge [sflag:s20], $0x4000  }
0x43: {  	[sflag:s20] =	ssyncset.done $0x0  }
0x44: {  	s19 =	rddreg [dreg:$0x1c];
	[sflag:s20] =	ssyncadd.s32 $0xFFFFC000  }
0x45: {  	[spmem:s19] =	stream.linear.scatter [tilespmem:s12], [sflag:$0x9], $0x4000, $0x38;
	[tilespmem:$0x1C600] =	vst v63  }
0x46: {  	_ =	swait.ge [sflag:s20], $0x4000  }
0x47: {  	[sflag:s20] =	ssyncset.done $0x0  }
0x48: {  	s23 =	rddreg [dreg:$0x1d];
	[sflag:s20] =	ssyncadd.s32 $0xFFFFC000  }
0x49: {  	[spmem:s23] =	stream.linear.scatter [tilespmem:s12], [sflag:$0x9], $0x4000, $0x38;
	[tilespmem:$0x1C600] =	vst v63  }
0x4a: {  	_ =	swait.ge [sflag:s20], $0x4000  }
0x4b: {  	[sflag:s20] =	ssyncset.done $0x0  }
0x4c: {  	[sflag:s20] =	ssyncadd.s32 $0xFFFFC000  }
0x4d: {  	[bflag:$0x0] =	sbarrier.arrive $0xFFFF  }
0x4e: {  	s2 =	simm.s32 $0x0;
	s13 =	rddreg [dreg:$0x5]  }
0x4f: {  	[tilespmem:s2], [sflag:$0x1] =	stream.linear.gather [hbm4b:s13+s2], $0x80, $0x38;
	[tilespmem:$0x1C600] =	vst v63  }
0x50: {  	s14 =	simm.s32 $0x200;
	s24 =	rddreg [dreg:$0x6]  }
0x51: {  	[tilespmem:s14], [sflag:$0x1] =	stream.linear.gather [hbm4b:s24+s2], $0x80, $0x38;
	[tilespmem:$0x1C600] =	vst v63  }
0x52: {  	s17 =	rddreg [dreg:$0xf]  }
0x53: {  	[tilespmem:s15], [sflag:$0x1] =	stream.linear.gather [hbm4b:s17+s2], $0x80, $0x38;
	[tilespmem:$0x1C600] =	vst v63  }
0x54: {  	s19 =	rddreg [dreg:$0x7]  }
0x55: {  	[tilespmem:s16], [sflag:$0x2] =	stream.linear.gather [hbm4b:s19+s2], $0x80, $0x38;
	[tilespmem:$0x1C600] =	vst v63  }
0x56: {  	s23 =	simm.s32 $0x280;
	s20 =	rddreg [dreg:$0xd]  }
0x57: {  	[tilespmem:s23], [sflag:$0x2] =	stream.linear.gather [hbm4b:s20+s2], $0x80, $0x38;
	[tilespmem:$0x1C600] =	vst v63  }
0x58: {  	s24 =	rddreg [dreg:$0xe]  }
0x59: {  	[tilespmem:s18], [sflag:$0x2] =	stream.linear.gather [hbm4b:s24+s2], $0x80, $0x38;
	[tilespmem:$0x1C600] =	vst v63  }
0x5a: {  	s14 =	rddreg [dreg:$0x10];
	s17 =	simm.s32 $0x100  }
0x5b: {  	[tilespmem:s17], [sflag:$0x3] =	stream.linear.gather [hbm4b:s14+s2], $0x80, $0x38;
	[tilespmem:$0x1C600] =	vst v63  }
0x5c: {  	s19 =	rddreg [dreg:$0x11];
	s20 =	simm.s32 $0x300  }
0x5d: {  	[tilespmem:s20], [sflag:$0x3] =	stream.linear.gather [hbm4b:s19+s2], $0x80, $0x38;
	[tilespmem:$0x1C600] =	vst v63  }
0x5e: {  	s23 =	rddreg [dreg:$0x12];
	s24 =	simm.s32 $0x1  }
0x5f: {  	[tilespmem:s21], [sflag:$0x3] =	stream.linear.gather [hbm4b:s23+s2], $0x80, $0x38;
	[tilespmem:$0x1C600] =	vst v63  }
0x60: {  	_ =	swait.ge [sflag:s24], $0x80  }
0x61: {  	[sflag:s24] =	ssyncset.done $0x0  }
0x62: {  	[sflag:s24] =	ssyncadd.s32 $0xFFFFFF80  }
0x63: {  	_ =	swait.ge [sflag:s24], $0x80  }
0x64: {  	[sflag:s24] =	ssyncset.done $0x0  }
0x65: {  	[sflag:s24] =	ssyncadd.s32 $0xFFFFFF80  }
0x66: {  	_ =	swait.ge [sflag:s24], $0x80  }
0x67: {  	[sflag:s24] =	ssyncset.done $0x0  }
0x68: {  	s13 =	simm.s32 $0x0;
	[sflag:s24] =	ssyncadd.s32 $0xFFFFFF80  }
0x69: {  	[tilespmem:s12], [sflag:$0x5] =	stream.indirect.gather [hbm4b:s3+s16], $0x80, s2, s16, $0xb8;
	[tilespmem:$0x1C600] =	vst v63  }
.LBB2_4:
0x6a: {  	_ =	swait.ge [sflag:s28], $0x4000  }
0x6b: {  	p0 =	seq.s32 s13, $0x0;
	[sflag:s28] =	ssyncset.done $0x0  }
0x6c: {  	s14 =	simm.s32 @!p0 $0x8;
	[sflag:s28] =	ssyncadd.s32 $0xFFFFC000  }
0x6d: {  	_ =	swait.ge @!p0 [sflag:s14], $0x4000  }
0x6e: {  	[sflag:s14] =	ssyncset.done @!p0 $0x0  }
0x6f: {  	[sflag:s14] =	ssyncadd.s32 @!p0 $0xFFFFC000  }
0x70: {  	_ =	swait.ge [sflag:s29], $0x80  }
0x71: {  	[sflag:s29] =	ssyncset.done $0x0  }
0x72: {  	[sflag:s29] =	ssyncadd.s32 $0xFFFFFF80  }
0x73: {  	_ =	swait.ge [sflag:s29], $0x80  }
0x74: {  	[sflag:s29] =	ssyncset.done $0x0  }
0x75: {  	[sflag:s29] =	ssyncadd.s32 $0xFFFFFF80  }
0x76: {  	_ =	swait.ge [sflag:s29], $0x80  }
0x77: {  	s14 =	sshll.u32 s13, $0x9;
	[sflag:s29] =	ssyncset.done $0x0;
	s17 =	rddreg [dreg:$0x13]  }
0x78: {  	s19 =	simm.s32 $0x2;
	[sflag:s29] =	ssyncadd.s32 $0xFFFFFF80;
	s17 =	sadd.s32 s14, s17  }
0x79: {  	v1 =	vmov s2;
	[tilespmem:s30], [sflag:$0x6] =	stream.indirect.gather [hbm4b:s3+s16], $0x80, s16, s16, $0xb8;
	[tilespmem:$0x1C600] =	vst v63  }
0x7a: {  	v1 =	vand.u32 $0xFFFFFFFC, v1;
	v2 =	vmov s19;
	s17 =	sshrl.u32 s17, $0x3  }
0x7b: {  	v1 =	vbroadcast v1, $0x0;
	v2 =	vand.u32 $0xFFFFFFFE, v2;
	s20 =	sadd.s32 s5, s17  }
0x7c: {  	v2 =	vbroadcast v2, $0x0;
	[tilespmem:s31], [sflag:$0x4] =	stream.linear.gather [hbm4b:s20+s2], $0x80, $0x38;
	[tilespmem:$0x1C600] =	vst v63  }
0x7d: {  	s23 =	sadd.s32 s6, s17  }
0x7e: {  	[tilespmem:s0], [sflag:$0x4] =	stream.linear.gather [hbm4b:s23+s2], $0x80, $0x38;
	[tilespmem:$0x1C600] =	vst v63  }
0x7f: {  	s17 =	sadd.s32 s7, s17  }
0x80: {  	[tilespmem:s4], [sflag:$0x4] =	stream.linear.gather [hbm4b:s17+s2], $0x80, $0x38;
	[tilespmem:$0x1C600] =	vst v63  }
0x81: {  	v1 =	vld.idx.msk [tilespmem:v1+s15+$0x0], $0xffff  }
0x82: {  	s24 =	simm.s32 $0x1;
	s17 =	simm.s32 $0x700;
	v2 =	vld.idx.msk [tilespmem:v2+s15+$0x0], $0xffff  }
0x83: {  	v3 =	vmov s24;
	v4 =	vld [tilespmem:s17+$0x70]  }
0x84: {  	v3 =	vand.u32 $0xFFFFFFFD, v3;
	v5 =	vld [tilespmem:s17+$0xFFFFFF00]  }
0x85: {  	v3 =	vbroadcast v3, $0x0;
	v6 =	vld [tilespmem:s17+$0xFFFFFF10]  }
0x86: {  	v7 =	vld [tilespmem:s17+$0xFFFFFF20]  }
0x87: {  	v8 =	vld [tilespmem:s17+$0xFFFFFF30]  }
0x88: {  	v9 =	vld [tilespmem:s17+$0xFFFFFF40]  }
0x89: {  	v10 =	vld [tilespmem:s17+$0xFFFFFF50]  }
0x8a: {  	v11 =	vld [tilespmem:s17+$0xFFFFFF60];
	v5 =	vmul.f32 v5, v1  }
0x8b: {  	v3 =	vld.idx.msk [tilespmem:v3+s15+$0x0], $0xffff;
	v4 =	vmul.f32 v4, v2  }
0x8c: {  	v13 =	vld [tilespmem:s17+$0x40];
	[tilespmem:s17+$0xFFFFFF00] =	vst v5;
	v5 =	vmul.f32 v6, v1  }
0x8d: {  	v6 =	vld [tilespmem:s17+$0xFFFFFF70];
	[tilespmem:s17+$0x70] =	vst v4;
	v4 =	vmul.f32 v7, v1  }
0x8e: {  	v7 =	vld [tilespmem:s17+$0xFFFFFF80];
	[tilespmem:s17+$0xFFFFFF10] =	vst v5;
	v5 =	vmul.f32 v8, v1  }
0x8f: {  	v8 =	vld [tilespmem:s17+$0xFFFFFF90];
	[tilespmem:s17+$0xFFFFFF20] =	vst v4;
	v4 =	vmul.f32 v9, v1  }
0x90: {  	v9 =	vld [tilespmem:s17+$0xFFFFFFA0];
	[tilespmem:s17+$0xFFFFFF30] =	vst v5;
	v5 =	vmul.f32 v10, v1  }
0x91: {  	v10 =	vld [tilespmem:s17+$0xFFFFFFB0];
	[tilespmem:s17+$0xFFFFFF40] =	vst v4;
	v4 =	vmul.f32 v11, v1  }
0x92: {  	v11 =	vld [tilespmem:s17+$0xFFFFFFC0];
	v6 =	vmul.f32 v6, v1;
	[tilespmem:s17+$0xFFFFFF50] =	vst v5  }
0x93: {  	v5 =	vmul.f32 v7, v3;
	v7 =	vld [tilespmem:s17+$0xFFFFFFD0];
	[tilespmem:s17+$0xFFFFFF60] =	vst v4  }
0x94: {  	s20 =	simm.s32 $0x3;
	v4 =	vld [tilespmem:s17+$0xFFFFFFE0];
	v8 =	vmul.f32 v8, v3;
	[tilespmem:s17+$0xFFFFFF70] =	vst v6  }
0x95: {  	v12 =	vmov s20;
	v6 =	vld [tilespmem:s17+$0xFFFFFFF0];
	[tilespmem:s17+$0xFFFFFF80] =	vst v5;
	v5 =	vmul.f32 v9, v3  }
0x96: {  	v9 =	vld [tilespmem:s17+$0x0];
	[tilespmem:s17+$0xFFFFFF90] =	vst v8;
	v8 =	vmul.f32 v10, v3  }
0x97: {  	v10 =	vld [tilespmem:s17+$0x10];
	[tilespmem:s17+$0xFFFFFFA0] =	vst v5;
	v5 =	vmul.f32 v11, v3  }
0x98: {  	[tilespmem:s17+$0xFFFFFFB0] =	vst v8;
	v7 =	vmul.f32 v7, v3;
	v8 =	vld [tilespmem:s17+$0x20]  }
0x99: {  	v11 =	vld [tilespmem:s17+$0x30];
	v4 =	vmul.f32 v4, v3;
	[tilespmem:s17+$0xFFFFFFC0] =	vst v5  }
0x9a: {  	v1 =	vld.idx.msk [tilespmem:v12+s15+$0x0], $0xffff;
	v3 =	vmul.f32 v6, v3;
	[tilespmem:s17+$0xFFFFFFD0] =	vst v7  }
0x9b: {  	[tilespmem:s17+$0xFFFFFFE0] =	vst v4;
	v5 =	vmul.f32 v9, v2;
	v4 =	vld [tilespmem:s17+$0x50]  }
0x9c: {  	s23 =	simm.s32 $0x4;
	[tilespmem:s17+$0xFFFFFFF0] =	vst v3;
	v6 =	vmul.f32 v10, v2;
	v3 =	vld [tilespmem:s17+$0x60]  }
0x9d: {  	s24 =	simm.s32 $0x7;
	v7 =	vmov s23;
	[tilespmem:s17+$0x0] =	vst v5;
	v9 =	vmul.f32 v8, v2;
	v8 =	vld [tilespmem:s17+$0x80]  }
0x9e: {  	s20 =	simm.s32 $0x5;
	v12 =	vand.u32 $0xFFFFFFFC, v7;
	v7 =	vld [tilespmem:s17+$0x90];
	v5 =	vmov s24;
	v10 =	vmul.f32 v11, v2;
	[tilespmem:s17+$0x10] =	vst v6  }
0x9f: {  	s19 =	simm.s32 $0x700;
	s23 =	simm.s32 $0x6;
	v11 =	vmul.f32 v13, v2;
	v6 =	vbroadcast v12, $0x0;
	v12 =	vmov s20;
	s20 =	simm.s32 $0x8;
	[tilespmem:s17+$0x20] =	vst v9;
	v9 =	vld [tilespmem:s17+$0xA0]  }
.LBB2_5:
0xa0: {  	p0 =	slt.u32 s20, $0x7C;
	v12 =	vand.u32 $0xFFFFFFFD, v12;
	v13 =	vmov s23;
	[tilespmem:s17+$0x30] =	vst v10;
	v4 =	vmul.f32 v4, v2;
	v10 =	vld [tilespmem:s17+$0xB0]  }
0xa1: {  	v12 =	vbroadcast v12, $0x0;
	v13 =	vand.u32 $0xFFFFFFFE, v13;
	[tilespmem:s17+$0x40] =	vst v11;
	v2 =	vmul.f32 v3, v2;
	v3 =	vld [tilespmem:s17+$0xC0]  }
0xa2: {  	v11 =	vbroadcast v13, $0x0;
	[tilespmem:s17+$0x50] =	vst v4;
	v4 =	vmul.f32 v8, v1;
	v8 =	vld [tilespmem:s17+$0xD0]  }
0xa3: {  	[tilespmem:s17+$0x60] =	vst v2;
	v2 =	vmul.f32 v7, v1;
	v7 =	vld [tilespmem:s17+$0xE0]  }
0xa4: {  	[tilespmem:s17+$0x80] =	vst v4;
	v4 =	vmul.f32 v9, v1;
	v9 =	vld [tilespmem:s17+$0xF0]  }
0xa5: {  	v5 =	vld.idx.msk [tilespmem:v5+s15+$0x0], $0xffff;
	[tilespmem:s17+$0x90] =	vst v2;
	v2 =	vmul.f32 v10, v1  }
0xa6: {  	v6 =	vld.idx.msk [tilespmem:v6+s15+$0x0], $0xffff;
	[tilespmem:s17+$0xA0] =	vst v4;
	v3 =	vmul.f32 v3, v1  }
0xa7: {  	v4 =	vld.idx.msk [tilespmem:v12+s15+$0x0], $0xffff;
	[tilespmem:s17+$0xB0] =	vst v2;
	v8 =	vmul.f32 v8, v1  }
0xa8: {  	s17 =	sadd.s32 $0x200, s17;
	v2 =	vld.idx.msk [tilespmem:v11+s15+$0x0], $0xffff;
	[tilespmem:s19+$0xC0] =	vst v3;
	v3 =	vmul.f32 v7, v1  }
0xa9: {  	v7 =	vld [tilespmem:s17+$0x70];
	[tilespmem:s19+$0xD0] =	vst v8;
	v9 =	vmul.f32 v9, v1  }
0xaa: {  	v8 =	vld [tilespmem:s17+$0xFFFFFF00];
	[tilespmem:s19+$0xE0] =	vst v3  }
0xab: {  	v1 =	vmov v5;
	v3 =	vld [tilespmem:s17+$0xFFFFFF10];
	[tilespmem:s19+$0xF0] =	vst v9;
	s19 =	smov.u32 s17  }
0xac: {  	v5 =	vld [tilespmem:s17+$0xFFFFFF20]  }
0xad: {  	v9 =	vld [tilespmem:s17+$0xFFFFFF30]  }
0xae: {  	v10 =	vld [tilespmem:s17+$0xFFFFFF40];
	v7 =	vmul.f32 v7, v2  }
0xaf: {  	v8 =	vmul.f32 v8, v6;
	v11 =	vld [tilespmem:s17+$0xFFFFFF50]  }
0xb0: {  	v3 =	vmul.f32 v3, v6;
	v12 =	vld [tilespmem:s17+$0xFFFFFF60];
	[tilespmem:s17+$0x70] =	vst v7  }
0xb1: {  	[tilespmem:s17+$0xFFFFFF00] =	vst v8;
	v5 =	vmul.f32 v5, v6;
	v7 =	vld [tilespmem:s17+$0xFFFFFF70]  }
0xb2: {  	[tilespmem:s17+$0xFFFFFF10] =	vst v3;
	v3 =	vmul.f32 v9, v6;
	v8 =	vld [tilespmem:s17+$0xFFFFFF80]  }
0xb3: {  	[tilespmem:s17+$0xFFFFFF20] =	vst v5;
	v5 =	vmul.f32 v10, v6;
	v9 =	vld [tilespmem:s17+$0xFFFFFF90]  }
0xb4: {  	[tilespmem:s17+$0xFFFFFF30] =	vst v3;
	v3 =	vmul.f32 v11, v6;
	v10 =	vld [tilespmem:s17+$0xFFFFFFA0]  }
0xb5: {  	[tilespmem:s17+$0xFFFFFF40] =	vst v5;
	v5 =	vmul.f32 v12, v6;
	v11 =	vld [tilespmem:s17+$0xFFFFFFB0]  }
0xb6: {  	[tilespmem:s17+$0xFFFFFF50] =	vst v3;
	v3 =	vmul.f32 v7, v6;
	v6 =	vld [tilespmem:s17+$0xFFFFFFC0]  }
0xb7: {  	[tilespmem:s17+$0xFFFFFF60] =	vst v5;
	v5 =	vmul.f32 v8, v4;
	v7 =	vld [tilespmem:s17+$0xFFFFFFD0]  }
0xb8: {  	[tilespmem:s17+$0xFFFFFF70] =	vst v3;
	v3 =	vmul.f32 v9, v4;
	v8 =	vld [tilespmem:s17+$0xFFFFFFE0]  }
0xb9: {  	[tilespmem:s17+$0xFFFFFF80] =	vst v5;
	v5 =	vmul.f32 v10, v4;
	v9 =	vld [tilespmem:s17+$0xFFFFFFF0]  }
0xba: {  	[tilespmem:s17+$0xFFFFFF90] =	vst v3;
	v3 =	vmul.f32 v11, v4;
	v10 =	vld [tilespmem:s17+$0x0]  }
0xbb: {  	[tilespmem:s17+$0xFFFFFFA0] =	vst v5;
	v5 =	vmul.f32 v6, v4;
	v6 =	vld [tilespmem:s17+$0x10]  }
0xbc: {  	[tilespmem:s17+$0xFFFFFFB0] =	vst v3;
	v3 =	vmul.f32 v7, v4;
	v7 =	vld [tilespmem:s17+$0x20]  }
0xbd: {  	[tilespmem:s17+$0xFFFFFFC0] =	vst v5;
	v5 =	vmul.f32 v8, v4;
	v11 =	vld [tilespmem:s17+$0x30]  }
0xbe: {  	[tilespmem:s17+$0xFFFFFFD0] =	vst v3;
	v3 =	vmul.f32 v9, v4;
	v9 =	vld [tilespmem:s17+$0x40]  }
.Ltmp1:
0xbf: {  	[tilespmem:s17+$0xFFFFFFE0] =	vst v5;
	v5 =	vmul.f32 v10, v2;
	v4 =	vld [tilespmem:s17+$0x50];
	(pc) =	sbr.rel @p0 .LBB2_5-.Ltmp1, $4  }
0xc0: {  	[tilespmem:s17+$0xFFFFFFF0] =	vst v3;
	v6 =	vmul.f32 v6, v2;
	v3 =	vld [tilespmem:s17+$0x60]  }
0xc1: {  	s23 =	sadd.s32 $0x3, s20;
	v10 =	vmov s20;
	[tilespmem:s17+$0x0] =	vst v5;
	v13 =	vmul.f32 v7, v2;
	v8 =	vld [tilespmem:s17+$0x80]  }
0xc2: {  	s24 =	sadd.s32 $0x1, s20;
	v12 =	vand.u32 $0xFFFFFFFC, v10;
	v5 =	vmov s23;
	[tilespmem:s17+$0x10] =	vst v6;
	v10 =	vmul.f32 v11, v2;
	v7 =	vld [tilespmem:s17+$0x90]  }
0xc3: {  	s23 =	sadd.s32 $0x2, s20;
	s20 =	sadd.s32 $0x4, s20;
	v6 =	vbroadcast v12, $0x0;
	v12 =	vmov s24;
	[tilespmem:s17+$0x20] =	vst v13;
	v11 =	vmul.f32 v9, v2;
	v9 =	vld [tilespmem:s17+$0xA0]  }
0xc4: {  	v13 =	vld [tilespmem:s17+$0xB0]  }
0xc5: {  	v15 =	vld [tilespmem:s17+$0xC0]  }
0xc6: {  	v14 =	vmov s23;
	v16 =	vld [tilespmem:s17+$0xD0]  }
0xc7: {  	v17 =	vld [tilespmem:s17+$0xE0];
	[tilespmem:s17+$0x30] =	vst v10;
	v4 =	vmul.f32 v4, v2;
	v14 =	vand.u32 $0xFFFFFFFE, v14  }
0xc8: {  	v12 =	vand.u32 $0xFFFFFFFD, v12;
	v5 =	vld.idx.msk [tilespmem:v5+s15+$0x0], $0xffff;
	[tilespmem:s17+$0x40] =	vst v11;
	v2 =	vmul.f32 v3, v2;
	v14 =	vbroadcast v14, $0x0  }
0xc9: {  	s20 =	sadd.s32 $0x200, s17;
	v12 =	vbroadcast v12, $0x0;
	v3 =	vld.idx.msk [tilespmem:v6+s15+$0x0], $0xffff;
	v8 =	vmul.f32 v8, v1;
	[tilespmem:s17+$0x50] =	vst v4  }
0xca: {  	v10 =	vld [tilespmem:s20+$0xFFFFFF00];
	v4 =	vmul.f32 v7, v1;
	[tilespmem:s17+$0x60] =	vst v2  }
0xcb: {  	[tilespmem:s17+$0x80] =	vst v8;
	v8 =	vld [tilespmem:s17+$0xF0];
	v2 =	vmul.f32 v9, v1  }
0xcc: {  	v11 =	vld [tilespmem:s20+$0xFFFFFF10];
	[tilespmem:s17+$0x90] =	vst v4;
	v4 =	vmul.f32 v13, v1  }
0xcd: {  	v9 =	vld [tilespmem:s20+$0x70];
	[tilespmem:s17+$0xA0] =	vst v2;
	v2 =	vmul.f32 v15, v1  }
0xce: {  	[tilespmem:s17+$0xB0] =	vst v4;
	v4 =	vmul.f32 v16, v1;
	v7 =	vld.idx.msk [tilespmem:v14+s15+$0x0], $0xffff  }
0xcf: {  	v6 =	vld.idx.msk [tilespmem:v12+s15+$0x0], $0xffff;
	[tilespmem:s19+$0xC0] =	vst v2;
	v2 =	vmul.f32 v17, v1  }
0xd0: {  	v12 =	vld [tilespmem:s20+$0xFFFFFF20];
	[tilespmem:s19+$0xD0] =	vst v4;
	v1 =	vmul.f32 v8, v1  }
0xd1: {  	v4 =	vld [tilespmem:s20+$0xFFFFFF30];
	[tilespmem:s19+$0xE0] =	vst v2  }
0xd2: {  	v2 =	vld [tilespmem:s20+$0xFFFFFF40];
	[tilespmem:s19+$0xF0] =	vst v1;
	v1 =	vmul.f32 v10, v3  }
0xd3: {  	v8 =	vmul.f32 v9, v7;
	v9 =	vld [tilespmem:s20+$0xFFFFFF50]  }
0xd4: {  	v10 =	vmul.f32 v11, v3;
	v11 =	vld [tilespmem:s20+$0xFFFFFF60];
	[tilespmem:s20+$0xFFFFFF00] =	vst v1  }
0xd5: {  	v1 =	vmul.f32 v12, v3;
	[tilespmem:s20+$0x70] =	vst v8;
	v8 =	vld [tilespmem:s20+$0xFFFFFF70]  }
0xd6: {  	[tilespmem:s20+$0xFFFFFF10] =	vst v10;
	v10 =	vld [tilespmem:s20+$0xFFFFFF80];
	v4 =	vmul.f32 v4, v3  }
0xd7: {  	[tilespmem:s20+$0xFFFFFF20] =	vst v1;
	v1 =	vmul.f32 v2, v3;
	v2 =	vld [tilespmem:s20+$0xFFFFFF90]  }
0xd8: {  	[tilespmem:s20+$0xFFFFFF30] =	vst v4;
	v4 =	vmul.f32 v9, v3;
	v9 =	vld [tilespmem:s20+$0xFFFFFFA0]  }
0xd9: {  	[tilespmem:s20+$0xFFFFFF40] =	vst v1;
	v1 =	vmul.f32 v11, v3;
	v11 =	vld [tilespmem:s20+$0xFFFFFFB0]  }
0xda: {  	[tilespmem:s20+$0xFFFFFF50] =	vst v4;
	v3 =	vmul.f32 v8, v3;
	v4 =	vld [tilespmem:s20+$0xFFFFFFC0]  }
0xdb: {  	[tilespmem:s20+$0xFFFFFF60] =	vst v1;
	v1 =	vmul.f32 v10, v6;
	v8 =	vld [tilespmem:s20+$0xFFFFFFD0]  }
0xdc: {  	v2 =	vmul.f32 v2, v6;
	[tilespmem:s20+$0xFFFFFF70] =	vst v3;
	v3 =	vld [tilespmem:s20+$0xFFFFFFE0]  }
0xdd: {  	[tilespmem:s20+$0xFFFFFF80] =	vst v1;
	v1 =	vmul.f32 v9, v6;
	v9 =	vld [tilespmem:s20+$0xFFFFFFF0]  }
0xde: {  	v10 =	vld [tilespmem:s20+$0x0];
	[tilespmem:s20+$0xFFFFFF90] =	vst v2;
	v2 =	vmul.f32 v11, v6  }
0xdf: {  	[tilespmem:s20+$0xFFFFFFA0] =	vst v1;
	v1 =	vmul.f32 v4, v6;
	v4 =	vld [tilespmem:s20+$0x10]  }
0xe0: {  	[tilespmem:s20+$0xFFFFFFB0] =	vst v2;
	v2 =	vmul.f32 v8, v6;
	v8 =	vld [tilespmem:s20+$0x20]  }
0xe1: {  	[tilespmem:s20+$0xFFFFFFC0] =	vst v1;
	v1 =	vmul.f32 v3, v6;
	v3 =	vld [tilespmem:s20+$0x30]  }
0xe2: {  	[tilespmem:s20+$0xFFFFFFD0] =	vst v2;
	v2 =	vmul.f32 v9, v6;
	v6 =	vld [tilespmem:s20+$0x40]  }
0xe3: {  	v9 =	vld [tilespmem:s20+$0x50];
	[tilespmem:s20+$0xFFFFFFE0] =	vst v1;
	v1 =	vmul.f32 v10, v7  }
0xe4: {  	[tilespmem:s20+$0xFFFFFFF0] =	vst v2;
	v2 =	vmul.f32 v4, v7;
	v4 =	vld [tilespmem:s20+$0x60]  }
0xe5: {  	[tilespmem:s20+$0x0] =	vst v1;
	v1 =	vmul.f32 v8, v7;
	v8 =	vld [tilespmem:s20+$0x80]  }
0xe6: {  	[tilespmem:s20+$0x10] =	vst v2;
	v2 =	vmul.f32 v3, v7;
	v3 =	vld [tilespmem:s20+$0x90]  }
0xe7: {  	[tilespmem:s20+$0x20] =	vst v1;
	v1 =	vmul.f32 v6, v7;
	v6 =	vld [tilespmem:s20+$0xA0]  }
0xe8: {  	[tilespmem:s20+$0x30] =	vst v2;
	v2 =	vmul.f32 v9, v7;
	v9 =	vld [tilespmem:s20+$0xB0]  }
0xe9: {  	[tilespmem:s20+$0x40] =	vst v1;
	v1 =	vmul.f32 v4, v7;
	v4 =	vld [tilespmem:s20+$0xC0]  }
0xea: {  	v7 =	vld [tilespmem:s20+$0xD0];
	[tilespmem:s20+$0x50] =	vst v2;
	v2 =	vmul.f32 v8, v5  }
0xeb: {  	[tilespmem:s20+$0x60] =	vst v1;
	v1 =	vmul.f32 v3, v5;
	v3 =	vld [tilespmem:s20+$0xE0]  }
0xec: {  	[tilespmem:s20+$0x80] =	vst v2;
	v2 =	vmul.f32 v6, v5;
	v6 =	vld [tilespmem:s20+$0xF0]  }
0xed: {  	[tilespmem:s20+$0x90] =	vst v1;
	v1 =	vmul.f32 v9, v5  }
0xee: {  	[tilespmem:s20+$0xA0] =	vst v2;
	v2 =	vmul.f32 v4, v5  }
0xef: {  	[tilespmem:s20+$0xB0] =	vst v1;
	v1 =	vmul.f32 v7, v5  }
0xf0: {  	[tilespmem:s20+$0xC0] =	vst v2;
	v2 =	vmul.f32 v3, v5  }
0xf1: {  	[tilespmem:s20+$0xD0] =	vst v1;
	v1 =	vmul.f32 v6, v5  }
0xf2: {  	[tilespmem:s20+$0xE0] =	vst v2  }
0xf3: {  	[tilespmem:s20+$0xF0] =	vst v1;
	s20 =	simm.s32 $0x200  }
0xf4: {  	[spmem:s1] =	stream.indirect.scatter.add.f32 [tilespmem:s12], [sflag:$0x7], $0x80, s20, s16, $0xb8;
	[tilespmem:$0x1C600] =	vst v63  }
0xf5: {  	_ =	swait.ge [sflag:s9], $0x4000  }
0xf6: {  	[sflag:s9] =	ssyncset.done $0x0  }
0xf7: {  	[sflag:s9] =	ssyncadd.s32 $0xFFFFC000  }
0xf8: {  	_ =	swait.ge [sflag:s10], $0x4000  }
0xf9: {  	[sflag:s10] =	ssyncset.done $0x0  }
0xfa: {  	[sflag:s10] =	ssyncadd.s32 $0xFFFFC000  }
0xfb: {  	_ =	swait.ge [sflag:s11], $0x80  }
0xfc: {  	[sflag:s11] =	ssyncset.done $0x0  }
0xfd: {  	[sflag:s11] =	ssyncadd.s32 $0xFFFFFF80  }
0xfe: {  	_ =	swait.ge [sflag:s11], $0x80  }
0xff: {  	[sflag:s11] =	ssyncset.done $0x0  }
0x100: {  	[sflag:s11] =	ssyncadd.s32 $0xFFFFFF80  }
0x101: {  	s23 =	simm.s32 $0x100;
	p0 =	seq.s32 s13, $0x14;
	_ =	swait.ge [sflag:s11], $0x80  }
0x102: {  	s24 =	simm.s32 $0x0;
	[sflag:s11] =	ssyncset.done $0x0;
	s19 =	rddreg [dreg:$0x14]  }
0x103: {  	s20 =	simm.s32 $0x2;
	[sflag:s11] =	ssyncadd.s32 $0xFFFFFF80;
	s19 =	sadd.s32 @!p0 s14, s19  }
0x104: {  	v1 =	vmov s24;
	[tilespmem:s12], [sflag:$0x5] =	stream.indirect.gather [hbm4b:s3+s16], $0x80, s23, s16, $0xb8;
	[tilespmem:$0x1C600] =	vst v63  }
0x105: {  	v1 =	vand.u32 $0xFFFFFFFC, v1;
	v2 =	vmov s20;
	s19 =	sshrl.u32 @!p0 s19, $0x3  }
0x106: {  	s20 =	simm.s32 @!p0 $0x0;
	v1 =	vbroadcast v1, $0x0;
	v2 =	vand.u32 $0xFFFFFFFE, v2;
	s17 =	sadd.s32 @!p0 s5, s19  }
0x107: {  	v2 =	vbroadcast v2, $0x0;
	[tilespmem:s20], [sflag:$0x1] =	stream.linear.gather @!p0 [hbm4b:s17+s20], $0x80, $0x38;
	[tilespmem:$0x1C600] =	vst v63  }
0x108: {  	s23 =	simm.s32 @!p0 $0x200;
	s17 =	sadd.s32 @!p0 s6, s19  }
0x109: {  	[tilespmem:s23], [sflag:$0x1] =	stream.linear.gather @!p0 [hbm4b:s17+s20], $0x80, $0x38;
	[tilespmem:$0x1C600] =	vst v63  }
0x10a: {  	s17 =	sadd.s32 @!p0 s7, s19;
	s19 =	simm.s32 @!p0 $0x400  }
0x10b: {  	[tilespmem:s19], [sflag:$0x1] =	stream.linear.gather @!p0 [hbm4b:s17+s20], $0x80, $0x38;
	[tilespmem:$0x1C600] =	vst v63  }
0x10c: {  	v1 =	vld.idx.msk [tilespmem:v1+s18+$0x0], $0xffff  }
0x10d: {  	s17 =	simm.s32 $0x4700;
	v2 =	vld.idx.msk [tilespmem:v2+s18+$0x0], $0xffff  }
0x10e: {  	s23 =	simm.s32 $0x1;
	v4 =	vld [tilespmem:s17+$0x70]  }
0x10f: {  	v3 =	vmov s23;
	v5 =	vld [tilespmem:s17+$0xFFFFFF00]  }
0x110: {  	v3 =	vand.u32 $0xFFFFFFFD, v3;
	v6 =	vld [tilespmem:s17+$0xFFFFFF10]  }
0x111: {  	v3 =	vbroadcast v3, $0x0;
	v7 =	vld [tilespmem:s17+$0xFFFFFF20]  }
0x112: {  	v8 =	vld [tilespmem:s17+$0xFFFFFF30]  }
0x113: {  	v9 =	vld [tilespmem:s17+$0xFFFFFF40]  }
0x114: {  	v10 =	vld [tilespmem:s17+$0xFFFFFF50]  }
0x115: {  	v11 =	vld [tilespmem:s17+$0xFFFFFF60];
	v5 =	vmul.f32 v5, v1  }
0x116: {  	v13 =	vld [tilespmem:s17+$0x40];
	v4 =	vmul.f32 v4, v2  }
0x117: {  	v3 =	vld.idx.msk [tilespmem:v3+s18+$0x0], $0xffff;
	[tilespmem:s17+$0xFFFFFF00] =	vst v5;
	v5 =	vmul.f32 v6, v1  }
0x118: {  	v6 =	vld [tilespmem:s17+$0xFFFFFF70];
	[tilespmem:s17+$0x70] =	vst v4;
	v4 =	vmul.f32 v7, v1  }
0x119: {  	v7 =	vld [tilespmem:s17+$0xFFFFFF80];
	[tilespmem:s17+$0xFFFFFF10] =	vst v5;
	v5 =	vmul.f32 v8, v1  }
0x11a: {  	v8 =	vld [tilespmem:s17+$0xFFFFFF90];
	[tilespmem:s17+$0xFFFFFF20] =	vst v4;
	v4 =	vmul.f32 v9, v1  }
0x11b: {  	v9 =	vld [tilespmem:s17+$0xFFFFFFA0];
	[tilespmem:s17+$0xFFFFFF30] =	vst v5;
	v5 =	vmul.f32 v10, v1  }
0x11c: {  	v10 =	vld [tilespmem:s17+$0xFFFFFFB0];
	[tilespmem:s17+$0xFFFFFF40] =	vst v4;
	v4 =	vmul.f32 v11, v1  }
0x11d: {  	v11 =	vld [tilespmem:s17+$0xFFFFFFC0];
	v6 =	vmul.f32 v6, v1;
	[tilespmem:s17+$0xFFFFFF50] =	vst v5  }
0x11e: {  	v5 =	vmul.f32 v7, v3;
	v7 =	vld [tilespmem:s17+$0xFFFFFFD0];
	[tilespmem:s17+$0xFFFFFF60] =	vst v4  }
0x11f: {  	s24 =	simm.s32 $0x3;
	v4 =	vld [tilespmem:s17+$0xFFFFFFE0];
	v8 =	vmul.f32 v8, v3;
	[tilespmem:s17+$0xFFFFFF70] =	vst v6  }
0x120: {  	v12 =	vmov s24;
	v6 =	vld [tilespmem:s17+$0xFFFFFFF0];
	[tilespmem:s17+$0xFFFFFF80] =	vst v5;
	v5 =	vmul.f32 v9, v3  }
0x121: {  	v9 =	vld [tilespmem:s17+$0x0];
	[tilespmem:s17+$0xFFFFFF90] =	vst v8;
	v8 =	vmul.f32 v10, v3  }
0x122: {  	v10 =	vld [tilespmem:s17+$0x10];
	[tilespmem:s17+$0xFFFFFFA0] =	vst v5;
	v5 =	vmul.f32 v11, v3  }
0x123: {  	[tilespmem:s17+$0xFFFFFFB0] =	vst v8;
	v7 =	vmul.f32 v7, v3;
	v8 =	vld [tilespmem:s17+$0x20]  }
0x124: {  	v11 =	vld [tilespmem:s17+$0x30];
	v4 =	vmul.f32 v4, v3;
	[tilespmem:s17+$0xFFFFFFC0] =	vst v5  }
0x125: {  	v1 =	vld.idx.msk [tilespmem:v12+s18+$0x0], $0xffff;
	v3 =	vmul.f32 v6, v3;
	[tilespmem:s17+$0xFFFFFFD0] =	vst v7  }
0x126: {  	[tilespmem:s17+$0xFFFFFFE0] =	vst v4;
	v5 =	vmul.f32 v9, v2;
	v4 =	vld [tilespmem:s17+$0x50]  }
0x127: {  	s20 =	simm.s32 $0x4;
	[tilespmem:s17+$0xFFFFFFF0] =	vst v3;
	v6 =	vmul.f32 v10, v2;
	v3 =	vld [tilespmem:s17+$0x60]  }
0x128: {  	s23 =	simm.s32 $0x7;
	v7 =	vmov s20;
	[tilespmem:s17+$0x0] =	vst v5;
	v9 =	vmul.f32 v8, v2;
	v8 =	vld [tilespmem:s17+$0x80]  }
0x129: {  	s24 =	simm.s32 $0x5;
	v12 =	vand.u32 $0xFFFFFFFC, v7;
	v7 =	vld [tilespmem:s17+$0x90];
	v5 =	vmov s23;
	v10 =	vmul.f32 v11, v2;
	[tilespmem:s17+$0x10] =	vst v6  }
0x12a: {  	s19 =	simm.s32 $0x4700;
	s20 =	simm.s32 $0x8;
	s23 =	simm.s32 $0x6;
	v11 =	vmul.f32 v13, v2;
	v6 =	vbroadcast v12, $0x0;
	v12 =	vmov s24;
	[tilespmem:s17+$0x20] =	vst v9;
	v9 =	vld [tilespmem:s17+$0xA0]  }
.LBB2_7:
0x12b: {  	p1 =	slt.u32 s20, $0x7C;
	v12 =	vand.u32 $0xFFFFFFFD, v12;
	v13 =	vmov s23;
	[tilespmem:s17+$0x30] =	vst v10;
	v4 =	vmul.f32 v4, v2;
	v10 =	vld [tilespmem:s17+$0xB0]  }
0x12c: {  	v12 =	vbroadcast v12, $0x0;
	v13 =	vand.u32 $0xFFFFFFFE, v13;
	[tilespmem:s17+$0x40] =	vst v11;
	v2 =	vmul.f32 v3, v2;
	v3 =	vld [tilespmem:s17+$0xC0]  }
0x12d: {  	v11 =	vbroadcast v13, $0x0;
	[tilespmem:s17+$0x50] =	vst v4;
	v4 =	vmul.f32 v8, v1;
	v8 =	vld [tilespmem:s17+$0xD0]  }
0x12e: {  	[tilespmem:s17+$0x60] =	vst v2;
	v2 =	vmul.f32 v7, v1;
	v7 =	vld [tilespmem:s17+$0xE0]  }
0x12f: {  	[tilespmem:s17+$0x80] =	vst v4;
	v4 =	vmul.f32 v9, v1;
	v9 =	vld [tilespmem:s17+$0xF0]  }
0x130: {  	v5 =	vld.idx.msk [tilespmem:v5+s18+$0x0], $0xffff;
	[tilespmem:s17+$0x90] =	vst v2;
	v2 =	vmul.f32 v10, v1  }
0x131: {  	v6 =	vld.idx.msk [tilespmem:v6+s18+$0x0], $0xffff;
	[tilespmem:s17+$0xA0] =	vst v4;
	v3 =	vmul.f32 v3, v1  }
0x132: {  	v4 =	vld.idx.msk [tilespmem:v12+s18+$0x0], $0xffff;
	[tilespmem:s17+$0xB0] =	vst v2;
	v8 =	vmul.f32 v8, v1  }
0x133: {  	s17 =	sadd.s32 $0x200, s17;
	v2 =	vld.idx.msk [tilespmem:v11+s18+$0x0], $0xffff;
	[tilespmem:s19+$0xC0] =	vst v3;
	v3 =	vmul.f32 v7, v1  }
0x134: {  	v7 =	vld [tilespmem:s17+$0x70];
	[tilespmem:s19+$0xD0] =	vst v8;
	v9 =	vmul.f32 v9, v1  }
0x135: {  	v8 =	vld [tilespmem:s17+$0xFFFFFF00];
	[tilespmem:s19+$0xE0] =	vst v3  }
0x136: {  	v1 =	vmov v5;
	v3 =	vld [tilespmem:s17+$0xFFFFFF10];
	[tilespmem:s19+$0xF0] =	vst v9;
	s19 =	smov.u32 s17  }
0x137: {  	v5 =	vld [tilespmem:s17+$0xFFFFFF20]  }
0x138: {  	v9 =	vld [tilespmem:s17+$0xFFFFFF30]  }
0x139: {  	v10 =	vld [tilespmem:s17+$0xFFFFFF40];
	v7 =	vmul.f32 v7, v2  }
0x13a: {  	v8 =	vmul.f32 v8, v6;
	v11 =	vld [tilespmem:s17+$0xFFFFFF50]  }
0x13b: {  	v3 =	vmul.f32 v3, v6;
	v12 =	vld [tilespmem:s17+$0xFFFFFF60];
	[tilespmem:s17+$0x70] =	vst v7  }
0x13c: {  	[tilespmem:s17+$0xFFFFFF00] =	vst v8;
	v5 =	vmul.f32 v5, v6;
	v7 =	vld [tilespmem:s17+$0xFFFFFF70]  }
0x13d: {  	[tilespmem:s17+$0xFFFFFF10] =	vst v3;
	v3 =	vmul.f32 v9, v6;
	v8 =	vld [tilespmem:s17+$0xFFFFFF80]  }
0x13e: {  	[tilespmem:s17+$0xFFFFFF20] =	vst v5;
	v5 =	vmul.f32 v10, v6;
	v9 =	vld [tilespmem:s17+$0xFFFFFF90]  }
0x13f: {  	[tilespmem:s17+$0xFFFFFF30] =	vst v3;
	v3 =	vmul.f32 v11, v6;
	v10 =	vld [tilespmem:s17+$0xFFFFFFA0]  }
0x140: {  	[tilespmem:s17+$0xFFFFFF40] =	vst v5;
	v5 =	vmul.f32 v12, v6;
	v11 =	vld [tilespmem:s17+$0xFFFFFFB0]  }
0x141: {  	[tilespmem:s17+$0xFFFFFF50] =	vst v3;
	v3 =	vmul.f32 v7, v6;
	v6 =	vld [tilespmem:s17+$0xFFFFFFC0]  }
0x142: {  	[tilespmem:s17+$0xFFFFFF60] =	vst v5;
	v5 =	vmul.f32 v8, v4;
	v7 =	vld [tilespmem:s17+$0xFFFFFFD0]  }
0x143: {  	[tilespmem:s17+$0xFFFFFF70] =	vst v3;
	v3 =	vmul.f32 v9, v4;
	v8 =	vld [tilespmem:s17+$0xFFFFFFE0]  }
0x144: {  	[tilespmem:s17+$0xFFFFFF80] =	vst v5;
	v5 =	vmul.f32 v10, v4;
	v9 =	vld [tilespmem:s17+$0xFFFFFFF0]  }
0x145: {  	[tilespmem:s17+$0xFFFFFF90] =	vst v3;
	v3 =	vmul.f32 v11, v4;
	v10 =	vld [tilespmem:s17+$0x0]  }
0x146: {  	[tilespmem:s17+$0xFFFFFFA0] =	vst v5;
	v5 =	vmul.f32 v6, v4;
	v6 =	vld [tilespmem:s17+$0x10]  }
0x147: {  	[tilespmem:s17+$0xFFFFFFB0] =	vst v3;
	v3 =	vmul.f32 v7, v4;
	v7 =	vld [tilespmem:s17+$0x20]  }
0x148: {  	[tilespmem:s17+$0xFFFFFFC0] =	vst v5;
	v5 =	vmul.f32 v8, v4;
	v11 =	vld [tilespmem:s17+$0x30]  }
0x149: {  	[tilespmem:s17+$0xFFFFFFD0] =	vst v3;
	v3 =	vmul.f32 v9, v4;
	v9 =	vld [tilespmem:s17+$0x40]  }
.Ltmp2:
0x14a: {  	[tilespmem:s17+$0xFFFFFFE0] =	vst v5;
	v5 =	vmul.f32 v10, v2;
	v4 =	vld [tilespmem:s17+$0x50];
	(pc) =	sbr.rel @p1 .LBB2_7-.Ltmp2, $4  }
0x14b: {  	[tilespmem:s17+$0xFFFFFFF0] =	vst v3;
	v6 =	vmul.f32 v6, v2;
	v3 =	vld [tilespmem:s17+$0x60]  }
0x14c: {  	s23 =	sadd.s32 $0x3, s20;
	v10 =	vmov s20;
	[tilespmem:s17+$0x0] =	vst v5;
	v13 =	vmul.f32 v7, v2;
	v8 =	vld [tilespmem:s17+$0x80]  }
0x14d: {  	s24 =	sadd.s32 $0x1, s20;
	v12 =	vand.u32 $0xFFFFFFFC, v10;
	v5 =	vmov s23;
	[tilespmem:s17+$0x10] =	vst v6;
	v10 =	vmul.f32 v11, v2;
	v7 =	vld [tilespmem:s17+$0x90]  }
0x14e: {  	s23 =	sadd.s32 $0x2, s20;
	s20 =	sadd.s32 $0x4, s20;
	v6 =	vbroadcast v12, $0x0;
	v12 =	vmov s24;
	[tilespmem:s17+$0x20] =	vst v13;
	v11 =	vmul.f32 v9, v2;
	v9 =	vld [tilespmem:s17+$0xA0]  }
0x14f: {  	v13 =	vld [tilespmem:s17+$0xB0]  }
0x150: {  	v15 =	vld [tilespmem:s17+$0xC0]  }
0x151: {  	v14 =	vmov s23;
	v16 =	vld [tilespmem:s17+$0xD0]  }
0x152: {  	v17 =	vld [tilespmem:s17+$0xE0];
	[tilespmem:s17+$0x30] =	vst v10;
	v4 =	vmul.f32 v4, v2;
	v14 =	vand.u32 $0xFFFFFFFE, v14  }
0x153: {  	v12 =	vand.u32 $0xFFFFFFFD, v12;
	v5 =	vld.idx.msk [tilespmem:v5+s18+$0x0], $0xffff;
	[tilespmem:s17+$0x40] =	vst v11;
	v2 =	vmul.f32 v3, v2;
	v14 =	vbroadcast v14, $0x0  }
0x154: {  	s20 =	sadd.s32 $0x200, s17;
	v12 =	vbroadcast v12, $0x0;
	v3 =	vld.idx.msk [tilespmem:v6+s18+$0x0], $0xffff;
	v8 =	vmul.f32 v8, v1;
	[tilespmem:s17+$0x50] =	vst v4  }
0x155: {  	v10 =	vld [tilespmem:s20+$0xFFFFFF00];
	v4 =	vmul.f32 v7, v1;
	[tilespmem:s17+$0x60] =	vst v2  }
0x156: {  	[tilespmem:s17+$0x80] =	vst v8;
	v8 =	vld [tilespmem:s17+$0xF0];
	v2 =	vmul.f32 v9, v1  }
0x157: {  	v11 =	vld [tilespmem:s20+$0xFFFFFF10];
	[tilespmem:s17+$0x90] =	vst v4;
	v4 =	vmul.f32 v13, v1  }
0x158: {  	v9 =	vld [tilespmem:s20+$0x70];
	[tilespmem:s17+$0xA0] =	vst v2;
	v2 =	vmul.f32 v15, v1  }
0x159: {  	[tilespmem:s17+$0xB0] =	vst v4;
	v4 =	vmul.f32 v16, v1;
	v7 =	vld.idx.msk [tilespmem:v14+s18+$0x0], $0xffff  }
0x15a: {  	v6 =	vld.idx.msk [tilespmem:v12+s18+$0x0], $0xffff;
	[tilespmem:s19+$0xC0] =	vst v2;
	v2 =	vmul.f32 v17, v1  }
0x15b: {  	v12 =	vld [tilespmem:s20+$0xFFFFFF20];
	[tilespmem:s19+$0xD0] =	vst v4;
	v1 =	vmul.f32 v8, v1  }
0x15c: {  	v4 =	vld [tilespmem:s20+$0xFFFFFF30];
	[tilespmem:s19+$0xE0] =	vst v2  }
0x15d: {  	v2 =	vld [tilespmem:s20+$0xFFFFFF40];
	[tilespmem:s19+$0xF0] =	vst v1;
	v1 =	vmul.f32 v10, v3  }
0x15e: {  	v8 =	vmul.f32 v9, v7;
	v9 =	vld [tilespmem:s20+$0xFFFFFF50]  }
0x15f: {  	v10 =	vmul.f32 v11, v3;
	v11 =	vld [tilespmem:s20+$0xFFFFFF60];
	[tilespmem:s20+$0xFFFFFF00] =	vst v1  }
0x160: {  	v1 =	vmul.f32 v12, v3;
	[tilespmem:s20+$0x70] =	vst v8;
	v8 =	vld [tilespmem:s20+$0xFFFFFF70]  }
0x161: {  	[tilespmem:s20+$0xFFFFFF10] =	vst v10;
	v10 =	vld [tilespmem:s20+$0xFFFFFF80];
	v4 =	vmul.f32 v4, v3  }
0x162: {  	[tilespmem:s20+$0xFFFFFF20] =	vst v1;
	v1 =	vmul.f32 v2, v3;
	v2 =	vld [tilespmem:s20+$0xFFFFFF90]  }
0x163: {  	[tilespmem:s20+$0xFFFFFF30] =	vst v4;
	v4 =	vmul.f32 v9, v3;
	v9 =	vld [tilespmem:s20+$0xFFFFFFA0]  }
0x164: {  	[tilespmem:s20+$0xFFFFFF40] =	vst v1;
	v1 =	vmul.f32 v11, v3;
	v11 =	vld [tilespmem:s20+$0xFFFFFFB0]  }
0x165: {  	[tilespmem:s20+$0xFFFFFF50] =	vst v4;
	v3 =	vmul.f32 v8, v3;
	v4 =	vld [tilespmem:s20+$0xFFFFFFC0]  }
0x166: {  	[tilespmem:s20+$0xFFFFFF60] =	vst v1;
	v1 =	vmul.f32 v10, v6;
	v8 =	vld [tilespmem:s20+$0xFFFFFFD0]  }
0x167: {  	v2 =	vmul.f32 v2, v6;
	[tilespmem:s20+$0xFFFFFF70] =	vst v3;
	v3 =	vld [tilespmem:s20+$0xFFFFFFE0]  }
0x168: {  	[tilespmem:s20+$0xFFFFFF80] =	vst v1;
	v1 =	vmul.f32 v9, v6;
	v9 =	vld [tilespmem:s20+$0xFFFFFFF0]  }
0x169: {  	v10 =	vld [tilespmem:s20+$0x0];
	[tilespmem:s20+$0xFFFFFF90] =	vst v2;
	v2 =	vmul.f32 v11, v6  }
0x16a: {  	[tilespmem:s20+$0xFFFFFFA0] =	vst v1;
	v1 =	vmul.f32 v4, v6;
	v4 =	vld [tilespmem:s20+$0x10]  }
0x16b: {  	[tilespmem:s20+$0xFFFFFFB0] =	vst v2;
	v2 =	vmul.f32 v8, v6;
	v8 =	vld [tilespmem:s20+$0x20]  }
0x16c: {  	[tilespmem:s20+$0xFFFFFFC0] =	vst v1;
	v1 =	vmul.f32 v3, v6;
	v3 =	vld [tilespmem:s20+$0x30]  }
0x16d: {  	[tilespmem:s20+$0xFFFFFFD0] =	vst v2;
	v2 =	vmul.f32 v9, v6;
	v6 =	vld [tilespmem:s20+$0x40]  }
0x16e: {  	v9 =	vld [tilespmem:s20+$0x50];
	[tilespmem:s20+$0xFFFFFFE0] =	vst v1;
	v1 =	vmul.f32 v10, v7  }
0x16f: {  	[tilespmem:s20+$0xFFFFFFF0] =	vst v2;
	v2 =	vmul.f32 v4, v7;
	v4 =	vld [tilespmem:s20+$0x60]  }
0x170: {  	[tilespmem:s20+$0x0] =	vst v1;
	v1 =	vmul.f32 v8, v7;
	v8 =	vld [tilespmem:s20+$0x80]  }
0x171: {  	[tilespmem:s20+$0x10] =	vst v2;
	v2 =	vmul.f32 v3, v7;
	v3 =	vld [tilespmem:s20+$0x90]  }
0x172: {  	[tilespmem:s20+$0x20] =	vst v1;
	v1 =	vmul.f32 v6, v7;
	v6 =	vld [tilespmem:s20+$0xA0]  }
0x173: {  	[tilespmem:s20+$0x30] =	vst v2;
	v2 =	vmul.f32 v9, v7;
	v9 =	vld [tilespmem:s20+$0xB0]  }
0x174: {  	[tilespmem:s20+$0x40] =	vst v1;
	v1 =	vmul.f32 v4, v7;
	v4 =	vld [tilespmem:s20+$0xC0]  }
0x175: {  	v7 =	vld [tilespmem:s20+$0xD0];
	[tilespmem:s20+$0x50] =	vst v2;
	v2 =	vmul.f32 v8, v5  }
0x176: {  	[tilespmem:s20+$0x60] =	vst v1;
	v1 =	vmul.f32 v3, v5;
	v3 =	vld [tilespmem:s20+$0xE0]  }
0x177: {  	[tilespmem:s20+$0x80] =	vst v2;
	v2 =	vmul.f32 v6, v5;
	v6 =	vld [tilespmem:s20+$0xF0]  }
0x178: {  	[tilespmem:s20+$0x90] =	vst v1;
	v1 =	vmul.f32 v9, v5  }
0x179: {  	[tilespmem:s20+$0xA0] =	vst v2;
	v2 =	vmul.f32 v4, v5  }
0x17a: {  	[tilespmem:s20+$0xB0] =	vst v1;
	v1 =	vmul.f32 v7, v5  }
0x17b: {  	[tilespmem:s20+$0xC0] =	vst v2;
	v2 =	vmul.f32 v3, v5  }
0x17c: {  	[tilespmem:s20+$0xD0] =	vst v1;
	v1 =	vmul.f32 v6, v5  }
0x17d: {  	[tilespmem:s20+$0xE0] =	vst v2  }
0x17e: {  	s23 =	simm.s32 $0x280;
	[tilespmem:s20+$0xF0] =	vst v1  }
0x17f: {  	[spmem:s1] =	stream.indirect.scatter.add.f32 [tilespmem:s30], [sflag:$0x8], $0x80, s23, s16, $0xb8;
	[tilespmem:$0x1C600] =	vst v63  }
0x180: {  	_ =	swait.ge [sflag:s28], $0x4000  }
0x181: {  	[sflag:s28] =	ssyncset.done $0x0  }
0x182: {  	[sflag:s28] =	ssyncadd.s32 $0xFFFFC000  }
0x183: {  	_ =	swait.ge [sflag:s8], $0x4000  }
0x184: {  	[sflag:s8] =	ssyncset.done $0x0  }
0x185: {  	[sflag:s8] =	ssyncadd.s32 $0xFFFFC000  }
0x186: {  	_ =	swait.ge [sflag:s22], $0x80  }
0x187: {  	[sflag:s22] =	ssyncset.done $0x0  }
0x188: {  	[sflag:s22] =	ssyncadd.s32 $0xFFFFFF80  }
0x189: {  	_ =	swait.ge [sflag:s22], $0x80  }
0x18a: {  	[sflag:s22] =	ssyncset.done $0x0  }
0x18b: {  	[sflag:s22] =	ssyncadd.s32 $0xFFFFFF80  }
0x18c: {  	_ =	swait.ge [sflag:s22], $0x80  }
0x18d: {  	s24 =	simm.s32 $0x0;
	s19 =	sadd.s32 @!p0 s14, s25;
	[sflag:s22] =	ssyncset.done $0x0  }
0x18e: {  	s19 =	sshrl.u32 @!p0 s19, $0x3;
	v1 =	vmov s24;
	s20 =	simm.s32 $0x2;
	[sflag:s22] =	ssyncadd.s32 $0xFFFFFF80  }
0x18f: {  	v1 =	vand.u32 $0xFFFFFFFC, v1;
	v2 =	vmov s20;
	[tilespmem:s30], [sflag:$0x6] =	stream.indirect.gather [hbm4b:s3+s16], $0x80, s31, s16, $0xb8;
	[tilespmem:$0x1C600] =	vst v63  }
0x190: {  	s17 =	sadd.s32 @!p0 s5, s19;
	s20 =	simm.s32 @!p0 $0x0;
	s23 =	simm.s32 @!p0 $0x80;
	v1 =	vbroadcast v1, $0x0;
	v2 =	vand.u32 $0xFFFFFFFE, v2  }
0x191: {  	v2 =	vbroadcast v2, $0x0;
	[tilespmem:s23], [sflag:$0x2] =	stream.linear.gather @!p0 [hbm4b:s17+s20], $0x80, $0x38;
	[tilespmem:$0x1C600] =	vst v63  }
0x192: {  	s17 =	sadd.s32 @!p0 s6, s19;
	s23 =	simm.s32 @!p0 $0x280  }
0x193: {  	[tilespmem:s23], [sflag:$0x2] =	stream.linear.gather @!p0 [hbm4b:s17+s20], $0x80, $0x38;
	[tilespmem:$0x1C600] =	vst v63  }
0x194: {  	s17 =	sadd.s32 @!p0 s7, s19;
	s19 =	simm.s32 @!p0 $0x480  }
0x195: {  	[tilespmem:s19], [sflag:$0x2] =	stream.linear.gather @!p0 [hbm4b:s17+s20], $0x80, $0x38;
	[tilespmem:$0x1C600] =	vst v63  }
0x196: {  	v1 =	vld.idx.msk [tilespmem:v1+s21+$0x0], $0xffff  }
0x197: {  	s17 =	simm.s32 $0x700;
	v2 =	vld.idx.msk [tilespmem:v2+s21+$0x0], $0xffff  }
0x198: {  	s23 =	simm.s32 $0x1;
	v4 =	vld [tilespmem:s17+$0x70]  }
0x199: {  	v3 =	vmov s23;
	v5 =	vld [tilespmem:s17+$0xFFFFFF00]  }
0x19a: {  	v3 =	vand.u32 $0xFFFFFFFD, v3;
	v6 =	vld [tilespmem:s17+$0xFFFFFF10]  }
0x19b: {  	v3 =	vbroadcast v3, $0x0;
	v7 =	vld [tilespmem:s17+$0xFFFFFF20]  }
0x19c: {  	v8 =	vld [tilespmem:s17+$0xFFFFFF30]  }
0x19d: {  	v9 =	vld [tilespmem:s17+$0xFFFFFF40]  }
0x19e: {  	v10 =	vld [tilespmem:s17+$0xFFFFFF50]  }
0x19f: {  	v11 =	vld [tilespmem:s17+$0xFFFFFF60];
	v5 =	vmul.f32 v5, v1  }
0x1a0: {  	v13 =	vld [tilespmem:s17+$0x40];
	v4 =	vmul.f32 v4, v2  }
0x1a1: {  	v3 =	vld.idx.msk [tilespmem:v3+s21+$0x0], $0xffff;
	[tilespmem:s17+$0xFFFFFF00] =	vst v5;
	v5 =	vmul.f32 v6, v1  }
0x1a2: {  	v6 =	vld [tilespmem:s17+$0xFFFFFF70];
	[tilespmem:s17+$0x70] =	vst v4;
	v4 =	vmul.f32 v7, v1  }
0x1a3: {  	v7 =	vld [tilespmem:s17+$0xFFFFFF80];
	[tilespmem:s17+$0xFFFFFF10] =	vst v5;
	v5 =	vmul.f32 v8, v1  }
0x1a4: {  	v8 =	vld [tilespmem:s17+$0xFFFFFF90];
	[tilespmem:s17+$0xFFFFFF20] =	vst v4;
	v4 =	vmul.f32 v9, v1  }
0x1a5: {  	v9 =	vld [tilespmem:s17+$0xFFFFFFA0];
	[tilespmem:s17+$0xFFFFFF30] =	vst v5;
	v5 =	vmul.f32 v10, v1  }
0x1a6: {  	v10 =	vld [tilespmem:s17+$0xFFFFFFB0];
	[tilespmem:s17+$0xFFFFFF40] =	vst v4;
	v4 =	vmul.f32 v11, v1  }
0x1a7: {  	v11 =	vld [tilespmem:s17+$0xFFFFFFC0];
	v6 =	vmul.f32 v6, v1;
	[tilespmem:s17+$0xFFFFFF50] =	vst v5  }
0x1a8: {  	v5 =	vmul.f32 v7, v3;
	v7 =	vld [tilespmem:s17+$0xFFFFFFD0];
	[tilespmem:s17+$0xFFFFFF60] =	vst v4  }
0x1a9: {  	s24 =	simm.s32 $0x3;
	v4 =	vld [tilespmem:s17+$0xFFFFFFE0];
	v8 =	vmul.f32 v8, v3;
	[tilespmem:s17+$0xFFFFFF70] =	vst v6  }
0x1aa: {  	v12 =	vmov s24;
	v6 =	vld [tilespmem:s17+$0xFFFFFFF0];
	[tilespmem:s17+$0xFFFFFF80] =	vst v5;
	v5 =	vmul.f32 v9, v3  }
0x1ab: {  	v9 =	vld [tilespmem:s17+$0x0];
	[tilespmem:s17+$0xFFFFFF90] =	vst v8;
	v8 =	vmul.f32 v10, v3  }
0x1ac: {  	v10 =	vld [tilespmem:s17+$0x10];
	[tilespmem:s17+$0xFFFFFFA0] =	vst v5;
	v5 =	vmul.f32 v11, v3  }
0x1ad: {  	[tilespmem:s17+$0xFFFFFFB0] =	vst v8;
	v7 =	vmul.f32 v7, v3;
	v8 =	vld [tilespmem:s17+$0x20]  }
0x1ae: {  	v11 =	vld [tilespmem:s17+$0x30];
	v4 =	vmul.f32 v4, v3;
	[tilespmem:s17+$0xFFFFFFC0] =	vst v5  }
0x1af: {  	v1 =	vld.idx.msk [tilespmem:v12+s21+$0x0], $0xffff;
	v3 =	vmul.f32 v6, v3;
	[tilespmem:s17+$0xFFFFFFD0] =	vst v7  }
0x1b0: {  	[tilespmem:s17+$0xFFFFFFE0] =	vst v4;
	v5 =	vmul.f32 v9, v2;
	v4 =	vld [tilespmem:s17+$0x50]  }
0x1b1: {  	s20 =	simm.s32 $0x4;
	[tilespmem:s17+$0xFFFFFFF0] =	vst v3;
	v6 =	vmul.f32 v10, v2;
	v3 =	vld [tilespmem:s17+$0x60]  }
0x1b2: {  	s23 =	simm.s32 $0x7;
	v7 =	vmov s20;
	[tilespmem:s17+$0x0] =	vst v5;
	v9 =	vmul.f32 v8, v2;
	v8 =	vld [tilespmem:s17+$0x80]  }
0x1b3: {  	s24 =	simm.s32 $0x5;
	v12 =	vand.u32 $0xFFFFFFFC, v7;
	v7 =	vld [tilespmem:s17+$0x90];
	v5 =	vmov s23;
	v10 =	vmul.f32 v11, v2;
	[tilespmem:s17+$0x10] =	vst v6  }
0x1b4: {  	s19 =	simm.s32 $0x700;
	s20 =	simm.s32 $0x8;
	s23 =	simm.s32 $0x6;
	v11 =	vmul.f32 v13, v2;
	v6 =	vbroadcast v12, $0x0;
	v12 =	vmov s24;
	[tilespmem:s17+$0x20] =	vst v9;
	v9 =	vld [tilespmem:s17+$0xA0]  }
.LBB2_9:
0x1b5: {  	p1 =	slt.u32 s20, $0x7C;
	v12 =	vand.u32 $0xFFFFFFFD, v12;
	v13 =	vmov s23;
	[tilespmem:s17+$0x30] =	vst v10;
	v4 =	vmul.f32 v4, v2;
	v10 =	vld [tilespmem:s17+$0xB0]  }
0x1b6: {  	v12 =	vbroadcast v12, $0x0;
	v13 =	vand.u32 $0xFFFFFFFE, v13;
	[tilespmem:s17+$0x40] =	vst v11;
	v2 =	vmul.f32 v3, v2;
	v3 =	vld [tilespmem:s17+$0xC0]  }
0x1b7: {  	v11 =	vbroadcast v13, $0x0;
	[tilespmem:s17+$0x50] =	vst v4;
	v4 =	vmul.f32 v8, v1;
	v8 =	vld [tilespmem:s17+$0xD0]  }
0x1b8: {  	[tilespmem:s17+$0x60] =	vst v2;
	v2 =	vmul.f32 v7, v1;
	v7 =	vld [tilespmem:s17+$0xE0]  }
0x1b9: {  	[tilespmem:s17+$0x80] =	vst v4;
	v4 =	vmul.f32 v9, v1;
	v9 =	vld [tilespmem:s17+$0xF0]  }
0x1ba: {  	v5 =	vld.idx.msk [tilespmem:v5+s21+$0x0], $0xffff;
	[tilespmem:s17+$0x90] =	vst v2;
	v2 =	vmul.f32 v10, v1  }
0x1bb: {  	v6 =	vld.idx.msk [tilespmem:v6+s21+$0x0], $0xffff;
	[tilespmem:s17+$0xA0] =	vst v4;
	v3 =	vmul.f32 v3, v1  }
0x1bc: {  	v4 =	vld.idx.msk [tilespmem:v12+s21+$0x0], $0xffff;
	[tilespmem:s17+$0xB0] =	vst v2;
	v8 =	vmul.f32 v8, v1  }
0x1bd: {  	s17 =	sadd.s32 $0x200, s17;
	v2 =	vld.idx.msk [tilespmem:v11+s21+$0x0], $0xffff;
	[tilespmem:s19+$0xC0] =	vst v3;
	v3 =	vmul.f32 v7, v1  }
0x1be: {  	v7 =	vld [tilespmem:s17+$0x70];
	[tilespmem:s19+$0xD0] =	vst v8;
	v9 =	vmul.f32 v9, v1  }
0x1bf: {  	v8 =	vld [tilespmem:s17+$0xFFFFFF00];
	[tilespmem:s19+$0xE0] =	vst v3  }
0x1c0: {  	v1 =	vmov v5;
	v3 =	vld [tilespmem:s17+$0xFFFFFF10];
	[tilespmem:s19+$0xF0] =	vst v9;
	s19 =	smov.u32 s17  }
0x1c1: {  	v5 =	vld [tilespmem:s17+$0xFFFFFF20]  }
0x1c2: {  	v9 =	vld [tilespmem:s17+$0xFFFFFF30]  }
0x1c3: {  	v10 =	vld [tilespmem:s17+$0xFFFFFF40];
	v7 =	vmul.f32 v7, v2  }
0x1c4: {  	v8 =	vmul.f32 v8, v6;
	v11 =	vld [tilespmem:s17+$0xFFFFFF50]  }
0x1c5: {  	v3 =	vmul.f32 v3, v6;
	v12 =	vld [tilespmem:s17+$0xFFFFFF60];
	[tilespmem:s17+$0x70] =	vst v7  }
0x1c6: {  	[tilespmem:s17+$0xFFFFFF00] =	vst v8;
	v5 =	vmul.f32 v5, v6;
	v7 =	vld [tilespmem:s17+$0xFFFFFF70]  }
0x1c7: {  	[tilespmem:s17+$0xFFFFFF10] =	vst v3;
	v3 =	vmul.f32 v9, v6;
	v8 =	vld [tilespmem:s17+$0xFFFFFF80]  }
0x1c8: {  	[tilespmem:s17+$0xFFFFFF20] =	vst v5;
	v5 =	vmul.f32 v10, v6;
	v9 =	vld [tilespmem:s17+$0xFFFFFF90]  }
0x1c9: {  	[tilespmem:s17+$0xFFFFFF30] =	vst v3;
	v3 =	vmul.f32 v11, v6;
	v10 =	vld [tilespmem:s17+$0xFFFFFFA0]  }
0x1ca: {  	[tilespmem:s17+$0xFFFFFF40] =	vst v5;
	v5 =	vmul.f32 v12, v6;
	v11 =	vld [tilespmem:s17+$0xFFFFFFB0]  }
0x1cb: {  	[tilespmem:s17+$0xFFFFFF50] =	vst v3;
	v3 =	vmul.f32 v7, v6;
	v6 =	vld [tilespmem:s17+$0xFFFFFFC0]  }
0x1cc: {  	[tilespmem:s17+$0xFFFFFF60] =	vst v5;
	v5 =	vmul.f32 v8, v4;
	v7 =	vld [tilespmem:s17+$0xFFFFFFD0]  }
0x1cd: {  	[tilespmem:s17+$0xFFFFFF70] =	vst v3;
	v3 =	vmul.f32 v9, v4;
	v8 =	vld [tilespmem:s17+$0xFFFFFFE0]  }
0x1ce: {  	[tilespmem:s17+$0xFFFFFF80] =	vst v5;
	v5 =	vmul.f32 v10, v4;
	v9 =	vld [tilespmem:s17+$0xFFFFFFF0]  }
0x1cf: {  	[tilespmem:s17+$0xFFFFFF90] =	vst v3;
	v3 =	vmul.f32 v11, v4;
	v10 =	vld [tilespmem:s17+$0x0]  }
0x1d0: {  	[tilespmem:s17+$0xFFFFFFA0] =	vst v5;
	v5 =	vmul.f32 v6, v4;
	v6 =	vld [tilespmem:s17+$0x10]  }
0x1d1: {  	[tilespmem:s17+$0xFFFFFFB0] =	vst v3;
	v3 =	vmul.f32 v7, v4;
	v7 =	vld [tilespmem:s17+$0x20]  }
0x1d2: {  	[tilespmem:s17+$0xFFFFFFC0] =	vst v5;
	v5 =	vmul.f32 v8, v4;
	v11 =	vld [tilespmem:s17+$0x30]  }
0x1d3: {  	[tilespmem:s17+$0xFFFFFFD0] =	vst v3;
	v3 =	vmul.f32 v9, v4;
	v9 =	vld [tilespmem:s17+$0x40]  }
.Ltmp3:
0x1d4: {  	[tilespmem:s17+$0xFFFFFFE0] =	vst v5;
	v5 =	vmul.f32 v10, v2;
	v4 =	vld [tilespmem:s17+$0x50];
	(pc) =	sbr.rel @p1 .LBB2_9-.Ltmp3, $4  }
0x1d5: {  	[tilespmem:s17+$0xFFFFFFF0] =	vst v3;
	v6 =	vmul.f32 v6, v2;
	v3 =	vld [tilespmem:s17+$0x60]  }
0x1d6: {  	s23 =	sadd.s32 $0x3, s20;
	v10 =	vmov s20;
	[tilespmem:s17+$0x0] =	vst v5;
	v13 =	vmul.f32 v7, v2;
	v8 =	vld [tilespmem:s17+$0x80]  }
0x1d7: {  	s24 =	sadd.s32 $0x1, s20;
	v12 =	vand.u32 $0xFFFFFFFC, v10;
	v5 =	vmov s23;
	[tilespmem:s17+$0x10] =	vst v6;
	v10 =	vmul.f32 v11, v2;
	v7 =	vld [tilespmem:s17+$0x90]  }
0x1d8: {  	s23 =	sadd.s32 $0x2, s20;
	s20 =	sadd.s32 $0x4, s20;
	v6 =	vbroadcast v12, $0x0;
	v12 =	vmov s24;
	[tilespmem:s17+$0x20] =	vst v13;
	v11 =	vmul.f32 v9, v2;
	v9 =	vld [tilespmem:s17+$0xA0]  }
0x1d9: {  	v13 =	vld [tilespmem:s17+$0xB0]  }
0x1da: {  	v15 =	vld [tilespmem:s17+$0xC0]  }
0x1db: {  	v14 =	vmov s23;
	v16 =	vld [tilespmem:s17+$0xD0]  }
0x1dc: {  	v17 =	vld [tilespmem:s17+$0xE0];
	[tilespmem:s17+$0x30] =	vst v10;
	v4 =	vmul.f32 v4, v2;
	v14 =	vand.u32 $0xFFFFFFFE, v14  }
0x1dd: {  	v12 =	vand.u32 $0xFFFFFFFD, v12;
	v5 =	vld.idx.msk [tilespmem:v5+s21+$0x0], $0xffff;
	[tilespmem:s17+$0x40] =	vst v11;
	v2 =	vmul.f32 v3, v2;
	v14 =	vbroadcast v14, $0x0  }
0x1de: {  	s20 =	sadd.s32 $0x200, s17;
	v12 =	vbroadcast v12, $0x0;
	v3 =	vld.idx.msk [tilespmem:v6+s21+$0x0], $0xffff;
	v8 =	vmul.f32 v8, v1;
	[tilespmem:s17+$0x50] =	vst v4  }
0x1df: {  	v10 =	vld [tilespmem:s20+$0xFFFFFF00];
	v4 =	vmul.f32 v7, v1;
	[tilespmem:s17+$0x60] =	vst v2  }
0x1e0: {  	[tilespmem:s17+$0x80] =	vst v8;
	v8 =	vld [tilespmem:s17+$0xF0];
	v2 =	vmul.f32 v9, v1  }
0x1e1: {  	v11 =	vld [tilespmem:s20+$0xFFFFFF10];
	[tilespmem:s17+$0x90] =	vst v4;
	v4 =	vmul.f32 v13, v1  }
0x1e2: {  	v9 =	vld [tilespmem:s20+$0x70];
	[tilespmem:s17+$0xA0] =	vst v2;
	v2 =	vmul.f32 v15, v1  }
0x1e3: {  	[tilespmem:s17+$0xB0] =	vst v4;
	v4 =	vmul.f32 v16, v1;
	v7 =	vld.idx.msk [tilespmem:v14+s21+$0x0], $0xffff  }
0x1e4: {  	v6 =	vld.idx.msk [tilespmem:v12+s21+$0x0], $0xffff;
	[tilespmem:s19+$0xC0] =	vst v2;
	v2 =	vmul.f32 v17, v1  }
0x1e5: {  	v12 =	vld [tilespmem:s20+$0xFFFFFF20];
	[tilespmem:s19+$0xD0] =	vst v4;
	v1 =	vmul.f32 v8, v1  }
0x1e6: {  	v4 =	vld [tilespmem:s20+$0xFFFFFF30];
	[tilespmem:s19+$0xE0] =	vst v2  }
0x1e7: {  	v2 =	vld [tilespmem:s20+$0xFFFFFF40];
	[tilespmem:s19+$0xF0] =	vst v1;
	v1 =	vmul.f32 v10, v3  }
0x1e8: {  	v8 =	vmul.f32 v9, v7;
	v9 =	vld [tilespmem:s20+$0xFFFFFF50]  }
0x1e9: {  	v10 =	vmul.f32 v11, v3;
	v11 =	vld [tilespmem:s20+$0xFFFFFF60];
	[tilespmem:s20+$0xFFFFFF00] =	vst v1  }
0x1ea: {  	v1 =	vmul.f32 v12, v3;
	[tilespmem:s20+$0x70] =	vst v8;
	v8 =	vld [tilespmem:s20+$0xFFFFFF70]  }
0x1eb: {  	[tilespmem:s20+$0xFFFFFF10] =	vst v10;
	v10 =	vld [tilespmem:s20+$0xFFFFFF80];
	v4 =	vmul.f32 v4, v3  }
0x1ec: {  	[tilespmem:s20+$0xFFFFFF20] =	vst v1;
	v1 =	vmul.f32 v2, v3;
	v2 =	vld [tilespmem:s20+$0xFFFFFF90]  }
0x1ed: {  	[tilespmem:s20+$0xFFFFFF30] =	vst v4;
	v4 =	vmul.f32 v9, v3;
	v9 =	vld [tilespmem:s20+$0xFFFFFFA0]  }
0x1ee: {  	[tilespmem:s20+$0xFFFFFF40] =	vst v1;
	v1 =	vmul.f32 v11, v3;
	v11 =	vld [tilespmem:s20+$0xFFFFFFB0]  }
0x1ef: {  	[tilespmem:s20+$0xFFFFFF50] =	vst v4;
	v3 =	vmul.f32 v8, v3;
	v4 =	vld [tilespmem:s20+$0xFFFFFFC0]  }
0x1f0: {  	[tilespmem:s20+$0xFFFFFF60] =	vst v1;
	v1 =	vmul.f32 v10, v6;
	v8 =	vld [tilespmem:s20+$0xFFFFFFD0]  }
0x1f1: {  	v2 =	vmul.f32 v2, v6;
	[tilespmem:s20+$0xFFFFFF70] =	vst v3;
	v3 =	vld [tilespmem:s20+$0xFFFFFFE0]  }
0x1f2: {  	[tilespmem:s20+$0xFFFFFF80] =	vst v1;
	v1 =	vmul.f32 v9, v6;
	v9 =	vld [tilespmem:s20+$0xFFFFFFF0]  }
0x1f3: {  	v10 =	vld [tilespmem:s20+$0x0];
	[tilespmem:s20+$0xFFFFFF90] =	vst v2;
	v2 =	vmul.f32 v11, v6  }
0x1f4: {  	[tilespmem:s20+$0xFFFFFFA0] =	vst v1;
	v1 =	vmul.f32 v4, v6;
	v4 =	vld [tilespmem:s20+$0x10]  }
0x1f5: {  	[tilespmem:s20+$0xFFFFFFB0] =	vst v2;
	v2 =	vmul.f32 v8, v6;
	v8 =	vld [tilespmem:s20+$0x20]  }
0x1f6: {  	[tilespmem:s20+$0xFFFFFFC0] =	vst v1;
	v1 =	vmul.f32 v3, v6;
	v3 =	vld [tilespmem:s20+$0x30]  }
0x1f7: {  	[tilespmem:s20+$0xFFFFFFD0] =	vst v2;
	v2 =	vmul.f32 v9, v6;
	v6 =	vld [tilespmem:s20+$0x40]  }
0x1f8: {  	v9 =	vld [tilespmem:s20+$0x50];
	[tilespmem:s20+$0xFFFFFFE0] =	vst v1;
	v1 =	vmul.f32 v10, v7  }
0x1f9: {  	[tilespmem:s20+$0xFFFFFFF0] =	vst v2;
	v2 =	vmul.f32 v4, v7;
	v4 =	vld [tilespmem:s20+$0x60]  }
0x1fa: {  	[tilespmem:s20+$0x0] =	vst v1;
	v1 =	vmul.f32 v8, v7;
	v8 =	vld [tilespmem:s20+$0x80]  }
0x1fb: {  	[tilespmem:s20+$0x10] =	vst v2;
	v2 =	vmul.f32 v3, v7;
	v3 =	vld [tilespmem:s20+$0x90]  }
0x1fc: {  	[tilespmem:s20+$0x20] =	vst v1;
	v1 =	vmul.f32 v6, v7;
	v6 =	vld [tilespmem:s20+$0xA0]  }
0x1fd: {  	[tilespmem:s20+$0x30] =	vst v2;
	v2 =	vmul.f32 v9, v7;
	v9 =	vld [tilespmem:s20+$0xB0]  }
0x1fe: {  	[tilespmem:s20+$0x40] =	vst v1;
	v1 =	vmul.f32 v4, v7;
	v4 =	vld [tilespmem:s20+$0xC0]  }
0x1ff: {  	v7 =	vld [tilespmem:s20+$0xD0];
	[tilespmem:s20+$0x50] =	vst v2;
	v2 =	vmul.f32 v8, v5  }
0x200: {  	[tilespmem:s20+$0x60] =	vst v1;
	v1 =	vmul.f32 v3, v5;
	v3 =	vld [tilespmem:s20+$0xE0]  }
0x201: {  	[tilespmem:s20+$0x80] =	vst v2;
	v2 =	vmul.f32 v6, v5;
	v6 =	vld [tilespmem:s20+$0xF0]  }
0x202: {  	[tilespmem:s20+$0x90] =	vst v1;
	v1 =	vmul.f32 v9, v5  }
0x203: {  	[tilespmem:s20+$0xA0] =	vst v2;
	v2 =	vmul.f32 v4, v5  }
0x204: {  	[tilespmem:s20+$0xB0] =	vst v1;
	v1 =	vmul.f32 v7, v5  }
0x205: {  	[tilespmem:s20+$0xC0] =	vst v2;
	v2 =	vmul.f32 v3, v5  }
0x206: {  	[tilespmem:s20+$0xD0] =	vst v1;
	v1 =	vmul.f32 v6, v5  }
0x207: {  	[tilespmem:s20+$0xE0] =	vst v2  }
0x208: {  	s19 =	simm.s32 $0x300;
	[tilespmem:s20+$0xF0] =	vst v1  }
0x209: {  	[spmem:s1] =	stream.indirect.scatter.add.f32 [tilespmem:s12], [sflag:$0x7], $0x80, s19, s16, $0xb8;
	[tilespmem:$0x1C600] =	vst v63  }
0x20a: {  	_ =	swait.ge [sflag:s9], $0x4000  }
0x20b: {  	[sflag:s9] =	ssyncset.done $0x0  }
0x20c: {  	s17 =	simm.s32 @!p0 $0x7;
	[sflag:s9] =	ssyncadd.s32 $0xFFFFC000  }
0x20d: {  	_ =	swait.ge @!p0 [sflag:s17], $0x4000  }
0x20e: {  	[sflag:s17] =	ssyncset.done @!p0 $0x0  }
0x20f: {  	[sflag:s17] =	ssyncadd.s32 @!p0 $0xFFFFC000;
	s17 =	simm.s32 @!p0 $0x1  }
0x210: {  	_ =	swait.ge @!p0 [sflag:s17], $0x80  }
0x211: {  	[sflag:s17] =	ssyncset.done @!p0 $0x0  }
0x212: {  	[sflag:s17] =	ssyncadd.s32 @!p0 $0xFFFFFF80  }
0x213: {  	_ =	swait.ge @!p0 [sflag:s17], $0x80  }
0x214: {  	[sflag:s17] =	ssyncset.done @!p0 $0x0  }
0x215: {  	[sflag:s17] =	ssyncadd.s32 @!p0 $0xFFFFFF80  }
0x216: {  	s14 =	sadd.s32 @!p0 s14, s26;
	_ =	swait.ge @!p0 [sflag:s17], $0x80  }
0x217: {  	s23 =	simm.s32 $0x2;
	s20 =	simm.s32 @!p0 $0x600;
	[sflag:s17] =	ssyncset.done @!p0 $0x0  }
0x218: {  	s19 =	simm.s32 @!p0 $0x0;
	[sflag:s17] =	ssyncadd.s32 @!p0 $0xFFFFFF80;
	s17 =	simm.s32 @!p0 $0x80  }
0x219: {  	v2 =	vmov s23;
	[tilespmem:s20], [sflag:$0x5] =	stream.indirect.gather @!p0 [hbm4b:s3+s17], $0x80, s19, s17, $0xb8;
	[tilespmem:$0x1C600] =	vst v63  }
0x21a: {  	s14 =	sshrl.u32 @!p0 s14, $0x3;
	v2 =	vand.u32 $0xFFFFFFFE, v2;
	s20 =	simm.s32 $0x0  }
0x21b: {  	v2 =	vbroadcast v2, $0x0;
	s17 =	sadd.s32 @!p0 s5, s14;
	v1 =	vmov s20;
	s20 =	simm.s32 @!p0 $0x100  }
0x21c: {  	[tilespmem:s20], [sflag:$0x3] =	stream.linear.gather @!p0 [hbm4b:s17+s19], $0x80, $0x38;
	[tilespmem:$0x1C600] =	vst v63  }
0x21d: {  	s17 =	sadd.s32 @!p0 s6, s14;
	s20 =	simm.s32 @!p0 $0x300  }
0x21e: {  	[tilespmem:s20], [sflag:$0x3] =	stream.linear.gather @!p0 [hbm4b:s17+s19], $0x80, $0x38;
	[tilespmem:$0x1C600] =	vst v63  }
0x21f: {  	v1 =	vand.u32 $0xFFFFFFFC, v1;
	s14 =	sadd.s32 @!p0 s7, s14;
	s17 =	simm.s32 @!p0 $0x500  }
0x220: {  	v1 =	vbroadcast v1, $0x0;
	[tilespmem:s17], [sflag:$0x3] =	stream.linear.gather @!p0 [hbm4b:s14+s19], $0x80, $0x38;
	[tilespmem:$0x1C600] =	vst v63  }
0x221: {  	s14 =	simm.s32 $0x4700;
	v2 =	vld.idx.msk [tilespmem:v2+s4+$0x0], $0xffff  }
0x222: {  	s24 =	simm.s32 $0x1;
	v4 =	vld [tilespmem:s14+$0x70]  }
0x223: {  	v3 =	vmov s24;
	v5 =	vld [tilespmem:s14+$0xFFFFFF00]  }
0x224: {  	v3 =	vand.u32 $0xFFFFFFFD, v3;
	v6 =	vld [tilespmem:s14+$0xFFFFFF10]  }
0x225: {  	v3 =	vbroadcast v3, $0x0;
	v7 =	vld [tilespmem:s14+$0xFFFFFF20]  }
0x226: {  	v1 =	vld.idx.msk [tilespmem:v1+s4+$0x0], $0xffff  }
0x227: {  	v8 =	vld [tilespmem:s14+$0xFFFFFF30]  }
0x228: {  	v9 =	vld [tilespmem:s14+$0xFFFFFF40]  }
0x229: {  	v10 =	vld [tilespmem:s14+$0xFFFFFF50]  }
0x22a: {  	v11 =	vld [tilespmem:s14+$0xFFFFFF60];
	v4 =	vmul.f32 v4, v2  }
0x22b: {  	v3 =	vld.idx.msk [tilespmem:v3+s4+$0x0], $0xffff;
	v5 =	vmul.f32 v5, v1  }
0x22c: {  	v13 =	vld [tilespmem:s14+$0x40];
	[tilespmem:s14+$0x70] =	vst v4;
	v4 =	vmul.f32 v7, v1  }
0x22d: {  	[tilespmem:s14+$0xFFFFFF00] =	vst v5;
	v5 =	vmul.f32 v6, v1;
	v6 =	vld [tilespmem:s14+$0xFFFFFF70]  }
0x22e: {  	v7 =	vld [tilespmem:s14+$0xFFFFFF80];
	[tilespmem:s14+$0xFFFFFF20] =	vst v4;
	v4 =	vmul.f32 v9, v1  }
0x22f: {  	[tilespmem:s14+$0xFFFFFF10] =	vst v5;
	v5 =	vmul.f32 v8, v1;
	v8 =	vld [tilespmem:s14+$0xFFFFFF90]  }
0x230: {  	v9 =	vld [tilespmem:s14+$0xFFFFFFA0];
	[tilespmem:s14+$0xFFFFFF40] =	vst v4;
	v4 =	vmul.f32 v11, v1  }
0x231: {  	[tilespmem:s14+$0xFFFFFF30] =	vst v5;
	v5 =	vmul.f32 v10, v1;
	v10 =	vld [tilespmem:s14+$0xFFFFFFB0]  }
0x232: {  	[tilespmem:s14+$0xFFFFFF60] =	vst v4;
	v4 =	vld [tilespmem:s14+$0xFFFFFFE0];
	v6 =	vmul.f32 v6, v1  }
0x233: {  	v11 =	vld [tilespmem:s14+$0xFFFFFFC0];
	[tilespmem:s14+$0xFFFFFF50] =	vst v5;
	v5 =	vmul.f32 v7, v3  }
0x234: {  	s19 =	simm.s32 $0x3;
	v7 =	vld [tilespmem:s14+$0xFFFFFFD0];
	v8 =	vmul.f32 v8, v3;
	[tilespmem:s14+$0xFFFFFF70] =	vst v6  }
0x235: {  	v12 =	vmov s19;
	v6 =	vld [tilespmem:s14+$0xFFFFFFF0];
	[tilespmem:s14+$0xFFFFFF80] =	vst v5;
	v5 =	vmul.f32 v9, v3  }
0x236: {  	v9 =	vld [tilespmem:s14+$0x0];
	[tilespmem:s14+$0xFFFFFF90] =	vst v8;
	v8 =	vmul.f32 v10, v3  }
0x237: {  	v10 =	vld [tilespmem:s14+$0x10];
	v4 =	vmul.f32 v4, v3;
	[tilespmem:s14+$0xFFFFFFA0] =	vst v5  }
0x238: {  	v5 =	vmul.f32 v11, v3;
	[tilespmem:s14+$0xFFFFFFB0] =	vst v8;
	v8 =	vld [tilespmem:s14+$0x20]  }
0x239: {  	v11 =	vld [tilespmem:s14+$0x30];
	v7 =	vmul.f32 v7, v3;
	[tilespmem:s14+$0xFFFFFFE0] =	vst v4  }
0x23a: {  	v1 =	vld.idx.msk [tilespmem:v12+s4+$0x0], $0xffff;
	[tilespmem:s14+$0xFFFFFFC0] =	vst v5;
	v3 =	vmul.f32 v6, v3  }
0x23b: {  	v4 =	vld [tilespmem:s14+$0x50];
	[tilespmem:s14+$0xFFFFFFD0] =	vst v7;
	v5 =	vmul.f32 v9, v2  }
0x23c: {  	s20 =	simm.s32 $0x4;
	[tilespmem:s14+$0xFFFFFFF0] =	vst v3;
	v6 =	vmul.f32 v10, v2;
	v3 =	vld [tilespmem:s14+$0x60]  }
0x23d: {  	s23 =	simm.s32 $0x7;
	v7 =	vmov s20;
	[tilespmem:s14+$0x0] =	vst v5;
	v9 =	vmul.f32 v8, v2;
	v8 =	vld [tilespmem:s14+$0x80]  }
0x23e: {  	s24 =	simm.s32 $0x5;
	v12 =	vand.u32 $0xFFFFFFFC, v7;
	v7 =	vld [tilespmem:s14+$0x90];
	v5 =	vmov s23;
	v10 =	vmul.f32 v11, v2;
	[tilespmem:s14+$0x10] =	vst v6  }
0x23f: {  	s17 =	simm.s32 $0x4700;
	s19 =	simm.s32 $0x8;
	s20 =	simm.s32 $0x6;
	v11 =	vmul.f32 v13, v2;
	v6 =	vbroadcast v12, $0x0;
	v12 =	vmov s24;
	[tilespmem:s14+$0x20] =	vst v9;
	v9 =	vld [tilespmem:s14+$0xA0]  }
.LBB2_11:
0x240: {  	p0 =	slt.u32 s19, $0x7C;
	v12 =	vand.u32 $0xFFFFFFFD, v12;
	v13 =	vmov s20;
	[tilespmem:s14+$0x30] =	vst v10;
	v4 =	vmul.f32 v4, v2;
	v10 =	vld [tilespmem:s14+$0xB0]  }
0x241: {  	v12 =	vbroadcast v12, $0x0;
	v13 =	vand.u32 $0xFFFFFFFE, v13;
	[tilespmem:s14+$0x40] =	vst v11;
	v2 =	vmul.f32 v3, v2;
	v3 =	vld [tilespmem:s14+$0xC0]  }
0x242: {  	v11 =	vbroadcast v13, $0x0;
	[tilespmem:s14+$0x50] =	vst v4;
	v4 =	vmul.f32 v8, v1;
	v8 =	vld [tilespmem:s14+$0xD0]  }
0x243: {  	[tilespmem:s14+$0x60] =	vst v2;
	v2 =	vmul.f32 v7, v1;
	v7 =	vld [tilespmem:s14+$0xE0]  }
0x244: {  	[tilespmem:s14+$0x80] =	vst v4;
	v4 =	vmul.f32 v9, v1;
	v9 =	vld [tilespmem:s14+$0xF0]  }
0x245: {  	v5 =	vld.idx.msk [tilespmem:v5+s4+$0x0], $0xffff;
	[tilespmem:s14+$0x90] =	vst v2;
	v2 =	vmul.f32 v10, v1  }
0x246: {  	v6 =	vld.idx.msk [tilespmem:v6+s4+$0x0], $0xffff;
	[tilespmem:s14+$0xA0] =	vst v4;
	v3 =	vmul.f32 v3, v1  }
0x247: {  	v4 =	vld.idx.msk [tilespmem:v12+s4+$0x0], $0xffff;
	[tilespmem:s14+$0xB0] =	vst v2;
	v8 =	vmul.f32 v8, v1  }
0x248: {  	s14 =	sadd.s32 $0x200, s14;
	v2 =	vld.idx.msk [tilespmem:v11+s4+$0x0], $0xffff;
	[tilespmem:s17+$0xC0] =	vst v3;
	v3 =	vmul.f32 v7, v1  }
0x249: {  	v7 =	vld [tilespmem:s14+$0x70];
	[tilespmem:s17+$0xD0] =	vst v8;
	v9 =	vmul.f32 v9, v1  }
0x24a: {  	v8 =	vld [tilespmem:s14+$0xFFFFFF00];
	[tilespmem:s17+$0xE0] =	vst v3  }
0x24b: {  	v1 =	vmov v5;
	v3 =	vld [tilespmem:s14+$0xFFFFFF10];
	[tilespmem:s17+$0xF0] =	vst v9;
	s17 =	smov.u32 s14  }
0x24c: {  	v5 =	vld [tilespmem:s14+$0xFFFFFF20]  }
0x24d: {  	v9 =	vld [tilespmem:s14+$0xFFFFFF30]  }
0x24e: {  	v10 =	vld [tilespmem:s14+$0xFFFFFF40];
	v7 =	vmul.f32 v7, v2  }
0x24f: {  	v8 =	vmul.f32 v8, v6;
	v11 =	vld [tilespmem:s14+$0xFFFFFF50]  }
0x250: {  	v3 =	vmul.f32 v3, v6;
	v12 =	vld [tilespmem:s14+$0xFFFFFF60];
	[tilespmem:s14+$0x70] =	vst v7  }
0x251: {  	[tilespmem:s14+$0xFFFFFF00] =	vst v8;
	v5 =	vmul.f32 v5, v6;
	v7 =	vld [tilespmem:s14+$0xFFFFFF70]  }
0x252: {  	[tilespmem:s14+$0xFFFFFF10] =	vst v3;
	v3 =	vmul.f32 v9, v6;
	v8 =	vld [tilespmem:s14+$0xFFFFFF80]  }
0x253: {  	[tilespmem:s14+$0xFFFFFF20] =	vst v5;
	v5 =	vmul.f32 v10, v6;
	v9 =	vld [tilespmem:s14+$0xFFFFFF90]  }
0x254: {  	[tilespmem:s14+$0xFFFFFF30] =	vst v3;
	v3 =	vmul.f32 v11, v6;
	v10 =	vld [tilespmem:s14+$0xFFFFFFA0]  }
0x255: {  	[tilespmem:s14+$0xFFFFFF40] =	vst v5;
	v5 =	vmul.f32 v12, v6;
	v11 =	vld [tilespmem:s14+$0xFFFFFFB0]  }
0x256: {  	[tilespmem:s14+$0xFFFFFF50] =	vst v3;
	v3 =	vmul.f32 v7, v6;
	v6 =	vld [tilespmem:s14+$0xFFFFFFC0]  }
0x257: {  	[tilespmem:s14+$0xFFFFFF60] =	vst v5;
	v5 =	vmul.f32 v8, v4;
	v7 =	vld [tilespmem:s14+$0xFFFFFFD0]  }
0x258: {  	[tilespmem:s14+$0xFFFFFF70] =	vst v3;
	v3 =	vmul.f32 v9, v4;
	v8 =	vld [tilespmem:s14+$0xFFFFFFE0]  }
0x259: {  	[tilespmem:s14+$0xFFFFFF80] =	vst v5;
	v5 =	vmul.f32 v10, v4;
	v9 =	vld [tilespmem:s14+$0xFFFFFFF0]  }
0x25a: {  	[tilespmem:s14+$0xFFFFFF90] =	vst v3;
	v3 =	vmul.f32 v11, v4;
	v10 =	vld [tilespmem:s14+$0x0]  }
0x25b: {  	[tilespmem:s14+$0xFFFFFFA0] =	vst v5;
	v5 =	vmul.f32 v6, v4;
	v6 =	vld [tilespmem:s14+$0x10]  }
0x25c: {  	[tilespmem:s14+$0xFFFFFFB0] =	vst v3;
	v3 =	vmul.f32 v7, v4;
	v7 =	vld [tilespmem:s14+$0x20]  }
0x25d: {  	[tilespmem:s14+$0xFFFFFFC0] =	vst v5;
	v5 =	vmul.f32 v8, v4;
	v11 =	vld [tilespmem:s14+$0x30]  }
0x25e: {  	[tilespmem:s14+$0xFFFFFFD0] =	vst v3;
	v3 =	vmul.f32 v9, v4;
	v9 =	vld [tilespmem:s14+$0x40]  }
.Ltmp4:
0x25f: {  	[tilespmem:s14+$0xFFFFFFE0] =	vst v5;
	v5 =	vmul.f32 v10, v2;
	v4 =	vld [tilespmem:s14+$0x50];
	(pc) =	sbr.rel @p0 .LBB2_11-.Ltmp4, $4  }
0x260: {  	[tilespmem:s14+$0xFFFFFFF0] =	vst v3;
	v6 =	vmul.f32 v6, v2;
	v3 =	vld [tilespmem:s14+$0x60]  }
0x261: {  	s20 =	sadd.s32 $0x3, s19;
	v10 =	vmov s19;
	[tilespmem:s14+$0x0] =	vst v5;
	v13 =	vmul.f32 v7, v2;
	v8 =	vld [tilespmem:s14+$0x80]  }
0x262: {  	s23 =	sadd.s32 $0x1, s19;
	v12 =	vand.u32 $0xFFFFFFFC, v10;
	v5 =	vmov s20;
	[tilespmem:s14+$0x10] =	vst v6;
	v10 =	vmul.f32 v11, v2;
	v7 =	vld [tilespmem:s14+$0x90]  }
0x263: {  	s20 =	sadd.s32 $0x2, s19;
	s19 =	sadd.s32 $0x4, s19;
	v6 =	vbroadcast v12, $0x0;
	v12 =	vmov s23;
	[tilespmem:s14+$0x20] =	vst v13;
	v11 =	vmul.f32 v9, v2;
	v9 =	vld [tilespmem:s14+$0xA0]  }
0x264: {  	v13 =	vld [tilespmem:s14+$0xB0]  }
0x265: {  	v15 =	vld [tilespmem:s14+$0xC0]  }
0x266: {  	v16 =	vld [tilespmem:s14+$0xD0]  }
0x267: {  	v17 =	vld [tilespmem:s14+$0xE0]  }
0x268: {  	v29 =	vld [tilespmem:s14+$0xF0];
	[tilespmem:s14+$0x30] =	vst v10;
	v4 =	vmul.f32 v4, v2  }
0x269: {  	v5 =	vld.idx.msk [tilespmem:v5+s4+$0x0], $0xffff;
	[tilespmem:s14+$0x40] =	vst v11;
	v2 =	vmul.f32 v3, v2  }
0x26a: {  	s19 =	sadd.s32 $0x200, s14;
	v3 =	vld.idx.msk [tilespmem:v6+s4+$0x0], $0xffff;
	v8 =	vmul.f32 v8, v1;
	[tilespmem:s14+$0x50] =	vst v4  }
0x26b: {  	v14 =	vmov s20;
	v34 =	vld [tilespmem:s19+$0x70];
	v30 =	vmul.f32 v7, v1;
	[tilespmem:s14+$0x60] =	vst v2  }
0x26c: {  	v14 =	vand.u32 $0xFFFFFFFE, v14;
	v35 =	vld [tilespmem:s19+$0xFFFFFF00];
	[tilespmem:s14+$0x80] =	vst v8;
	v2 =	vmul.f32 v9, v1  }
0x26d: {  	v37 =	vld [tilespmem:s19+$0xFFFFFF10];
	v14 =	vbroadcast v14, $0x0;
	[tilespmem:s14+$0x90] =	vst v30;
	v33 =	vmul.f32 v13, v1  }
0x26e: {  	v38 =	vld [tilespmem:s19+$0xFFFFFF20];
	[tilespmem:s14+$0xA0] =	vst v2;
	v2 =	vmul.f32 v15, v1  }
0x26f: {  	v12 =	vand.u32 $0xFFFFFFFD, v12;
	v39 =	vld [tilespmem:s19+$0xFFFFFF30];
	v36 =	vmul.f32 v16, v1;
	[tilespmem:s14+$0xB0] =	vst v33  }
0x270: {  	v12 =	vbroadcast v12, $0x0;
	v41 =	vld [tilespmem:s19+$0xFFFFFF50];
	[tilespmem:s17+$0xC0] =	vst v2;
	v2 =	vmul.f32 v17, v1  }
0x271: {  	v43 =	vld [tilespmem:s19+$0xFFFFFF60];
	[tilespmem:s17+$0xD0] =	vst v36;
	v1 =	vmul.f32 v29, v1  }
0x272: {  	v42 =	vmul.f32 v37, v3;
	[tilespmem:s17+$0xE0] =	vst v2;
	v2 =	vld [tilespmem:s19+$0xFFFFFF40]  }
0x273: {  	v32 =	vld.idx.msk [tilespmem:v14+s4+$0x0], $0xffff;
	[tilespmem:s17+$0xF0] =	vst v1;
	v1 =	vmul.f32 v35, v3  }
0x274: {  	v44 =	vld [tilespmem:s19+$0xFFFFFF70];
	v4 =	vmul.f32 v39, v3;
	[tilespmem:s19+$0xFFFFFF10] =	vst v42  }
0x275: {  	v45 =	vld [tilespmem:s19+$0xFFFFFF80];
	[tilespmem:s19+$0xFFFFFF00] =	vst v1;
	v1 =	vmul.f32 v38, v3  }
0x276: {  	v46 =	vmul.f32 v41, v3;
	v31 =	vld.idx.msk [tilespmem:v12+s4+$0x0], $0xffff;
	[tilespmem:s19+$0xFFFFFF30] =	vst v4  }
0x277: {  	[tilespmem:s19+$0xFFFFFF20] =	vst v1;
	v1 =	vmul.f32 v2, v3;
	v2 =	vld [tilespmem:s19+$0xFFFFFF90]  }
0x278: {  	v47 =	vld [tilespmem:s19+$0xFFFFFFA0];
	[tilespmem:s19+$0xFFFFFF50] =	vst v46;
	v40 =	vmul.f32 v34, v32  }
0x279: {  	v48 =	vld [tilespmem:s19+$0xFFFFFFB0];
	[tilespmem:s19+$0xFFFFFF40] =	vst v1;
	v1 =	vmul.f32 v43, v3  }
0x27a: {  	v49 =	vld [tilespmem:s19+$0xFFFFFFC0];
	[tilespmem:s19+$0x70] =	vst v40;
	v3 =	vmul.f32 v44, v3  }
0x27b: {  	v50 =	vld [tilespmem:s19+$0xFFFFFFD0];
	[tilespmem:s19+$0xFFFFFF60] =	vst v1;
	v1 =	vmul.f32 v45, v31  }
0x27c: {  	[tilespmem:s19+$0xFFFFFF70] =	vst v3;
	v3 =	vld [tilespmem:s19+$0xFFFFFFE0];
	v2 =	vmul.f32 v2, v31  }
0x27d: {  	v51 =	vld [tilespmem:s19+$0xFFFFFFF0];
	[tilespmem:s19+$0xFFFFFF80] =	vst v1;
	v1 =	vmul.f32 v47, v31  }
0x27e: {  	v52 =	vld [tilespmem:s19+$0x0];
	[tilespmem:s19+$0xFFFFFF90] =	vst v2;
	v2 =	vmul.f32 v48, v31  }
0x27f: {  	v53 =	vld [tilespmem:s19+$0x10];
	[tilespmem:s19+$0xFFFFFFA0] =	vst v1;
	v1 =	vmul.f32 v49, v31  }
0x280: {  	v54 =	vld [tilespmem:s19+$0x20];
	[tilespmem:s19+$0xFFFFFFB0] =	vst v2;
	v2 =	vmul.f32 v50, v31  }
0x281: {  	[tilespmem:s19+$0xFFFFFFC0] =	vst v1;
	v1 =	vmul.f32 v3, v31;
	v3 =	vld [tilespmem:s19+$0x30]  }
0x282: {  	v55 =	vld [tilespmem:s19+$0x40];
	[tilespmem:s19+$0xFFFFFFD0] =	vst v2;
	v2 =	vmul.f32 v51, v31  }
0x283: {  	v56 =	vld [tilespmem:s19+$0x50];
	[tilespmem:s19+$0xFFFFFFE0] =	vst v1;
	v1 =	vmul.f32 v52, v32  }
0x284: {  	v57 =	vld [tilespmem:s19+$0x60];
	[tilespmem:s19+$0xFFFFFFF0] =	vst v2;
	v2 =	vmul.f32 v53, v32  }
0x285: {  	v58 =	vld [tilespmem:s19+$0x80];
	[tilespmem:s19+$0x0] =	vst v1;
	v1 =	vmul.f32 v54, v32  }
0x286: {  	[tilespmem:s19+$0x10] =	vst v2;
	v2 =	vmul.f32 v3, v32;
	v3 =	vld [tilespmem:s19+$0x90]  }
0x287: {  	v59 =	vld [tilespmem:s19+$0xA0];
	[tilespmem:s19+$0x20] =	vst v1;
	v1 =	vmul.f32 v55, v32  }
0x288: {  	v60 =	vld [tilespmem:s19+$0xB0];
	[tilespmem:s19+$0x30] =	vst v2;
	v2 =	vmul.f32 v56, v32  }
0x289: {  	v61 =	vld [tilespmem:s19+$0xC0];
	[tilespmem:s19+$0x40] =	vst v1;
	v1 =	vmul.f32 v57, v32  }
0x28a: {  	v62 =	vld [tilespmem:s19+$0xD0];
	[tilespmem:s19+$0x50] =	vst v2;
	v2 =	vmul.f32 v58, v5  }
0x28b: {  	[tilespmem:s19+$0x60] =	vst v1;
	v1 =	vmul.f32 v3, v5;
	v3 =	vld [tilespmem:s19+$0xE0]  }
0x28c: {  	v63 =	vld [tilespmem:s19+$0xF0];
	[tilespmem:s19+$0x80] =	vst v2;
	v2 =	vmul.f32 v59, v5  }
0x28d: {  	[tilespmem:s19+$0x90] =	vst v1;
	v1 =	vmul.f32 v60, v5  }
0x28e: {  	s13 =	sadd.s32 $0x1, s13;
	[tilespmem:s19+$0xA0] =	vst v2;
	v2 =	vmul.f32 v61, v5  }
0x28f: {  	p0 =	sne.s32 s13, $0x15;
	[tilespmem:s19+$0xB0] =	vst v1;
	v1 =	vmul.f32 v62, v5  }
.Ltmp5:
0x290: {  	[tilespmem:s19+$0xC0] =	vst v2;
	v2 =	vmul.f32 v3, v5;
	(pc) =	sbr.rel @p0 .LBB2_4-.Ltmp5, $4  }
0x291: {  	[tilespmem:s19+$0xD0] =	vst v1;
	v1 =	vmul.f32 v63, v5  }
0x292: {  	[tilespmem:s19+$0xE0] =	vst v2  }
0x293: {  	[tilespmem:s19+$0xF0] =	vst v1  }
0x294: {  	[spmem:s1] =	stream.indirect.scatter.add.f32 [tilespmem:s30], [sflag:$0x8], $0x80, s0, s16, $0xb8;
	[tilespmem:$0x1C600] =	vst v63  }
0x295: {  	_ =	swait.ge [sflag:s10], $0x4000  }
0x296: {  	[sflag:s10] =	ssyncset.done $0x0  }
0x297: {  	[sflag:s10] =	ssyncadd.s32 $0xFFFFC000  }
0x298: {  	_ =	swait.ge [sflag:s8], $0x4000  }
0x299: {  	[sflag:s8] =	ssyncset.done $0x0  }
0x29a: {  	[sflag:s8] =	ssyncadd.s32 $0xFFFFC000  }
0x29b: {  	s2 =	stileid.u32;
	[bflag:$0x0] =	sbarrier.arrive $0xFFFF  }
0x29c: {  	s20 =	simm.s32 $0x9;
	s2 =	sshll.u32 s2, $0x6;
	s19 =	rddreg [dreg:$0x4]  }
0x29d: {  	s2 =	sor.u32 $0x1C09, s2;
	s14 =	rddreg [dreg:$0x8];
	s13 =	sshrl.u32 s19, $0x3  }
0x29e: {  	[hbm:s14], [sflag:s2] =	dma.local [spmem:s13], $0x800  }
0x29f: {  	_ =	swait.ge [sflag:s20], $0x800  }
0x2a0: {  	[sflag:s20] =	ssyncset.done $0x0;
	s23 =	rddreg [dreg:$0x9]  }
0x2a1: {  	s24 =	rddreg [dreg:$0x16];
	[sflag:s20] =	ssyncadd.s32 $0xFFFFF800  }
0x2a2: {  	[hbm:s23], [sflag:s2] =	dma.local [spmem:s24], $0x800  }
0x2a3: {  	_ =	swait.ge [sflag:s20], $0x800  }
0x2a4: {  	[sflag:s20] =	ssyncset.done $0x0;
	s14 =	rddreg [dreg:$0xa]  }
0x2a5: {  	s17 =	rddreg [dreg:$0x17];
	[sflag:s20] =	ssyncadd.s32 $0xFFFFF800  }
0x2a6: {  	[hbm:s14], [sflag:s2] =	dma.local [spmem:s17], $0x800  }
0x2a7: {  	_ =	swait.ge [sflag:s20], $0x800  }
0x2a8: {  	[sflag:s20] =	ssyncset.done $0x0;
	s23 =	rddreg [dreg:$0xb]  }
0x2a9: {  	s24 =	rddreg [dreg:$0x18];
	[sflag:s20] =	ssyncadd.s32 $0xFFFFF800  }
0x2aa: {  	[hbm:s23], [sflag:s2] =	dma.local [spmem:s24], $0x800  }
0x2ab: {  	_ =	swait.ge [sflag:s20], $0x800  }
0x2ac: {  	[sflag:s20] =	ssyncset.done $0x0;
	s17 =	rddreg [dreg:$0xc]  }
0x2ad: {  	s23 =	rddreg [dreg:$0x19];
	[sflag:s20] =	ssyncadd.s32 $0xFFFFF800  }
0x2ae: {  	[hbm:s17], [sflag:s2] =	dma.local [spmem:s23], $0x800  }
0x2af: {  	_ =	swait.ge [sflag:s20], $0x800  }
0x2b0: {  	s17 =	rddreg [dreg:$0x3]  }
0x2b1: {  	s24 =	rddreg [dreg:$0x15];
	s17 =	sadd.s32 $0x1, s17  }
0x2b2: {  	p0 =	sne.s32 s17, s24  }
.Ltmp6:
0x2b3: {  	_ = 	snop;
	(pc) =	sbr.rel @p0 .LBB2_1-.Ltmp6, $3  }
0x2b4: {  	_ =	sdelay $0x1  }
0x2b5: {  	[sflag:s20] =	ssyncset.done $0x0  }
0x2b6: {  	[sflag:s20] =	ssyncadd.s32 $0xFFFFF800  }
0x2b7: {  	_ =	sfence.sel $0x180000  }
0x2b8: {  	[bflag:$0x0] =	sbarrier.arrive $0xFFFF  }
0x2b9: {  	_ =	strace $0x90000050  }
0x2ba: {  	s0 =	stileid.u32;
	[bflag:$0x2] =	sbarrier.arrive $0xFFFF  }
0x2bb: {  	p0 =	sne.s32 s0, $0x0;
	s0 =	rddreg [dreg:$0x2]  }
0x2bc: {  	s0 =	sadd.s32 @!p0 $0x100000, s0  }
0x2bd: {  	[sflag:s0] =	ssyncadd.tile.s32 @!p0 $0x1;
	_ =	shalt  }
.Lfunc_end2:
_tile_overlayer_lowered:
.L_overlay_start_2:
0x2be: {  	(tag) =	ssettag $0x2  }
0x2bf: {  	s0 =	rddreg [dreg:$0x0];
	s2 =	stileid.u32  }
0x2c0: {  	s1 =	rddreg [dreg:$0x1];
	p0 =	sne.s32 s2, $0x0  }
0x2c1: {  	s3 =	rddreg [dreg:$0x2];
	[bflag:$0x3] =	sbarrier.arrive $0xFFFF;
	s2 =	simm.s32 @!p0 $0x1C09  }
0x2c2: {  	[timem:s3], [sflag:s2] =	dma.local @!p0 [hbm:s0], s1  }
0x2c3: {  	s0 =	simm.s32 @!p0 $0x9  }
0x2c4: {  	_ =	swait.ge @!p0 [sflag:s0], s1  }
0x2c5: {  	s1 =	ssub.s32 @!p0 $0x0, s1;
	[sflag:s0] =	ssyncset.done @!p0 $0x0  }
0x2c6: {  	[sflag:s0] =	ssyncadd.s32 @!p0 s1  }
0x2c7: {  	[bflag:$0x3] =	sbarrier.arrive $0xFFFF  }
0x2c8: {  	_ =	shalt  }

</sc_bundles>
